<compile_context>
chip_gen: v7x
topology: tpu7x:2x2x1
jax: 0.10.2.dev20260603
libtpu: 0.0.44.dev20260713+nightly
codegen_flags: <defaults>
</compile_context>

<pallas_src>
import functools

import jax
import jax.numpy as jnp
import numpy as np
from jax import lax
from jax.experimental import pallas as pl
from jax.experimental.pallas import tpu as pltpu
from jax.experimental.pallas import tpu_sc as plsc

NC = 2
NS = 16
NW = NC * NS
LANES = 16

HID = 64
PADW = 128
NQ = HID // LANES

NBUF = 2
G = 8

_MAGIC = np.int32(0x5F3759DF)


def _renorm_rows(src, dst, n_rows):

    lanes = lax.broadcasted_iota(jnp.int32, (LANES,), 0)

    def body(g, carry):
        r0 = g * G
        qs_rows = []
        ssb = jnp.zeros((LANES,), jnp.float32)
        for u in range(G):
            r = r0 + u
            qs = [src[r, pl.ds(k * LANES, LANES)] for k in range(NQ)]
            ssv = qs[0] * qs[0]
            for q in qs[1:]:
                ssv = ssv + q * q
            ssb = jnp.where(lanes == u, jnp.full((LANES,), jnp.sum(ssv)), ssb)
            qs_rows.append(qs)
        bits = plsc.bitcast(ssb, jnp.int32)
        y = plsc.bitcast(_MAGIC - (bits >> 1), jnp.float32)
        h = ssb * jnp.float32(0.5)
        for _ in range(3):
            y = y * (jnp.float32(1.5) - h * y * y)
        scale = jnp.where(ssb > jnp.float32(1.0), y, jnp.float32(1.0))
        for u in range(G):
            r = r0 + u
            sb = scale.at[jnp.full((LANES,), u, jnp.int32)].get(
                mode="promise_in_bounds")
            for k in range(NQ):
                dst[r, pl.ds(k * LANES, LANES)] = qs_rows[u][k] * sb
        return carry

    lax.fori_loop(0, n_rows // G, body, 0)


def _encoder_body(n_rows, n_spk, C, idx_hbm, spk_hbm, lut_p_hbm, lut_s_hbm,
                  out_hbm, ident_hbm, idx_v, sidx_v, gbuf, obuf, *sems):
    gsems = sems[:NBUF]
    osems = sems[NBUF:]
    rpw = n_rows // NW
    spw = n_spk // NW
    nstep = rpw // C

    wid = lax.axis_index("s") * NC + lax.axis_index("c")
    base = wid * rpw
    b0 = wid * nstep

    pltpu.sync_copy(idx_hbm.at[pl.ds(base, rpw)], idx_v)

    for b in range(NBUF):
        pltpu.async_copy(lut_p_hbm.at[idx_v.at[pl.ds(b * C, C)]],
                         gbuf.at[b], gsems[b])

    @pl.loop(0, nstep, step=NBUF)
    def _step(s0):
        for b in range(NBUF):
            s = s0 + b
            pltpu.make_async_copy(lut_p_hbm.at[idx_v.at[pl.ds(s * C, C)]],
                                  gbuf.at[b], gsems[b]).wait()

            @pl.when(s0 >= NBUF)
            def _():
                pltpu.make_async_copy(
                    obuf.at[b], out_hbm.at[b0 + s - NBUF], osems[b]).wait()

            _renorm_rows(gbuf.at[b], obuf.at[b], C)

            pltpu.async_copy(obuf.at[b], out_hbm.at[b0 + s], osems[b])

            @pl.when(s0 + NBUF < nstep)
            def _():
                pltpu.async_copy(
                    lut_p_hbm.at[idx_v.at[pl.ds((s + NBUF) * C, C)]],
                    gbuf.at[b], gsems[b])

    for b in range(NBUF):
        pltpu.make_async_copy(
            obuf.at[b], out_hbm.at[b0 + nstep - NBUF + b], osems[b]).wait()

    sbase = wid * spw
    pltpu.sync_copy(spk_hbm.at[pl.ds(sbase, spw)], sidx_v)
    pltpu.async_copy(lut_s_hbm.at[sidx_v], gbuf.at[0].at[pl.ds(0, spw)],
                     gsems[0]).wait()
    _renorm_rows(gbuf.at[0], obuf.at[0], spw)
    pltpu.sync_copy(obuf.at[0].at[pl.ds(0, spw)],
                    ident_hbm.at[pl.ds(sbase, spw)])


@functools.partial(jax.jit, static_argnums=(4, 5, 6))
def _encoder(idx, spk, lut_p, lut_s, n_batch, n_len, n_spk):
    n_rows = n_batch * n_len
    rpw = n_rows // NW
    grid_kernel = functools.partial(
        pl.kernel,
        out_type=[
            jax.ShapeDtypeStruct((n_batch, n_len, HID), jnp.float32),
            jax.ShapeDtypeStruct((n_spk, HID), jnp.float32),
        ],
        mesh=plsc.VectorSubcoreMesh(core_axis_name="c", subcore_axis_name="s",
                                    num_cores=NC, num_subcores=NS),
        compiler_params=pltpu.CompilerParams(needs_layout_passes=False,
                                             use_tc_tiling_on_sc=True),
        scratch_types=[
            pltpu.VMEM((rpw,), jnp.int32),
            pltpu.VMEM((n_spk // NW,), jnp.int32),
            pltpu.VMEM((NBUF, n_len, PADW), jnp.float32),
            pltpu.VMEM((NBUF, n_len, HID), jnp.float32),
        ] + [pltpu.SemaphoreType.DMA] * (2 * NBUF),
    )
    body = functools.partial(_encoder_body, n_rows, n_spk, n_len)
    return grid_kernel(body)(idx, spk, lut_p, lut_s)


def kernel(input, speakers, lut_p, lut_s):
    b, l = input.shape
    la = (l // 2) // G * G
    inp = input.astype(jnp.int32)
    idx_a = inp[:, :la].reshape(-1)
    idx_b = inp[:, la:].reshape(-1)
    spk = speakers.astype(jnp.int32)
    lut_p_pad = jnp.pad(lut_p, ((0, 0), (0, PADW - HID)))
    lut_s_pad = jnp.pad(lut_s, ((0, 0), (0, PADW - HID)))
    n_spk = speakers.shape[0]
    out_a, ident = _encoder(idx_a, spk, lut_p_pad, lut_s_pad, b, la, n_spk)
    out_b, _ = _encoder(idx_b, spk, lut_p_pad, lut_s_pad, b, l - la, n_spk)
    return jnp.concatenate([out_a, out_b], axis=1), ident

# --- scband reference (transcript-rebuilt; emitter-appended) ---
"""Pipeline reference for scband-encoder-15994458210941 (READ-ONLY COPY).

The authoritative reference and input builder live on the scoring server;
editing this copy changes nothing except your own understanding.
"""

import jax, jax.numpy as jnp
import numpy as np

VOCAB = 1000000
NSPK = 16
HID = 64
B = 4096
L = 200
MAX_NORM = 1.0


def _renorm_lookup(table, idx, max_norm=MAX_NORM, eps=1e-7):
    # Emulates torch nn.Embedding(max_norm=1.0): rows whose L2 norm exceeds
    # max_norm are rescaled to max_norm before being returned.
    emb = jnp.take(table, idx, axis=0)
    norms = jnp.linalg.norm(emb, axis=-1, keepdims=True)
    scale = jnp.where(norms > max_norm, max_norm / (norms + eps), 1.0)
    return emb * scale


def setup_inputs(seed: int = 0) -> dict:
    key = jax.random.key(seed)
    k1, k2, k3, k4 = jax.random.split(key, 4)
    inp = jax.random.randint(k1, (B, L), 0, VOCAB)
    speakers = jax.random.randint(k2, (B,), 0, NSPK)
    lut_p = jax.random.normal(k3, (VOCAB, HID), dtype=jnp.float32)
    lut_s = jax.random.normal(k4, (NSPK, HID), dtype=jnp.float32)
    return {"input": inp, "speakers": speakers, "lut_p": lut_p, "lut_s": lut_s}


def reference(input, speakers, lut_p, lut_s):
    # input is a plain tensor (not a packed tuple), so forward is:
    #   outputs = lut_p(input); ident = lut_s(speakers)
    outputs = _renorm_lookup(lut_p, input)
    ident = _renorm_lookup(lut_s, speakers)
    # speakers is rank-1, so ident is rank-2; no squeeze needed.
    return (outputs, ident)

if __name__ == "__main__":
    import jax
    _d = setup_inputs()
    print(jax.jit(kernel)(*tuple(_d.values())))

</pallas_src>

<mosaic_0001>
#map = affine_map<(d0, d1) -> (0)>
#map1 = affine_map<(d0, d1) -> (0, 0)>
#map2 = affine_map<(d0, d1) -> (0, 0, 0)>
module attributes {stable_mosaic.version = 14 : i64} {
  func.func @_encoder_body(%arg0: i32, %arg1: i32, %arg2: memref<393216xi32, #tpu.memory_space<hbm>>, %arg3: memref<4096xi32, #tpu.memory_space<hbm>>, %arg4: memref<1000000x128xf32, #tpu.memory_space<hbm>>, %arg5: memref<16x128xf32, #tpu.memory_space<hbm>>, %arg6: memref<4096x96x64xf32, #tpu.memory_space<hbm>>, %arg7: memref<4096x64xf32, #tpu.memory_space<hbm>>, %arg8: memref<12288xi32, #tpu.memory_space<vmem>>, %arg9: memref<128xi32, #tpu.memory_space<vmem>>, %arg10: memref<2x96x128xf32, #tpu.memory_space<vmem>>, %arg11: memref<2x96x64xf32, #tpu.memory_space<vmem>>, %arg12: memref<!tpu.dma_semaphore, #tpu.memory_space<semaphore_mem>>, %arg13: memref<!tpu.dma_semaphore, #tpu.memory_space<semaphore_mem>>, %arg14: memref<!tpu.dma_semaphore, #tpu.memory_space<semaphore_mem>>, %arg15: memref<!tpu.dma_semaphore, #tpu.memory_space<semaphore_mem>>) attributes {dimension_semantics = [#tpu.dimension_semantics<core_parallel>, #tpu.dimension_semantics<subcore_parallel>], iteration_bounds = array<i64: 2, 16>, scalar_prefetch = 0 : i64, scratch_operands = 8 : i64, tpu.core_type = #tpu.core_type<sc_vector_subcore>, window_params = [{transform_indices = #map}, {transform_indices = #map}, {transform_indices = #map1}, {transform_indices = #map1}, {transform_indices = #map2}, {transform_indices = #map1}]} {
    %mul3A = arith.constant 2 : i32
    %mul3A_0 = arith.muli %arg1, %mul3A : i32
    %add3A = arith.addi %mul3A_0, %arg0 : i32
    %mul3A_1 = arith.constant 12288 : i32
    %mul3A_2 = arith.muli %add3A, %mul3A_1 : i32
    %mul3A_3 = arith.constant 128 : i32
    %mul3A_4 = arith.muli %add3A, %mul3A_3 : i32
    "tpu.region"() ({
      %run_scoped3A_104 = tpu.sem_alloc : memref<!tpu.dma_semaphore, #tpu.memory_space<semaphore_mem>>
      %dma_start3A_105 = tpu.memref_slice %arg2[%mul3A_2] : memref<393216xi32, #tpu.memory_space<hbm>> -> memref<12288xi32, #tpu.memory_space<hbm>>
      %dma_start3A_106 = tpu.memref_slice %arg2[%mul3A_2] : memref<393216xi32, #tpu.memory_space<hbm>> -> memref<12288xi32, #tpu.memory_space<hbm>>
      tpu.enqueue_dma source(%dma_start3A_106 : memref<12288xi32, #tpu.memory_space<hbm>>) target(%arg8 : memref<12288xi32, #tpu.memory_space<vmem>>) target_semaphore(%run_scoped3A_104 : memref<!tpu.dma_semaphore, #tpu.memory_space<semaphore_mem>>)
      %dma_wait3A_107 = tpu.memref_slice %arg2[%mul3A_2] : memref<393216xi32, #tpu.memory_space<hbm>> -> memref<12288xi32, #tpu.memory_space<hbm>>
      %dma_wait3A_108 = tpu.memref_slice %arg2[%mul3A_2] : memref<393216xi32, #tpu.memory_space<hbm>> -> memref<12288xi32, #tpu.memory_space<hbm>>
      tpu.wait_dma2 semaphore(%run_scoped3A_104 : memref<!tpu.dma_semaphore, #tpu.memory_space<semaphore_mem>>) src(%dma_wait3A_108 : memref<12288xi32, #tpu.memory_space<hbm>>) dst(%arg8 : memref<12288xi32, #tpu.memory_space<vmem>>)
      tpu.yield
    }) : () -> ()
    %dma_start3A = arith.constant 0 : i32
    %dma_start3A_5 = arith.constant 0 : i32
    %dma_start3A_6 = arith.constant 0 : i32
    %dma_start3A_7 = tpu.memref_slice %arg10[%dma_start3A, %dma_start3A_5, %dma_start3A_6] : memref<2x96x128xf32, #tpu.memory_space<vmem>> -> memref<1x96x128xf32, #tpu.memory_space<vmem>>
    %dma_start3A_8 = tpu.memref_squeeze %dma_start3A_7 : memref<1x96x128xf32, #tpu.memory_space<vmem>> -> memref<96x128xf32, #tpu.memory_space<vmem>>
    %dma_start3A_9 = arith.constant 0 : i32
    %dma_start3A_10 = tpu.memref_slice %arg8[%dma_start3A_9] : memref<12288xi32, #tpu.memory_space<vmem>> -> memref<96xi32, #tpu.memory_space<vmem>>
    %dma_start3A_11 = arith.constant 0 : i32
    %dma_start3A_12 = arith.constant 0 : i32
    %dma_start3A_13 = tpu.memref_slice %arg4[%dma_start3A_11, %dma_start3A_12] : memref<1000000x128xf32, #tpu.memory_space<hbm>> -> memref<1000000x128xf32, #tpu.memory_space<hbm>>
    tpu.enqueue_indirect_dma source(%dma_start3A_13 : memref<1000000x128xf32, #tpu.memory_space<hbm>>) target(%dma_start3A_8 : memref<96x128xf32, #tpu.memory_space<vmem>>) offsets(%dma_start3A_10 : memref<96xi32, #tpu.memory_space<vmem>>) semaphore(%arg12 : memref<!tpu.dma_semaphore, #tpu.memory_space<semaphore_mem>>)
    %dma_start3A_14 = arith.constant 1 : i32
    %dma_start3A_15 = arith.constant 0 : i32
    %dma_start3A_16 = arith.constant 0 : i32
    %dma_start3A_17 = tpu.memref_slice %arg10[%dma_start3A_14, %dma_start3A_15, %dma_start3A_16] : memref<2x96x128xf32, #tpu.memory_space<vmem>> -> memref<1x96x128xf32, #tpu.memory_space<vmem>>
    %dma_start3A_18 = tpu.memref_squeeze %dma_start3A_17 : memref<1x96x128xf32, #tpu.memory_space<vmem>> -> memref<96x128xf32, #tpu.memory_space<vmem>>
    %dma_start3A_19 = arith.constant 96 : i32
    %dma_start3A_20 = tpu.memref_slice %arg8[%dma_start3A_19] : memref<12288xi32, #tpu.memory_space<vmem>> -> memref<96xi32, #tpu.memory_space<vmem>>
    %dma_start3A_21 = arith.constant 0 : i32
    %dma_start3A_22 = arith.constant 0 : i32
    %dma_start3A_23 = tpu.memref_slice %arg4[%dma_start3A_21, %dma_start3A_22] : memref<1000000x128xf32, #tpu.memory_space<hbm>> -> memref<1000000x128xf32, #tpu.memory_space<hbm>>
    tpu.enqueue_indirect_dma source(%dma_start3A_23 : memref<1000000x128xf32, #tpu.memory_space<hbm>>) target(%dma_start3A_18 : memref<96x128xf32, #tpu.memory_space<vmem>>) offsets(%dma_start3A_20 : memref<96xi32, #tpu.memory_space<vmem>>) semaphore(%arg13 : memref<!tpu.dma_semaphore, #tpu.memory_space<semaphore_mem>>)
    %scan3A = arith.constant 0 : i32
    %scan3A_24 = arith.constant 64 : i32
    %scan3A_25 = arith.addi %scan3A, %scan3A_24 : i32
    %scan3A_26 = arith.constant 1 : i32
    scf.for %scan3A_104 = %scan3A to %scan3A_25 step %scan3A_26  : i32 {
      %mul3A_105 = arith.constant 2 : i32
      %mul3A_106 = arith.muli %scan3A_104, %mul3A_105 : i32
      %add3A_107 = arith.constant 0 : i32
      %add3A_108 = arith.addi %add3A_107, %mul3A_106 : i32
      %add3A_109 = arith.constant 0 : i32
      %add3A_110 = arith.addi %add3A_108, %add3A_109 : i32
      %mul3A_111 = arith.constant 96 : i32
      %mul3A_112 = arith.muli %add3A_110, %mul3A_111 : i32
      %dma_wait3A_113 = arith.constant 0 : i32
      %dma_wait3A_114 = arith.constant 0 : i32
      %dma_wait3A_115 = arith.constant 0 : i32
      %dma_wait3A_116 = tpu.memref_slice %arg10[%dma_wait3A_113, %dma_wait3A_114, %dma_wait3A_115] : memref<2x96x128xf32, #tpu.memory_space<vmem>> -> memref<1x96x128xf32, #tpu.memory_space<vmem>>
      %dma_wait3A_117 = tpu.memref_squeeze %dma_wait3A_116 : memref<1x96x128xf32, #tpu.memory_space<vmem>> -> memref<96x128xf32, #tpu.memory_space<vmem>>
      %dma_wait3A_118 = tpu.memref_slice %arg8[%mul3A_112] : memref<12288xi32, #tpu.memory_space<vmem>> -> memref<96xi32, #tpu.memory_space<vmem>>
      %dma_wait3A_119 = arith.constant 0 : i32
      %dma_wait3A_120 = arith.constant 0 : i32
      %dma_wait3A_121 = tpu.memref_slice %arg4[%dma_wait3A_119, %dma_wait3A_120] : memref<1000000x128xf32, #tpu.memory_space<hbm>> -> memref<1000000x128xf32, #tpu.memory_space<hbm>>
      tpu.wait_indirect_dma semaphore(%arg12 : memref<!tpu.dma_semaphore, #tpu.memory_space<semaphore_mem>>) src(%dma_wait3A_121 : memref<1000000x128xf32, #tpu.memory_space<hbm>>) dst(%dma_wait3A_117 : memref<96x128xf32, #tpu.memory_space<vmem>>)
      %ge3A = arith.constant 2 : i32
      %ge3A_122 = arith.cmpi sge, %add3A_108, %ge3A : i32
      %convert_element_type3A = arith.extui %ge3A_122 : i1 to i32
      %cond3A = arith.constant 0 : i32
      %cond3A_123 = arith.cmpi ne, %convert_element_type3A, %cond3A : i32
      scf.if %cond3A_123 {
        %add3A_209 = arith.addi %mul3A_4, %add3A_110 : i32
        %sub3A_210 = arith.constant 2 : i32
        %sub3A_211 = arith.subi %add3A_209, %sub3A_210 : i32
        %dma_wait3A_212 = arith.constant 0 : i32
        %dma_wait3A_213 = arith.constant 0 : i32
        %dma_wait3A_214 = arith.constant 0 : i32
        %dma_wait3A_215 = tpu.memref_slice %arg11[%dma_wait3A_212, %dma_wait3A_213, %dma_wait3A_214] : memref<2x96x64xf32, #tpu.memory_space<vmem>> -> memref<1x96x64xf32, #tpu.memory_space<vmem>>
        %dma_wait3A_216 = tpu.memref_squeeze %dma_wait3A_215 : memref<1x96x64xf32, #tpu.memory_space<vmem>> -> memref<96x64xf32, #tpu.memory_space<vmem>>
        %dma_wait3A_217 = arith.constant 0 : i32
        %dma_wait3A_218 = arith.constant 0 : i32
        %dma_wait3A_219 = tpu.memref_slice %arg6[%sub3A_211, %dma_wait3A_217, %dma_wait3A_218] : memref<4096x96x64xf32, #tpu.memory_space<hbm>> -> memref<1x96x64xf32, #tpu.memory_space<hbm>>
        %dma_wait3A_220 = tpu.memref_squeeze %dma_wait3A_219 : memref<1x96x64xf32, #tpu.memory_space<hbm>> -> memref<96x64xf32, #tpu.memory_space<hbm>>
        %dma_wait3A_221 = arith.constant 0 : i32
        %dma_wait3A_222 = arith.constant 0 : i32
        %dma_wait3A_223 = tpu.memref_slice %arg6[%sub3A_211, %dma_wait3A_221, %dma_wait3A_222] : memref<4096x96x64xf32, #tpu.memory_space<hbm>> -> memref<1x96x64xf32, #tpu.memory_space<hbm>>
        %dma_wait3A_224 = tpu.memref_squeeze %dma_wait3A_223 : memref<1x96x64xf32, #tpu.memory_space<hbm>> -> memref<96x64xf32, #tpu.memory_space<hbm>>
        %dma_wait3A_225 = arith.constant 0 : i32
        %dma_wait3A_226 = arith.constant 0 : i32
        %dma_wait3A_227 = tpu.memref_slice %arg11[%dma_wait3A_212, %dma_wait3A_225, %dma_wait3A_226] : memref<2x96x64xf32, #tpu.memory_space<vmem>> -> memref<1x96x64xf32, #tpu.memory_space<vmem>>
        %dma_wait3A_228 = tpu.memref_squeeze %dma_wait3A_227 : memref<1x96x64xf32, #tpu.memory_space<vmem>> -> memref<96x64xf32, #tpu.memory_space<vmem>>
        tpu.wait_dma2 semaphore(%arg14 : memref<!tpu.dma_semaphore, #tpu.memory_space<semaphore_mem>>) src(%dma_wait3A_228 : memref<96x64xf32, #tpu.memory_space<vmem>>) dst(%dma_wait3A_224 : memref<96x64xf32, #tpu.memory_space<hbm>>)
      } else {
      }
      %iota3A_124 = tpu.iota {dimensions = array<i32: 0>} : vector<16xi32>
      %scan3A_125 = arith.constant 0 : i32
      %scan3A_126 = arith.constant 0 : i32
      %scan3A_127 = arith.constant 0 : i32
      %scan3A_128 = arith.constant 0 : i32
      %scan3A_129 = arith.constant 12 : i32
      %scan3A_130 = arith.addi %scan3A_128, %scan3A_129 : i32
      %scan3A_131 = arith.constant 1 : i32
      scf.for %scan3A_209 = %scan3A_128 to %scan3A_130 step %scan3A_131  : i32 {
        %mul3A_210 = arith.constant 8 : i32
        %mul3A_211 = arith.muli %scan3A_209, %mul3A_210 : i32
        %broadcast_in_dim3A = arith.constant 0.000000e+00 : f32
        %broadcast_in_dim3A_212 = vector.broadcast %broadcast_in_dim3A : f32 to vector<16xf32>
        %add3A_213 = arith.constant 0 : i32
        %add3A_214 = arith.addi %mul3A_211, %add3A_213 : i32
        %get3A = arith.constant 0 : i32
        %get3A_215 = arith.constant 0 : i32
        %get3A_216 = tpu.memref_slice %arg10[%scan3A_126, %get3A, %get3A_215] : memref<2x96x128xf32, #tpu.memory_space<vmem>> -> memref<1x96x128xf32, #tpu.memory_space<vmem>>
        %get3A_217 = tpu.memref_squeeze %get3A_216 : memref<1x96x128xf32, #tpu.memory_space<vmem>> -> memref<96x128xf32, #tpu.memory_space<vmem>>
        %get3A_218 = arith.index_cast %add3A_214 : i32 to index
        %get3A_219 = arith.constant 0 : index
        %get3A_220 = tpu.vector_load %get3A_217[%get3A_218, %get3A_219] {strides = array<i32>} : memref<96x128xf32, #tpu.memory_space<vmem>>, vector<16xf32>,
        %get3A_221 = arith.constant 0 : i32
        %get3A_222 = arith.constant 0 : i32
        %get3A_223 = tpu.memref_slice %arg10[%scan3A_126, %get3A_221, %get3A_222] : memref<2x96x128xf32, #tpu.memory_space<vmem>> -> memref<1x96x128xf32, #tpu.memory_space<vmem>>
        %get3A_224 = tpu.memref_squeeze %get3A_223 : memref<1x96x128xf32, #tpu.memory_space<vmem>> -> memref<96x128xf32, #tpu.memory_space<vmem>>
        %get3A_225 = arith.index_cast %add3A_214 : i32 to index
        %get3A_226 = arith.constant 16 : index
        %get3A_227 = tpu.vector_load %get3A_224[%get3A_225, %get3A_226] {strides = array<i32>} : memref<96x128xf32, #tpu.memory_space<vmem>>, vector<16xf32>,
        %get3A_228 = arith.constant 0 : i32
        %get3A_229 = arith.constant 0 : i32
        %get3A_230 = tpu.memref_slice %arg10[%scan3A_126, %get3A_228, %get3A_229] : memref<2x96x128xf32, #tpu.memory_space<vmem>> -> memref<1x96x128xf32, #tpu.memory_space<vmem>>
        %get3A_231 = tpu.memref_squeeze %get3A_230 : memref<1x96x128xf32, #tpu.memory_space<vmem>> -> memref<96x128xf32, #tpu.memory_space<vmem>>
        %get3A_232 = arith.index_cast %add3A_214 : i32 to index
        %get3A_233 = arith.constant 32 : index
        %get3A_234 = tpu.vector_load %get3A_231[%get3A_232, %get3A_233] {strides = array<i32>} : memref<96x128xf32, #tpu.memory_space<vmem>>, vector<16xf32>,
        %get3A_235 = arith.constant 0 : i32
        %get3A_236 = arith.constant 0 : i32
        %get3A_237 = tpu.memref_slice %arg10[%scan3A_126, %get3A_235, %get3A_236] : memref<2x96x128xf32, #tpu.memory_space<vmem>> -> memref<1x96x128xf32, #tpu.memory_space<vmem>>
        %get3A_238 = tpu.memref_squeeze %get3A_237 : memref<1x96x128xf32, #tpu.memory_space<vmem>> -> memref<96x128xf32, #tpu.memory_space<vmem>>
        %get3A_239 = arith.index_cast %add3A_214 : i32 to index
        %get3A_240 = arith.constant 48 : index
        %get3A_241 = tpu.vector_load %get3A_238[%get3A_239, %get3A_240] {strides = array<i32>} : memref<96x128xf32, #tpu.memory_space<vmem>>, vector<16xf32>,
        %mul3A_242 = arith.mulf %get3A_220, %get3A_220 : vector<16xf32>
        %mul3A_243 = arith.mulf %get3A_227, %get3A_227 : vector<16xf32>
        %add3A_244 = arith.addf %mul3A_242, %mul3A_243 : vector<16xf32>
        %mul3A_245 = arith.mulf %get3A_234, %get3A_234 : vector<16xf32>
        %add3A_246 = arith.addf %add3A_244, %mul3A_245 : vector<16xf32>
        %mul3A_247 = arith.mulf %get3A_241, %get3A_241 : vector<16xf32>
        %add3A_248 = arith.addf %add3A_246, %mul3A_247 : vector<16xf32>
        %eq3A = arith.constant 0 : i32
        %eq3A_249 = vector.broadcast %eq3A : i32 to vector<16xi32>
        %eq3A_250 = arith.cmpi eq, %iota3A_124, %eq3A_249 : vector<16xi32>
        %reduce_sum3A = arith.constant true
        %reduce_sum3A_251 = vector.broadcast %reduce_sum3A : i1 to vector<16xi1>
        %reduce_sum3A_252 = tpu.scan <sum>, %add3A_248 masked %reduce_sum3A_251 : vector<16xf32>, vector<16xi1> -> vector<16xf32>
        %reduce_sum3A_253 = vector.extract %reduce_sum3A_252[15] : f32 from vector<16xf32>
        %broadcast_in_dim3A_254 = vector.broadcast %reduce_sum3A_253 : f32 to vector<16xf32>
        %select_n3A = arith.select %eq3A_250, %broadcast_in_dim3A_254, %broadcast_in_dim3A_212 : vector<16xi1>, vector<16xf32>
        %add3A_255 = arith.constant 1 : i32
        %add3A_256 = arith.addi %mul3A_211, %add3A_255 : i32
        %get3A_257 = arith.constant 0 : i32
        %get3A_258 = arith.constant 0 : i32
        %get3A_259 = tpu.memref_slice %arg10[%scan3A_126, %get3A_257, %get3A_258] : memref<2x96x128xf32, #tpu.memory_space<vmem>> -> memref<1x96x128xf32, #tpu.memory_space<vmem>>
        %get3A_260 = tpu.memref_squeeze %get3A_259 : memref<1x96x128xf32, #tpu.memory_space<vmem>> -> memref<96x128xf32, #tpu.memory_space<vmem>>
        %get3A_261 = arith.index_cast %add3A_256 : i32 to index
        %get3A_262 = arith.constant 0 : index
        %get3A_263 = tpu.vector_load %get3A_260[%get3A_261, %get3A_262] {strides = array<i32>} : memref<96x128xf32, #tpu.memory_space<vmem>>, vector<16xf32>,
        %get3A_264 = arith.constant 0 : i32
        %get3A_265 = arith.constant 0 : i32
        %get3A_266 = tpu.memref_slice %arg10[%scan3A_126, %get3A_264, %get3A_265] : memref<2x96x128xf32, #tpu.memory_space<vmem>> -> memref<1x96x128xf32, #tpu.memory_space<vmem>>
        %get3A_267 = tpu.memref_squeeze %get3A_266 : memref<1x96x128xf32, #tpu.memory_space<vmem>> -> memref<96x128xf32, #tpu.memory_space<vmem>>
        %get3A_268 = arith.index_cast %add3A_256 : i32 to index
        %get3A_269 = arith.constant 16 : index
        %get3A_270 = tpu.vector_load %get3A_267[%get3A_268, %get3A_269] {strides = array<i32>} : memref<96x128xf32, #tpu.memory_space<vmem>>, vector<16xf32>,
        %get3A_271 = arith.constant 0 : i32
        %get3A_272 = arith.constant 0 : i32
        %get3A_273 = tpu.memref_slice %arg10[%scan3A_126, %get3A_271, %get3A_272] : memref<2x96x128xf32, #tpu.memory_space<vmem>> -> memref<1x96x128xf32, #tpu.memory_space<vmem>>
        %get3A_274 = tpu.memref_squeeze %get3A_273 : memref<1x96x128xf32, #tpu.memory_space<vmem>> -> memref<96x128xf32, #tpu.memory_space<vmem>>
        %get3A_275 = arith.index_cast %add3A_256 : i32 to index
        %get3A_276 = arith.constant 32 : index
        %get3A_277 = tpu.vector_load %get3A_274[%get3A_275, %get3A_276] {strides = array<i32>} : memref<96x128xf32, #tpu.memory_space<vmem>>, vector<16xf32>,
        %get3A_278 = arith.constant 0 : i32
        %get3A_279 = arith.constant 0 : i32
        %get3A_280 = tpu.memref_slice %arg10[%scan3A_126, %get3A_278, %get3A_279] : memref<2x96x128xf32, #tpu.memory_space<vmem>> -> memref<1x96x128xf32, #tpu.memory_space<vmem>>
        %get3A_281 = tpu.memref_squeeze %get3A_280 : memref<1x96x128xf32, #tpu.memory_space<vmem>> -> memref<96x128xf32, #tpu.memory_space<vmem>>
        %get3A_282 = arith.index_cast %add3A_256 : i32 to index
        %get3A_283 = arith.constant 48 : index
        %get3A_284 = tpu.vector_load %get3A_281[%get3A_282, %get3A_283] {strides = array<i32>} : memref<96x128xf32, #tpu.memory_space<vmem>>, vector<16xf32>,
        %mul3A_285 = arith.mulf %get3A_263, %get3A_263 : vector<16xf32>
        %mul3A_286 = arith.mulf %get3A_270, %get3A_270 : vector<16xf32>
        %add3A_287 = arith.addf %mul3A_285, %mul3A_286 : vector<16xf32>
        %mul3A_288 = arith.mulf %get3A_277, %get3A_277 : vector<16xf32>
        %add3A_289 = arith.addf %add3A_287, %mul3A_288 : vector<16xf32>
        %mul3A_290 = arith.mulf %get3A_284, %get3A_284 : vector<16xf32>
        %add3A_291 = arith.addf %add3A_289, %mul3A_290 : vector<16xf32>
        %eq3A_292 = arith.constant 1 : i32
        %eq3A_293 = vector.broadcast %eq3A_292 : i32 to vector<16xi32>
        %eq3A_294 = arith.cmpi eq, %iota3A_124, %eq3A_293 : vector<16xi32>
        %reduce_sum3A_295 = arith.constant true
        %reduce_sum3A_296 = vector.broadcast %reduce_sum3A_295 : i1 to vector<16xi1>
        %reduce_sum3A_297 = tpu.scan <sum>, %add3A_291 masked %reduce_sum3A_296 : vector<16xf32>, vector<16xi1> -> vector<16xf32>
        %reduce_sum3A_298 = vector.extract %reduce_sum3A_297[15] : f32 from vector<16xf32>
        %broadcast_in_dim3A_299 = vector.broadcast %reduce_sum3A_298 : f32 to vector<16xf32>
        %select_n3A_300 = arith.select %eq3A_294, %broadcast_in_dim3A_299, %select_n3A : vector<16xi1>, vector<16xf32>
        %add3A_301 = arith.constant 2 : i32
        %add3A_302 = arith.addi %mul3A_211, %add3A_301 : i32
        %get3A_303 = arith.constant 0 : i32
        %get3A_304 = arith.constant 0 : i32
        %get3A_305 = tpu.memref_slice %arg10[%scan3A_126, %get3A_303, %get3A_304] : memref<2x96x128xf32, #tpu.memory_space<vmem>> -> memref<1x96x128xf32, #tpu.memory_space<vmem>>
        %get3A_306 = tpu.memref_squeeze %get3A_305 : memref<1x96x128xf32, #tpu.memory_space<vmem>> -> memref<96x128xf32, #tpu.memory_space<vmem>>
        %get3A_307 = arith.index_cast %add3A_302 : i32 to index
        %get3A_308 = arith.constant 0 : index
        %get3A_309 = tpu.vector_load %get3A_306[%get3A_307, %get3A_308] {strides = array<i32>} : memref<96x128xf32, #tpu.memory_space<vmem>>, vector<16xf32>,
        %get3A_310 = arith.constant 0 : i32
        %get3A_311 = arith.constant 0 : i32
        %get3A_312 = tpu.memref_slice %arg10[%scan3A_126, %get3A_310, %get3A_311] : memref<2x96x128xf32, #tpu.memory_space<vmem>> -> memref<1x96x128xf32, #tpu.memory_space<vmem>>
        %get3A_313 = tpu.memref_squeeze %get3A_312 : memref<1x96x128xf32, #tpu.memory_space<vmem>> -> memref<96x128xf32, #tpu.memory_space<vmem>>
        %get3A_314 = arith.index_cast %add3A_302 : i32 to index
        %get3A_315 = arith.constant 16 : index
        %get3A_316 = tpu.vector_load %get3A_313[%get3A_314, %get3A_315] {strides = array<i32>} : memref<96x128xf32, #tpu.memory_space<vmem>>, vector<16xf32>,
        %get3A_317 = arith.constant 0 : i32
        %get3A_318 = arith.constant 0 : i32
        %get3A_319 = tpu.memref_slice %arg10[%scan3A_126, %get3A_317, %get3A_318] : memref<2x96x128xf32, #tpu.memory_space<vmem>> -> memref<1x96x128xf32, #tpu.memory_space<vmem>>
        %get3A_320 = tpu.memref_squeeze %get3A_319 : memref<1x96x128xf32, #tpu.memory_space<vmem>> -> memref<96x128xf32, #tpu.memory_space<vmem>>
        %get3A_321 = arith.index_cast %add3A_302 : i32 to index
        %get3A_322 = arith.constant 32 : index
        %get3A_323 = tpu.vector_load %get3A_320[%get3A_321, %get3A_322] {strides = array<i32>} : memref<96x128xf32, #tpu.memory_space<vmem>>, vector<16xf32>,
        %get3A_324 = arith.constant 0 : i32
        %get3A_325 = arith.constant 0 : i32
        %get3A_326 = tpu.memref_slice %arg10[%scan3A_126, %get3A_324, %get3A_325] : memref<2x96x128xf32, #tpu.memory_space<vmem>> -> memref<1x96x128xf32, #tpu.memory_space<vmem>>
        %get3A_327 = tpu.memref_squeeze %get3A_326 : memref<1x96x128xf32, #tpu.memory_space<vmem>> -> memref<96x128xf32, #tpu.memory_space<vmem>>
        %get3A_328 = arith.index_cast %add3A_302 : i32 to index
        %get3A_329 = arith.constant 48 : index
        %get3A_330 = tpu.vector_load %get3A_327[%get3A_328, %get3A_329] {strides = array<i32>} : memref<96x128xf32, #tpu.memory_space<vmem>>, vector<16xf32>,
        %mul3A_331 = arith.mulf %get3A_309, %get3A_309 : vector<16xf32>
        %mul3A_332 = arith.mulf %get3A_316, %get3A_316 : vector<16xf32>
        %add3A_333 = arith.addf %mul3A_331, %mul3A_332 : vector<16xf32>
        %mul3A_334 = arith.mulf %get3A_323, %get3A_323 : vector<16xf32>
        %add3A_335 = arith.addf %add3A_333, %mul3A_334 : vector<16xf32>
        %mul3A_336 = arith.mulf %get3A_330, %get3A_330 : vector<16xf32>
        %add3A_337 = arith.addf %add3A_335, %mul3A_336 : vector<16xf32>
        %eq3A_338 = arith.constant 2 : i32
        %eq3A_339 = vector.broadcast %eq3A_338 : i32 to vector<16xi32>
        %eq3A_340 = arith.cmpi eq, %iota3A_124, %eq3A_339 : vector<16xi32>
        %reduce_sum3A_341 = arith.constant true
        %reduce_sum3A_342 = vector.broadcast %reduce_sum3A_341 : i1 to vector<16xi1>
        %reduce_sum3A_343 = tpu.scan <sum>, %add3A_337 masked %reduce_sum3A_342 : vector<16xf32>, vector<16xi1> -> vector<16xf32>
        %reduce_sum3A_344 = vector.extract %reduce_sum3A_343[15] : f32 from vector<16xf32>
        %broadcast_in_dim3A_345 = vector.broadcast %reduce_sum3A_344 : f32 to vector<16xf32>
        %select_n3A_346 = arith.select %eq3A_340, %broadcast_in_dim3A_345, %select_n3A_300 : vector<16xi1>, vector<16xf32>
        %add3A_347 = arith.constant 3 : i32
        %add3A_348 = arith.addi %mul3A_211, %add3A_347 : i32
        %get3A_349 = arith.constant 0 : i32
        %get3A_350 = arith.constant 0 : i32
        %get3A_351 = tpu.memref_slice %arg10[%scan3A_126, %get3A_349, %get3A_350] : memref<2x96x128xf32, #tpu.memory_space<vmem>> -> memref<1x96x128xf32, #tpu.memory_space<vmem>>
        %get3A_352 = tpu.memref_squeeze %get3A_351 : memref<1x96x128xf32, #tpu.memory_space<vmem>> -> memref<96x128xf32, #tpu.memory_space<vmem>>
        %get3A_353 = arith.index_cast %add3A_348 : i32 to index
        %get3A_354 = arith.constant 0 : index
        %get3A_355 = tpu.vector_load %get3A_352[%get3A_353, %get3A_354] {strides = array<i32>} : memref<96x128xf32, #tpu.memory_space<vmem>>, vector<16xf32>,
        %get3A_356 = arith.constant 0 : i32
        %get3A_357 = arith.constant 0 : i32
        %get3A_358 = tpu.memref_slice %arg10[%scan3A_126, %get3A_356, %get3A_357] : memref<2x96x128xf32, #tpu.memory_space<vmem>> -> memref<1x96x128xf32, #tpu.memory_space<vmem>>
        %get3A_359 = tpu.memref_squeeze %get3A_358 : memref<1x96x128xf32, #tpu.memory_space<vmem>> -> memref<96x128xf32, #tpu.memory_space<vmem>>
        %get3A_360 = arith.index_cast %add3A_348 : i32 to index
        %get3A_361 = arith.constant 16 : index
        %get3A_362 = tpu.vector_load %get3A_359[%get3A_360, %get3A_361] {strides = array<i32>} : memref<96x128xf32, #tpu.memory_space<vmem>>, vector<16xf32>,
        %get3A_363 = arith.constant 0 : i32
        %get3A_364 = arith.constant 0 : i32
        %get3A_365 = tpu.memref_slice %arg10[%scan3A_126, %get3A_363, %get3A_364] : memref<2x96x128xf32, #tpu.memory_space<vmem>> -> memref<1x96x128xf32, #tpu.memory_space<vmem>>
        %get3A_366 = tpu.memref_squeeze %get3A_365 : memref<1x96x128xf32, #tpu.memory_space<vmem>> -> memref<96x128xf32, #tpu.memory_space<vmem>>
        %get3A_367 = arith.index_cast %add3A_348 : i32 to index
        %get3A_368 = arith.constant 32 : index
        %get3A_369 = tpu.vector_load %get3A_366[%get3A_367, %get3A_368] {strides = array<i32>} : memref<96x128xf32, #tpu.memory_space<vmem>>, vector<16xf32>,
        %get3A_370 = arith.constant 0 : i32
        %get3A_371 = arith.constant 0 : i32
        %get3A_372 = tpu.memref_slice %arg10[%scan3A_126, %get3A_370, %get3A_371] : memref<2x96x128xf32, #tpu.memory_space<vmem>> -> memref<1x96x128xf32, #tpu.memory_space<vmem>>
        %get3A_373 = tpu.memref_squeeze %get3A_372 : memref<1x96x128xf32, #tpu.memory_space<vmem>> -> memref<96x128xf32, #tpu.memory_space<vmem>>
        %get3A_374 = arith.index_cast %add3A_348 : i32 to index
        %get3A_375 = arith.constant 48 : index
        %get3A_376 = tpu.vector_load %get3A_373[%get3A_374, %get3A_375] {strides = array<i32>} : memref<96x128xf32, #tpu.memory_space<vmem>>, vector<16xf32>,
        %mul3A_377 = arith.mulf %get3A_355, %get3A_355 : vector<16xf32>
        %mul3A_378 = arith.mulf %get3A_362, %get3A_362 : vector<16xf32>
        %add3A_379 = arith.addf %mul3A_377, %mul3A_378 : vector<16xf32>
        %mul3A_380 = arith.mulf %get3A_369, %get3A_369 : vector<16xf32>
        %add3A_381 = arith.addf %add3A_379, %mul3A_380 : vector<16xf32>
        %mul3A_382 = arith.mulf %get3A_376, %get3A_376 : vector<16xf32>
        %add3A_383 = arith.addf %add3A_381, %mul3A_382 : vector<16xf32>
        %eq3A_384 = arith.constant 3 : i32
        %eq3A_385 = vector.broadcast %eq3A_384 : i32 to vector<16xi32>
        %eq3A_386 = arith.cmpi eq, %iota3A_124, %eq3A_385 : vector<16xi32>
        %reduce_sum3A_387 = arith.constant true
        %reduce_sum3A_388 = vector.broadcast %reduce_sum3A_387 : i1 to vector<16xi1>
        %reduce_sum3A_389 = tpu.scan <sum>, %add3A_383 masked %reduce_sum3A_388 : vector<16xf32>, vector<16xi1> -> vector<16xf32>
        %reduce_sum3A_390 = vector.extract %reduce_sum3A_389[15] : f32 from vector<16xf32>
        %broadcast_in_dim3A_391 = vector.broadcast %reduce_sum3A_390 : f32 to vector<16xf32>
        %select_n3A_392 = arith.select %eq3A_386, %broadcast_in_dim3A_391, %select_n3A_346 : vector<16xi1>, vector<16xf32>
        %add3A_393 = arith.constant 4 : i32
        %add3A_394 = arith.addi %mul3A_211, %add3A_393 : i32
        %get3A_395 = arith.constant 0 : i32
        %get3A_396 = arith.constant 0 : i32
        %get3A_397 = tpu.memref_slice %arg10[%scan3A_126, %get3A_395, %get3A_396] : memref<2x96x128xf32, #tpu.memory_space<vmem>> -> memref<1x96x128xf32, #tpu.memory_space<vmem>>
        %get3A_398 = tpu.memref_squeeze %get3A_397 : memref<1x96x128xf32, #tpu.memory_space<vmem>> -> memref<96x128xf32, #tpu.memory_space<vmem>>
        %get3A_399 = arith.index_cast %add3A_394 : i32 to index
        %get3A_400 = arith.constant 0 : index
        %get3A_401 = tpu.vector_load %get3A_398[%get3A_399, %get3A_400] {strides = array<i32>} : memref<96x128xf32, #tpu.memory_space<vmem>>, vector<16xf32>,
        %get3A_402 = arith.constant 0 : i32
        %get3A_403 = arith.constant 0 : i32
        %get3A_404 = tpu.memref_slice %arg10[%scan3A_126, %get3A_402, %get3A_403] : memref<2x96x128xf32, #tpu.memory_space<vmem>> -> memref<1x96x128xf32, #tpu.memory_space<vmem>>
        %get3A_405 = tpu.memref_squeeze %get3A_404 : memref<1x96x128xf32, #tpu.memory_space<vmem>> -> memref<96x128xf32, #tpu.memory_space<vmem>>
        %get3A_406 = arith.index_cast %add3A_394 : i32 to index
        %get3A_407 = arith.constant 16 : index
        %get3A_408 = tpu.vector_load %get3A_405[%get3A_406, %get3A_407] {strides = array<i32>} : memref<96x128xf32, #tpu.memory_space<vmem>>, vector<16xf32>,
        %get3A_409 = arith.constant 0 : i32
        %get3A_410 = arith.constant 0 : i32
        %get3A_411 = tpu.memref_slice %arg10[%scan3A_126, %get3A_409, %get3A_410] : memref<2x96x128xf32, #tpu.memory_space<vmem>> -> memref<1x96x128xf32, #tpu.memory_space<vmem>>
        %get3A_412 = tpu.memref_squeeze %get3A_411 : memref<1x96x128xf32, #tpu.memory_space<vmem>> -> memref<96x128xf32, #tpu.memory_space<vmem>>
        %get3A_413 = arith.index_cast %add3A_394 : i32 to index
        %get3A_414 = arith.constant 32 : index
        %get3A_415 = tpu.vector_load %get3A_412[%get3A_413, %get3A_414] {strides = array<i32>} : memref<96x128xf32, #tpu.memory_space<vmem>>, vector<16xf32>,
        %get3A_416 = arith.constant 0 : i32
        %get3A_417 = arith.constant 0 : i32
        %get3A_418 = tpu.memref_slice %arg10[%scan3A_126, %get3A_416, %get3A_417] : memref<2x96x128xf32, #tpu.memory_space<vmem>> -> memref<1x96x128xf32, #tpu.memory_space<vmem>>
        %get3A_419 = tpu.memref_squeeze %get3A_418 : memref<1x96x128xf32, #tpu.memory_space<vmem>> -> memref<96x128xf32, #tpu.memory_space<vmem>>
        %get3A_420 = arith.index_cast %add3A_394 : i32 to index
        %get3A_421 = arith.constant 48 : index
        %get3A_422 = tpu.vector_load %get3A_419[%get3A_420, %get3A_421] {strides = array<i32>} : memref<96x128xf32, #tpu.memory_space<vmem>>, vector<16xf32>,
        %mul3A_423 = arith.mulf %get3A_401, %get3A_401 : vector<16xf32>
        %mul3A_424 = arith.mulf %get3A_408, %get3A_408 : vector<16xf32>
        %add3A_425 = arith.addf %mul3A_423, %mul3A_424 : vector<16xf32>
        %mul3A_426 = arith.mulf %get3A_415, %get3A_415 : vector<16xf32>
        %add3A_427 = arith.addf %add3A_425, %mul3A_426 : vector<16xf32>
        %mul3A_428 = arith.mulf %get3A_422, %get3A_422 : vector<16xf32>
        %add3A_429 = arith.addf %add3A_427, %mul3A_428 : vector<16xf32>
        %eq3A_430 = arith.constant 4 : i32
        %eq3A_431 = vector.broadcast %eq3A_430 : i32 to vector<16xi32>
        %eq3A_432 = arith.cmpi eq, %iota3A_124, %eq3A_431 : vector<16xi32>
        %reduce_sum3A_433 = arith.constant true
        %reduce_sum3A_434 = vector.broadcast %reduce_sum3A_433 : i1 to vector<16xi1>
        %reduce_sum3A_435 = tpu.scan <sum>, %add3A_429 masked %reduce_sum3A_434 : vector<16xf32>, vector<16xi1> -> vector<16xf32>
        %reduce_sum3A_436 = vector.extract %reduce_sum3A_435[15] : f32 from vector<16xf32>
        %broadcast_in_dim3A_437 = vector.broadcast %reduce_sum3A_436 : f32 to vector<16xf32>
        %select_n3A_438 = arith.select %eq3A_432, %broadcast_in_dim3A_437, %select_n3A_392 : vector<16xi1>, vector<16xf32>
        %add3A_439 = arith.constant 5 : i32
        %add3A_440 = arith.addi %mul3A_211, %add3A_439 : i32
        %get3A_441 = arith.constant 0 : i32
        %get3A_442 = arith.constant 0 : i32
        %get3A_443 = tpu.memref_slice %arg10[%scan3A_126, %get3A_441, %get3A_442] : memref<2x96x128xf32, #tpu.memory_space<vmem>> -> memref<1x96x128xf32, #tpu.memory_space<vmem>>
        %get3A_444 = tpu.memref_squeeze %get3A_443 : memref<1x96x128xf32, #tpu.memory_space<vmem>> -> memref<96x128xf32, #tpu.memory_space<vmem>>
        %get3A_445 = arith.index_cast %add3A_440 : i32 to index
        %get3A_446 = arith.constant 0 : index
        %get3A_447 = tpu.vector_load %get3A_444[%get3A_445, %get3A_446] {strides = array<i32>} : memref<96x128xf32, #tpu.memory_space<vmem>>, vector<16xf32>,
        %get3A_448 = arith.constant 0 : i32
        %get3A_449 = arith.constant 0 : i32
        %get3A_450 = tpu.memref_slice %arg10[%scan3A_126, %get3A_448, %get3A_449] : memref<2x96x128xf32, #tpu.memory_space<vmem>> -> memref<1x96x128xf32, #tpu.memory_space<vmem>>
        %get3A_451 = tpu.memref_squeeze %get3A_450 : memref<1x96x128xf32, #tpu.memory_space<vmem>> -> memref<96x128xf32, #tpu.memory_space<vmem>>
        %get3A_452 = arith.index_cast %add3A_440 : i32 to index
        %get3A_453 = arith.constant 16 : index
        %get3A_454 = tpu.vector_load %get3A_451[%get3A_452, %get3A_453] {strides = array<i32>} : memref<96x128xf32, #tpu.memory_space<vmem>>, vector<16xf32>,
        %get3A_455 = arith.constant 0 : i32
        %get3A_456 = arith.constant 0 : i32
        %get3A_457 = tpu.memref_slice %arg10[%scan3A_126, %get3A_455, %get3A_456] : memref<2x96x128xf32, #tpu.memory_space<vmem>> -> memref<1x96x128xf32, #tpu.memory_space<vmem>>
        %get3A_458 = tpu.memref_squeeze %get3A_457 : memref<1x96x128xf32, #tpu.memory_space<vmem>> -> memref<96x128xf32, #tpu.memory_space<vmem>>
        %get3A_459 = arith.index_cast %add3A_440 : i32 to index
        %get3A_460 = arith.constant 32 : index
        %get3A_461 = tpu.vector_load %get3A_458[%get3A_459, %get3A_460] {strides = array<i32>} : memref<96x128xf32, #tpu.memory_space<vmem>>, vector<16xf32>,
        %get3A_462 = arith.constant 0 : i32
        %get3A_463 = arith.constant 0 : i32
        %get3A_464 = tpu.memref_slice %arg10[%scan3A_126, %get3A_462, %get3A_463] : memref<2x96x128xf32, #tpu.memory_space<vmem>> -> memref<1x96x128xf32, #tpu.memory_space<vmem>>
        %get3A_465 = tpu.memref_squeeze %get3A_464 : memref<1x96x128xf32, #tpu.memory_space<vmem>> -> memref<96x128xf32, #tpu.memory_space<vmem>>
        %get3A_466 = arith.index_cast %add3A_440 : i32 to index
        %get3A_467 = arith.constant 48 : index
        %get3A_468 = tpu.vector_load %get3A_465[%get3A_466, %get3A_467] {strides = array<i32>} : memref<96x128xf32, #tpu.memory_space<vmem>>, vector<16xf32>,
        %mul3A_469 = arith.mulf %get3A_447, %get3A_447 : vector<16xf32>
        %mul3A_470 = arith.mulf %get3A_454, %get3A_454 : vector<16xf32>
        %add3A_471 = arith.addf %mul3A_469, %mul3A_470 : vector<16xf32>
        %mul3A_472 = arith.mulf %get3A_461, %get3A_461 : vector<16xf32>
        %add3A_473 = arith.addf %add3A_471, %mul3A_472 : vector<16xf32>
        %mul3A_474 = arith.mulf %get3A_468, %get3A_468 : vector<16xf32>
        %add3A_475 = arith.addf %add3A_473, %mul3A_474 : vector<16xf32>
        %eq3A_476 = arith.constant 5 : i32
        %eq3A_477 = vector.broadcast %eq3A_476 : i32 to vector<16xi32>
        %eq3A_478 = arith.cmpi eq, %iota3A_124, %eq3A_477 : vector<16xi32>
        %reduce_sum3A_479 = arith.constant true
        %reduce_sum3A_480 = vector.broadcast %reduce_sum3A_479 : i1 to vector<16xi1>
        %reduce_sum3A_481 = tpu.scan <sum>, %add3A_475 masked %reduce_sum3A_480 : vector<16xf32>, vector<16xi1> -> vector<16xf32>
        %reduce_sum3A_482 = vector.extract %reduce_sum3A_481[15] : f32 from vector<16xf32>
        %broadcast_in_dim3A_483 = vector.broadcast %reduce_sum3A_482 : f32 to vector<16xf32>
        %select_n3A_484 = arith.select %eq3A_478, %broadcast_in_dim3A_483, %select_n3A_438 : vector<16xi1>, vector<16xf32>
        %add3A_485 = arith.constant 6 : i32
        %add3A_486 = arith.addi %mul3A_211, %add3A_485 : i32
        %get3A_487 = arith.constant 0 : i32
        %get3A_488 = arith.constant 0 : i32
        %get3A_489 = tpu.memref_slice %arg10[%scan3A_126, %get3A_487, %get3A_488] : memref<2x96x128xf32, #tpu.memory_space<vmem>> -> memref<1x96x128xf32, #tpu.memory_space<vmem>>
        %get3A_490 = tpu.memref_squeeze %get3A_489 : memref<1x96x128xf32, #tpu.memory_space<vmem>> -> memref<96x128xf32, #tpu.memory_space<vmem>>
        %get3A_491 = arith.index_cast %add3A_486 : i32 to index
        %get3A_492 = arith.constant 0 : index
        %get3A_493 = tpu.vector_load %get3A_490[%get3A_491, %get3A_492] {strides = array<i32>} : memref<96x128xf32, #tpu.memory_space<vmem>>, vector<16xf32>,
        %get3A_494 = arith.constant 0 : i32
        %get3A_495 = arith.constant 0 : i32
        %get3A_496 = tpu.memref_slice %arg10[%scan3A_126, %get3A_494, %get3A_495] : memref<2x96x128xf32, #tpu.memory_space<vmem>> -> memref<1x96x128xf32, #tpu.memory_space<vmem>>
        %get3A_497 = tpu.memref_squeeze %get3A_496 : memref<1x96x128xf32, #tpu.memory_space<vmem>> -> memref<96x128xf32, #tpu.memory_space<vmem>>
        %get3A_498 = arith.index_cast %add3A_486 : i32 to index
        %get3A_499 = arith.constant 16 : index
        %get3A_500 = tpu.vector_load %get3A_497[%get3A_498, %get3A_499] {strides = array<i32>} : memref<96x128xf32, #tpu.memory_space<vmem>>, vector<16xf32>,
        %get3A_501 = arith.constant 0 : i32
        %get3A_502 = arith.constant 0 : i32
        %get3A_503 = tpu.memref_slice %arg10[%scan3A_126, %get3A_501, %get3A_502] : memref<2x96x128xf32, #tpu.memory_space<vmem>> -> memref<1x96x128xf32, #tpu.memory_space<vmem>>
        %get3A_504 = tpu.memref_squeeze %get3A_503 : memref<1x96x128xf32, #tpu.memory_space<vmem>> -> memref<96x128xf32, #tpu.memory_space<vmem>>
        %get3A_505 = arith.index_cast %add3A_486 : i32 to index
        %get3A_506 = arith.constant 32 : index
        %get3A_507 = tpu.vector_load %get3A_504[%get3A_505, %get3A_506] {strides = array<i32>} : memref<96x128xf32, #tpu.memory_space<vmem>>, vector<16xf32>,
        %get3A_508 = arith.constant 0 : i32
        %get3A_509 = arith.constant 0 : i32
        %get3A_510 = tpu.memref_slice %arg10[%scan3A_126, %get3A_508, %get3A_509] : memref<2x96x128xf32, #tpu.memory_space<vmem>> -> memref<1x96x128xf32, #tpu.memory_space<vmem>>
        %get3A_511 = tpu.memref_squeeze %get3A_510 : memref<1x96x128xf32, #tpu.memory_space<vmem>> -> memref<96x128xf32, #tpu.memory_space<vmem>>
        %get3A_512 = arith.index_cast %add3A_486 : i32 to index
        %get3A_513 = arith.constant 48 : index
        %get3A_514 = tpu.vector_load %get3A_511[%get3A_512, %get3A_513] {strides = array<i32>} : memref<96x128xf32, #tpu.memory_space<vmem>>, vector<16xf32>,
        %mul3A_515 = arith.mulf %get3A_493, %get3A_493 : vector<16xf32>
        %mul3A_516 = arith.mulf %get3A_500, %get3A_500 : vector<16xf32>
        %add3A_517 = arith.addf %mul3A_515, %mul3A_516 : vector<16xf32>
        %mul3A_518 = arith.mulf %get3A_507, %get3A_507 : vector<16xf32>
        %add3A_519 = arith.addf %add3A_517, %mul3A_518 : vector<16xf32>
        %mul3A_520 = arith.mulf %get3A_514, %get3A_514 : vector<16xf32>
        %add3A_521 = arith.addf %add3A_519, %mul3A_520 : vector<16xf32>
        %eq3A_522 = arith.constant 6 : i32
        %eq3A_523 = vector.broadcast %eq3A_522 : i32 to vector<16xi32>
        %eq3A_524 = arith.cmpi eq, %iota3A_124, %eq3A_523 : vector<16xi32>
        %reduce_sum3A_525 = arith.constant true
        %reduce_sum3A_526 = vector.broadcast %reduce_sum3A_525 : i1 to vector<16xi1>
        %reduce_sum3A_527 = tpu.scan <sum>, %add3A_521 masked %reduce_sum3A_526 : vector<16xf32>, vector<16xi1> -> vector<16xf32>
        %reduce_sum3A_528 = vector.extract %reduce_sum3A_527[15] : f32 from vector<16xf32>
        %broadcast_in_dim3A_529 = vector.broadcast %reduce_sum3A_528 : f32 to vector<16xf32>
        %select_n3A_530 = arith.select %eq3A_524, %broadcast_in_dim3A_529, %select_n3A_484 : vector<16xi1>, vector<16xf32>
        %add3A_531 = arith.constant 7 : i32
        %add3A_532 = arith.addi %mul3A_211, %add3A_531 : i32
        %get3A_533 = arith.constant 0 : i32
        %get3A_534 = arith.constant 0 : i32
        %get3A_535 = tpu.memref_slice %arg10[%scan3A_126, %get3A_533, %get3A_534] : memref<2x96x128xf32, #tpu.memory_space<vmem>> -> memref<1x96x128xf32, #tpu.memory_space<vmem>>
        %get3A_536 = tpu.memref_squeeze %get3A_535 : memref<1x96x128xf32, #tpu.memory_space<vmem>> -> memref<96x128xf32, #tpu.memory_space<vmem>>
        %get3A_537 = arith.index_cast %add3A_532 : i32 to index
        %get3A_538 = arith.constant 0 : index
        %get3A_539 = tpu.vector_load %get3A_536[%get3A_537, %get3A_538] {strides = array<i32>} : memref<96x128xf32, #tpu.memory_space<vmem>>, vector<16xf32>,
        %get3A_540 = arith.constant 0 : i32
        %get3A_541 = arith.constant 0 : i32
        %get3A_542 = tpu.memref_slice %arg10[%scan3A_126, %get3A_540, %get3A_541] : memref<2x96x128xf32, #tpu.memory_space<vmem>> -> memref<1x96x128xf32, #tpu.memory_space<vmem>>
        %get3A_543 = tpu.memref_squeeze %get3A_542 : memref<1x96x128xf32, #tpu.memory_space<vmem>> -> memref<96x128xf32, #tpu.memory_space<vmem>>
        %get3A_544 = arith.index_cast %add3A_532 : i32 to index
        %get3A_545 = arith.constant 16 : index
        %get3A_546 = tpu.vector_load %get3A_543[%get3A_544, %get3A_545] {strides = array<i32>} : memref<96x128xf32, #tpu.memory_space<vmem>>, vector<16xf32>,
        %get3A_547 = arith.constant 0 : i32
        %get3A_548 = arith.constant 0 : i32
        %get3A_549 = tpu.memref_slice %arg10[%scan3A_126, %get3A_547, %get3A_548] : memref<2x96x128xf32, #tpu.memory_space<vmem>> -> memref<1x96x128xf32, #tpu.memory_space<vmem>>
        %get3A_550 = tpu.memref_squeeze %get3A_549 : memref<1x96x128xf32, #tpu.memory_space<vmem>> -> memref<96x128xf32, #tpu.memory_space<vmem>>
        %get3A_551 = arith.index_cast %add3A_532 : i32 to index
        %get3A_552 = arith.constant 32 : index
        %get3A_553 = tpu.vector_load %get3A_550[%get3A_551, %get3A_552] {strides = array<i32>} : memref<96x128xf32, #tpu.memory_space<vmem>>, vector<16xf32>,
        %get3A_554 = arith.constant 0 : i32
        %get3A_555 = arith.constant 0 : i32
        %get3A_556 = tpu.memref_slice %arg10[%scan3A_126, %get3A_554, %get3A_555] : memref<2x96x128xf32, #tpu.memory_space<vmem>> -> memref<1x96x128xf32, #tpu.memory_space<vmem>>
        %get3A_557 = tpu.memref_squeeze %get3A_556 : memref<1x96x128xf32, #tpu.memory_space<vmem>> -> memref<96x128xf32, #tpu.memory_space<vmem>>
        %get3A_558 = arith.index_cast %add3A_532 : i32 to index
        %get3A_559 = arith.constant 48 : index
        %get3A_560 = tpu.vector_load %get3A_557[%get3A_558, %get3A_559] {strides = array<i32>} : memref<96x128xf32, #tpu.memory_space<vmem>>, vector<16xf32>,
        %mul3A_561 = arith.mulf %get3A_539, %get3A_539 : vector<16xf32>
        %mul3A_562 = arith.mulf %get3A_546, %get3A_546 : vector<16xf32>
        %add3A_563 = arith.addf %mul3A_561, %mul3A_562 : vector<16xf32>
        %mul3A_564 = arith.mulf %get3A_553, %get3A_553 : vector<16xf32>
        %add3A_565 = arith.addf %add3A_563, %mul3A_564 : vector<16xf32>
        %mul3A_566 = arith.mulf %get3A_560, %get3A_560 : vector<16xf32>
        %add3A_567 = arith.addf %add3A_565, %mul3A_566 : vector<16xf32>
        %eq3A_568 = arith.constant 7 : i32
        %eq3A_569 = vector.broadcast %eq3A_568 : i32 to vector<16xi32>
        %eq3A_570 = arith.cmpi eq, %iota3A_124, %eq3A_569 : vector<16xi32>
        %reduce_sum3A_571 = arith.constant true
        %reduce_sum3A_572 = vector.broadcast %reduce_sum3A_571 : i1 to vector<16xi1>
        %reduce_sum3A_573 = tpu.scan <sum>, %add3A_567 masked %reduce_sum3A_572 : vector<16xf32>, vector<16xi1> -> vector<16xf32>
        %reduce_sum3A_574 = vector.extract %reduce_sum3A_573[15] : f32 from vector<16xf32>
        %broadcast_in_dim3A_575 = vector.broadcast %reduce_sum3A_574 : f32 to vector<16xf32>
        %select_n3A_576 = arith.select %eq3A_570, %broadcast_in_dim3A_575, %select_n3A_530 : vector<16xi1>, vector<16xf32>
        %bitcast3A = vector.bitcast %select_n3A_576 : vector<16xf32> to vector<16xi32>
        %shift_right_arithmetic3A = arith.constant 1 : i32
        %shift_right_arithmetic3A_577 = vector.broadcast %shift_right_arithmetic3A : i32 to vector<16xi32>
        %shift_right_arithmetic3A_578 = arith.shrsi %bitcast3A, %shift_right_arithmetic3A_577 : vector<16xi32>
        %sub3A_579 = arith.constant 1597463007 : i32
        %sub3A_580 = vector.broadcast %sub3A_579 : i32 to vector<16xi32>
        %sub3A_581 = arith.subi %sub3A_580, %shift_right_arithmetic3A_578 : vector<16xi32>
        %bitcast3A_582 = vector.bitcast %sub3A_581 : vector<16xi32> to vector<16xf32>
        %mul3A_583 = arith.constant 5.000000e-01 : f32
        %mul3A_584 = vector.broadcast %mul3A_583 : f32 to vector<16xf32>
        %mul3A_585 = arith.mulf %select_n3A_576, %mul3A_584 : vector<16xf32>
        %mul3A_586 = arith.mulf %mul3A_585, %bitcast3A_582 : vector<16xf32>
        %mul3A_587 = arith.mulf %mul3A_586, %bitcast3A_582 : vector<16xf32>
        %sub3A_588 = arith.constant 1.500000e+00 : f32
        %sub3A_589 = vector.broadcast %sub3A_588 : f32 to vector<16xf32>
        %sub3A_590 = arith.subf %sub3A_589, %mul3A_587 : vector<16xf32>
        %mul3A_591 = arith.mulf %bitcast3A_582, %sub3A_590 : vector<16xf32>
        %mul3A_592 = arith.mulf %mul3A_585, %mul3A_591 : vector<16xf32>
        %mul3A_593 = arith.mulf %mul3A_592, %mul3A_591 : vector<16xf32>
        %sub3A_594 = arith.constant 1.500000e+00 : f32
        %sub3A_595 = vector.broadcast %sub3A_594 : f32 to vector<16xf32>
        %sub3A_596 = arith.subf %sub3A_595, %mul3A_593 : vector<16xf32>
        %mul3A_597 = arith.mulf %mul3A_591, %sub3A_596 : vector<16xf32>
        %mul3A_598 = arith.mulf %mul3A_585, %mul3A_597 : vector<16xf32>
        %mul3A_599 = arith.mulf %mul3A_598, %mul3A_597 : vector<16xf32>
        %sub3A_600 = arith.constant 1.500000e+00 : f32
        %sub3A_601 = vector.broadcast %sub3A_600 : f32 to vector<16xf32>
        %sub3A_602 = arith.subf %sub3A_601, %mul3A_599 : vector<16xf32>
        %mul3A_603 = arith.mulf %mul3A_597, %sub3A_602 : vector<16xf32>
        %gt3A = arith.constant 1.000000e+00 : f32
        %gt3A_604 = vector.broadcast %gt3A : f32 to vector<16xf32>
        %gt3A_605 = arith.cmpf ogt, %select_n3A_576, %gt3A_604 : vector<16xf32>
        %jit3A = arith.constant 1.000000e+00 : f32
        %broadcast_in_dim3A_606 = vector.broadcast %jit3A : f32 to vector<16xf32>
        %select_n3A_607 = arith.select %gt3A_605, %mul3A_603, %broadcast_in_dim3A_606 : vector<16xi1>, vector<16xf32>
        %add3A_608 = arith.constant 0 : i32
        %add3A_609 = arith.addi %mul3A_211, %add3A_608 : i32
        %broadcast_in_dim3A_610 = arith.constant 0 : i32
        %broadcast_in_dim3A_611 = vector.broadcast %broadcast_in_dim3A_610 : i32 to vector<16xi32>
        %lt3A_612 = arith.constant 0 : i32
        %lt3A_613 = vector.broadcast %lt3A_612 : i32 to vector<16xi32>
        %lt3A_614 = arith.cmpi slt, %broadcast_in_dim3A_611, %lt3A_613 : vector<16xi32>
        %add3A_615 = arith.constant 16 : i32
        %add3A_616 = vector.broadcast %add3A_615 : i32 to vector<16xi32>
        %add3A_617 = arith.addi %broadcast_in_dim3A_611, %add3A_616 : vector<16xi32>
        %select_n3A_618 = arith.select %lt3A_614, %add3A_617, %broadcast_in_dim3A_611 : vector<16xi1>, vector<16xi32>
        %broadcast_in_dim3A_619 = vector.shape_cast %select_n3A_618 : vector<16xi32> to vector<16x1xi32>
        %gather3A = vector.shape_cast %broadcast_in_dim3A_619 : vector<16x1xi32> to vector<16xi32>
        %gather3A_620 = tpu.dynamic_gather %select_n3A_607[%gather3A] in [0] : vector<16xf32>, vector<16xi32> -> vector<16xf32>
        %mul3A_621 = arith.mulf %get3A_220, %gather3A_620 : vector<16xf32>
        %swap3A = arith.constant 0 : i32
        %swap3A_622 = arith.constant 0 : i32
        %swap3A_623 = tpu.memref_slice %arg11[%scan3A_127, %swap3A, %swap3A_622] : memref<2x96x64xf32, #tpu.memory_space<vmem>> -> memref<1x96x64xf32, #tpu.memory_space<vmem>>
        %swap3A_624 = tpu.memref_squeeze %swap3A_623 : memref<1x96x64xf32, #tpu.memory_space<vmem>> -> memref<96x64xf32, #tpu.memory_space<vmem>>
        %swap3A_625 = arith.index_cast %add3A_609 : i32 to index
        %swap3A_626 = arith.constant 0 : index
        %swap3A_627 = tpu.vector_load %swap3A_624[%swap3A_625, %swap3A_626] {strides = array<i32>} : memref<96x64xf32, #tpu.memory_space<vmem>>, vector<16xf32>,
        tpu.vector_store %swap3A_624[%swap3A_625, %swap3A_626], %mul3A_621 {strides = array<i32>} : memref<96x64xf32, #tpu.memory_space<vmem>>, vector<16xf32>,
        %mul3A_628 = arith.mulf %get3A_227, %gather3A_620 : vector<16xf32>
        %swap3A_629 = arith.constant 0 : i32
        %swap3A_630 = arith.constant 0 : i32
        %swap3A_631 = tpu.memref_slice %arg11[%scan3A_127, %swap3A_629, %swap3A_630] : memref<2x96x64xf32, #tpu.memory_space<vmem>> -> memref<1x96x64xf32, #tpu.memory_space<vmem>>
        %swap3A_632 = tpu.memref_squeeze %swap3A_631 : memref<1x96x64xf32, #tpu.memory_space<vmem>> -> memref<96x64xf32, #tpu.memory_space<vmem>>
        %swap3A_633 = arith.index_cast %add3A_609 : i32 to index
        %swap3A_634 = arith.constant 16 : index
        %swap3A_635 = tpu.vector_load %swap3A_632[%swap3A_633, %swap3A_634] {strides = array<i32>} : memref<96x64xf32, #tpu.memory_space<vmem>>, vector<16xf32>,
        tpu.vector_store %swap3A_632[%swap3A_633, %swap3A_634], %mul3A_628 {strides = array<i32>} : memref<96x64xf32, #tpu.memory_space<vmem>>, vector<16xf32>,
        %mul3A_636 = arith.mulf %get3A_234, %gather3A_620 : vector<16xf32>
        %swap3A_637 = arith.constant 0 : i32
        %swap3A_638 = arith.constant 0 : i32
        %swap3A_639 = tpu.memref_slice %arg11[%scan3A_127, %swap3A_637, %swap3A_638] : memref<2x96x64xf32, #tpu.memory_space<vmem>> -> memref<1x96x64xf32, #tpu.memory_space<vmem>>
        %swap3A_640 = tpu.memref_squeeze %swap3A_639 : memref<1x96x64xf32, #tpu.memory_space<vmem>> -> memref<96x64xf32, #tpu.memory_space<vmem>>
        %swap3A_641 = arith.index_cast %add3A_609 : i32 to index
        %swap3A_642 = arith.constant 32 : index
        %swap3A_643 = tpu.vector_load %swap3A_640[%swap3A_641, %swap3A_642] {strides = array<i32>} : memref<96x64xf32, #tpu.memory_space<vmem>>, vector<16xf32>,
        tpu.vector_store %swap3A_640[%swap3A_641, %swap3A_642], %mul3A_636 {strides = array<i32>} : memref<96x64xf32, #tpu.memory_space<vmem>>, vector<16xf32>,
        %mul3A_644 = arith.mulf %get3A_241, %gather3A_620 : vector<16xf32>
        %swap3A_645 = arith.constant 0 : i32
        %swap3A_646 = arith.constant 0 : i32
        %swap3A_647 = tpu.memref_slice %arg11[%scan3A_127, %swap3A_645, %swap3A_646] : memref<2x96x64xf32, #tpu.memory_space<vmem>> -> memref<1x96x64xf32, #tpu.memory_space<vmem>>
        %swap3A_648 = tpu.memref_squeeze %swap3A_647 : memref<1x96x64xf32, #tpu.memory_space<vmem>> -> memref<96x64xf32, #tpu.memory_space<vmem>>
        %swap3A_649 = arith.index_cast %add3A_609 : i32 to index
        %swap3A_650 = arith.constant 48 : index
        %swap3A_651 = tpu.vector_load %swap3A_648[%swap3A_649, %swap3A_650] {strides = array<i32>} : memref<96x64xf32, #tpu.memory_space<vmem>>, vector<16xf32>,
        tpu.vector_store %swap3A_648[%swap3A_649, %swap3A_650], %mul3A_644 {strides = array<i32>} : memref<96x64xf32, #tpu.memory_space<vmem>>, vector<16xf32>,
        %add3A_652 = arith.constant 1 : i32
        %add3A_653 = arith.addi %mul3A_211, %add3A_652 : i32
        %broadcast_in_dim3A_654 = arith.constant 1 : i32
        %broadcast_in_dim3A_655 = vector.broadcast %broadcast_in_dim3A_654 : i32 to vector<16xi32>
        %lt3A_656 = arith.constant 0 : i32
        %lt3A_657 = vector.broadcast %lt3A_656 : i32 to vector<16xi32>
        %lt3A_658 = arith.cmpi slt, %broadcast_in_dim3A_655, %lt3A_657 : vector<16xi32>
        %add3A_659 = arith.constant 16 : i32
        %add3A_660 = vector.broadcast %add3A_659 : i32 to vector<16xi32>
        %add3A_661 = arith.addi %broadcast_in_dim3A_655, %add3A_660 : vector<16xi32>
        %select_n3A_662 = arith.select %lt3A_658, %add3A_661, %broadcast_in_dim3A_655 : vector<16xi1>, vector<16xi32>
        %broadcast_in_dim3A_663 = vector.shape_cast %select_n3A_662 : vector<16xi32> to vector<16x1xi32>
        %gather3A_664 = vector.shape_cast %broadcast_in_dim3A_663 : vector<16x1xi32> to vector<16xi32>
        %gather3A_665 = tpu.dynamic_gather %select_n3A_607[%gather3A_664] in [0] : vector<16xf32>, vector<16xi32> -> vector<16xf32>
        %mul3A_666 = arith.mulf %get3A_263, %gather3A_665 : vector<16xf32>
        %swap3A_667 = arith.constant 0 : i32
        %swap3A_668 = arith.constant 0 : i32
        %swap3A_669 = tpu.memref_slice %arg11[%scan3A_127, %swap3A_667, %swap3A_668] : memref<2x96x64xf32, #tpu.memory_space<vmem>> -> memref<1x96x64xf32, #tpu.memory_space<vmem>>
        %swap3A_670 = tpu.memref_squeeze %swap3A_669 : memref<1x96x64xf32, #tpu.memory_space<vmem>> -> memref<96x64xf32, #tpu.memory_space<vmem>>
        %swap3A_671 = arith.index_cast %add3A_653 : i32 to index
        %swap3A_672 = arith.constant 0 : index
        %swap3A_673 = tpu.vector_load %swap3A_670[%swap3A_671, %swap3A_672] {strides = array<i32>} : memref<96x64xf32, #tpu.memory_space<vmem>>, vector<16xf32>,
        tpu.vector_store %swap3A_670[%swap3A_671, %swap3A_672], %mul3A_666 {strides = array<i32>} : memref<96x64xf32, #tpu.memory_space<vmem>>, vector<16xf32>,
        %mul3A_674 = arith.mulf %get3A_270, %gather3A_665 : vector<16xf32>
        %swap3A_675 = arith.constant 0 : i32
        %swap3A_676 = arith.constant 0 : i32
        %swap3A_677 = tpu.memref_slice %arg11[%scan3A_127, %swap3A_675, %swap3A_676] : memref<2x96x64xf32, #tpu.memory_space<vmem>> -> memref<1x96x64xf32, #tpu.memory_space<vmem>>
        %swap3A_678 = tpu.memref_squeeze %swap3A_677 : memref<1x96x64xf32, #tpu.memory_space<vmem>> -> memref<96x64xf32, #tpu.memory_space<vmem>>
        %swap3A_679 = arith.index_cast %add3A_653 : i32 to index
        %swap3A_680 = arith.constant 16 : index
        %swap3A_681 = tpu.vector_load %swap3A_678[%swap3A_679, %swap3A_680] {strides = array<i32>} : memref<96x64xf32, #tpu.memory_space<vmem>>, vector<16xf32>,
        tpu.vector_store %swap3A_678[%swap3A_679, %swap3A_680], %mul3A_674 {strides = array<i32>} : memref<96x64xf32, #tpu.memory_space<vmem>>, vector<16xf32>,
        %mul3A_682 = arith.mulf %get3A_277, %gather3A_665 : vector<16xf32>
        %swap3A_683 = arith.constant 0 : i32
        %swap3A_684 = arith.constant 0 : i32
        %swap3A_685 = tpu.memref_slice %arg11[%scan3A_127, %swap3A_683, %swap3A_684] : memref<2x96x64xf32, #tpu.memory_space<vmem>> -> memref<1x96x64xf32, #tpu.memory_space<vmem>>
        %swap3A_686 = tpu.memref_squeeze %swap3A_685 : memref<1x96x64xf32, #tpu.memory_space<vmem>> -> memref<96x64xf32, #tpu.memory_space<vmem>>
        %swap3A_687 = arith.index_cast %add3A_653 : i32 to index
        %swap3A_688 = arith.constant 32 : index
        %swap3A_689 = tpu.vector_load %swap3A_686[%swap3A_687, %swap3A_688] {strides = array<i32>} : memref<96x64xf32, #tpu.memory_space<vmem>>, vector<16xf32>,
        tpu.vector_store %swap3A_686[%swap3A_687, %swap3A_688], %mul3A_682 {strides = array<i32>} : memref<96x64xf32, #tpu.memory_space<vmem>>, vector<16xf32>,
        %mul3A_690 = arith.mulf %get3A_284, %gather3A_665 : vector<16xf32>
        %swap3A_691 = arith.constant 0 : i32
        %swap3A_692 = arith.constant 0 : i32
        %swap3A_693 = tpu.memref_slice %arg11[%scan3A_127, %swap3A_691, %swap3A_692] : memref<2x96x64xf32, #tpu.memory_space<vmem>> -> memref<1x96x64xf32, #tpu.memory_space<vmem>>
        %swap3A_694 = tpu.memref_squeeze %swap3A_693 : memref<1x96x64xf32, #tpu.memory_space<vmem>> -> memref<96x64xf32, #tpu.memory_space<vmem>>
        %swap3A_695 = arith.index_cast %add3A_653 : i32 to index
        %swap3A_696 = arith.constant 48 : index
        %swap3A_697 = tpu.vector_load %swap3A_694[%swap3A_695, %swap3A_696] {strides = array<i32>} : memref<96x64xf32, #tpu.memory_space<vmem>>, vector<16xf32>,
        tpu.vector_store %swap3A_694[%swap3A_695, %swap3A_696], %mul3A_690 {strides = array<i32>} : memref<96x64xf32, #tpu.memory_space<vmem>>, vector<16xf32>,
        %add3A_698 = arith.constant 2 : i32
        %add3A_699 = arith.addi %mul3A_211, %add3A_698 : i32
        %broadcast_in_dim3A_700 = arith.constant 2 : i32
        %broadcast_in_dim3A_701 = vector.broadcast %broadcast_in_dim3A_700 : i32 to vector<16xi32>
        %lt3A_702 = arith.constant 0 : i32
        %lt3A_703 = vector.broadcast %lt3A_702 : i32 to vector<16xi32>
        %lt3A_704 = arith.cmpi slt, %broadcast_in_dim3A_701, %lt3A_703 : vector<16xi32>
        %add3A_705 = arith.constant 16 : i32
        %add3A_706 = vector.broadcast %add3A_705 : i32 to vector<16xi32>
        %add3A_707 = arith.addi %broadcast_in_dim3A_701, %add3A_706 : vector<16xi32>
        %select_n3A_708 = arith.select %lt3A_704, %add3A_707, %broadcast_in_dim3A_701 : vector<16xi1>, vector<16xi32>
        %broadcast_in_dim3A_709 = vector.shape_cast %select_n3A_708 : vector<16xi32> to vector<16x1xi32>
        %gather3A_710 = vector.shape_cast %broadcast_in_dim3A_709 : vector<16x1xi32> to vector<16xi32>
        %gather3A_711 = tpu.dynamic_gather %select_n3A_607[%gather3A_710] in [0] : vector<16xf32>, vector<16xi32> -> vector<16xf32>
        %mul3A_712 = arith.mulf %get3A_309, %gather3A_711 : vector<16xf32>
        %swap3A_713 = arith.constant 0 : i32
        %swap3A_714 = arith.constant 0 : i32
        %swap3A_715 = tpu.memref_slice %arg11[%scan3A_127, %swap3A_713, %swap3A_714] : memref<2x96x64xf32, #tpu.memory_space<vmem>> -> memref<1x96x64xf32, #tpu.memory_space<vmem>>
        %swap3A_716 = tpu.memref_squeeze %swap3A_715 : memref<1x96x64xf32, #tpu.memory_space<vmem>> -> memref<96x64xf32, #tpu.memory_space<vmem>>
        %swap3A_717 = arith.index_cast %add3A_699 : i32 to index
        %swap3A_718 = arith.constant 0 : index
        %swap3A_719 = tpu.vector_load %swap3A_716[%swap3A_717, %swap3A_718] {strides = array<i32>} : memref<96x64xf32, #tpu.memory_space<vmem>>, vector<16xf32>,
        tpu.vector_store %swap3A_716[%swap3A_717, %swap3A_718], %mul3A_712 {strides = array<i32>} : memref<96x64xf32, #tpu.memory_space<vmem>>, vector<16xf32>,
        %mul3A_720 = arith.mulf %get3A_316, %gather3A_711 : vector<16xf32>
        %swap3A_721 = arith.constant 0 : i32
        %swap3A_722 = arith.constant 0 : i32
        %swap3A_723 = tpu.memref_slice %arg11[%scan3A_127, %swap3A_721, %swap3A_722] : memref<2x96x64xf32, #tpu.memory_space<vmem>> -> memref<1x96x64xf32, #tpu.memory_space<vmem>>
        %swap3A_724 = tpu.memref_squeeze %swap3A_723 : memref<1x96x64xf32, #tpu.memory_space<vmem>> -> memref<96x64xf32, #tpu.memory_space<vmem>>
        %swap3A_725 = arith.index_cast %add3A_699 : i32 to index
        %swap3A_726 = arith.constant 16 : index
        %swap3A_727 = tpu.vector_load %swap3A_724[%swap3A_725, %swap3A_726] {strides = array<i32>} : memref<96x64xf32, #tpu.memory_space<vmem>>, vector<16xf32>,
        tpu.vector_store %swap3A_724[%swap3A_725, %swap3A_726], %mul3A_720 {strides = array<i32>} : memref<96x64xf32, #tpu.memory_space<vmem>>, vector<16xf32>,
        %mul3A_728 = arith.mulf %get3A_323, %gather3A_711 : vector<16xf32>
        %swap3A_729 = arith.constant 0 : i32
        %swap3A_730 = arith.constant 0 : i32
        %swap3A_731 = tpu.memref_slice %arg11[%scan3A_127, %swap3A_729, %swap3A_730] : memref<2x96x64xf32, #tpu.memory_space<vmem>> -> memref<1x96x64xf32, #tpu.memory_space<vmem>>
        %swap3A_732 = tpu.memref_squeeze %swap3A_731 : memref<1x96x64xf32, #tpu.memory_space<vmem>> -> memref<96x64xf32, #tpu.memory_space<vmem>>
        %swap3A_733 = arith.index_cast %add3A_699 : i32 to index
        %swap3A_734 = arith.constant 32 : index
        %swap3A_735 = tpu.vector_load %swap3A_732[%swap3A_733, %swap3A_734] {strides = array<i32>} : memref<96x64xf32, #tpu.memory_space<vmem>>, vector<16xf32>,
        tpu.vector_store %swap3A_732[%swap3A_733, %swap3A_734], %mul3A_728 {strides = array<i32>} : memref<96x64xf32, #tpu.memory_space<vmem>>, vector<16xf32>,
        %mul3A_736 = arith.mulf %get3A_330, %gather3A_711 : vector<16xf32>
        %swap3A_737 = arith.constant 0 : i32
        %swap3A_738 = arith.constant 0 : i32
        %swap3A_739 = tpu.memref_slice %arg11[%scan3A_127, %swap3A_737, %swap3A_738] : memref<2x96x64xf32, #tpu.memory_space<vmem>> -> memref<1x96x64xf32, #tpu.memory_space<vmem>>
        %swap3A_740 = tpu.memref_squeeze %swap3A_739 : memref<1x96x64xf32, #tpu.memory_space<vmem>> -> memref<96x64xf32, #tpu.memory_space<vmem>>
        %swap3A_741 = arith.index_cast %add3A_699 : i32 to index
        %swap3A_742 = arith.constant 48 : index
        %swap3A_743 = tpu.vector_load %swap3A_740[%swap3A_741, %swap3A_742] {strides = array<i32>} : memref<96x64xf32, #tpu.memory_space<vmem>>, vector<16xf32>,
        tpu.vector_store %swap3A_740[%swap3A_741, %swap3A_742], %mul3A_736 {strides = array<i32>} : memref<96x64xf32, #tpu.memory_space<vmem>>, vector<16xf32>,
        %add3A_744 = arith.constant 3 : i32
        %add3A_745 = arith.addi %mul3A_211, %add3A_744 : i32
        %broadcast_in_dim3A_746 = arith.constant 3 : i32
        %broadcast_in_dim3A_747 = vector.broadcast %broadcast_in_dim3A_746 : i32 to vector<16xi32>
        %lt3A_748 = arith.constant 0 : i32
        %lt3A_749 = vector.broadcast %lt3A_748 : i32 to vector<16xi32>
        %lt3A_750 = arith.cmpi slt, %broadcast_in_dim3A_747, %lt3A_749 : vector<16xi32>
        %add3A_751 = arith.constant 16 : i32
        %add3A_752 = vector.broadcast %add3A_751 : i32 to vector<16xi32>
        %add3A_753 = arith.addi %broadcast_in_dim3A_747, %add3A_752 : vector<16xi32>
        %select_n3A_754 = arith.select %lt3A_750, %add3A_753, %broadcast_in_dim3A_747 : vector<16xi1>, vector<16xi32>
        %broadcast_in_dim3A_755 = vector.shape_cast %select_n3A_754 : vector<16xi32> to vector<16x1xi32>
        %gather3A_756 = vector.shape_cast %broadcast_in_dim3A_755 : vector<16x1xi32> to vector<16xi32>
        %gather3A_757 = tpu.dynamic_gather %select_n3A_607[%gather3A_756] in [0] : vector<16xf32>, vector<16xi32> -> vector<16xf32>
        %mul3A_758 = arith.mulf %get3A_355, %gather3A_757 : vector<16xf32>
        %swap3A_759 = arith.constant 0 : i32
        %swap3A_760 = arith.constant 0 : i32
        %swap3A_761 = tpu.memref_slice %arg11[%scan3A_127, %swap3A_759, %swap3A_760] : memref<2x96x64xf32, #tpu.memory_space<vmem>> -> memref<1x96x64xf32, #tpu.memory_space<vmem>>
        %swap3A_762 = tpu.memref_squeeze %swap3A_761 : memref<1x96x64xf32, #tpu.memory_space<vmem>> -> memref<96x64xf32, #tpu.memory_space<vmem>>
        %swap3A_763 = arith.index_cast %add3A_745 : i32 to index
        %swap3A_764 = arith.constant 0 : index
        %swap3A_765 = tpu.vector_load %swap3A_762[%swap3A_763, %swap3A_764] {strides = array<i32>} : memref<96x64xf32, #tpu.memory_space<vmem>>, vector<16xf32>,
        tpu.vector_store %swap3A_762[%swap3A_763, %swap3A_764], %mul3A_758 {strides = array<i32>} : memref<96x64xf32, #tpu.memory_space<vmem>>, vector<16xf32>,
        %mul3A_766 = arith.mulf %get3A_362, %gather3A_757 : vector<16xf32>
        %swap3A_767 = arith.constant 0 : i32
        %swap3A_768 = arith.constant 0 : i32
        %swap3A_769 = tpu.memref_slice %arg11[%scan3A_127, %swap3A_767, %swap3A_768] : memref<2x96x64xf32, #tpu.memory_space<vmem>> -> memref<1x96x64xf32, #tpu.memory_space<vmem>>
        %swap3A_770 = tpu.memref_squeeze %swap3A_769 : memref<1x96x64xf32, #tpu.memory_space<vmem>> -> memref<96x64xf32, #tpu.memory_space<vmem>>
        %swap3A_771 = arith.index_cast %add3A_745 : i32 to index
        %swap3A_772 = arith.constant 16 : index
        %swap3A_773 = tpu.vector_load %swap3A_770[%swap3A_771, %swap3A_772] {strides = array<i32>} : memref<96x64xf32, #tpu.memory_space<vmem>>, vector<16xf32>,
        tpu.vector_store %swap3A_770[%swap3A_771, %swap3A_772], %mul3A_766 {strides = array<i32>} : memref<96x64xf32, #tpu.memory_space<vmem>>, vector<16xf32>,
        %mul3A_774 = arith.mulf %get3A_369, %gather3A_757 : vector<16xf32>
        %swap3A_775 = arith.constant 0 : i32
        %swap3A_776 = arith.constant 0 : i32
        %swap3A_777 = tpu.memref_slice %arg11[%scan3A_127, %swap3A_775, %swap3A_776] : memref<2x96x64xf32, #tpu.memory_space<vmem>> -> memref<1x96x64xf32, #tpu.memory_space<vmem>>
        %swap3A_778 = tpu.memref_squeeze %swap3A_777 : memref<1x96x64xf32, #tpu.memory_space<vmem>> -> memref<96x64xf32, #tpu.memory_space<vmem>>
        %swap3A_779 = arith.index_cast %add3A_745 : i32 to index
        %swap3A_780 = arith.constant 32 : index
        %swap3A_781 = tpu.vector_load %swap3A_778[%swap3A_779, %swap3A_780] {strides = array<i32>} : memref<96x64xf32, #tpu.memory_space<vmem>>, vector<16xf32>,
        tpu.vector_store %swap3A_778[%swap3A_779, %swap3A_780], %mul3A_774 {strides = array<i32>} : memref<96x64xf32, #tpu.memory_space<vmem>>, vector<16xf32>,
        %mul3A_782 = arith.mulf %get3A_376, %gather3A_757 : vector<16xf32>
        %swap3A_783 = arith.constant 0 : i32
        %swap3A_784 = arith.constant 0 : i32
        %swap3A_785 = tpu.memref_slice %arg11[%scan3A_127, %swap3A_783, %swap3A_784] : memref<2x96x64xf32, #tpu.memory_space<vmem>> -> memref<1x96x64xf32, #tpu.memory_space<vmem>>
        %swap3A_786 = tpu.memref_squeeze %swap3A_785 : memref<1x96x64xf32, #tpu.memory_space<vmem>> -> memref<96x64xf32, #tpu.memory_space<vmem>>
        %swap3A_787 = arith.index_cast %add3A_745 : i32 to index
        %swap3A_788 = arith.constant 48 : index
        %swap3A_789 = tpu.vector_load %swap3A_786[%swap3A_787, %swap3A_788] {strides = array<i32>} : memref<96x64xf32, #tpu.memory_space<vmem>>, vector<16xf32>,
        tpu.vector_store %swap3A_786[%swap3A_787, %swap3A_788], %mul3A_782 {strides = array<i32>} : memref<96x64xf32, #tpu.memory_space<vmem>>, vector<16xf32>,
        %add3A_790 = arith.constant 4 : i32
        %add3A_791 = arith.addi %mul3A_211, %add3A_790 : i32
        %broadcast_in_dim3A_792 = arith.constant 4 : i32
        %broadcast_in_dim3A_793 = vector.broadcast %broadcast_in_dim3A_792 : i32 to vector<16xi32>
        %lt3A_794 = arith.constant 0 : i32
        %lt3A_795 = vector.broadcast %lt3A_794 : i32 to vector<16xi32>
        %lt3A_796 = arith.cmpi slt, %broadcast_in_dim3A_793, %lt3A_795 : vector<16xi32>
        %add3A_797 = arith.constant 16 : i32
        %add3A_798 = vector.broadcast %add3A_797 : i32 to vector<16xi32>
        %add3A_799 = arith.addi %broadcast_in_dim3A_793, %add3A_798 : vector<16xi32>
        %select_n3A_800 = arith.select %lt3A_796, %add3A_799, %broadcast_in_dim3A_793 : vector<16xi1>, vector<16xi32>
        %broadcast_in_dim3A_801 = vector.shape_cast %select_n3A_800 : vector<16xi32> to vector<16x1xi32>
        %gather3A_802 = vector.shape_cast %broadcast_in_dim3A_801 : vector<16x1xi32> to vector<16xi32>
        %gather3A_803 = tpu.dynamic_gather %select_n3A_607[%gather3A_802] in [0] : vector<16xf32>, vector<16xi32> -> vector<16xf32>
        %mul3A_804 = arith.mulf %get3A_401, %gather3A_803 : vector<16xf32>
        %swap3A_805 = arith.constant 0 : i32
        %swap3A_806 = arith.constant 0 : i32
        %swap3A_807 = tpu.memref_slice %arg11[%scan3A_127, %swap3A_805, %swap3A_806] : memref<2x96x64xf32, #tpu.memory_space<vmem>> -> memref<1x96x64xf32, #tpu.memory_space<vmem>>
        %swap3A_808 = tpu.memref_squeeze %swap3A_807 : memref<1x96x64xf32, #tpu.memory_space<vmem>> -> memref<96x64xf32, #tpu.memory_space<vmem>>
        %swap3A_809 = arith.index_cast %add3A_791 : i32 to index
        %swap3A_810 = arith.constant 0 : index
        %swap3A_811 = tpu.vector_load %swap3A_808[%swap3A_809, %swap3A_810] {strides = array<i32>} : memref<96x64xf32, #tpu.memory_space<vmem>>, vector<16xf32>,
        tpu.vector_store %swap3A_808[%swap3A_809, %swap3A_810], %mul3A_804 {strides = array<i32>} : memref<96x64xf32, #tpu.memory_space<vmem>>, vector<16xf32>,
        %mul3A_812 = arith.mulf %get3A_408, %gather3A_803 : vector<16xf32>
        %swap3A_813 = arith.constant 0 : i32
        %swap3A_814 = arith.constant 0 : i32
        %swap3A_815 = tpu.memref_slice %arg11[%scan3A_127, %swap3A_813, %swap3A_814] : memref<2x96x64xf32, #tpu.memory_space<vmem>> -> memref<1x96x64xf32, #tpu.memory_space<vmem>>
        %swap3A_816 = tpu.memref_squeeze %swap3A_815 : memref<1x96x64xf32, #tpu.memory_space<vmem>> -> memref<96x64xf32, #tpu.memory_space<vmem>>
        %swap3A_817 = arith.index_cast %add3A_791 : i32 to index
        %swap3A_818 = arith.constant 16 : index
        %swap3A_819 = tpu.vector_load %swap3A_816[%swap3A_817, %swap3A_818] {strides = array<i32>} : memref<96x64xf32, #tpu.memory_space<vmem>>, vector<16xf32>,
        tpu.vector_store %swap3A_816[%swap3A_817, %swap3A_818], %mul3A_812 {strides = array<i32>} : memref<96x64xf32, #tpu.memory_space<vmem>>, vector<16xf32>,
        %mul3A_820 = arith.mulf %get3A_415, %gather3A_803 : vector<16xf32>
        %swap3A_821 = arith.constant 0 : i32
        %swap3A_822 = arith.constant 0 : i32
        %swap3A_823 = tpu.memref_slice %arg11[%scan3A_127, %swap3A_821, %swap3A_822] : memref<2x96x64xf32, #tpu.memory_space<vmem>> -> memref<1x96x64xf32, #tpu.memory_space<vmem>>
        %swap3A_824 = tpu.memref_squeeze %swap3A_823 : memref<1x96x64xf32, #tpu.memory_space<vmem>> -> memref<96x64xf32, #tpu.memory_space<vmem>>
        %swap3A_825 = arith.index_cast %add3A_791 : i32 to index
        %swap3A_826 = arith.constant 32 : index
        %swap3A_827 = tpu.vector_load %swap3A_824[%swap3A_825, %swap3A_826] {strides = array<i32>} : memref<96x64xf32, #tpu.memory_space<vmem>>, vector<16xf32>,
        tpu.vector_store %swap3A_824[%swap3A_825, %swap3A_826], %mul3A_820 {strides = array<i32>} : memref<96x64xf32, #tpu.memory_space<vmem>>, vector<16xf32>,
        %mul3A_828 = arith.mulf %get3A_422, %gather3A_803 : vector<16xf32>
        %swap3A_829 = arith.constant 0 : i32
        %swap3A_830 = arith.constant 0 : i32
        %swap3A_831 = tpu.memref_slice %arg11[%scan3A_127, %swap3A_829, %swap3A_830] : memref<2x96x64xf32, #tpu.memory_space<vmem>> -> memref<1x96x64xf32, #tpu.memory_space<vmem>>
        %swap3A_832 = tpu.memref_squeeze %swap3A_831 : memref<1x96x64xf32, #tpu.memory_space<vmem>> -> memref<96x64xf32, #tpu.memory_space<vmem>>
        %swap3A_833 = arith.index_cast %add3A_791 : i32 to index
        %swap3A_834 = arith.constant 48 : index
        %swap3A_835 = tpu.vector_load %swap3A_832[%swap3A_833, %swap3A_834] {strides = array<i32>} : memref<96x64xf32, #tpu.memory_space<vmem>>, vector<16xf32>,
        tpu.vector_store %swap3A_832[%swap3A_833, %swap3A_834], %mul3A_828 {strides = array<i32>} : memref<96x64xf32, #tpu.memory_space<vmem>>, vector<16xf32>,
        %add3A_836 = arith.constant 5 : i32
        %add3A_837 = arith.addi %mul3A_211, %add3A_836 : i32
        %broadcast_in_dim3A_838 = arith.constant 5 : i32
        %broadcast_in_dim3A_839 = vector.broadcast %broadcast_in_dim3A_838 : i32 to vector<16xi32>
        %lt3A_840 = arith.constant 0 : i32
        %lt3A_841 = vector.broadcast %lt3A_840 : i32 to vector<16xi32>
        %lt3A_842 = arith.cmpi slt, %broadcast_in_dim3A_839, %lt3A_841 : vector<16xi32>
        %add3A_843 = arith.constant 16 : i32
        %add3A_844 = vector.broadcast %add3A_843 : i32 to vector<16xi32>
        %add3A_845 = arith.addi %broadcast_in_dim3A_839, %add3A_844 : vector<16xi32>
        %select_n3A_846 = arith.select %lt3A_842, %add3A_845, %broadcast_in_dim3A_839 : vector<16xi1>, vector<16xi32>
        %broadcast_in_dim3A_847 = vector.shape_cast %select_n3A_846 : vector<16xi32> to vector<16x1xi32>
        %gather3A_848 = vector.shape_cast %broadcast_in_dim3A_847 : vector<16x1xi32> to vector<16xi32>
        %gather3A_849 = tpu.dynamic_gather %select_n3A_607[%gather3A_848] in [0] : vector<16xf32>, vector<16xi32> -> vector<16xf32>
        %mul3A_850 = arith.mulf %get3A_447, %gather3A_849 : vector<16xf32>
        %swap3A_851 = arith.constant 0 : i32
        %swap3A_852 = arith.constant 0 : i32
        %swap3A_853 = tpu.memref_slice %arg11[%scan3A_127, %swap3A_851, %swap3A_852] : memref<2x96x64xf32, #tpu.memory_space<vmem>> -> memref<1x96x64xf32, #tpu.memory_space<vmem>>
        %swap3A_854 = tpu.memref_squeeze %swap3A_853 : memref<1x96x64xf32, #tpu.memory_space<vmem>> -> memref<96x64xf32, #tpu.memory_space<vmem>>
        %swap3A_855 = arith.index_cast %add3A_837 : i32 to index
        %swap3A_856 = arith.constant 0 : index
        %swap3A_857 = tpu.vector_load %swap3A_854[%swap3A_855, %swap3A_856] {strides = array<i32>} : memref<96x64xf32, #tpu.memory_space<vmem>>, vector<16xf32>,
        tpu.vector_store %swap3A_854[%swap3A_855, %swap3A_856], %mul3A_850 {strides = array<i32>} : memref<96x64xf32, #tpu.memory_space<vmem>>, vector<16xf32>,
        %mul3A_858 = arith.mulf %get3A_454, %gather3A_849 : vector<16xf32>
        %swap3A_859 = arith.constant 0 : i32
        %swap3A_860 = arith.constant 0 : i32
        %swap3A_861 = tpu.memref_slice %arg11[%scan3A_127, %swap3A_859, %swap3A_860] : memref<2x96x64xf32, #tpu.memory_space<vmem>> -> memref<1x96x64xf32, #tpu.memory_space<vmem>>
        %swap3A_862 = tpu.memref_squeeze %swap3A_861 : memref<1x96x64xf32, #tpu.memory_space<vmem>> -> memref<96x64xf32, #tpu.memory_space<vmem>>
        %swap3A_863 = arith.index_cast %add3A_837 : i32 to index
        %swap3A_864 = arith.constant 16 : index
        %swap3A_865 = tpu.vector_load %swap3A_862[%swap3A_863, %swap3A_864] {strides = array<i32>} : memref<96x64xf32, #tpu.memory_space<vmem>>, vector<16xf32>,
        tpu.vector_store %swap3A_862[%swap3A_863, %swap3A_864], %mul3A_858 {strides = array<i32>} : memref<96x64xf32, #tpu.memory_space<vmem>>, vector<16xf32>,
        %mul3A_866 = arith.mulf %get3A_461, %gather3A_849 : vector<16xf32>
        %swap3A_867 = arith.constant 0 : i32
        %swap3A_868 = arith.constant 0 : i32
        %swap3A_869 = tpu.memref_slice %arg11[%scan3A_127, %swap3A_867, %swap3A_868] : memref<2x96x64xf32, #tpu.memory_space<vmem>> -> memref<1x96x64xf32, #tpu.memory_space<vmem>>
        %swap3A_870 = tpu.memref_squeeze %swap3A_869 : memref<1x96x64xf32, #tpu.memory_space<vmem>> -> memref<96x64xf32, #tpu.memory_space<vmem>>
        %swap3A_871 = arith.index_cast %add3A_837 : i32 to index
        %swap3A_872 = arith.constant 32 : index
        %swap3A_873 = tpu.vector_load %swap3A_870[%swap3A_871, %swap3A_872] {strides = array<i32>} : memref<96x64xf32, #tpu.memory_space<vmem>>, vector<16xf32>,
        tpu.vector_store %swap3A_870[%swap3A_871, %swap3A_872], %mul3A_866 {strides = array<i32>} : memref<96x64xf32, #tpu.memory_space<vmem>>, vector<16xf32>,
        %mul3A_874 = arith.mulf %get3A_468, %gather3A_849 : vector<16xf32>
        %swap3A_875 = arith.constant 0 : i32
        %swap3A_876 = arith.constant 0 : i32
        %swap3A_877 = tpu.memref_slice %arg11[%scan3A_127, %swap3A_875, %swap3A_876] : memref<2x96x64xf32, #tpu.memory_space<vmem>> -> memref<1x96x64xf32, #tpu.memory_space<vmem>>
        %swap3A_878 = tpu.memref_squeeze %swap3A_877 : memref<1x96x64xf32, #tpu.memory_space<vmem>> -> memref<96x64xf32, #tpu.memory_space<vmem>>
        %swap3A_879 = arith.index_cast %add3A_837 : i32 to index
        %swap3A_880 = arith.constant 48 : index
        %swap3A_881 = tpu.vector_load %swap3A_878[%swap3A_879, %swap3A_880] {strides = array<i32>} : memref<96x64xf32, #tpu.memory_space<vmem>>, vector<16xf32>,
        tpu.vector_store %swap3A_878[%swap3A_879, %swap3A_880], %mul3A_874 {strides = array<i32>} : memref<96x64xf32, #tpu.memory_space<vmem>>, vector<16xf32>,
        %add3A_882 = arith.constant 6 : i32
        %add3A_883 = arith.addi %mul3A_211, %add3A_882 : i32
        %broadcast_in_dim3A_884 = arith.constant 6 : i32
        %broadcast_in_dim3A_885 = vector.broadcast %broadcast_in_dim3A_884 : i32 to vector<16xi32>
        %lt3A_886 = arith.constant 0 : i32
        %lt3A_887 = vector.broadcast %lt3A_886 : i32 to vector<16xi32>
        %lt3A_888 = arith.cmpi slt, %broadcast_in_dim3A_885, %lt3A_887 : vector<16xi32>
        %add3A_889 = arith.constant 16 : i32
        %add3A_890 = vector.broadcast %add3A_889 : i32 to vector<16xi32>
        %add3A_891 = arith.addi %broadcast_in_dim3A_885, %add3A_890 : vector<16xi32>
        %select_n3A_892 = arith.select %lt3A_888, %add3A_891, %broadcast_in_dim3A_885 : vector<16xi1>, vector<16xi32>
        %broadcast_in_dim3A_893 = vector.shape_cast %select_n3A_892 : vector<16xi32> to vector<16x1xi32>
        %gather3A_894 = vector.shape_cast %broadcast_in_dim3A_893 : vector<16x1xi32> to vector<16xi32>
        %gather3A_895 = tpu.dynamic_gather %select_n3A_607[%gather3A_894] in [0] : vector<16xf32>, vector<16xi32> -> vector<16xf32>
        %mul3A_896 = arith.mulf %get3A_493, %gather3A_895 : vector<16xf32>
        %swap3A_897 = arith.constant 0 : i32
        %swap3A_898 = arith.constant 0 : i32
        %swap3A_899 = tpu.memref_slice %arg11[%scan3A_127, %swap3A_897, %swap3A_898] : memref<2x96x64xf32, #tpu.memory_space<vmem>> -> memref<1x96x64xf32, #tpu.memory_space<vmem>>
        %swap3A_900 = tpu.memref_squeeze %swap3A_899 : memref<1x96x64xf32, #tpu.memory_space<vmem>> -> memref<96x64xf32, #tpu.memory_space<vmem>>
        %swap3A_901 = arith.index_cast %add3A_883 : i32 to index
        %swap3A_902 = arith.constant 0 : index
        %swap3A_903 = tpu.vector_load %swap3A_900[%swap3A_901, %swap3A_902] {strides = array<i32>} : memref<96x64xf32, #tpu.memory_space<vmem>>, vector<16xf32>,
        tpu.vector_store %swap3A_900[%swap3A_901, %swap3A_902], %mul3A_896 {strides = array<i32>} : memref<96x64xf32, #tpu.memory_space<vmem>>, vector<16xf32>,
        %mul3A_904 = arith.mulf %get3A_500, %gather3A_895 : vector<16xf32>
        %swap3A_905 = arith.constant 0 : i32
        %swap3A_906 = arith.constant 0 : i32
        %swap3A_907 = tpu.memref_slice %arg11[%scan3A_127, %swap3A_905, %swap3A_906] : memref<2x96x64xf32, #tpu.memory_space<vmem>> -> memref<1x96x64xf32, #tpu.memory_space<vmem>>
        %swap3A_908 = tpu.memref_squeeze %swap3A_907 : memref<1x96x64xf32, #tpu.memory_space<vmem>> -> memref<96x64xf32, #tpu.memory_space<vmem>>
        %swap3A_909 = arith.index_cast %add3A_883 : i32 to index
        %swap3A_910 = arith.constant 16 : index
        %swap3A_911 = tpu.vector_load %swap3A_908[%swap3A_909, %swap3A_910] {strides = array<i32>} : memref<96x64xf32, #tpu.memory_space<vmem>>, vector<16xf32>,
        tpu.vector_store %swap3A_908[%swap3A_909, %swap3A_910], %mul3A_904 {strides = array<i32>} : memref<96x64xf32, #tpu.memory_space<vmem>>, vector<16xf32>,
        %mul3A_912 = arith.mulf %get3A_507, %gather3A_895 : vector<16xf32>
        %swap3A_913 = arith.constant 0 : i32
        %swap3A_914 = arith.constant 0 : i32
        %swap3A_915 = tpu.memref_slice %arg11[%scan3A_127, %swap3A_913, %swap3A_914] : memref<2x96x64xf32, #tpu.memory_space<vmem>> -> memref<1x96x64xf32, #tpu.memory_space<vmem>>
        %swap3A_916 = tpu.memref_squeeze %swap3A_915 : memref<1x96x64xf32, #tpu.memory_space<vmem>> -> memref<96x64xf32, #tpu.memory_space<vmem>>
        %swap3A_917 = arith.index_cast %add3A_883 : i32 to index
        %swap3A_918 = arith.constant 32 : index
        %swap3A_919 = tpu.vector_load %swap3A_916[%swap3A_917, %swap3A_918] {strides = array<i32>} : memref<96x64xf32, #tpu.memory_space<vmem>>, vector<16xf32>,
        tpu.vector_store %swap3A_916[%swap3A_917, %swap3A_918], %mul3A_912 {strides = array<i32>} : memref<96x64xf32, #tpu.memory_space<vmem>>, vector<16xf32>,
        %mul3A_920 = arith.mulf %get3A_514, %gather3A_895 : vector<16xf32>
        %swap3A_921 = arith.constant 0 : i32
        %swap3A_922 = arith.constant 0 : i32
        %swap3A_923 = tpu.memref_slice %arg11[%scan3A_127, %swap3A_921, %swap3A_922] : memref<2x96x64xf32, #tpu.memory_space<vmem>> -> memref<1x96x64xf32, #tpu.memory_space<vmem>>
        %swap3A_924 = tpu.memref_squeeze %swap3A_923 : memref<1x96x64xf32, #tpu.memory_space<vmem>> -> memref<96x64xf32, #tpu.memory_space<vmem>>
        %swap3A_925 = arith.index_cast %add3A_883 : i32 to index
        %swap3A_926 = arith.constant 48 : index
        %swap3A_927 = tpu.vector_load %swap3A_924[%swap3A_925, %swap3A_926] {strides = array<i32>} : memref<96x64xf32, #tpu.memory_space<vmem>>, vector<16xf32>,
        tpu.vector_store %swap3A_924[%swap3A_925, %swap3A_926], %mul3A_920 {strides = array<i32>} : memref<96x64xf32, #tpu.memory_space<vmem>>, vector<16xf32>,
        %add3A_928 = arith.constant 7 : i32
        %add3A_929 = arith.addi %mul3A_211, %add3A_928 : i32
        %broadcast_in_dim3A_930 = arith.constant 7 : i32
        %broadcast_in_dim3A_931 = vector.broadcast %broadcast_in_dim3A_930 : i32 to vector<16xi32>
        %lt3A_932 = arith.constant 0 : i32
        %lt3A_933 = vector.broadcast %lt3A_932 : i32 to vector<16xi32>
        %lt3A_934 = arith.cmpi slt, %broadcast_in_dim3A_931, %lt3A_933 : vector<16xi32>
        %add3A_935 = arith.constant 16 : i32
        %add3A_936 = vector.broadcast %add3A_935 : i32 to vector<16xi32>
        %add3A_937 = arith.addi %broadcast_in_dim3A_931, %add3A_936 : vector<16xi32>
        %select_n3A_938 = arith.select %lt3A_934, %add3A_937, %broadcast_in_dim3A_931 : vector<16xi1>, vector<16xi32>
        %broadcast_in_dim3A_939 = vector.shape_cast %select_n3A_938 : vector<16xi32> to vector<16x1xi32>
        %gather3A_940 = vector.shape_cast %broadcast_in_dim3A_939 : vector<16x1xi32> to vector<16xi32>
        %gather3A_941 = tpu.dynamic_gather %select_n3A_607[%gather3A_940] in [0] : vector<16xf32>, vector<16xi32> -> vector<16xf32>
        %mul3A_942 = arith.mulf %get3A_539, %gather3A_941 : vector<16xf32>
        %swap3A_943 = arith.constant 0 : i32
        %swap3A_944 = arith.constant 0 : i32
        %swap3A_945 = tpu.memref_slice %arg11[%scan3A_127, %swap3A_943, %swap3A_944] : memref<2x96x64xf32, #tpu.memory_space<vmem>> -> memref<1x96x64xf32, #tpu.memory_space<vmem>>
        %swap3A_946 = tpu.memref_squeeze %swap3A_945 : memref<1x96x64xf32, #tpu.memory_space<vmem>> -> memref<96x64xf32, #tpu.memory_space<vmem>>
        %swap3A_947 = arith.index_cast %add3A_929 : i32 to index
        %swap3A_948 = arith.constant 0 : index
        %swap3A_949 = tpu.vector_load %swap3A_946[%swap3A_947, %swap3A_948] {strides = array<i32>} : memref<96x64xf32, #tpu.memory_space<vmem>>, vector<16xf32>,
        tpu.vector_store %swap3A_946[%swap3A_947, %swap3A_948], %mul3A_942 {strides = array<i32>} : memref<96x64xf32, #tpu.memory_space<vmem>>, vector<16xf32>,
        %mul3A_950 = arith.mulf %get3A_546, %gather3A_941 : vector<16xf32>
        %swap3A_951 = arith.constant 0 : i32
        %swap3A_952 = arith.constant 0 : i32
        %swap3A_953 = tpu.memref_slice %arg11[%scan3A_127, %swap3A_951, %swap3A_952] : memref<2x96x64xf32, #tpu.memory_space<vmem>> -> memref<1x96x64xf32, #tpu.memory_space<vmem>>
        %swap3A_954 = tpu.memref_squeeze %swap3A_953 : memref<1x96x64xf32, #tpu.memory_space<vmem>> -> memref<96x64xf32, #tpu.memory_space<vmem>>
        %swap3A_955 = arith.index_cast %add3A_929 : i32 to index
        %swap3A_956 = arith.constant 16 : index
        %swap3A_957 = tpu.vector_load %swap3A_954[%swap3A_955, %swap3A_956] {strides = array<i32>} : memref<96x64xf32, #tpu.memory_space<vmem>>, vector<16xf32>,
        tpu.vector_store %swap3A_954[%swap3A_955, %swap3A_956], %mul3A_950 {strides = array<i32>} : memref<96x64xf32, #tpu.memory_space<vmem>>, vector<16xf32>,
        %mul3A_958 = arith.mulf %get3A_553, %gather3A_941 : vector<16xf32>
        %swap3A_959 = arith.constant 0 : i32
        %swap3A_960 = arith.constant 0 : i32
        %swap3A_961 = tpu.memref_slice %arg11[%scan3A_127, %swap3A_959, %swap3A_960] : memref<2x96x64xf32, #tpu.memory_space<vmem>> -> memref<1x96x64xf32, #tpu.memory_space<vmem>>
        %swap3A_962 = tpu.memref_squeeze %swap3A_961 : memref<1x96x64xf32, #tpu.memory_space<vmem>> -> memref<96x64xf32, #tpu.memory_space<vmem>>
        %swap3A_963 = arith.index_cast %add3A_929 : i32 to index
        %swap3A_964 = arith.constant 32 : index
        %swap3A_965 = tpu.vector_load %swap3A_962[%swap3A_963, %swap3A_964] {strides = array<i32>} : memref<96x64xf32, #tpu.memory_space<vmem>>, vector<16xf32>,
        tpu.vector_store %swap3A_962[%swap3A_963, %swap3A_964], %mul3A_958 {strides = array<i32>} : memref<96x64xf32, #tpu.memory_space<vmem>>, vector<16xf32>,
        %mul3A_966 = arith.mulf %get3A_560, %gather3A_941 : vector<16xf32>
        %swap3A_967 = arith.constant 0 : i32
        %swap3A_968 = arith.constant 0 : i32
        %swap3A_969 = tpu.memref_slice %arg11[%scan3A_127, %swap3A_967, %swap3A_968] : memref<2x96x64xf32, #tpu.memory_space<vmem>> -> memref<1x96x64xf32, #tpu.memory_space<vmem>>
        %swap3A_970 = tpu.memref_squeeze %swap3A_969 : memref<1x96x64xf32, #tpu.memory_space<vmem>> -> memref<96x64xf32, #tpu.memory_space<vmem>>
        %swap3A_971 = arith.index_cast %add3A_929 : i32 to index
        %swap3A_972 = arith.constant 48 : index
        %swap3A_973 = tpu.vector_load %swap3A_970[%swap3A_971, %swap3A_972] {strides = array<i32>} : memref<96x64xf32, #tpu.memory_space<vmem>>, vector<16xf32>,
        tpu.vector_store %swap3A_970[%swap3A_971, %swap3A_972], %mul3A_966 {strides = array<i32>} : memref<96x64xf32, #tpu.memory_space<vmem>>, vector<16xf32>,
      }
      %scan3A_132 = arith.constant 12 : i32
      %add3A_133 = arith.addi %mul3A_4, %add3A_110 : i32
      %dma_start3A_134 = arith.constant 0 : i32
      %dma_start3A_135 = arith.constant 0 : i32
      %dma_start3A_136 = arith.constant 0 : i32
      %dma_start3A_137 = tpu.memref_slice %arg11[%dma_start3A_134, %dma_start3A_135, %dma_start3A_136] : memref<2x96x64xf32, #tpu.memory_space<vmem>> -> memref<1x96x64xf32, #tpu.memory_space<vmem>>
      %dma_start3A_138 = tpu.memref_squeeze %dma_start3A_137 : memref<1x96x64xf32, #tpu.memory_space<vmem>> -> memref<96x64xf32, #tpu.memory_space<vmem>>
      %dma_start3A_139 = arith.constant 0 : i32
      %dma_start3A_140 = arith.constant 0 : i32
      %dma_start3A_141 = tpu.memref_slice %arg6[%add3A_133, %dma_start3A_139, %dma_start3A_140] : memref<4096x96x64xf32, #tpu.memory_space<hbm>> -> memref<1x96x64xf32, #tpu.memory_space<hbm>>
      %dma_start3A_142 = tpu.memref_squeeze %dma_start3A_141 : memref<1x96x64xf32, #tpu.memory_space<hbm>> -> memref<96x64xf32, #tpu.memory_space<hbm>>
      %dma_start3A_143 = arith.constant 0 : i32
      %dma_start3A_144 = arith.constant 0 : i32
      %dma_start3A_145 = tpu.memref_slice %arg6[%add3A_133, %dma_start3A_143, %dma_start3A_144] : memref<4096x96x64xf32, #tpu.memory_space<hbm>> -> memref<1x96x64xf32, #tpu.memory_space<hbm>>
      %dma_start3A_146 = tpu.memref_squeeze %dma_start3A_145 : memref<1x96x64xf32, #tpu.memory_space<hbm>> -> memref<96x64xf32, #tpu.memory_space<hbm>>
      %dma_start3A_147 = arith.constant 0 : i32
      %dma_start3A_148 = arith.constant 0 : i32
      %dma_start3A_149 = tpu.memref_slice %arg11[%dma_start3A_134, %dma_start3A_147, %dma_start3A_148] : memref<2x96x64xf32, #tpu.memory_space<vmem>> -> memref<1x96x64xf32, #tpu.memory_space<vmem>>
      %dma_start3A_150 = tpu.memref_squeeze %dma_start3A_149 : memref<1x96x64xf32, #tpu.memory_space<vmem>> -> memref<96x64xf32, #tpu.memory_space<vmem>>
      tpu.enqueue_dma source(%dma_start3A_150 : memref<96x64xf32, #tpu.memory_space<vmem>>) target(%dma_start3A_146 : memref<96x64xf32, #tpu.memory_space<hbm>>) target_semaphore(%arg14 : memref<!tpu.dma_semaphore, #tpu.memory_space<semaphore_mem>>)
      %add3A_151 = arith.constant 2 : i32
      %add3A_152 = arith.addi %add3A_108, %add3A_151 : i32
      %lt3A = arith.constant 128 : i32
      %lt3A_153 = arith.cmpi slt, %add3A_152, %lt3A : i32
      %convert_element_type3A_154 = arith.extui %lt3A_153 : i1 to i32
      %cond3A_155 = arith.constant 0 : i32
      %cond3A_156 = arith.cmpi ne, %convert_element_type3A_154, %cond3A_155 : i32
      scf.if %cond3A_156 {
        %add3A_209 = arith.constant 2 : i32
        %add3A_210 = arith.addi %add3A_110, %add3A_209 : i32
        %mul3A_211 = arith.constant 96 : i32
        %mul3A_212 = arith.muli %add3A_210, %mul3A_211 : i32
        %dma_start3A_213 = arith.constant 0 : i32
        %dma_start3A_214 = arith.constant 0 : i32
        %dma_start3A_215 = arith.constant 0 : i32
        %dma_start3A_216 = tpu.memref_slice %arg10[%dma_start3A_213, %dma_start3A_214, %dma_start3A_215] : memref<2x96x128xf32, #tpu.memory_space<vmem>> -> memref<1x96x128xf32, #tpu.memory_space<vmem>>
        %dma_start3A_217 = tpu.memref_squeeze %dma_start3A_216 : memref<1x96x128xf32, #tpu.memory_space<vmem>> -> memref<96x128xf32, #tpu.memory_space<vmem>>
        %dma_start3A_218 = tpu.memref_slice %arg8[%mul3A_212] : memref<12288xi32, #tpu.memory_space<vmem>> -> memref<96xi32, #tpu.memory_space<vmem>>
        %dma_start3A_219 = arith.constant 0 : i32
        %dma_start3A_220 = arith.constant 0 : i32
        %dma_start3A_221 = tpu.memref_slice %arg4[%dma_start3A_219, %dma_start3A_220] : memref<1000000x128xf32, #tpu.memory_space<hbm>> -> memref<1000000x128xf32, #tpu.memory_space<hbm>>
        tpu.enqueue_indirect_dma source(%dma_start3A_221 : memref<1000000x128xf32, #tpu.memory_space<hbm>>) target(%dma_start3A_217 : memref<96x128xf32, #tpu.memory_space<vmem>>) offsets(%dma_start3A_218 : memref<96xi32, #tpu.memory_space<vmem>>) semaphore(%arg12 : memref<!tpu.dma_semaphore, #tpu.memory_space<semaphore_mem>>)
      } else {
      }
      %add3A_157 = arith.constant 1 : i32
      %add3A_158 = arith.addi %add3A_108, %add3A_157 : i32
      %mul3A_159 = arith.constant 96 : i32
      %mul3A_160 = arith.muli %add3A_158, %mul3A_159 : i32
      %dma_wait3A_161 = arith.constant 1 : i32
      %dma_wait3A_162 = arith.constant 0 : i32
      %dma_wait3A_163 = arith.constant 0 : i32
      %dma_wait3A_164 = tpu.memref_slice %arg10[%dma_wait3A_161, %dma_wait3A_162, %dma_wait3A_163] : memref<2x96x128xf32, #tpu.memory_space<vmem>> -> memref<1x96x128xf32, #tpu.memory_space<vmem>>
      %dma_wait3A_165 = tpu.memref_squeeze %dma_wait3A_164 : memref<1x96x128xf32, #tpu.memory_space<vmem>> -> memref<96x128xf32, #tpu.memory_space<vmem>>
      %dma_wait3A_166 = tpu.memref_slice %arg8[%mul3A_160] : memref<12288xi32, #tpu.memory_space<vmem>> -> memref<96xi32, #tpu.memory_space<vmem>>
      %dma_wait3A_167 = arith.constant 0 : i32
      %dma_wait3A_168 = arith.constant 0 : i32
      %dma_wait3A_169 = tpu.memref_slice %arg4[%dma_wait3A_167, %dma_wait3A_168] : memref<1000000x128xf32, #tpu.memory_space<hbm>> -> memref<1000000x128xf32, #tpu.memory_space<hbm>>
      tpu.wait_indirect_dma semaphore(%arg13 : memref<!tpu.dma_semaphore, #tpu.memory_space<semaphore_mem>>) src(%dma_wait3A_169 : memref<1000000x128xf32, #tpu.memory_space<hbm>>) dst(%dma_wait3A_165 : memref<96x128xf32, #tpu.memory_space<vmem>>)
      %ge3A_170 = arith.constant 2 : i32
      %ge3A_171 = arith.cmpi sge, %add3A_108, %ge3A_170 : i32
      %convert_element_type3A_172 = arith.extui %ge3A_171 : i1 to i32
      %cond3A_173 = arith.constant 0 : i32
      %cond3A_174 = arith.cmpi ne, %convert_element_type3A_172, %cond3A_173 : i32
      scf.if %cond3A_174 {
        %add3A_209 = arith.addi %mul3A_4, %add3A_158 : i32
        %sub3A_210 = arith.constant 2 : i32
        %sub3A_211 = arith.subi %add3A_209, %sub3A_210 : i32
        %dma_wait3A_212 = arith.constant 1 : i32
        %dma_wait3A_213 = arith.constant 0 : i32
        %dma_wait3A_214 = arith.constant 0 : i32
        %dma_wait3A_215 = tpu.memref_slice %arg11[%dma_wait3A_212, %dma_wait3A_213, %dma_wait3A_214] : memref<2x96x64xf32, #tpu.memory_space<vmem>> -> memref<1x96x64xf32, #tpu.memory_space<vmem>>
        %dma_wait3A_216 = tpu.memref_squeeze %dma_wait3A_215 : memref<1x96x64xf32, #tpu.memory_space<vmem>> -> memref<96x64xf32, #tpu.memory_space<vmem>>
        %dma_wait3A_217 = arith.constant 0 : i32
        %dma_wait3A_218 = arith.constant 0 : i32
        %dma_wait3A_219 = tpu.memref_slice %arg6[%sub3A_211, %dma_wait3A_217, %dma_wait3A_218] : memref<4096x96x64xf32, #tpu.memory_space<hbm>> -> memref<1x96x64xf32, #tpu.memory_space<hbm>>
        %dma_wait3A_220 = tpu.memref_squeeze %dma_wait3A_219 : memref<1x96x64xf32, #tpu.memory_space<hbm>> -> memref<96x64xf32, #tpu.memory_space<hbm>>
        %dma_wait3A_221 = arith.constant 0 : i32
        %dma_wait3A_222 = arith.constant 0 : i32
        %dma_wait3A_223 = tpu.memref_slice %arg6[%sub3A_211, %dma_wait3A_221, %dma_wait3A_222] : memref<4096x96x64xf32, #tpu.memory_space<hbm>> -> memref<1x96x64xf32, #tpu.memory_space<hbm>>
        %dma_wait3A_224 = tpu.memref_squeeze %dma_wait3A_223 : memref<1x96x64xf32, #tpu.memory_space<hbm>> -> memref<96x64xf32, #tpu.memory_space<hbm>>
        %dma_wait3A_225 = arith.constant 0 : i32
        %dma_wait3A_226 = arith.constant 0 : i32
        %dma_wait3A_227 = tpu.memref_slice %arg11[%dma_wait3A_212, %dma_wait3A_225, %dma_wait3A_226] : memref<2x96x64xf32, #tpu.memory_space<vmem>> -> memref<1x96x64xf32, #tpu.memory_space<vmem>>
        %dma_wait3A_228 = tpu.memref_squeeze %dma_wait3A_227 : memref<1x96x64xf32, #tpu.memory_space<vmem>> -> memref<96x64xf32, #tpu.memory_space<vmem>>
        tpu.wait_dma2 semaphore(%arg15 : memref<!tpu.dma_semaphore, #tpu.memory_space<semaphore_mem>>) src(%dma_wait3A_228 : memref<96x64xf32, #tpu.memory_space<vmem>>) dst(%dma_wait3A_224 : memref<96x64xf32, #tpu.memory_space<hbm>>)
      } else {
      }
      %iota3A_175 = tpu.iota {dimensions = array<i32: 0>} : vector<16xi32>
      %scan3A_176 = arith.constant 0 : i32
      %scan3A_177 = arith.constant 1 : i32
      %scan3A_178 = arith.constant 1 : i32
      %scan3A_179 = arith.constant 0 : i32
      %scan3A_180 = arith.constant 12 : i32
      %scan3A_181 = arith.addi %scan3A_179, %scan3A_180 : i32
      %scan3A_182 = arith.constant 1 : i32
      scf.for %scan3A_209 = %scan3A_179 to %scan3A_181 step %scan3A_182  : i32 {
        %mul3A_210 = arith.constant 8 : i32
        %mul3A_211 = arith.muli %scan3A_209, %mul3A_210 : i32
        %broadcast_in_dim3A = arith.constant 0.000000e+00 : f32
        %broadcast_in_dim3A_212 = vector.broadcast %broadcast_in_dim3A : f32 to vector<16xf32>
        %add3A_213 = arith.constant 0 : i32
        %add3A_214 = arith.addi %mul3A_211, %add3A_213 : i32
        %get3A = arith.constant 0 : i32
        %get3A_215 = arith.constant 0 : i32
        %get3A_216 = tpu.memref_slice %arg10[%scan3A_177, %get3A, %get3A_215] : memref<2x96x128xf32, #tpu.memory_space<vmem>> -> memref<1x96x128xf32, #tpu.memory_space<vmem>>
        %get3A_217 = tpu.memref_squeeze %get3A_216 : memref<1x96x128xf32, #tpu.memory_space<vmem>> -> memref<96x128xf32, #tpu.memory_space<vmem>>
        %get3A_218 = arith.index_cast %add3A_214 : i32 to index
        %get3A_219 = arith.constant 0 : index
        %get3A_220 = tpu.vector_load %get3A_217[%get3A_218, %get3A_219] {strides = array<i32>} : memref<96x128xf32, #tpu.memory_space<vmem>>, vector<16xf32>,
        %get3A_221 = arith.constant 0 : i32
        %get3A_222 = arith.constant 0 : i32
        %get3A_223 = tpu.memref_slice %arg10[%scan3A_177, %get3A_221, %get3A_222] : memref<2x96x128xf32, #tpu.memory_space<vmem>> -> memref<1x96x128xf32, #tpu.memory_space<vmem>>
        %get3A_224 = tpu.memref_squeeze %get3A_223 : memref<1x96x128xf32, #tpu.memory_space<vmem>> -> memref<96x128xf32, #tpu.memory_space<vmem>>
        %get3A_225 = arith.index_cast %add3A_214 : i32 to index
        %get3A_226 = arith.constant 16 : index
        %get3A_227 = tpu.vector_load %get3A_224[%get3A_225, %get3A_226] {strides = array<i32>} : memref<96x128xf32, #tpu.memory_space<vmem>>, vector<16xf32>,
        %get3A_228 = arith.constant 0 : i32
        %get3A_229 = arith.constant 0 : i32
        %get3A_230 = tpu.memref_slice %arg10[%scan3A_177, %get3A_228, %get3A_229] : memref<2x96x128xf32, #tpu.memory_space<vmem>> -> memref<1x96x128xf32, #tpu.memory_space<vmem>>
        %get3A_231 = tpu.memref_squeeze %get3A_230 : memref<1x96x128xf32, #tpu.memory_space<vmem>> -> memref<96x128xf32, #tpu.memory_space<vmem>>
        %get3A_232 = arith.index_cast %add3A_214 : i32 to index
        %get3A_233 = arith.constant 32 : index
        %get3A_234 = tpu.vector_load %get3A_231[%get3A_232, %get3A_233] {strides = array<i32>} : memref<96x128xf32, #tpu.memory_space<vmem>>, vector<16xf32>,
        %get3A_235 = arith.constant 0 : i32
        %get3A_236 = arith.constant 0 : i32
        %get3A_237 = tpu.memref_slice %arg10[%scan3A_177, %get3A_235, %get3A_236] : memref<2x96x128xf32, #tpu.memory_space<vmem>> -> memref<1x96x128xf32, #tpu.memory_space<vmem>>
        %get3A_238 = tpu.memref_squeeze %get3A_237 : memref<1x96x128xf32, #tpu.memory_space<vmem>> -> memref<96x128xf32, #tpu.memory_space<vmem>>
        %get3A_239 = arith.index_cast %add3A_214 : i32 to index
        %get3A_240 = arith.constant 48 : index
        %get3A_241 = tpu.vector_load %get3A_238[%get3A_239, %get3A_240] {strides = array<i32>} : memref<96x128xf32, #tpu.memory_space<vmem>>, vector<16xf32>,
        %mul3A_242 = arith.mulf %get3A_220, %get3A_220 : vector<16xf32>
        %mul3A_243 = arith.mulf %get3A_227, %get3A_227 : vector<16xf32>
        %add3A_244 = arith.addf %mul3A_242, %mul3A_243 : vector<16xf32>
        %mul3A_245 = arith.mulf %get3A_234, %get3A_234 : vector<16xf32>
        %add3A_246 = arith.addf %add3A_244, %mul3A_245 : vector<16xf32>
        %mul3A_247 = arith.mulf %get3A_241, %get3A_241 : vector<16xf32>
        %add3A_248 = arith.addf %add3A_246, %mul3A_247 : vector<16xf32>
        %eq3A = arith.constant 0 : i32
        %eq3A_249 = vector.broadcast %eq3A : i32 to vector<16xi32>
        %eq3A_250 = arith.cmpi eq, %iota3A_175, %eq3A_249 : vector<16xi32>
        %reduce_sum3A = arith.constant true
        %reduce_sum3A_251 = vector.broadcast %reduce_sum3A : i1 to vector<16xi1>
        %reduce_sum3A_252 = tpu.scan <sum>, %add3A_248 masked %reduce_sum3A_251 : vector<16xf32>, vector<16xi1> -> vector<16xf32>
        %reduce_sum3A_253 = vector.extract %reduce_sum3A_252[15] : f32 from vector<16xf32>
        %broadcast_in_dim3A_254 = vector.broadcast %reduce_sum3A_253 : f32 to vector<16xf32>
        %select_n3A = arith.select %eq3A_250, %broadcast_in_dim3A_254, %broadcast_in_dim3A_212 : vector<16xi1>, vector<16xf32>
        %add3A_255 = arith.constant 1 : i32
        %add3A_256 = arith.addi %mul3A_211, %add3A_255 : i32
        %get3A_257 = arith.constant 0 : i32
        %get3A_258 = arith.constant 0 : i32
        %get3A_259 = tpu.memref_slice %arg10[%scan3A_177, %get3A_257, %get3A_258] : memref<2x96x128xf32, #tpu.memory_space<vmem>> -> memref<1x96x128xf32, #tpu.memory_space<vmem>>
        %get3A_260 = tpu.memref_squeeze %get3A_259 : memref<1x96x128xf32, #tpu.memory_space<vmem>> -> memref<96x128xf32, #tpu.memory_space<vmem>>
        %get3A_261 = arith.index_cast %add3A_256 : i32 to index
        %get3A_262 = arith.constant 0 : index
        %get3A_263 = tpu.vector_load %get3A_260[%get3A_261, %get3A_262] {strides = array<i32>} : memref<96x128xf32, #tpu.memory_space<vmem>>, vector<16xf32>,
        %get3A_264 = arith.constant 0 : i32
        %get3A_265 = arith.constant 0 : i32
        %get3A_266 = tpu.memref_slice %arg10[%scan3A_177, %get3A_264, %get3A_265] : memref<2x96x128xf32, #tpu.memory_space<vmem>> -> memref<1x96x128xf32, #tpu.memory_space<vmem>>
        %get3A_267 = tpu.memref_squeeze %get3A_266 : memref<1x96x128xf32, #tpu.memory_space<vmem>> -> memref<96x128xf32, #tpu.memory_space<vmem>>
        %get3A_268 = arith.index_cast %add3A_256 : i32 to index
        %get3A_269 = arith.constant 16 : index
        %get3A_270 = tpu.vector_load %get3A_267[%get3A_268, %get3A_269] {strides = array<i32>} : memref<96x128xf32, #tpu.memory_space<vmem>>, vector<16xf32>,
        %get3A_271 = arith.constant 0 : i32
        %get3A_272 = arith.constant 0 : i32
        %get3A_273 = tpu.memref_slice %arg10[%scan3A_177, %get3A_271, %get3A_272] : memref<2x96x128xf32, #tpu.memory_space<vmem>> -> memref<1x96x128xf32, #tpu.memory_space<vmem>>
        %get3A_274 = tpu.memref_squeeze %get3A_273 : memref<1x96x128xf32, #tpu.memory_space<vmem>> -> memref<96x128xf32, #tpu.memory_space<vmem>>
        %get3A_275 = arith.index_cast %add3A_256 : i32 to index
        %get3A_276 = arith.constant 32 : index
        %get3A_277 = tpu.vector_load %get3A_274[%get3A_275, %get3A_276] {strides = array<i32>} : memref<96x128xf32, #tpu.memory_space<vmem>>, vector<16xf32>,
        %get3A_278 = arith.constant 0 : i32
        %get3A_279 = arith.constant 0 : i32
        %get3A_280 = tpu.memref_slice %arg10[%scan3A_177, %get3A_278, %get3A_279] : memref<2x96x128xf32, #tpu.memory_space<vmem>> -> memref<1x96x128xf32, #tpu.memory_space<vmem>>
        %get3A_281 = tpu.memref_squeeze %get3A_280 : memref<1x96x128xf32, #tpu.memory_space<vmem>> -> memref<96x128xf32, #tpu.memory_space<vmem>>
        %get3A_282 = arith.index_cast %add3A_256 : i32 to index
        %get3A_283 = arith.constant 48 : index
        %get3A_284 = tpu.vector_load %get3A_281[%get3A_282, %get3A_283] {strides = array<i32>} : memref<96x128xf32, #tpu.memory_space<vmem>>, vector<16xf32>,
        %mul3A_285 = arith.mulf %get3A_263, %get3A_263 : vector<16xf32>
        %mul3A_286 = arith.mulf %get3A_270, %get3A_270 : vector<16xf32>
        %add3A_287 = arith.addf %mul3A_285, %mul3A_286 : vector<16xf32>
        %mul3A_288 = arith.mulf %get3A_277, %get3A_277 : vector<16xf32>
        %add3A_289 = arith.addf %add3A_287, %mul3A_288 : vector<16xf32>
        %mul3A_290 = arith.mulf %get3A_284, %get3A_284 : vector<16xf32>
        %add3A_291 = arith.addf %add3A_289, %mul3A_290 : vector<16xf32>
        %eq3A_292 = arith.constant 1 : i32
        %eq3A_293 = vector.broadcast %eq3A_292 : i32 to vector<16xi32>
        %eq3A_294 = arith.cmpi eq, %iota3A_175, %eq3A_293 : vector<16xi32>
        %reduce_sum3A_295 = arith.constant true
        %reduce_sum3A_296 = vector.broadcast %reduce_sum3A_295 : i1 to vector<16xi1>
        %reduce_sum3A_297 = tpu.scan <sum>, %add3A_291 masked %reduce_sum3A_296 : vector<16xf32>, vector<16xi1> -> vector<16xf32>
        %reduce_sum3A_298 = vector.extract %reduce_sum3A_297[15] : f32 from vector<16xf32>
        %broadcast_in_dim3A_299 = vector.broadcast %reduce_sum3A_298 : f32 to vector<16xf32>
        %select_n3A_300 = arith.select %eq3A_294, %broadcast_in_dim3A_299, %select_n3A : vector<16xi1>, vector<16xf32>
        %add3A_301 = arith.constant 2 : i32
        %add3A_302 = arith.addi %mul3A_211, %add3A_301 : i32
        %get3A_303 = arith.constant 0 : i32
        %get3A_304 = arith.constant 0 : i32
        %get3A_305 = tpu.memref_slice %arg10[%scan3A_177, %get3A_303, %get3A_304] : memref<2x96x128xf32, #tpu.memory_space<vmem>> -> memref<1x96x128xf32, #tpu.memory_space<vmem>>
        %get3A_306 = tpu.memref_squeeze %get3A_305 : memref<1x96x128xf32, #tpu.memory_space<vmem>> -> memref<96x128xf32, #tpu.memory_space<vmem>>
        %get3A_307 = arith.index_cast %add3A_302 : i32 to index
        %get3A_308 = arith.constant 0 : index
        %get3A_309 = tpu.vector_load %get3A_306[%get3A_307, %get3A_308] {strides = array<i32>} : memref<96x128xf32, #tpu.memory_space<vmem>>, vector<16xf32>,
        %get3A_310 = arith.constant 0 : i32
        %get3A_311 = arith.constant 0 : i32
        %get3A_312 = tpu.memref_slice %arg10[%scan3A_177, %get3A_310, %get3A_311] : memref<2x96x128xf32, #tpu.memory_space<vmem>> -> memref<1x96x128xf32, #tpu.memory_space<vmem>>
        %get3A_313 = tpu.memref_squeeze %get3A_312 : memref<1x96x128xf32, #tpu.memory_space<vmem>> -> memref<96x128xf32, #tpu.memory_space<vmem>>
        %get3A_314 = arith.index_cast %add3A_302 : i32 to index
        %get3A_315 = arith.constant 16 : index
        %get3A_316 = tpu.vector_load %get3A_313[%get3A_314, %get3A_315] {strides = array<i32>} : memref<96x128xf32, #tpu.memory_space<vmem>>, vector<16xf32>,
        %get3A_317 = arith.constant 0 : i32
        %get3A_318 = arith.constant 0 : i32
        %get3A_319 = tpu.memref_slice %arg10[%scan3A_177, %get3A_317, %get3A_318] : memref<2x96x128xf32, #tpu.memory_space<vmem>> -> memref<1x96x128xf32, #tpu.memory_space<vmem>>
        %get3A_320 = tpu.memref_squeeze %get3A_319 : memref<1x96x128xf32, #tpu.memory_space<vmem>> -> memref<96x128xf32, #tpu.memory_space<vmem>>
        %get3A_321 = arith.index_cast %add3A_302 : i32 to index
        %get3A_322 = arith.constant 32 : index
        %get3A_323 = tpu.vector_load %get3A_320[%get3A_321, %get3A_322] {strides = array<i32>} : memref<96x128xf32, #tpu.memory_space<vmem>>, vector<16xf32>,
        %get3A_324 = arith.constant 0 : i32
        %get3A_325 = arith.constant 0 : i32
        %get3A_326 = tpu.memref_slice %arg10[%scan3A_177, %get3A_324, %get3A_325] : memref<2x96x128xf32, #tpu.memory_space<vmem>> -> memref<1x96x128xf32, #tpu.memory_space<vmem>>
        %get3A_327 = tpu.memref_squeeze %get3A_326 : memref<1x96x128xf32, #tpu.memory_space<vmem>> -> memref<96x128xf32, #tpu.memory_space<vmem>>
        %get3A_328 = arith.index_cast %add3A_302 : i32 to index
        %get3A_329 = arith.constant 48 : index
        %get3A_330 = tpu.vector_load %get3A_327[%get3A_328, %get3A_329] {strides = array<i32>} : memref<96x128xf32, #tpu.memory_space<vmem>>, vector<16xf32>,
        %mul3A_331 = arith.mulf %get3A_309, %get3A_309 : vector<16xf32>
        %mul3A_332 = arith.mulf %get3A_316, %get3A_316 : vector<16xf32>
        %add3A_333 = arith.addf %mul3A_331, %mul3A_332 : vector<16xf32>
        %mul3A_334 = arith.mulf %get3A_323, %get3A_323 : vector<16xf32>
        %add3A_335 = arith.addf %add3A_333, %mul3A_334 : vector<16xf32>
        %mul3A_336 = arith.mulf %get3A_330, %get3A_330 : vector<16xf32>
        %add3A_337 = arith.addf %add3A_335, %mul3A_336 : vector<16xf32>
        %eq3A_338 = arith.constant 2 : i32
        %eq3A_339 = vector.broadcast %eq3A_338 : i32 to vector<16xi32>
        %eq3A_340 = arith.cmpi eq, %iota3A_175, %eq3A_339 : vector<16xi32>
        %reduce_sum3A_341 = arith.constant true
        %reduce_sum3A_342 = vector.broadcast %reduce_sum3A_341 : i1 to vector<16xi1>
        %reduce_sum3A_343 = tpu.scan <sum>, %add3A_337 masked %reduce_sum3A_342 : vector<16xf32>, vector<16xi1> -> vector<16xf32>
        %reduce_sum3A_344 = vector.extract %reduce_sum3A_343[15] : f32 from vector<16xf32>
        %broadcast_in_dim3A_345 = vector.broadcast %reduce_sum3A_344 : f32 to vector<16xf32>
        %select_n3A_346 = arith.select %eq3A_340, %broadcast_in_dim3A_345, %select_n3A_300 : vector<16xi1>, vector<16xf32>
        %add3A_347 = arith.constant 3 : i32
        %add3A_348 = arith.addi %mul3A_211, %add3A_347 : i32
        %get3A_349 = arith.constant 0 : i32
        %get3A_350 = arith.constant 0 : i32
        %get3A_351 = tpu.memref_slice %arg10[%scan3A_177, %get3A_349, %get3A_350] : memref<2x96x128xf32, #tpu.memory_space<vmem>> -> memref<1x96x128xf32, #tpu.memory_space<vmem>>
        %get3A_352 = tpu.memref_squeeze %get3A_351 : memref<1x96x128xf32, #tpu.memory_space<vmem>> -> memref<96x128xf32, #tpu.memory_space<vmem>>
        %get3A_353 = arith.index_cast %add3A_348 : i32 to index
        %get3A_354 = arith.constant 0 : index
        %get3A_355 = tpu.vector_load %get3A_352[%get3A_353, %get3A_354] {strides = array<i32>} : memref<96x128xf32, #tpu.memory_space<vmem>>, vector<16xf32>,
        %get3A_356 = arith.constant 0 : i32
        %get3A_357 = arith.constant 0 : i32
        %get3A_358 = tpu.memref_slice %arg10[%scan3A_177, %get3A_356, %get3A_357] : memref<2x96x128xf32, #tpu.memory_space<vmem>> -> memref<1x96x128xf32, #tpu.memory_space<vmem>>
        %get3A_359 = tpu.memref_squeeze %get3A_358 : memref<1x96x128xf32, #tpu.memory_space<vmem>> -> memref<96x128xf32, #tpu.memory_space<vmem>>
        %get3A_360 = arith.index_cast %add3A_348 : i32 to index
        %get3A_361 = arith.constant 16 : index
        %get3A_362 = tpu.vector_load %get3A_359[%get3A_360, %get3A_361] {strides = array<i32>} : memref<96x128xf32, #tpu.memory_space<vmem>>, vector<16xf32>,
        %get3A_363 = arith.constant 0 : i32
        %get3A_364 = arith.constant 0 : i32
        %get3A_365 = tpu.memref_slice %arg10[%scan3A_177, %get3A_363, %get3A_364] : memref<2x96x128xf32, #tpu.memory_space<vmem>> -> memref<1x96x128xf32, #tpu.memory_space<vmem>>
        %get3A_366 = tpu.memref_squeeze %get3A_365 : memref<1x96x128xf32, #tpu.memory_space<vmem>> -> memref<96x128xf32, #tpu.memory_space<vmem>>
        %get3A_367 = arith.index_cast %add3A_348 : i32 to index
        %get3A_368 = arith.constant 32 : index
        %get3A_369 = tpu.vector_load %get3A_366[%get3A_367, %get3A_368] {strides = array<i32>} : memref<96x128xf32, #tpu.memory_space<vmem>>, vector<16xf32>,
        %get3A_370 = arith.constant 0 : i32
        %get3A_371 = arith.constant 0 : i32
        %get3A_372 = tpu.memref_slice %arg10[%scan3A_177, %get3A_370, %get3A_371] : memref<2x96x128xf32, #tpu.memory_space<vmem>> -> memref<1x96x128xf32, #tpu.memory_space<vmem>>
        %get3A_373 = tpu.memref_squeeze %get3A_372 : memref<1x96x128xf32, #tpu.memory_space<vmem>> -> memref<96x128xf32, #tpu.memory_space<vmem>>
        %get3A_374 = arith.index_cast %add3A_348 : i32 to index
        %get3A_375 = arith.constant 48 : index
        %get3A_376 = tpu.vector_load %get3A_373[%get3A_374, %get3A_375] {strides = array<i32>} : memref<96x128xf32, #tpu.memory_space<vmem>>, vector<16xf32>,
        %mul3A_377 = arith.mulf %get3A_355, %get3A_355 : vector<16xf32>
        %mul3A_378 = arith.mulf %get3A_362, %get3A_362 : vector<16xf32>
        %add3A_379 = arith.addf %mul3A_377, %mul3A_378 : vector<16xf32>
        %mul3A_380 = arith.mulf %get3A_369, %get3A_369 : vector<16xf32>
        %add3A_381 = arith.addf %add3A_379, %mul3A_380 : vector<16xf32>
        %mul3A_382 = arith.mulf %get3A_376, %get3A_376 : vector<16xf32>
        %add3A_383 = arith.addf %add3A_381, %mul3A_382 : vector<16xf32>
        %eq3A_384 = arith.constant 3 : i32
        %eq3A_385 = vector.broadcast %eq3A_384 : i32 to vector<16xi32>
        %eq3A_386 = arith.cmpi eq, %iota3A_175, %eq3A_385 : vector<16xi32>
        %reduce_sum3A_387 = arith.constant true
        %reduce_sum3A_388 = vector.broadcast %reduce_sum3A_387 : i1 to vector<16xi1>
        %reduce_sum3A_389 = tpu.scan <sum>, %add3A_383 masked %reduce_sum3A_388 : vector<16xf32>, vector<16xi1> -> vector<16xf32>
        %reduce_sum3A_390 = vector.extract %reduce_sum3A_389[15] : f32 from vector<16xf32>
        %broadcast_in_dim3A_391 = vector.broadcast %reduce_sum3A_390 : f32 to vector<16xf32>
        %select_n3A_392 = arith.select %eq3A_386, %broadcast_in_dim3A_391, %select_n3A_346 : vector<16xi1>, vector<16xf32>
        %add3A_393 = arith.constant 4 : i32
        %add3A_394 = arith.addi %mul3A_211, %add3A_393 : i32
        %get3A_395 = arith.constant 0 : i32
        %get3A_396 = arith.constant 0 : i32
        %get3A_397 = tpu.memref_slice %arg10[%scan3A_177, %get3A_395, %get3A_396] : memref<2x96x128xf32, #tpu.memory_space<vmem>> -> memref<1x96x128xf32, #tpu.memory_space<vmem>>
        %get3A_398 = tpu.memref_squeeze %get3A_397 : memref<1x96x128xf32, #tpu.memory_space<vmem>> -> memref<96x128xf32, #tpu.memory_space<vmem>>
        %get3A_399 = arith.index_cast %add3A_394 : i32 to index
        %get3A_400 = arith.constant 0 : index
        %get3A_401 = tpu.vector_load %get3A_398[%get3A_399, %get3A_400] {strides = array<i32>} : memref<96x128xf32, #tpu.memory_space<vmem>>, vector<16xf32>,
        %get3A_402 = arith.constant 0 : i32
        %get3A_403 = arith.constant 0 : i32
        %get3A_404 = tpu.memref_slice %arg10[%scan3A_177, %get3A_402, %get3A_403] : memref<2x96x128xf32, #tpu.memory_space<vmem>> -> memref<1x96x128xf32, #tpu.memory_space<vmem>>
        %get3A_405 = tpu.memref_squeeze %get3A_404 : memref<1x96x128xf32, #tpu.memory_space<vmem>> -> memref<96x128xf32, #tpu.memory_space<vmem>>
        %get3A_406 = arith.index_cast %add3A_394 : i32 to index
        %get3A_407 = arith.constant 16 : index
        %get3A_408 = tpu.vector_load %get3A_405[%get3A_406, %get3A_407] {strides = array<i32>} : memref<96x128xf32, #tpu.memory_space<vmem>>, vector<16xf32>,
        %get3A_409 = arith.constant 0 : i32
        %get3A_410 = arith.constant 0 : i32
        %get3A_411 = tpu.memref_slice %arg10[%scan3A_177, %get3A_409, %get3A_410] : memref<2x96x128xf32, #tpu.memory_space<vmem>> -> memref<1x96x128xf32, #tpu.memory_space<vmem>>
        %get3A_412 = tpu.memref_squeeze %get3A_411 : memref<1x96x128xf32, #tpu.memory_space<vmem>> -> memref<96x128xf32, #tpu.memory_space<vmem>>
        %get3A_413 = arith.index_cast %add3A_394 : i32 to index
        %get3A_414 = arith.constant 32 : index
        %get3A_415 = tpu.vector_load %get3A_412[%get3A_413, %get3A_414] {strides = array<i32>} : memref<96x128xf32, #tpu.memory_space<vmem>>, vector<16xf32>,
        %get3A_416 = arith.constant 0 : i32
        %get3A_417 = arith.constant 0 : i32
        %get3A_418 = tpu.memref_slice %arg10[%scan3A_177, %get3A_416, %get3A_417] : memref<2x96x128xf32, #tpu.memory_space<vmem>> -> memref<1x96x128xf32, #tpu.memory_space<vmem>>
        %get3A_419 = tpu.memref_squeeze %get3A_418 : memref<1x96x128xf32, #tpu.memory_space<vmem>> -> memref<96x128xf32, #tpu.memory_space<vmem>>
        %get3A_420 = arith.index_cast %add3A_394 : i32 to index
        %get3A_421 = arith.constant 48 : index
        %get3A_422 = tpu.vector_load %get3A_419[%get3A_420, %get3A_421] {strides = array<i32>} : memref<96x128xf32, #tpu.memory_space<vmem>>, vector<16xf32>,
        %mul3A_423 = arith.mulf %get3A_401, %get3A_401 : vector<16xf32>
        %mul3A_424 = arith.mulf %get3A_408, %get3A_408 : vector<16xf32>
        %add3A_425 = arith.addf %mul3A_423, %mul3A_424 : vector<16xf32>
        %mul3A_426 = arith.mulf %get3A_415, %get3A_415 : vector<16xf32>
        %add3A_427 = arith.addf %add3A_425, %mul3A_426 : vector<16xf32>
        %mul3A_428 = arith.mulf %get3A_422, %get3A_422 : vector<16xf32>
        %add3A_429 = arith.addf %add3A_427, %mul3A_428 : vector<16xf32>
        %eq3A_430 = arith.constant 4 : i32
        %eq3A_431 = vector.broadcast %eq3A_430 : i32 to vector<16xi32>
        %eq3A_432 = arith.cmpi eq, %iota3A_175, %eq3A_431 : vector<16xi32>
        %reduce_sum3A_433 = arith.constant true
        %reduce_sum3A_434 = vector.broadcast %reduce_sum3A_433 : i1 to vector<16xi1>
        %reduce_sum3A_435 = tpu.scan <sum>, %add3A_429 masked %reduce_sum3A_434 : vector<16xf32>, vector<16xi1> -> vector<16xf32>
        %reduce_sum3A_436 = vector.extract %reduce_sum3A_435[15] : f32 from vector<16xf32>
        %broadcast_in_dim3A_437 = vector.broadcast %reduce_sum3A_436 : f32 to vector<16xf32>
        %select_n3A_438 = arith.select %eq3A_432, %broadcast_in_dim3A_437, %select_n3A_392 : vector<16xi1>, vector<16xf32>
        %add3A_439 = arith.constant 5 : i32
        %add3A_440 = arith.addi %mul3A_211, %add3A_439 : i32
        %get3A_441 = arith.constant 0 : i32
        %get3A_442 = arith.constant 0 : i32
        %get3A_443 = tpu.memref_slice %arg10[%scan3A_177, %get3A_441, %get3A_442] : memref<2x96x128xf32, #tpu.memory_space<vmem>> -> memref<1x96x128xf32, #tpu.memory_space<vmem>>
        %get3A_444 = tpu.memref_squeeze %get3A_443 : memref<1x96x128xf32, #tpu.memory_space<vmem>> -> memref<96x128xf32, #tpu.memory_space<vmem>>
        %get3A_445 = arith.index_cast %add3A_440 : i32 to index
        %get3A_446 = arith.constant 0 : index
        %get3A_447 = tpu.vector_load %get3A_444[%get3A_445, %get3A_446] {strides = array<i32>} : memref<96x128xf32, #tpu.memory_space<vmem>>, vector<16xf32>,
        %get3A_448 = arith.constant 0 : i32
        %get3A_449 = arith.constant 0 : i32
        %get3A_450 = tpu.memref_slice %arg10[%scan3A_177, %get3A_448, %get3A_449] : memref<2x96x128xf32, #tpu.memory_space<vmem>> -> memref<1x96x128xf32, #tpu.memory_space<vmem>>
        %get3A_451 = tpu.memref_squeeze %get3A_450 : memref<1x96x128xf32, #tpu.memory_space<vmem>> -> memref<96x128xf32, #tpu.memory_space<vmem>>
        %get3A_452 = arith.index_cast %add3A_440 : i32 to index
        %get3A_453 = arith.constant 16 : index
        %get3A_454 = tpu.vector_load %get3A_451[%get3A_452, %get3A_453] {strides = array<i32>} : memref<96x128xf32, #tpu.memory_space<vmem>>, vector<16xf32>,
        %get3A_455 = arith.constant 0 : i32
        %get3A_456 = arith.constant 0 : i32
        %get3A_457 = tpu.memref_slice %arg10[%scan3A_177, %get3A_455, %get3A_456] : memref<2x96x128xf32, #tpu.memory_space<vmem>> -> memref<1x96x128xf32, #tpu.memory_space<vmem>>
        %get3A_458 = tpu.memref_squeeze %get3A_457 : memref<1x96x128xf32, #tpu.memory_space<vmem>> -> memref<96x128xf32, #tpu.memory_space<vmem>>
        %get3A_459 = arith.index_cast %add3A_440 : i32 to index
        %get3A_460 = arith.constant 32 : index
        %get3A_461 = tpu.vector_load %get3A_458[%get3A_459, %get3A_460] {strides = array<i32>} : memref<96x128xf32, #tpu.memory_space<vmem>>, vector<16xf32>,
        %get3A_462 = arith.constant 0 : i32
        %get3A_463 = arith.constant 0 : i32
        %get3A_464 = tpu.memref_slice %arg10[%scan3A_177, %get3A_462, %get3A_463] : memref<2x96x128xf32, #tpu.memory_space<vmem>> -> memref<1x96x128xf32, #tpu.memory_space<vmem>>
        %get3A_465 = tpu.memref_squeeze %get3A_464 : memref<1x96x128xf32, #tpu.memory_space<vmem>> -> memref<96x128xf32, #tpu.memory_space<vmem>>
        %get3A_466 = arith.index_cast %add3A_440 : i32 to index
        %get3A_467 = arith.constant 48 : index
        %get3A_468 = tpu.vector_load %get3A_465[%get3A_466, %get3A_467] {strides = array<i32>} : memref<96x128xf32, #tpu.memory_space<vmem>>, vector<16xf32>,
        %mul3A_469 = arith.mulf %get3A_447, %get3A_447 : vector<16xf32>
        %mul3A_470 = arith.mulf %get3A_454, %get3A_454 : vector<16xf32>
        %add3A_471 = arith.addf %mul3A_469, %mul3A_470 : vector<16xf32>
        %mul3A_472 = arith.mulf %get3A_461, %get3A_461 : vector<16xf32>
        %add3A_473 = arith.addf %add3A_471, %mul3A_472 : vector<16xf32>
        %mul3A_474 = arith.mulf %get3A_468, %get3A_468 : vector<16xf32>
        %add3A_475 = arith.addf %add3A_473, %mul3A_474 : vector<16xf32>
        %eq3A_476 = arith.constant 5 : i32
        %eq3A_477 = vector.broadcast %eq3A_476 : i32 to vector<16xi32>
        %eq3A_478 = arith.cmpi eq, %iota3A_175, %eq3A_477 : vector<16xi32>
        %reduce_sum3A_479 = arith.constant true
        %reduce_sum3A_480 = vector.broadcast %reduce_sum3A_479 : i1 to vector<16xi1>
        %reduce_sum3A_481 = tpu.scan <sum>, %add3A_475 masked %reduce_sum3A_480 : vector<16xf32>, vector<16xi1> -> vector<16xf32>
        %reduce_sum3A_482 = vector.extract %reduce_sum3A_481[15] : f32 from vector<16xf32>
        %broadcast_in_dim3A_483 = vector.broadcast %reduce_sum3A_482 : f32 to vector<16xf32>
        %select_n3A_484 = arith.select %eq3A_478, %broadcast_in_dim3A_483, %select_n3A_438 : vector<16xi1>, vector<16xf32>
        %add3A_485 = arith.constant 6 : i32
        %add3A_486 = arith.addi %mul3A_211, %add3A_485 : i32
        %get3A_487 = arith.constant 0 : i32
        %get3A_488 = arith.constant 0 : i32
        %get3A_489 = tpu.memref_slice %arg10[%scan3A_177, %get3A_487, %get3A_488] : memref<2x96x128xf32, #tpu.memory_space<vmem>> -> memref<1x96x128xf32, #tpu.memory_space<vmem>>
        %get3A_490 = tpu.memref_squeeze %get3A_489 : memref<1x96x128xf32, #tpu.memory_space<vmem>> -> memref<96x128xf32, #tpu.memory_space<vmem>>
        %get3A_491 = arith.index_cast %add3A_486 : i32 to index
        %get3A_492 = arith.constant 0 : index
        %get3A_493 = tpu.vector_load %get3A_490[%get3A_491, %get3A_492] {strides = array<i32>} : memref<96x128xf32, #tpu.memory_space<vmem>>, vector<16xf32>,
        %get3A_494 = arith.constant 0 : i32
        %get3A_495 = arith.constant 0 : i32
        %get3A_496 = tpu.memref_slice %arg10[%scan3A_177, %get3A_494, %get3A_495] : memref<2x96x128xf32, #tpu.memory_space<vmem>> -> memref<1x96x128xf32, #tpu.memory_space<vmem>>
        %get3A_497 = tpu.memref_squeeze %get3A_496 : memref<1x96x128xf32, #tpu.memory_space<vmem>> -> memref<96x128xf32, #tpu.memory_space<vmem>>
        %get3A_498 = arith.index_cast %add3A_486 : i32 to index
        %get3A_499 = arith.constant 16 : index
        %get3A_500 = tpu.vector_load %get3A_497[%get3A_498, %get3A_499] {strides = array<i32>} : memref<96x128xf32, #tpu.memory_space<vmem>>, vector<16xf32>,
        %get3A_501 = arith.constant 0 : i32
        %get3A_502 = arith.constant 0 : i32
        %get3A_503 = tpu.memref_slice %arg10[%scan3A_177, %get3A_501, %get3A_502] : memref<2x96x128xf32, #tpu.memory_space<vmem>> -> memref<1x96x128xf32, #tpu.memory_space<vmem>>
        %get3A_504 = tpu.memref_squeeze %get3A_503 : memref<1x96x128xf32, #tpu.memory_space<vmem>> -> memref<96x128xf32, #tpu.memory_space<vmem>>
        %get3A_505 = arith.index_cast %add3A_486 : i32 to index
        %get3A_506 = arith.constant 32 : index
        %get3A_507 = tpu.vector_load %get3A_504[%get3A_505, %get3A_506] {strides = array<i32>} : memref<96x128xf32, #tpu.memory_space<vmem>>, vector<16xf32>,
        %get3A_508 = arith.constant 0 : i32
        %get3A_509 = arith.constant 0 : i32
        %get3A_510 = tpu.memref_slice %arg10[%scan3A_177, %get3A_508, %get3A_509] : memref<2x96x128xf32, #tpu.memory_space<vmem>> -> memref<1x96x128xf32, #tpu.memory_space<vmem>>
        %get3A_511 = tpu.memref_squeeze %get3A_510 : memref<1x96x128xf32, #tpu.memory_space<vmem>> -> memref<96x128xf32, #tpu.memory_space<vmem>>
        %get3A_512 = arith.index_cast %add3A_486 : i32 to index
        %get3A_513 = arith.constant 48 : index
        %get3A_514 = tpu.vector_load %get3A_511[%get3A_512, %get3A_513] {strides = array<i32>} : memref<96x128xf32, #tpu.memory_space<vmem>>, vector<16xf32>,
        %mul3A_515 = arith.mulf %get3A_493, %get3A_493 : vector<16xf32>
        %mul3A_516 = arith.mulf %get3A_500, %get3A_500 : vector<16xf32>
        %add3A_517 = arith.addf %mul3A_515, %mul3A_516 : vector<16xf32>
        %mul3A_518 = arith.mulf %get3A_507, %get3A_507 : vector<16xf32>
        %add3A_519 = arith.addf %add3A_517, %mul3A_518 : vector<16xf32>
        %mul3A_520 = arith.mulf %get3A_514, %get3A_514 : vector<16xf32>
        %add3A_521 = arith.addf %add3A_519, %mul3A_520 : vector<16xf32>
        %eq3A_522 = arith.constant 6 : i32
        %eq3A_523 = vector.broadcast %eq3A_522 : i32 to vector<16xi32>
        %eq3A_524 = arith.cmpi eq, %iota3A_175, %eq3A_523 : vector<16xi32>
        %reduce_sum3A_525 = arith.constant true
        %reduce_sum3A_526 = vector.broadcast %reduce_sum3A_525 : i1 to vector<16xi1>
        %reduce_sum3A_527 = tpu.scan <sum>, %add3A_521 masked %reduce_sum3A_526 : vector<16xf32>, vector<16xi1> -> vector<16xf32>
        %reduce_sum3A_528 = vector.extract %reduce_sum3A_527[15] : f32 from vector<16xf32>
        %broadcast_in_dim3A_529 = vector.broadcast %reduce_sum3A_528 : f32 to vector<16xf32>
        %select_n3A_530 = arith.select %eq3A_524, %broadcast_in_dim3A_529, %select_n3A_484 : vector<16xi1>, vector<16xf32>
        %add3A_531 = arith.constant 7 : i32
        %add3A_532 = arith.addi %mul3A_211, %add3A_531 : i32
        %get3A_533 = arith.constant 0 : i32
        %get3A_534 = arith.constant 0 : i32
        %get3A_535 = tpu.memref_slice %arg10[%scan3A_177, %get3A_533, %get3A_534] : memref<2x96x128xf32, #tpu.memory_space<vmem>> -> memref<1x96x128xf32, #tpu.memory_space<vmem>>
        %get3A_536 = tpu.memref_squeeze %get3A_535 : memref<1x96x128xf32, #tpu.memory_space<vmem>> -> memref<96x128xf32, #tpu.memory_space<vmem>>
        %get3A_537 = arith.index_cast %add3A_532 : i32 to index
        %get3A_538 = arith.constant 0 : index
        %get3A_539 = tpu.vector_load %get3A_536[%get3A_537, %get3A_538] {strides = array<i32>} : memref<96x128xf32, #tpu.memory_space<vmem>>, vector<16xf32>,
        %get3A_540 = arith.constant 0 : i32
        %get3A_541 = arith.constant 0 : i32
        %get3A_542 = tpu.memref_slice %arg10[%scan3A_177, %get3A_540, %get3A_541] : memref<2x96x128xf32, #tpu.memory_space<vmem>> -> memref<1x96x128xf32, #tpu.memory_space<vmem>>
        %get3A_543 = tpu.memref_squeeze %get3A_542 : memref<1x96x128xf32, #tpu.memory_space<vmem>> -> memref<96x128xf32, #tpu.memory_space<vmem>>
        %get3A_544 = arith.index_cast %add3A_532 : i32 to index
        %get3A_545 = arith.constant 16 : index
        %get3A_546 = tpu.vector_load %get3A_543[%get3A_544, %get3A_545] {strides = array<i32>} : memref<96x128xf32, #tpu.memory_space<vmem>>, vector<16xf32>,
        %get3A_547 = arith.constant 0 : i32
        %get3A_548 = arith.constant 0 : i32
        %get3A_549 = tpu.memref_slice %arg10[%scan3A_177, %get3A_547, %get3A_548] : memref<2x96x128xf32, #tpu.memory_space<vmem>> -> memref<1x96x128xf32, #tpu.memory_space<vmem>>
        %get3A_550 = tpu.memref_squeeze %get3A_549 : memref<1x96x128xf32, #tpu.memory_space<vmem>> -> memref<96x128xf32, #tpu.memory_space<vmem>>
        %get3A_551 = arith.index_cast %add3A_532 : i32 to index
        %get3A_552 = arith.constant 32 : index
        %get3A_553 = tpu.vector_load %get3A_550[%get3A_551, %get3A_552] {strides = array<i32>} : memref<96x128xf32, #tpu.memory_space<vmem>>, vector<16xf32>,
        %get3A_554 = arith.constant 0 : i32
        %get3A_555 = arith.constant 0 : i32
        %get3A_556 = tpu.memref_slice %arg10[%scan3A_177, %get3A_554, %get3A_555] : memref<2x96x128xf32, #tpu.memory_space<vmem>> -> memref<1x96x128xf32, #tpu.memory_space<vmem>>
        %get3A_557 = tpu.memref_squeeze %get3A_556 : memref<1x96x128xf32, #tpu.memory_space<vmem>> -> memref<96x128xf32, #tpu.memory_space<vmem>>
        %get3A_558 = arith.index_cast %add3A_532 : i32 to index
        %get3A_559 = arith.constant 48 : index
        %get3A_560 = tpu.vector_load %get3A_557[%get3A_558, %get3A_559] {strides = array<i32>} : memref<96x128xf32, #tpu.memory_space<vmem>>, vector<16xf32>,
        %mul3A_561 = arith.mulf %get3A_539, %get3A_539 : vector<16xf32>
        %mul3A_562 = arith.mulf %get3A_546, %get3A_546 : vector<16xf32>
        %add3A_563 = arith.addf %mul3A_561, %mul3A_562 : vector<16xf32>
        %mul3A_564 = arith.mulf %get3A_553, %get3A_553 : vector<16xf32>
        %add3A_565 = arith.addf %add3A_563, %mul3A_564 : vector<16xf32>
        %mul3A_566 = arith.mulf %get3A_560, %get3A_560 : vector<16xf32>
        %add3A_567 = arith.addf %add3A_565, %mul3A_566 : vector<16xf32>
        %eq3A_568 = arith.constant 7 : i32
        %eq3A_569 = vector.broadcast %eq3A_568 : i32 to vector<16xi32>
        %eq3A_570 = arith.cmpi eq, %iota3A_175, %eq3A_569 : vector<16xi32>
        %reduce_sum3A_571 = arith.constant true
        %reduce_sum3A_572 = vector.broadcast %reduce_sum3A_571 : i1 to vector<16xi1>
        %reduce_sum3A_573 = tpu.scan <sum>, %add3A_567 masked %reduce_sum3A_572 : vector<16xf32>, vector<16xi1> -> vector<16xf32>
        %reduce_sum3A_574 = vector.extract %reduce_sum3A_573[15] : f32 from vector<16xf32>
        %broadcast_in_dim3A_575 = vector.broadcast %reduce_sum3A_574 : f32 to vector<16xf32>
        %select_n3A_576 = arith.select %eq3A_570, %broadcast_in_dim3A_575, %select_n3A_530 : vector<16xi1>, vector<16xf32>
        %bitcast3A = vector.bitcast %select_n3A_576 : vector<16xf32> to vector<16xi32>
        %shift_right_arithmetic3A = arith.constant 1 : i32
        %shift_right_arithmetic3A_577 = vector.broadcast %shift_right_arithmetic3A : i32 to vector<16xi32>
        %shift_right_arithmetic3A_578 = arith.shrsi %bitcast3A, %shift_right_arithmetic3A_577 : vector<16xi32>
        %sub3A_579 = arith.constant 1597463007 : i32
        %sub3A_580 = vector.broadcast %sub3A_579 : i32 to vector<16xi32>
        %sub3A_581 = arith.subi %sub3A_580, %shift_right_arithmetic3A_578 : vector<16xi32>
        %bitcast3A_582 = vector.bitcast %sub3A_581 : vector<16xi32> to vector<16xf32>
        %mul3A_583 = arith.constant 5.000000e-01 : f32
        %mul3A_584 = vector.broadcast %mul3A_583 : f32 to vector<16xf32>
        %mul3A_585 = arith.mulf %select_n3A_576, %mul3A_584 : vector<16xf32>
        %mul3A_586 = arith.mulf %mul3A_585, %bitcast3A_582 : vector<16xf32>
        %mul3A_587 = arith.mulf %mul3A_586, %bitcast3A_582 : vector<16xf32>
        %sub3A_588 = arith.constant 1.500000e+00 : f32
        %sub3A_589 = vector.broadcast %sub3A_588 : f32 to vector<16xf32>
        %sub3A_590 = arith.subf %sub3A_589, %mul3A_587 : vector<16xf32>
        %mul3A_591 = arith.mulf %bitcast3A_582, %sub3A_590 : vector<16xf32>
        %mul3A_592 = arith.mulf %mul3A_585, %mul3A_591 : vector<16xf32>
        %mul3A_593 = arith.mulf %mul3A_592, %mul3A_591 : vector<16xf32>
        %sub3A_594 = arith.constant 1.500000e+00 : f32
        %sub3A_595 = vector.broadcast %sub3A_594 : f32 to vector<16xf32>
        %sub3A_596 = arith.subf %sub3A_595, %mul3A_593 : vector<16xf32>
        %mul3A_597 = arith.mulf %mul3A_591, %sub3A_596 : vector<16xf32>
        %mul3A_598 = arith.mulf %mul3A_585, %mul3A_597 : vector<16xf32>
        %mul3A_599 = arith.mulf %mul3A_598, %mul3A_597 : vector<16xf32>
        %sub3A_600 = arith.constant 1.500000e+00 : f32
        %sub3A_601 = vector.broadcast %sub3A_600 : f32 to vector<16xf32>
        %sub3A_602 = arith.subf %sub3A_601, %mul3A_599 : vector<16xf32>
        %mul3A_603 = arith.mulf %mul3A_597, %sub3A_602 : vector<16xf32>
        %gt3A = arith.constant 1.000000e+00 : f32
        %gt3A_604 = vector.broadcast %gt3A : f32 to vector<16xf32>
        %gt3A_605 = arith.cmpf ogt, %select_n3A_576, %gt3A_604 : vector<16xf32>
        %jit3A = arith.constant 1.000000e+00 : f32
        %broadcast_in_dim3A_606 = vector.broadcast %jit3A : f32 to vector<16xf32>
        %select_n3A_607 = arith.select %gt3A_605, %mul3A_603, %broadcast_in_dim3A_606 : vector<16xi1>, vector<16xf32>
        %add3A_608 = arith.constant 0 : i32
        %add3A_609 = arith.addi %mul3A_211, %add3A_608 : i32
        %broadcast_in_dim3A_610 = arith.constant 0 : i32
        %broadcast_in_dim3A_611 = vector.broadcast %broadcast_in_dim3A_610 : i32 to vector<16xi32>
        %lt3A_612 = arith.constant 0 : i32
        %lt3A_613 = vector.broadcast %lt3A_612 : i32 to vector<16xi32>
        %lt3A_614 = arith.cmpi slt, %broadcast_in_dim3A_611, %lt3A_613 : vector<16xi32>
        %add3A_615 = arith.constant 16 : i32
        %add3A_616 = vector.broadcast %add3A_615 : i32 to vector<16xi32>
        %add3A_617 = arith.addi %broadcast_in_dim3A_611, %add3A_616 : vector<16xi32>
        %select_n3A_618 = arith.select %lt3A_614, %add3A_617, %broadcast_in_dim3A_611 : vector<16xi1>, vector<16xi32>
        %broadcast_in_dim3A_619 = vector.shape_cast %select_n3A_618 : vector<16xi32> to vector<16x1xi32>
        %gather3A = vector.shape_cast %broadcast_in_dim3A_619 : vector<16x1xi32> to vector<16xi32>
        %gather3A_620 = tpu.dynamic_gather %select_n3A_607[%gather3A] in [0] : vector<16xf32>, vector<16xi32> -> vector<16xf32>
        %mul3A_621 = arith.mulf %get3A_220, %gather3A_620 : vector<16xf32>
        %swap3A = arith.constant 0 : i32
        %swap3A_622 = arith.constant 0 : i32
        %swap3A_623 = tpu.memref_slice %arg11[%scan3A_178, %swap3A, %swap3A_622] : memref<2x96x64xf32, #tpu.memory_space<vmem>> -> memref<1x96x64xf32, #tpu.memory_space<vmem>>
        %swap3A_624 = tpu.memref_squeeze %swap3A_623 : memref<1x96x64xf32, #tpu.memory_space<vmem>> -> memref<96x64xf32, #tpu.memory_space<vmem>>
        %swap3A_625 = arith.index_cast %add3A_609 : i32 to index
        %swap3A_626 = arith.constant 0 : index
        %swap3A_627 = tpu.vector_load %swap3A_624[%swap3A_625, %swap3A_626] {strides = array<i32>} : memref<96x64xf32, #tpu.memory_space<vmem>>, vector<16xf32>,
        tpu.vector_store %swap3A_624[%swap3A_625, %swap3A_626], %mul3A_621 {strides = array<i32>} : memref<96x64xf32, #tpu.memory_space<vmem>>, vector<16xf32>,
        %mul3A_628 = arith.mulf %get3A_227, %gather3A_620 : vector<16xf32>
        %swap3A_629 = arith.constant 0 : i32
        %swap3A_630 = arith.constant 0 : i32
        %swap3A_631 = tpu.memref_slice %arg11[%scan3A_178, %swap3A_629, %swap3A_630] : memref<2x96x64xf32, #tpu.memory_space<vmem>> -> memref<1x96x64xf32, #tpu.memory_space<vmem>>
        %swap3A_632 = tpu.memref_squeeze %swap3A_631 : memref<1x96x64xf32, #tpu.memory_space<vmem>> -> memref<96x64xf32, #tpu.memory_space<vmem>>
        %swap3A_633 = arith.index_cast %add3A_609 : i32 to index
        %swap3A_634 = arith.constant 16 : index
        %swap3A_635 = tpu.vector_load %swap3A_632[%swap3A_633, %swap3A_634] {strides = array<i32>} : memref<96x64xf32, #tpu.memory_space<vmem>>, vector<16xf32>,
        tpu.vector_store %swap3A_632[%swap3A_633, %swap3A_634], %mul3A_628 {strides = array<i32>} : memref<96x64xf32, #tpu.memory_space<vmem>>, vector<16xf32>,
        %mul3A_636 = arith.mulf %get3A_234, %gather3A_620 : vector<16xf32>
        %swap3A_637 = arith.constant 0 : i32
        %swap3A_638 = arith.constant 0 : i32
        %swap3A_639 = tpu.memref_slice %arg11[%scan3A_178, %swap3A_637, %swap3A_638] : memref<2x96x64xf32, #tpu.memory_space<vmem>> -> memref<1x96x64xf32, #tpu.memory_space<vmem>>
        %swap3A_640 = tpu.memref_squeeze %swap3A_639 : memref<1x96x64xf32, #tpu.memory_space<vmem>> -> memref<96x64xf32, #tpu.memory_space<vmem>>
        %swap3A_641 = arith.index_cast %add3A_609 : i32 to index
        %swap3A_642 = arith.constant 32 : index
        %swap3A_643 = tpu.vector_load %swap3A_640[%swap3A_641, %swap3A_642] {strides = array<i32>} : memref<96x64xf32, #tpu.memory_space<vmem>>, vector<16xf32>,
        tpu.vector_store %swap3A_640[%swap3A_641, %swap3A_642], %mul3A_636 {strides = array<i32>} : memref<96x64xf32, #tpu.memory_space<vmem>>, vector<16xf32>,
        %mul3A_644 = arith.mulf %get3A_241, %gather3A_620 : vector<16xf32>
        %swap3A_645 = arith.constant 0 : i32
        %swap3A_646 = arith.constant 0 : i32
        %swap3A_647 = tpu.memref_slice %arg11[%scan3A_178, %swap3A_645, %swap3A_646] : memref<2x96x64xf32, #tpu.memory_space<vmem>> -> memref<1x96x64xf32, #tpu.memory_space<vmem>>
        %swap3A_648 = tpu.memref_squeeze %swap3A_647 : memref<1x96x64xf32, #tpu.memory_space<vmem>> -> memref<96x64xf32, #tpu.memory_space<vmem>>
        %swap3A_649 = arith.index_cast %add3A_609 : i32 to index
        %swap3A_650 = arith.constant 48 : index
        %swap3A_651 = tpu.vector_load %swap3A_648[%swap3A_649, %swap3A_650] {strides = array<i32>} : memref<96x64xf32, #tpu.memory_space<vmem>>, vector<16xf32>,
        tpu.vector_store %swap3A_648[%swap3A_649, %swap3A_650], %mul3A_644 {strides = array<i32>} : memref<96x64xf32, #tpu.memory_space<vmem>>, vector<16xf32>,
        %add3A_652 = arith.constant 1 : i32
        %add3A_653 = arith.addi %mul3A_211, %add3A_652 : i32
        %broadcast_in_dim3A_654 = arith.constant 1 : i32
        %broadcast_in_dim3A_655 = vector.broadcast %broadcast_in_dim3A_654 : i32 to vector<16xi32>
        %lt3A_656 = arith.constant 0 : i32
        %lt3A_657 = vector.broadcast %lt3A_656 : i32 to vector<16xi32>
        %lt3A_658 = arith.cmpi slt, %broadcast_in_dim3A_655, %lt3A_657 : vector<16xi32>
        %add3A_659 = arith.constant 16 : i32
        %add3A_660 = vector.broadcast %add3A_659 : i32 to vector<16xi32>
        %add3A_661 = arith.addi %broadcast_in_dim3A_655, %add3A_660 : vector<16xi32>
        %select_n3A_662 = arith.select %lt3A_658, %add3A_661, %broadcast_in_dim3A_655 : vector<16xi1>, vector<16xi32>
        %broadcast_in_dim3A_663 = vector.shape_cast %select_n3A_662 : vector<16xi32> to vector<16x1xi32>
        %gather3A_664 = vector.shape_cast %broadcast_in_dim3A_663 : vector<16x1xi32> to vector<16xi32>
        %gather3A_665 = tpu.dynamic_gather %select_n3A_607[%gather3A_664] in [0] : vector<16xf32>, vector<16xi32> -> vector<16xf32>
        %mul3A_666 = arith.mulf %get3A_263, %gather3A_665 : vector<16xf32>
        %swap3A_667 = arith.constant 0 : i32
        %swap3A_668 = arith.constant 0 : i32
        %swap3A_669 = tpu.memref_slice %arg11[%scan3A_178, %swap3A_667, %swap3A_668] : memref<2x96x64xf32, #tpu.memory_space<vmem>> -> memref<1x96x64xf32, #tpu.memory_space<vmem>>
        %swap3A_670 = tpu.memref_squeeze %swap3A_669 : memref<1x96x64xf32, #tpu.memory_space<vmem>> -> memref<96x64xf32, #tpu.memory_space<vmem>>
        %swap3A_671 = arith.index_cast %add3A_653 : i32 to index
        %swap3A_672 = arith.constant 0 : index
        %swap3A_673 = tpu.vector_load %swap3A_670[%swap3A_671, %swap3A_672] {strides = array<i32>} : memref<96x64xf32, #tpu.memory_space<vmem>>, vector<16xf32>,
        tpu.vector_store %swap3A_670[%swap3A_671, %swap3A_672], %mul3A_666 {strides = array<i32>} : memref<96x64xf32, #tpu.memory_space<vmem>>, vector<16xf32>,
        %mul3A_674 = arith.mulf %get3A_270, %gather3A_665 : vector<16xf32>
        %swap3A_675 = arith.constant 0 : i32
        %swap3A_676 = arith.constant 0 : i32
        %swap3A_677 = tpu.memref_slice %arg11[%scan3A_178, %swap3A_675, %swap3A_676] : memref<2x96x64xf32, #tpu.memory_space<vmem>> -> memref<1x96x64xf32, #tpu.memory_space<vmem>>
        %swap3A_678 = tpu.memref_squeeze %swap3A_677 : memref<1x96x64xf32, #tpu.memory_space<vmem>> -> memref<96x64xf32, #tpu.memory_space<vmem>>
        %swap3A_679 = arith.index_cast %add3A_653 : i32 to index
        %swap3A_680 = arith.constant 16 : index
        %swap3A_681 = tpu.vector_load %swap3A_678[%swap3A_679, %swap3A_680] {strides = array<i32>} : memref<96x64xf32, #tpu.memory_space<vmem>>, vector<16xf32>,
        tpu.vector_store %swap3A_678[%swap3A_679, %swap3A_680], %mul3A_674 {strides = array<i32>} : memref<96x64xf32, #tpu.memory_space<vmem>>, vector<16xf32>,
        %mul3A_682 = arith.mulf %get3A_277, %gather3A_665 : vector<16xf32>
        %swap3A_683 = arith.constant 0 : i32
        %swap3A_684 = arith.constant 0 : i32
        %swap3A_685 = tpu.memref_slice %arg11[%scan3A_178, %swap3A_683, %swap3A_684] : memref<2x96x64xf32, #tpu.memory_space<vmem>> -> memref<1x96x64xf32, #tpu.memory_space<vmem>>
        %swap3A_686 = tpu.memref_squeeze %swap3A_685 : memref<1x96x64xf32, #tpu.memory_space<vmem>> -> memref<96x64xf32, #tpu.memory_space<vmem>>
        %swap3A_687 = arith.index_cast %add3A_653 : i32 to index
        %swap3A_688 = arith.constant 32 : index
        %swap3A_689 = tpu.vector_load %swap3A_686[%swap3A_687, %swap3A_688] {strides = array<i32>} : memref<96x64xf32, #tpu.memory_space<vmem>>, vector<16xf32>,
        tpu.vector_store %swap3A_686[%swap3A_687, %swap3A_688], %mul3A_682 {strides = array<i32>} : memref<96x64xf32, #tpu.memory_space<vmem>>, vector<16xf32>,
        %mul3A_690 = arith.mulf %get3A_284, %gather3A_665 : vector<16xf32>
        %swap3A_691 = arith.constant 0 : i32
        %swap3A_692 = arith.constant 0 : i32
        %swap3A_693 = tpu.memref_slice %arg11[%scan3A_178, %swap3A_691, %swap3A_692] : memref<2x96x64xf32, #tpu.memory_space<vmem>> -> memref<1x96x64xf32, #tpu.memory_space<vmem>>
        %swap3A_694 = tpu.memref_squeeze %swap3A_693 : memref<1x96x64xf32, #tpu.memory_space<vmem>> -> memref<96x64xf32, #tpu.memory_space<vmem>>
        %swap3A_695 = arith.index_cast %add3A_653 : i32 to index
        %swap3A_696 = arith.constant 48 : index
        %swap3A_697 = tpu.vector_load %swap3A_694[%swap3A_695, %swap3A_696] {strides = array<i32>} : memref<96x64xf32, #tpu.memory_space<vmem>>, vector<16xf32>,
        tpu.vector_store %swap3A_694[%swap3A_695, %swap3A_696], %mul3A_690 {strides = array<i32>} : memref<96x64xf32, #tpu.memory_space<vmem>>, vector<16xf32>,
        %add3A_698 = arith.constant 2 : i32
        %add3A_699 = arith.addi %mul3A_211, %add3A_698 : i32
        %broadcast_in_dim3A_700 = arith.constant 2 : i32
        %broadcast_in_dim3A_701 = vector.broadcast %broadcast_in_dim3A_700 : i32 to vector<16xi32>
        %lt3A_702 = arith.constant 0 : i32
        %lt3A_703 = vector.broadcast %lt3A_702 : i32 to vector<16xi32>
        %lt3A_704 = arith.cmpi slt, %broadcast_in_dim3A_701, %lt3A_703 : vector<16xi32>
        %add3A_705 = arith.constant 16 : i32
        %add3A_706 = vector.broadcast %add3A_705 : i32 to vector<16xi32>
        %add3A_707 = arith.addi %broadcast_in_dim3A_701, %add3A_706 : vector<16xi32>
        %select_n3A_708 = arith.select %lt3A_704, %add3A_707, %broadcast_in_dim3A_701 : vector<16xi1>, vector<16xi32>
        %broadcast_in_dim3A_709 = vector.shape_cast %select_n3A_708 : vector<16xi32> to vector<16x1xi32>
        %gather3A_710 = vector.shape_cast %broadcast_in_dim3A_709 : vector<16x1xi32> to vector<16xi32>
        %gather3A_711 = tpu.dynamic_gather %select_n3A_607[%gather3A_710] in [0] : vector<16xf32>, vector<16xi32> -> vector<16xf32>
        %mul3A_712 = arith.mulf %get3A_309, %gather3A_711 : vector<16xf32>
        %swap3A_713 = arith.constant 0 : i32
        %swap3A_714 = arith.constant 0 : i32
        %swap3A_715 = tpu.memref_slice %arg11[%scan3A_178, %swap3A_713, %swap3A_714] : memref<2x96x64xf32, #tpu.memory_space<vmem>> -> memref<1x96x64xf32, #tpu.memory_space<vmem>>
        %swap3A_716 = tpu.memref_squeeze %swap3A_715 : memref<1x96x64xf32, #tpu.memory_space<vmem>> -> memref<96x64xf32, #tpu.memory_space<vmem>>
        %swap3A_717 = arith.index_cast %add3A_699 : i32 to index
        %swap3A_718 = arith.constant 0 : index
        %swap3A_719 = tpu.vector_load %swap3A_716[%swap3A_717, %swap3A_718] {strides = array<i32>} : memref<96x64xf32, #tpu.memory_space<vmem>>, vector<16xf32>,
        tpu.vector_store %swap3A_716[%swap3A_717, %swap3A_718], %mul3A_712 {strides = array<i32>} : memref<96x64xf32, #tpu.memory_space<vmem>>, vector<16xf32>,
        %mul3A_720 = arith.mulf %get3A_316, %gather3A_711 : vector<16xf32>
        %swap3A_721 = arith.constant 0 : i32
        %swap3A_722 = arith.constant 0 : i32
        %swap3A_723 = tpu.memref_slice %arg11[%scan3A_178, %swap3A_721, %swap3A_722] : memref<2x96x64xf32, #tpu.memory_space<vmem>> -> memref<1x96x64xf32, #tpu.memory_space<vmem>>
        %swap3A_724 = tpu.memref_squeeze %swap3A_723 : memref<1x96x64xf32, #tpu.memory_space<vmem>> -> memref<96x64xf32, #tpu.memory_space<vmem>>
        %swap3A_725 = arith.index_cast %add3A_699 : i32 to index
        %swap3A_726 = arith.constant 16 : index
        %swap3A_727 = tpu.vector_load %swap3A_724[%swap3A_725, %swap3A_726] {strides = array<i32>} : memref<96x64xf32, #tpu.memory_space<vmem>>, vector<16xf32>,
        tpu.vector_store %swap3A_724[%swap3A_725, %swap3A_726], %mul3A_720 {strides = array<i32>} : memref<96x64xf32, #tpu.memory_space<vmem>>, vector<16xf32>,
        %mul3A_728 = arith.mulf %get3A_323, %gather3A_711 : vector<16xf32>
        %swap3A_729 = arith.constant 0 : i32
        %swap3A_730 = arith.constant 0 : i32
        %swap3A_731 = tpu.memref_slice %arg11[%scan3A_178, %swap3A_729, %swap3A_730] : memref<2x96x64xf32, #tpu.memory_space<vmem>> -> memref<1x96x64xf32, #tpu.memory_space<vmem>>
        %swap3A_732 = tpu.memref_squeeze %swap3A_731 : memref<1x96x64xf32, #tpu.memory_space<vmem>> -> memref<96x64xf32, #tpu.memory_space<vmem>>
        %swap3A_733 = arith.index_cast %add3A_699 : i32 to index
        %swap3A_734 = arith.constant 32 : index
        %swap3A_735 = tpu.vector_load %swap3A_732[%swap3A_733, %swap3A_734] {strides = array<i32>} : memref<96x64xf32, #tpu.memory_space<vmem>>, vector<16xf32>,
        tpu.vector_store %swap3A_732[%swap3A_733, %swap3A_734], %mul3A_728 {strides = array<i32>} : memref<96x64xf32, #tpu.memory_space<vmem>>, vector<16xf32>,
        %mul3A_736 = arith.mulf %get3A_330, %gather3A_711 : vector<16xf32>
        %swap3A_737 = arith.constant 0 : i32
        %swap3A_738 = arith.constant 0 : i32
        %swap3A_739 = tpu.memref_slice %arg11[%scan3A_178, %swap3A_737, %swap3A_738] : memref<2x96x64xf32, #tpu.memory_space<vmem>> -> memref<1x96x64xf32, #tpu.memory_space<vmem>>
        %swap3A_740 = tpu.memref_squeeze %swap3A_739 : memref<1x96x64xf32, #tpu.memory_space<vmem>> -> memref<96x64xf32, #tpu.memory_space<vmem>>
        %swap3A_741 = arith.index_cast %add3A_699 : i32 to index
        %swap3A_742 = arith.constant 48 : index
        %swap3A_743 = tpu.vector_load %swap3A_740[%swap3A_741, %swap3A_742] {strides = array<i32>} : memref<96x64xf32, #tpu.memory_space<vmem>>, vector<16xf32>,
        tpu.vector_store %swap3A_740[%swap3A_741, %swap3A_742], %mul3A_736 {strides = array<i32>} : memref<96x64xf32, #tpu.memory_space<vmem>>, vector<16xf32>,
        %add3A_744 = arith.constant 3 : i32
        %add3A_745 = arith.addi %mul3A_211, %add3A_744 : i32
        %broadcast_in_dim3A_746 = arith.constant 3 : i32
        %broadcast_in_dim3A_747 = vector.broadcast %broadcast_in_dim3A_746 : i32 to vector<16xi32>
        %lt3A_748 = arith.constant 0 : i32
        %lt3A_749 = vector.broadcast %lt3A_748 : i32 to vector<16xi32>
        %lt3A_750 = arith.cmpi slt, %broadcast_in_dim3A_747, %lt3A_749 : vector<16xi32>
        %add3A_751 = arith.constant 16 : i32
        %add3A_752 = vector.broadcast %add3A_751 : i32 to vector<16xi32>
        %add3A_753 = arith.addi %broadcast_in_dim3A_747, %add3A_752 : vector<16xi32>
        %select_n3A_754 = arith.select %lt3A_750, %add3A_753, %broadcast_in_dim3A_747 : vector<16xi1>, vector<16xi32>
        %broadcast_in_dim3A_755 = vector.shape_cast %select_n3A_754 : vector<16xi32> to vector<16x1xi32>
        %gather3A_756 = vector.shape_cast %broadcast_in_dim3A_755 : vector<16x1xi32> to vector<16xi32>
        %gather3A_757 = tpu.dynamic_gather %select_n3A_607[%gather3A_756] in [0] : vector<16xf32>, vector<16xi32> -> vector<16xf32>
        %mul3A_758 = arith.mulf %get3A_355, %gather3A_757 : vector<16xf32>
        %swap3A_759 = arith.constant 0 : i32
        %swap3A_760 = arith.constant 0 : i32
        %swap3A_761 = tpu.memref_slice %arg11[%scan3A_178, %swap3A_759, %swap3A_760] : memref<2x96x64xf32, #tpu.memory_space<vmem>> -> memref<1x96x64xf32, #tpu.memory_space<vmem>>
        %swap3A_762 = tpu.memref_squeeze %swap3A_761 : memref<1x96x64xf32, #tpu.memory_space<vmem>> -> memref<96x64xf32, #tpu.memory_space<vmem>>
        %swap3A_763 = arith.index_cast %add3A_745 : i32 to index
        %swap3A_764 = arith.constant 0 : index
        %swap3A_765 = tpu.vector_load %swap3A_762[%swap3A_763, %swap3A_764] {strides = array<i32>} : memref<96x64xf32, #tpu.memory_space<vmem>>, vector<16xf32>,
        tpu.vector_store %swap3A_762[%swap3A_763, %swap3A_764], %mul3A_758 {strides = array<i32>} : memref<96x64xf32, #tpu.memory_space<vmem>>, vector<16xf32>,
        %mul3A_766 = arith.mulf %get3A_362, %gather3A_757 : vector<16xf32>
        %swap3A_767 = arith.constant 0 : i32
        %swap3A_768 = arith.constant 0 : i32
        %swap3A_769 = tpu.memref_slice %arg11[%scan3A_178, %swap3A_767, %swap3A_768] : memref<2x96x64xf32, #tpu.memory_space<vmem>> -> memref<1x96x64xf32, #tpu.memory_space<vmem>>
        %swap3A_770 = tpu.memref_squeeze %swap3A_769 : memref<1x96x64xf32, #tpu.memory_space<vmem>> -> memref<96x64xf32, #tpu.memory_space<vmem>>
        %swap3A_771 = arith.index_cast %add3A_745 : i32 to index
        %swap3A_772 = arith.constant 16 : index
        %swap3A_773 = tpu.vector_load %swap3A_770[%swap3A_771, %swap3A_772] {strides = array<i32>} : memref<96x64xf32, #tpu.memory_space<vmem>>, vector<16xf32>,
        tpu.vector_store %swap3A_770[%swap3A_771, %swap3A_772], %mul3A_766 {strides = array<i32>} : memref<96x64xf32, #tpu.memory_space<vmem>>, vector<16xf32>,
        %mul3A_774 = arith.mulf %get3A_369, %gather3A_757 : vector<16xf32>
        %swap3A_775 = arith.constant 0 : i32
        %swap3A_776 = arith.constant 0 : i32
        %swap3A_777 = tpu.memref_slice %arg11[%scan3A_178, %swap3A_775, %swap3A_776] : memref<2x96x64xf32, #tpu.memory_space<vmem>> -> memref<1x96x64xf32, #tpu.memory_space<vmem>>
        %swap3A_778 = tpu.memref_squeeze %swap3A_777 : memref<1x96x64xf32, #tpu.memory_space<vmem>> -> memref<96x64xf32, #tpu.memory_space<vmem>>
        %swap3A_779 = arith.index_cast %add3A_745 : i32 to index
        %swap3A_780 = arith.constant 32 : index
        %swap3A_781 = tpu.vector_load %swap3A_778[%swap3A_779, %swap3A_780] {strides = array<i32>} : memref<96x64xf32, #tpu.memory_space<vmem>>, vector<16xf32>,
        tpu.vector_store %swap3A_778[%swap3A_779, %swap3A_780], %mul3A_774 {strides = array<i32>} : memref<96x64xf32, #tpu.memory_space<vmem>>, vector<16xf32>,
        %mul3A_782 = arith.mulf %get3A_376, %gather3A_757 : vector<16xf32>
        %swap3A_783 = arith.constant 0 : i32
        %swap3A_784 = arith.constant 0 : i32
        %swap3A_785 = tpu.memref_slice %arg11[%scan3A_178, %swap3A_783, %swap3A_784] : memref<2x96x64xf32, #tpu.memory_space<vmem>> -> memref<1x96x64xf32, #tpu.memory_space<vmem>>
        %swap3A_786 = tpu.memref_squeeze %swap3A_785 : memref<1x96x64xf32, #tpu.memory_space<vmem>> -> memref<96x64xf32, #tpu.memory_space<vmem>>
        %swap3A_787 = arith.index_cast %add3A_745 : i32 to index
        %swap3A_788 = arith.constant 48 : index
        %swap3A_789 = tpu.vector_load %swap3A_786[%swap3A_787, %swap3A_788] {strides = array<i32>} : memref<96x64xf32, #tpu.memory_space<vmem>>, vector<16xf32>,
        tpu.vector_store %swap3A_786[%swap3A_787, %swap3A_788], %mul3A_782 {strides = array<i32>} : memref<96x64xf32, #tpu.memory_space<vmem>>, vector<16xf32>,
        %add3A_790 = arith.constant 4 : i32
        %add3A_791 = arith.addi %mul3A_211, %add3A_790 : i32
        %broadcast_in_dim3A_792 = arith.constant 4 : i32
        %broadcast_in_dim3A_793 = vector.broadcast %broadcast_in_dim3A_792 : i32 to vector<16xi32>
        %lt3A_794 = arith.constant 0 : i32
        %lt3A_795 = vector.broadcast %lt3A_794 : i32 to vector<16xi32>
        %lt3A_796 = arith.cmpi slt, %broadcast_in_dim3A_793, %lt3A_795 : vector<16xi32>
        %add3A_797 = arith.constant 16 : i32
        %add3A_798 = vector.broadcast %add3A_797 : i32 to vector<16xi32>
        %add3A_799 = arith.addi %broadcast_in_dim3A_793, %add3A_798 : vector<16xi32>
        %select_n3A_800 = arith.select %lt3A_796, %add3A_799, %broadcast_in_dim3A_793 : vector<16xi1>, vector<16xi32>
        %broadcast_in_dim3A_801 = vector.shape_cast %select_n3A_800 : vector<16xi32> to vector<16x1xi32>
        %gather3A_802 = vector.shape_cast %broadcast_in_dim3A_801 : vector<16x1xi32> to vector<16xi32>
        %gather3A_803 = tpu.dynamic_gather %select_n3A_607[%gather3A_802] in [0] : vector<16xf32>, vector<16xi32> -> vector<16xf32>
        %mul3A_804 = arith.mulf %get3A_401, %gather3A_803 : vector<16xf32>
        %swap3A_805 = arith.constant 0 : i32
        %swap3A_806 = arith.constant 0 : i32
        %swap3A_807 = tpu.memref_slice %arg11[%scan3A_178, %swap3A_805, %swap3A_806] : memref<2x96x64xf32, #tpu.memory_space<vmem>> -> memref<1x96x64xf32, #tpu.memory_space<vmem>>
        %swap3A_808 = tpu.memref_squeeze %swap3A_807 : memref<1x96x64xf32, #tpu.memory_space<vmem>> -> memref<96x64xf32, #tpu.memory_space<vmem>>
        %swap3A_809 = arith.index_cast %add3A_791 : i32 to index
        %swap3A_810 = arith.constant 0 : index
        %swap3A_811 = tpu.vector_load %swap3A_808[%swap3A_809, %swap3A_810] {strides = array<i32>} : memref<96x64xf32, #tpu.memory_space<vmem>>, vector<16xf32>,
        tpu.vector_store %swap3A_808[%swap3A_809, %swap3A_810], %mul3A_804 {strides = array<i32>} : memref<96x64xf32, #tpu.memory_space<vmem>>, vector<16xf32>,
        %mul3A_812 = arith.mulf %get3A_408, %gather3A_803 : vector<16xf32>
        %swap3A_813 = arith.constant 0 : i32
        %swap3A_814 = arith.constant 0 : i32
        %swap3A_815 = tpu.memref_slice %arg11[%scan3A_178, %swap3A_813, %swap3A_814] : memref<2x96x64xf32, #tpu.memory_space<vmem>> -> memref<1x96x64xf32, #tpu.memory_space<vmem>>
        %swap3A_816 = tpu.memref_squeeze %swap3A_815 : memref<1x96x64xf32, #tpu.memory_space<vmem>> -> memref<96x64xf32, #tpu.memory_space<vmem>>
        %swap3A_817 = arith.index_cast %add3A_791 : i32 to index
        %swap3A_818 = arith.constant 16 : index
        %swap3A_819 = tpu.vector_load %swap3A_816[%swap3A_817, %swap3A_818] {strides = array<i32>} : memref<96x64xf32, #tpu.memory_space<vmem>>, vector<16xf32>,
        tpu.vector_store %swap3A_816[%swap3A_817, %swap3A_818], %mul3A_812 {strides = array<i32>} : memref<96x64xf32, #tpu.memory_space<vmem>>, vector<16xf32>,
        %mul3A_820 = arith.mulf %get3A_415, %gather3A_803 : vector<16xf32>
        %swap3A_821 = arith.constant 0 : i32
        %swap3A_822 = arith.constant 0 : i32
        %swap3A_823 = tpu.memref_slice %arg11[%scan3A_178, %swap3A_821, %swap3A_822] : memref<2x96x64xf32, #tpu.memory_space<vmem>> -> memref<1x96x64xf32, #tpu.memory_space<vmem>>
        %swap3A_824 = tpu.memref_squeeze %swap3A_823 : memref<1x96x64xf32, #tpu.memory_space<vmem>> -> memref<96x64xf32, #tpu.memory_space<vmem>>
        %swap3A_825 = arith.index_cast %add3A_791 : i32 to index
        %swap3A_826 = arith.constant 32 : index
        %swap3A_827 = tpu.vector_load %swap3A_824[%swap3A_825, %swap3A_826] {strides = array<i32>} : memref<96x64xf32, #tpu.memory_space<vmem>>, vector<16xf32>,
        tpu.vector_store %swap3A_824[%swap3A_825, %swap3A_826], %mul3A_820 {strides = array<i32>} : memref<96x64xf32, #tpu.memory_space<vmem>>, vector<16xf32>,
        %mul3A_828 = arith.mulf %get3A_422, %gather3A_803 : vector<16xf32>
        %swap3A_829 = arith.constant 0 : i32
        %swap3A_830 = arith.constant 0 : i32
        %swap3A_831 = tpu.memref_slice %arg11[%scan3A_178, %swap3A_829, %swap3A_830] : memref<2x96x64xf32, #tpu.memory_space<vmem>> -> memref<1x96x64xf32, #tpu.memory_space<vmem>>
        %swap3A_832 = tpu.memref_squeeze %swap3A_831 : memref<1x96x64xf32, #tpu.memory_space<vmem>> -> memref<96x64xf32, #tpu.memory_space<vmem>>
        %swap3A_833 = arith.index_cast %add3A_791 : i32 to index
        %swap3A_834 = arith.constant 48 : index
        %swap3A_835 = tpu.vector_load %swap3A_832[%swap3A_833, %swap3A_834] {strides = array<i32>} : memref<96x64xf32, #tpu.memory_space<vmem>>, vector<16xf32>,
        tpu.vector_store %swap3A_832[%swap3A_833, %swap3A_834], %mul3A_828 {strides = array<i32>} : memref<96x64xf32, #tpu.memory_space<vmem>>, vector<16xf32>,
        %add3A_836 = arith.constant 5 : i32
        %add3A_837 = arith.addi %mul3A_211, %add3A_836 : i32
        %broadcast_in_dim3A_838 = arith.constant 5 : i32
        %broadcast_in_dim3A_839 = vector.broadcast %broadcast_in_dim3A_838 : i32 to vector<16xi32>
        %lt3A_840 = arith.constant 0 : i32
        %lt3A_841 = vector.broadcast %lt3A_840 : i32 to vector<16xi32>
        %lt3A_842 = arith.cmpi slt, %broadcast_in_dim3A_839, %lt3A_841 : vector<16xi32>
        %add3A_843 = arith.constant 16 : i32
        %add3A_844 = vector.broadcast %add3A_843 : i32 to vector<16xi32>
        %add3A_845 = arith.addi %broadcast_in_dim3A_839, %add3A_844 : vector<16xi32>
        %select_n3A_846 = arith.select %lt3A_842, %add3A_845, %broadcast_in_dim3A_839 : vector<16xi1>, vector<16xi32>
        %broadcast_in_dim3A_847 = vector.shape_cast %select_n3A_846 : vector<16xi32> to vector<16x1xi32>
        %gather3A_848 = vector.shape_cast %broadcast_in_dim3A_847 : vector<16x1xi32> to vector<16xi32>
        %gather3A_849 = tpu.dynamic_gather %select_n3A_607[%gather3A_848] in [0] : vector<16xf32>, vector<16xi32> -> vector<16xf32>
        %mul3A_850 = arith.mulf %get3A_447, %gather3A_849 : vector<16xf32>
        %swap3A_851 = arith.constant 0 : i32
        %swap3A_852 = arith.constant 0 : i32
        %swap3A_853 = tpu.memref_slice %arg11[%scan3A_178, %swap3A_851, %swap3A_852] : memref<2x96x64xf32, #tpu.memory_space<vmem>> -> memref<1x96x64xf32, #tpu.memory_space<vmem>>
        %swap3A_854 = tpu.memref_squeeze %swap3A_853 : memref<1x96x64xf32, #tpu.memory_space<vmem>> -> memref<96x64xf32, #tpu.memory_space<vmem>>
        %swap3A_855 = arith.index_cast %add3A_837 : i32 to index
        %swap3A_856 = arith.constant 0 : index
        %swap3A_857 = tpu.vector_load %swap3A_854[%swap3A_855, %swap3A_856] {strides = array<i32>} : memref<96x64xf32, #tpu.memory_space<vmem>>, vector<16xf32>,
        tpu.vector_store %swap3A_854[%swap3A_855, %swap3A_856], %mul3A_850 {strides = array<i32>} : memref<96x64xf32, #tpu.memory_space<vmem>>, vector<16xf32>,
        %mul3A_858 = arith.mulf %get3A_454, %gather3A_849 : vector<16xf32>
        %swap3A_859 = arith.constant 0 : i32
        %swap3A_860 = arith.constant 0 : i32
        %swap3A_861 = tpu.memref_slice %arg11[%scan3A_178, %swap3A_859, %swap3A_860] : memref<2x96x64xf32, #tpu.memory_space<vmem>> -> memref<1x96x64xf32, #tpu.memory_space<vmem>>
        %swap3A_862 = tpu.memref_squeeze %swap3A_861 : memref<1x96x64xf32, #tpu.memory_space<vmem>> -> memref<96x64xf32, #tpu.memory_space<vmem>>
        %swap3A_863 = arith.index_cast %add3A_837 : i32 to index
        %swap3A_864 = arith.constant 16 : index
        %swap3A_865 = tpu.vector_load %swap3A_862[%swap3A_863, %swap3A_864] {strides = array<i32>} : memref<96x64xf32, #tpu.memory_space<vmem>>, vector<16xf32>,
        tpu.vector_store %swap3A_862[%swap3A_863, %swap3A_864], %mul3A_858 {strides = array<i32>} : memref<96x64xf32, #tpu.memory_space<vmem>>, vector<16xf32>,
        %mul3A_866 = arith.mulf %get3A_461, %gather3A_849 : vector<16xf32>
        %swap3A_867 = arith.constant 0 : i32
        %swap3A_868 = arith.constant 0 : i32
        %swap3A_869 = tpu.memref_slice %arg11[%scan3A_178, %swap3A_867, %swap3A_868] : memref<2x96x64xf32, #tpu.memory_space<vmem>> -> memref<1x96x64xf32, #tpu.memory_space<vmem>>
        %swap3A_870 = tpu.memref_squeeze %swap3A_869 : memref<1x96x64xf32, #tpu.memory_space<vmem>> -> memref<96x64xf32, #tpu.memory_space<vmem>>
        %swap3A_871 = arith.index_cast %add3A_837 : i32 to index
        %swap3A_872 = arith.constant 32 : index
        %swap3A_873 = tpu.vector_load %swap3A_870[%swap3A_871, %swap3A_872] {strides = array<i32>} : memref<96x64xf32, #tpu.memory_space<vmem>>, vector<16xf32>,
        tpu.vector_store %swap3A_870[%swap3A_871, %swap3A_872], %mul3A_866 {strides = array<i32>} : memref<96x64xf32, #tpu.memory_space<vmem>>, vector<16xf32>,
        %mul3A_874 = arith.mulf %get3A_468, %gather3A_849 : vector<16xf32>
        %swap3A_875 = arith.constant 0 : i32
        %swap3A_876 = arith.constant 0 : i32
        %swap3A_877 = tpu.memref_slice %arg11[%scan3A_178, %swap3A_875, %swap3A_876] : memref<2x96x64xf32, #tpu.memory_space<vmem>> -> memref<1x96x64xf32, #tpu.memory_space<vmem>>
        %swap3A_878 = tpu.memref_squeeze %swap3A_877 : memref<1x96x64xf32, #tpu.memory_space<vmem>> -> memref<96x64xf32, #tpu.memory_space<vmem>>
        %swap3A_879 = arith.index_cast %add3A_837 : i32 to index
        %swap3A_880 = arith.constant 48 : index
        %swap3A_881 = tpu.vector_load %swap3A_878[%swap3A_879, %swap3A_880] {strides = array<i32>} : memref<96x64xf32, #tpu.memory_space<vmem>>, vector<16xf32>,
        tpu.vector_store %swap3A_878[%swap3A_879, %swap3A_880], %mul3A_874 {strides = array<i32>} : memref<96x64xf32, #tpu.memory_space<vmem>>, vector<16xf32>,
        %add3A_882 = arith.constant 6 : i32
        %add3A_883 = arith.addi %mul3A_211, %add3A_882 : i32
        %broadcast_in_dim3A_884 = arith.constant 6 : i32
        %broadcast_in_dim3A_885 = vector.broadcast %broadcast_in_dim3A_884 : i32 to vector<16xi32>
        %lt3A_886 = arith.constant 0 : i32
        %lt3A_887 = vector.broadcast %lt3A_886 : i32 to vector<16xi32>
        %lt3A_888 = arith.cmpi slt, %broadcast_in_dim3A_885, %lt3A_887 : vector<16xi32>
        %add3A_889 = arith.constant 16 : i32
        %add3A_890 = vector.broadcast %add3A_889 : i32 to vector<16xi32>
        %add3A_891 = arith.addi %broadcast_in_dim3A_885, %add3A_890 : vector<16xi32>
        %select_n3A_892 = arith.select %lt3A_888, %add3A_891, %broadcast_in_dim3A_885 : vector<16xi1>, vector<16xi32>
        %broadcast_in_dim3A_893 = vector.shape_cast %select_n3A_892 : vector<16xi32> to vector<16x1xi32>
        %gather3A_894 = vector.shape_cast %broadcast_in_dim3A_893 : vector<16x1xi32> to vector<16xi32>
        %gather3A_895 = tpu.dynamic_gather %select_n3A_607[%gather3A_894] in [0] : vector<16xf32>, vector<16xi32> -> vector<16xf32>
        %mul3A_896 = arith.mulf %get3A_493, %gather3A_895 : vector<16xf32>
        %swap3A_897 = arith.constant 0 : i32
        %swap3A_898 = arith.constant 0 : i32
        %swap3A_899 = tpu.memref_slice %arg11[%scan3A_178, %swap3A_897, %swap3A_898] : memref<2x96x64xf32, #tpu.memory_space<vmem>> -> memref<1x96x64xf32, #tpu.memory_space<vmem>>
        %swap3A_900 = tpu.memref_squeeze %swap3A_899 : memref<1x96x64xf32, #tpu.memory_space<vmem>> -> memref<96x64xf32, #tpu.memory_space<vmem>>
        %swap3A_901 = arith.index_cast %add3A_883 : i32 to index
        %swap3A_902 = arith.constant 0 : index
        %swap3A_903 = tpu.vector_load %swap3A_900[%swap3A_901, %swap3A_902] {strides = array<i32>} : memref<96x64xf32, #tpu.memory_space<vmem>>, vector<16xf32>,
        tpu.vector_store %swap3A_900[%swap3A_901, %swap3A_902], %mul3A_896 {strides = array<i32>} : memref<96x64xf32, #tpu.memory_space<vmem>>, vector<16xf32>,
        %mul3A_904 = arith.mulf %get3A_500, %gather3A_895 : vector<16xf32>
        %swap3A_905 = arith.constant 0 : i32
        %swap3A_906 = arith.constant 0 : i32
        %swap3A_907 = tpu.memref_slice %arg11[%scan3A_178, %swap3A_905, %swap3A_906] : memref<2x96x64xf32, #tpu.memory_space<vmem>> -> memref<1x96x64xf32, #tpu.memory_space<vmem>>
        %swap3A_908 = tpu.memref_squeeze %swap3A_907 : memref<1x96x64xf32, #tpu.memory_space<vmem>> -> memref<96x64xf32, #tpu.memory_space<vmem>>
        %swap3A_909 = arith.index_cast %add3A_883 : i32 to index
        %swap3A_910 = arith.constant 16 : index
        %swap3A_911 = tpu.vector_load %swap3A_908[%swap3A_909, %swap3A_910] {strides = array<i32>} : memref<96x64xf32, #tpu.memory_space<vmem>>, vector<16xf32>,
        tpu.vector_store %swap3A_908[%swap3A_909, %swap3A_910], %mul3A_904 {strides = array<i32>} : memref<96x64xf32, #tpu.memory_space<vmem>>, vector<16xf32>,
        %mul3A_912 = arith.mulf %get3A_507, %gather3A_895 : vector<16xf32>
        %swap3A_913 = arith.constant 0 : i32
        %swap3A_914 = arith.constant 0 : i32
        %swap3A_915 = tpu.memref_slice %arg11[%scan3A_178, %swap3A_913, %swap3A_914] : memref<2x96x64xf32, #tpu.memory_space<vmem>> -> memref<1x96x64xf32, #tpu.memory_space<vmem>>
        %swap3A_916 = tpu.memref_squeeze %swap3A_915 : memref<1x96x64xf32, #tpu.memory_space<vmem>> -> memref<96x64xf32, #tpu.memory_space<vmem>>
        %swap3A_917 = arith.index_cast %add3A_883 : i32 to index
        %swap3A_918 = arith.constant 32 : index
        %swap3A_919 = tpu.vector_load %swap3A_916[%swap3A_917, %swap3A_918] {strides = array<i32>} : memref<96x64xf32, #tpu.memory_space<vmem>>, vector<16xf32>,
        tpu.vector_store %swap3A_916[%swap3A_917, %swap3A_918], %mul3A_912 {strides = array<i32>} : memref<96x64xf32, #tpu.memory_space<vmem>>, vector<16xf32>,
        %mul3A_920 = arith.mulf %get3A_514, %gather3A_895 : vector<16xf32>
        %swap3A_921 = arith.constant 0 : i32
        %swap3A_922 = arith.constant 0 : i32
        %swap3A_923 = tpu.memref_slice %arg11[%scan3A_178, %swap3A_921, %swap3A_922] : memref<2x96x64xf32, #tpu.memory_space<vmem>> -> memref<1x96x64xf32, #tpu.memory_space<vmem>>
        %swap3A_924 = tpu.memref_squeeze %swap3A_923 : memref<1x96x64xf32, #tpu.memory_space<vmem>> -> memref<96x64xf32, #tpu.memory_space<vmem>>
        %swap3A_925 = arith.index_cast %add3A_883 : i32 to index
        %swap3A_926 = arith.constant 48 : index
        %swap3A_927 = tpu.vector_load %swap3A_924[%swap3A_925, %swap3A_926] {strides = array<i32>} : memref<96x64xf32, #tpu.memory_space<vmem>>, vector<16xf32>,
        tpu.vector_store %swap3A_924[%swap3A_925, %swap3A_926], %mul3A_920 {strides = array<i32>} : memref<96x64xf32, #tpu.memory_space<vmem>>, vector<16xf32>,
        %add3A_928 = arith.constant 7 : i32
        %add3A_929 = arith.addi %mul3A_211, %add3A_928 : i32
        %broadcast_in_dim3A_930 = arith.constant 7 : i32
        %broadcast_in_dim3A_931 = vector.broadcast %broadcast_in_dim3A_930 : i32 to vector<16xi32>
        %lt3A_932 = arith.constant 0 : i32
        %lt3A_933 = vector.broadcast %lt3A_932 : i32 to vector<16xi32>
        %lt3A_934 = arith.cmpi slt, %broadcast_in_dim3A_931, %lt3A_933 : vector<16xi32>
        %add3A_935 = arith.constant 16 : i32
        %add3A_936 = vector.broadcast %add3A_935 : i32 to vector<16xi32>
        %add3A_937 = arith.addi %broadcast_in_dim3A_931, %add3A_936 : vector<16xi32>
        %select_n3A_938 = arith.select %lt3A_934, %add3A_937, %broadcast_in_dim3A_931 : vector<16xi1>, vector<16xi32>
        %broadcast_in_dim3A_939 = vector.shape_cast %select_n3A_938 : vector<16xi32> to vector<16x1xi32>
        %gather3A_940 = vector.shape_cast %broadcast_in_dim3A_939 : vector<16x1xi32> to vector<16xi32>
        %gather3A_941 = tpu.dynamic_gather %select_n3A_607[%gather3A_940] in [0] : vector<16xf32>, vector<16xi32> -> vector<16xf32>
        %mul3A_942 = arith.mulf %get3A_539, %gather3A_941 : vector<16xf32>
        %swap3A_943 = arith.constant 0 : i32
        %swap3A_944 = arith.constant 0 : i32
        %swap3A_945 = tpu.memref_slice %arg11[%scan3A_178, %swap3A_943, %swap3A_944] : memref<2x96x64xf32, #tpu.memory_space<vmem>> -> memref<1x96x64xf32, #tpu.memory_space<vmem>>
        %swap3A_946 = tpu.memref_squeeze %swap3A_945 : memref<1x96x64xf32, #tpu.memory_space<vmem>> -> memref<96x64xf32, #tpu.memory_space<vmem>>
        %swap3A_947 = arith.index_cast %add3A_929 : i32 to index
        %swap3A_948 = arith.constant 0 : index
        %swap3A_949 = tpu.vector_load %swap3A_946[%swap3A_947, %swap3A_948] {strides = array<i32>} : memref<96x64xf32, #tpu.memory_space<vmem>>, vector<16xf32>,
        tpu.vector_store %swap3A_946[%swap3A_947, %swap3A_948], %mul3A_942 {strides = array<i32>} : memref<96x64xf32, #tpu.memory_space<vmem>>, vector<16xf32>,
        %mul3A_950 = arith.mulf %get3A_546, %gather3A_941 : vector<16xf32>
        %swap3A_951 = arith.constant 0 : i32
        %swap3A_952 = arith.constant 0 : i32
        %swap3A_953 = tpu.memref_slice %arg11[%scan3A_178, %swap3A_951, %swap3A_952] : memref<2x96x64xf32, #tpu.memory_space<vmem>> -> memref<1x96x64xf32, #tpu.memory_space<vmem>>
        %swap3A_954 = tpu.memref_squeeze %swap3A_953 : memref<1x96x64xf32, #tpu.memory_space<vmem>> -> memref<96x64xf32, #tpu.memory_space<vmem>>
        %swap3A_955 = arith.index_cast %add3A_929 : i32 to index
        %swap3A_956 = arith.constant 16 : index
        %swap3A_957 = tpu.vector_load %swap3A_954[%swap3A_955, %swap3A_956] {strides = array<i32>} : memref<96x64xf32, #tpu.memory_space<vmem>>, vector<16xf32>,
        tpu.vector_store %swap3A_954[%swap3A_955, %swap3A_956], %mul3A_950 {strides = array<i32>} : memref<96x64xf32, #tpu.memory_space<vmem>>, vector<16xf32>,
        %mul3A_958 = arith.mulf %get3A_553, %gather3A_941 : vector<16xf32>
        %swap3A_959 = arith.constant 0 : i32
        %swap3A_960 = arith.constant 0 : i32
        %swap3A_961 = tpu.memref_slice %arg11[%scan3A_178, %swap3A_959, %swap3A_960] : memref<2x96x64xf32, #tpu.memory_space<vmem>> -> memref<1x96x64xf32, #tpu.memory_space<vmem>>
        %swap3A_962 = tpu.memref_squeeze %swap3A_961 : memref<1x96x64xf32, #tpu.memory_space<vmem>> -> memref<96x64xf32, #tpu.memory_space<vmem>>
        %swap3A_963 = arith.index_cast %add3A_929 : i32 to index
        %swap3A_964 = arith.constant 32 : index
        %swap3A_965 = tpu.vector_load %swap3A_962[%swap3A_963, %swap3A_964] {strides = array<i32>} : memref<96x64xf32, #tpu.memory_space<vmem>>, vector<16xf32>,
        tpu.vector_store %swap3A_962[%swap3A_963, %swap3A_964], %mul3A_958 {strides = array<i32>} : memref<96x64xf32, #tpu.memory_space<vmem>>, vector<16xf32>,
        %mul3A_966 = arith.mulf %get3A_560, %gather3A_941 : vector<16xf32>
        %swap3A_967 = arith.constant 0 : i32
        %swap3A_968 = arith.constant 0 : i32
        %swap3A_969 = tpu.memref_slice %arg11[%scan3A_178, %swap3A_967, %swap3A_968] : memref<2x96x64xf32, #tpu.memory_space<vmem>> -> memref<1x96x64xf32, #tpu.memory_space<vmem>>
        %swap3A_970 = tpu.memref_squeeze %swap3A_969 : memref<1x96x64xf32, #tpu.memory_space<vmem>> -> memref<96x64xf32, #tpu.memory_space<vmem>>
        %swap3A_971 = arith.index_cast %add3A_929 : i32 to index
        %swap3A_972 = arith.constant 48 : index
        %swap3A_973 = tpu.vector_load %swap3A_970[%swap3A_971, %swap3A_972] {strides = array<i32>} : memref<96x64xf32, #tpu.memory_space<vmem>>, vector<16xf32>,
        tpu.vector_store %swap3A_970[%swap3A_971, %swap3A_972], %mul3A_966 {strides = array<i32>} : memref<96x64xf32, #tpu.memory_space<vmem>>, vector<16xf32>,
      }
      %scan3A_183 = arith.constant 12 : i32
      %add3A_184 = arith.addi %mul3A_4, %add3A_158 : i32
      %dma_start3A_185 = arith.constant 1 : i32
      %dma_start3A_186 = arith.constant 0 : i32
      %dma_start3A_187 = arith.constant 0 : i32
      %dma_start3A_188 = tpu.memref_slice %arg11[%dma_start3A_185, %dma_start3A_186, %dma_start3A_187] : memref<2x96x64xf32, #tpu.memory_space<vmem>> -> memref<1x96x64xf32, #tpu.memory_space<vmem>>
      %dma_start3A_189 = tpu.memref_squeeze %dma_start3A_188 : memref<1x96x64xf32, #tpu.memory_space<vmem>> -> memref<96x64xf32, #tpu.memory_space<vmem>>
      %dma_start3A_190 = arith.constant 0 : i32
      %dma_start3A_191 = arith.constant 0 : i32
      %dma_start3A_192 = tpu.memref_slice %arg6[%add3A_184, %dma_start3A_190, %dma_start3A_191] : memref<4096x96x64xf32, #tpu.memory_space<hbm>> -> memref<1x96x64xf32, #tpu.memory_space<hbm>>
      %dma_start3A_193 = tpu.memref_squeeze %dma_start3A_192 : memref<1x96x64xf32, #tpu.memory_space<hbm>> -> memref<96x64xf32, #tpu.memory_space<hbm>>
      %dma_start3A_194 = arith.constant 0 : i32
      %dma_start3A_195 = arith.constant 0 : i32
      %dma_start3A_196 = tpu.memref_slice %arg6[%add3A_184, %dma_start3A_194, %dma_start3A_195] : memref<4096x96x64xf32, #tpu.memory_space<hbm>> -> memref<1x96x64xf32, #tpu.memory_space<hbm>>
      %dma_start3A_197 = tpu.memref_squeeze %dma_start3A_196 : memref<1x96x64xf32, #tpu.memory_space<hbm>> -> memref<96x64xf32, #tpu.memory_space<hbm>>
      %dma_start3A_198 = arith.constant 0 : i32
      %dma_start3A_199 = arith.constant 0 : i32
      %dma_start3A_200 = tpu.memref_slice %arg11[%dma_start3A_185, %dma_start3A_198, %dma_start3A_199] : memref<2x96x64xf32, #tpu.memory_space<vmem>> -> memref<1x96x64xf32, #tpu.memory_space<vmem>>
      %dma_start3A_201 = tpu.memref_squeeze %dma_start3A_200 : memref<1x96x64xf32, #tpu.memory_space<vmem>> -> memref<96x64xf32, #tpu.memory_space<vmem>>
      tpu.enqueue_dma source(%dma_start3A_201 : memref<96x64xf32, #tpu.memory_space<vmem>>) target(%dma_start3A_197 : memref<96x64xf32, #tpu.memory_space<hbm>>) target_semaphore(%arg15 : memref<!tpu.dma_semaphore, #tpu.memory_space<semaphore_mem>>)
      %add3A_202 = arith.constant 2 : i32
      %add3A_203 = arith.addi %add3A_108, %add3A_202 : i32
      %lt3A_204 = arith.constant 128 : i32
      %lt3A_205 = arith.cmpi slt, %add3A_203, %lt3A_204 : i32
      %convert_element_type3A_206 = arith.extui %lt3A_205 : i1 to i32
      %cond3A_207 = arith.constant 0 : i32
      %cond3A_208 = arith.cmpi ne, %convert_element_type3A_206, %cond3A_207 : i32
      scf.if %cond3A_208 {
        %add3A_209 = arith.constant 2 : i32
        %add3A_210 = arith.addi %add3A_158, %add3A_209 : i32
        %mul3A_211 = arith.constant 96 : i32
        %mul3A_212 = arith.muli %add3A_210, %mul3A_211 : i32
        %dma_start3A_213 = arith.constant 1 : i32
        %dma_start3A_214 = arith.constant 0 : i32
        %dma_start3A_215 = arith.constant 0 : i32
        %dma_start3A_216 = tpu.memref_slice %arg10[%dma_start3A_213, %dma_start3A_214, %dma_start3A_215] : memref<2x96x128xf32, #tpu.memory_space<vmem>> -> memref<1x96x128xf32, #tpu.memory_space<vmem>>
        %dma_start3A_217 = tpu.memref_squeeze %dma_start3A_216 : memref<1x96x128xf32, #tpu.memory_space<vmem>> -> memref<96x128xf32, #tpu.memory_space<vmem>>
        %dma_start3A_218 = tpu.memref_slice %arg8[%mul3A_212] : memref<12288xi32, #tpu.memory_space<vmem>> -> memref<96xi32, #tpu.memory_space<vmem>>
        %dma_start3A_219 = arith.constant 0 : i32
        %dma_start3A_220 = arith.constant 0 : i32
        %dma_start3A_221 = tpu.memref_slice %arg4[%dma_start3A_219, %dma_start3A_220] : memref<1000000x128xf32, #tpu.memory_space<hbm>> -> memref<1000000x128xf32, #tpu.memory_space<hbm>>
        tpu.enqueue_indirect_dma source(%dma_start3A_221 : memref<1000000x128xf32, #tpu.memory_space<hbm>>) target(%dma_start3A_217 : memref<96x128xf32, #tpu.memory_space<vmem>>) offsets(%dma_start3A_218 : memref<96xi32, #tpu.memory_space<vmem>>) semaphore(%arg13 : memref<!tpu.dma_semaphore, #tpu.memory_space<semaphore_mem>>)
      } else {
      }
    }
    %scan3A_27 = arith.constant 64 : i32
    %add3A_28 = arith.constant 128 : i32
    %add3A_29 = arith.addi %mul3A_4, %add3A_28 : i32
    %sub3A = arith.constant 2 : i32
    %sub3A_30 = arith.subi %add3A_29, %sub3A : i32
    %add3A_31 = arith.constant 0 : i32
    %add3A_32 = arith.addi %sub3A_30, %add3A_31 : i32
    %dma_wait3A = arith.constant 0 : i32
    %dma_wait3A_33 = arith.constant 0 : i32
    %dma_wait3A_34 = arith.constant 0 : i32
    %dma_wait3A_35 = tpu.memref_slice %arg11[%dma_wait3A, %dma_wait3A_33, %dma_wait3A_34] : memref<2x96x64xf32, #tpu.memory_space<vmem>> -> memref<1x96x64xf32, #tpu.memory_space<vmem>>
    %dma_wait3A_36 = tpu.memref_squeeze %dma_wait3A_35 : memref<1x96x64xf32, #tpu.memory_space<vmem>> -> memref<96x64xf32, #tpu.memory_space<vmem>>
    %dma_wait3A_37 = arith.constant 0 : i32
    %dma_wait3A_38 = arith.constant 0 : i32
    %dma_wait3A_39 = tpu.memref_slice %arg6[%add3A_32, %dma_wait3A_37, %dma_wait3A_38] : memref<4096x96x64xf32, #tpu.memory_space<hbm>> -> memref<1x96x64xf32, #tpu.memory_space<hbm>>
    %dma_wait3A_40 = tpu.memref_squeeze %dma_wait3A_39 : memref<1x96x64xf32, #tpu.memory_space<hbm>> -> memref<96x64xf32, #tpu.memory_space<hbm>>
    %dma_wait3A_41 = arith.constant 0 : i32
    %dma_wait3A_42 = arith.constant 0 : i32
    %dma_wait3A_43 = tpu.memref_slice %arg6[%add3A_32, %dma_wait3A_41, %dma_wait3A_42] : memref<4096x96x64xf32, #tpu.memory_space<hbm>> -> memref<1x96x64xf32, #tpu.memory_space<hbm>>
    %dma_wait3A_44 = tpu.memref_squeeze %dma_wait3A_43 : memref<1x96x64xf32, #tpu.memory_space<hbm>> -> memref<96x64xf32, #tpu.memory_space<hbm>>
    %dma_wait3A_45 = arith.constant 0 : i32
    %dma_wait3A_46 = arith.constant 0 : i32
    %dma_wait3A_47 = tpu.memref_slice %arg11[%dma_wait3A, %dma_wait3A_45, %dma_wait3A_46] : memref<2x96x64xf32, #tpu.memory_space<vmem>> -> memref<1x96x64xf32, #tpu.memory_space<vmem>>
    %dma_wait3A_48 = tpu.memref_squeeze %dma_wait3A_47 : memref<1x96x64xf32, #tpu.memory_space<vmem>> -> memref<96x64xf32, #tpu.memory_space<vmem>>
    tpu.wait_dma2 semaphore(%arg14 : memref<!tpu.dma_semaphore, #tpu.memory_space<semaphore_mem>>) src(%dma_wait3A_48 : memref<96x64xf32, #tpu.memory_space<vmem>>) dst(%dma_wait3A_44 : memref<96x64xf32, #tpu.memory_space<hbm>>)
    %add3A_49 = arith.constant 128 : i32
    %add3A_50 = arith.addi %mul3A_4, %add3A_49 : i32
    %sub3A_51 = arith.constant 2 : i32
    %sub3A_52 = arith.subi %add3A_50, %sub3A_51 : i32
    %add3A_53 = arith.constant 1 : i32
    %add3A_54 = arith.addi %sub3A_52, %add3A_53 : i32
    %dma_wait3A_55 = arith.constant 1 : i32
    %dma_wait3A_56 = arith.constant 0 : i32
    %dma_wait3A_57 = arith.constant 0 : i32
    %dma_wait3A_58 = tpu.memref_slice %arg11[%dma_wait3A_55, %dma_wait3A_56, %dma_wait3A_57] : memref<2x96x64xf32, #tpu.memory_space<vmem>> -> memref<1x96x64xf32, #tpu.memory_space<vmem>>
    %dma_wait3A_59 = tpu.memref_squeeze %dma_wait3A_58 : memref<1x96x64xf32, #tpu.memory_space<vmem>> -> memref<96x64xf32, #tpu.memory_space<vmem>>
    %dma_wait3A_60 = arith.constant 0 : i32
    %dma_wait3A_61 = arith.constant 0 : i32
    %dma_wait3A_62 = tpu.memref_slice %arg6[%add3A_54, %dma_wait3A_60, %dma_wait3A_61] : memref<4096x96x64xf32, #tpu.memory_space<hbm>> -> memref<1x96x64xf32, #tpu.memory_space<hbm>>
    %dma_wait3A_63 = tpu.memref_squeeze %dma_wait3A_62 : memref<1x96x64xf32, #tpu.memory_space<hbm>> -> memref<96x64xf32, #tpu.memory_space<hbm>>
    %dma_wait3A_64 = arith.constant 0 : i32
    %dma_wait3A_65 = arith.constant 0 : i32
    %dma_wait3A_66 = tpu.memref_slice %arg6[%add3A_54, %dma_wait3A_64, %dma_wait3A_65] : memref<4096x96x64xf32, #tpu.memory_space<hbm>> -> memref<1x96x64xf32, #tpu.memory_space<hbm>>
    %dma_wait3A_67 = tpu.memref_squeeze %dma_wait3A_66 : memref<1x96x64xf32, #tpu.memory_space<hbm>> -> memref<96x64xf32, #tpu.memory_space<hbm>>
    %dma_wait3A_68 = arith.constant 0 : i32
    %dma_wait3A_69 = arith.constant 0 : i32
    %dma_wait3A_70 = tpu.memref_slice %arg11[%dma_wait3A_55, %dma_wait3A_68, %dma_wait3A_69] : memref<2x96x64xf32, #tpu.memory_space<vmem>> -> memref<1x96x64xf32, #tpu.memory_space<vmem>>
    %dma_wait3A_71 = tpu.memref_squeeze %dma_wait3A_70 : memref<1x96x64xf32, #tpu.memory_space<vmem>> -> memref<96x64xf32, #tpu.memory_space<vmem>>
    tpu.wait_dma2 semaphore(%arg15 : memref<!tpu.dma_semaphore, #tpu.memory_space<semaphore_mem>>) src(%dma_wait3A_71 : memref<96x64xf32, #tpu.memory_space<vmem>>) dst(%dma_wait3A_67 : memref<96x64xf32, #tpu.memory_space<hbm>>)
    %mul3A_72 = arith.constant 128 : i32
    %mul3A_73 = arith.muli %add3A, %mul3A_72 : i32
    "tpu.region"() ({
      %run_scoped3A_104 = tpu.sem_alloc : memref<!tpu.dma_semaphore, #tpu.memory_space<semaphore_mem>>
      %dma_start3A_105 = tpu.memref_slice %arg3[%mul3A_73] : memref<4096xi32, #tpu.memory_space<hbm>> -> memref<128xi32, #tpu.memory_space<hbm>>
      %dma_start3A_106 = tpu.memref_slice %arg3[%mul3A_73] : memref<4096xi32, #tpu.memory_space<hbm>> -> memref<128xi32, #tpu.memory_space<hbm>>
      tpu.enqueue_dma source(%dma_start3A_106 : memref<128xi32, #tpu.memory_space<hbm>>) target(%arg9 : memref<128xi32, #tpu.memory_space<vmem>>) target_semaphore(%run_scoped3A_104 : memref<!tpu.dma_semaphore, #tpu.memory_space<semaphore_mem>>)
      %dma_wait3A_107 = tpu.memref_slice %arg3[%mul3A_73] : memref<4096xi32, #tpu.memory_space<hbm>> -> memref<128xi32, #tpu.memory_space<hbm>>
      %dma_wait3A_108 = tpu.memref_slice %arg3[%mul3A_73] : memref<4096xi32, #tpu.memory_space<hbm>> -> memref<128xi32, #tpu.memory_space<hbm>>
      tpu.wait_dma2 semaphore(%run_scoped3A_104 : memref<!tpu.dma_semaphore, #tpu.memory_space<semaphore_mem>>) src(%dma_wait3A_108 : memref<128xi32, #tpu.memory_space<hbm>>) dst(%arg9 : memref<128xi32, #tpu.memory_space<vmem>>)
      tpu.yield
    }) : () -> ()
    %dma_start3A_74 = arith.constant 0 : i32
    %dma_start3A_75 = arith.constant 0 : i32
    %dma_start3A_76 = arith.constant 0 : i32
    %dma_start3A_77 = tpu.memref_slice %arg10[%dma_start3A_74, %dma_start3A_75, %dma_start3A_76] : memref<2x96x128xf32, #tpu.memory_space<vmem>> -> memref<1x96x128xf32, #tpu.memory_space<vmem>>
    %dma_start3A_78 = tpu.memref_squeeze %dma_start3A_77 : memref<1x96x128xf32, #tpu.memory_space<vmem>> -> memref<96x128xf32, #tpu.memory_space<vmem>>
    %dma_start3A_79 = arith.constant 0 : i32
    %dma_start3A_80 = arith.constant 0 : i32
    %dma_start3A_81 = tpu.memref_slice %dma_start3A_78[%dma_start3A_79, %dma_start3A_80] : memref<96x128xf32, #tpu.memory_space<vmem>> -> memref<128x128xf32, #tpu.memory_space<vmem>>
    %dma_start3A_82 = arith.constant 0 : i32
    %dma_start3A_83 = arith.constant 0 : i32
    %dma_start3A_84 = tpu.memref_slice %arg5[%dma_start3A_82, %dma_start3A_83] : memref<16x128xf32, #tpu.memory_space<hbm>> -> memref<16x128xf32, #tpu.memory_space<hbm>>
    tpu.enqueue_indirect_dma source(%dma_start3A_84 : memref<16x128xf32, #tpu.memory_space<hbm>>) target(%dma_start3A_81 : memref<128x128xf32, #tpu.memory_space<vmem>>) offsets(%arg9 : memref<128xi32, #tpu.memory_space<vmem>>) semaphore(%arg12 : memref<!tpu.dma_semaphore, #tpu.memory_space<semaphore_mem>>)
    %dma_wait3A_85 = arith.constant 0 : i32
    %dma_wait3A_86 = arith.constant 0 : i32
    %dma_wait3A_87 = arith.constant 0 : i32
    %dma_wait3A_88 = tpu.memref_slice %arg10[%dma_wait3A_85, %dma_wait3A_86, %dma_wait3A_87] : memref<2x96x128xf32, #tpu.memory_space<vmem>> -> memref<1x96x128xf32, #tpu.memory_space<vmem>>
    %dma_wait3A_89 = tpu.memref_squeeze %dma_wait3A_88 : memref<1x96x128xf32, #tpu.memory_space<vmem>> -> memref<96x128xf32, #tpu.memory_space<vmem>>
    %dma_wait3A_90 = arith.constant 0 : i32
    %dma_wait3A_91 = arith.constant 0 : i32
    %dma_wait3A_92 = tpu.memref_slice %dma_wait3A_89[%dma_wait3A_90, %dma_wait3A_91] : memref<96x128xf32, #tpu.memory_space<vmem>> -> memref<128x128xf32, #tpu.memory_space<vmem>>
    %dma_wait3A_93 = arith.constant 0 : i32
    %dma_wait3A_94 = arith.constant 0 : i32
    %dma_wait3A_95 = tpu.memref_slice %arg5[%dma_wait3A_93, %dma_wait3A_94] : memref<16x128xf32, #tpu.memory_space<hbm>> -> memref<16x128xf32, #tpu.memory_space<hbm>>
    tpu.wait_indirect_dma semaphore(%arg12 : memref<!tpu.dma_semaphore, #tpu.memory_space<semaphore_mem>>) src(%dma_wait3A_95 : memref<16x128xf32, #tpu.memory_space<hbm>>) dst(%dma_wait3A_92 : memref<128x128xf32, #tpu.memory_space<vmem>>)
    %iota3A = tpu.iota {dimensions = array<i32: 0>} : vector<16xi32>
    %scan3A_96 = arith.constant 0 : i32
    %scan3A_97 = arith.constant 0 : i32
    %scan3A_98 = arith.constant 0 : i32
    %scan3A_99 = arith.constant 0 : i32
    %scan3A_100 = arith.constant 16 : i32
    %scan3A_101 = arith.addi %scan3A_99, %scan3A_100 : i32
    %scan3A_102 = arith.constant 1 : i32
    scf.for %scan3A_104 = %scan3A_99 to %scan3A_101 step %scan3A_102  : i32 {
      %mul3A_105 = arith.constant 8 : i32
      %mul3A_106 = arith.muli %scan3A_104, %mul3A_105 : i32
      %broadcast_in_dim3A = arith.constant 0.000000e+00 : f32
      %broadcast_in_dim3A_107 = vector.broadcast %broadcast_in_dim3A : f32 to vector<16xf32>
      %add3A_108 = arith.constant 0 : i32
      %add3A_109 = arith.addi %mul3A_106, %add3A_108 : i32
      %get3A = arith.constant 0 : i32
      %get3A_110 = arith.constant 0 : i32
      %get3A_111 = tpu.memref_slice %arg10[%scan3A_97, %get3A, %get3A_110] : memref<2x96x128xf32, #tpu.memory_space<vmem>> -> memref<1x96x128xf32, #tpu.memory_space<vmem>>
      %get3A_112 = tpu.memref_squeeze %get3A_111 : memref<1x96x128xf32, #tpu.memory_space<vmem>> -> memref<96x128xf32, #tpu.memory_space<vmem>>
      %get3A_113 = arith.index_cast %add3A_109 : i32 to index
      %get3A_114 = arith.constant 0 : index
      %get3A_115 = tpu.vector_load %get3A_112[%get3A_113, %get3A_114] {strides = array<i32>} : memref<96x128xf32, #tpu.memory_space<vmem>>, vector<16xf32>,
      %get3A_116 = arith.constant 0 : i32
      %get3A_117 = arith.constant 0 : i32
      %get3A_118 = tpu.memref_slice %arg10[%scan3A_97, %get3A_116, %get3A_117] : memref<2x96x128xf32, #tpu.memory_space<vmem>> -> memref<1x96x128xf32, #tpu.memory_space<vmem>>
      %get3A_119 = tpu.memref_squeeze %get3A_118 : memref<1x96x128xf32, #tpu.memory_space<vmem>> -> memref<96x128xf32, #tpu.memory_space<vmem>>
      %get3A_120 = arith.index_cast %add3A_109 : i32 to index
      %get3A_121 = arith.constant 16 : index
      %get3A_122 = tpu.vector_load %get3A_119[%get3A_120, %get3A_121] {strides = array<i32>} : memref<96x128xf32, #tpu.memory_space<vmem>>, vector<16xf32>,
      %get3A_123 = arith.constant 0 : i32
      %get3A_124 = arith.constant 0 : i32
      %get3A_125 = tpu.memref_slice %arg10[%scan3A_97, %get3A_123, %get3A_124] : memref<2x96x128xf32, #tpu.memory_space<vmem>> -> memref<1x96x128xf32, #tpu.memory_space<vmem>>
      %get3A_126 = tpu.memref_squeeze %get3A_125 : memref<1x96x128xf32, #tpu.memory_space<vmem>> -> memref<96x128xf32, #tpu.memory_space<vmem>>
      %get3A_127 = arith.index_cast %add3A_109 : i32 to index
      %get3A_128 = arith.constant 32 : index
      %get3A_129 = tpu.vector_load %get3A_126[%get3A_127, %get3A_128] {strides = array<i32>} : memref<96x128xf32, #tpu.memory_space<vmem>>, vector<16xf32>,
      %get3A_130 = arith.constant 0 : i32
      %get3A_131 = arith.constant 0 : i32
      %get3A_132 = tpu.memref_slice %arg10[%scan3A_97, %get3A_130, %get3A_131] : memref<2x96x128xf32, #tpu.memory_space<vmem>> -> memref<1x96x128xf32, #tpu.memory_space<vmem>>
      %get3A_133 = tpu.memref_squeeze %get3A_132 : memref<1x96x128xf32, #tpu.memory_space<vmem>> -> memref<96x128xf32, #tpu.memory_space<vmem>>
      %get3A_134 = arith.index_cast %add3A_109 : i32 to index
      %get3A_135 = arith.constant 48 : index
      %get3A_136 = tpu.vector_load %get3A_133[%get3A_134, %get3A_135] {strides = array<i32>} : memref<96x128xf32, #tpu.memory_space<vmem>>, vector<16xf32>,
      %mul3A_137 = arith.mulf %get3A_115, %get3A_115 : vector<16xf32>
      %mul3A_138 = arith.mulf %get3A_122, %get3A_122 : vector<16xf32>
      %add3A_139 = arith.addf %mul3A_137, %mul3A_138 : vector<16xf32>
      %mul3A_140 = arith.mulf %get3A_129, %get3A_129 : vector<16xf32>
      %add3A_141 = arith.addf %add3A_139, %mul3A_140 : vector<16xf32>
      %mul3A_142 = arith.mulf %get3A_136, %get3A_136 : vector<16xf32>
      %add3A_143 = arith.addf %add3A_141, %mul3A_142 : vector<16xf32>
      %eq3A = arith.constant 0 : i32
      %eq3A_144 = vector.broadcast %eq3A : i32 to vector<16xi32>
      %eq3A_145 = arith.cmpi eq, %iota3A, %eq3A_144 : vector<16xi32>
      %reduce_sum3A = arith.constant true
      %reduce_sum3A_146 = vector.broadcast %reduce_sum3A : i1 to vector<16xi1>
      %reduce_sum3A_147 = tpu.scan <sum>, %add3A_143 masked %reduce_sum3A_146 : vector<16xf32>, vector<16xi1> -> vector<16xf32>
      %reduce_sum3A_148 = vector.extract %reduce_sum3A_147[15] : f32 from vector<16xf32>
      %broadcast_in_dim3A_149 = vector.broadcast %reduce_sum3A_148 : f32 to vector<16xf32>
      %select_n3A = arith.select %eq3A_145, %broadcast_in_dim3A_149, %broadcast_in_dim3A_107 : vector<16xi1>, vector<16xf32>
      %add3A_150 = arith.constant 1 : i32
      %add3A_151 = arith.addi %mul3A_106, %add3A_150 : i32
      %get3A_152 = arith.constant 0 : i32
      %get3A_153 = arith.constant 0 : i32
      %get3A_154 = tpu.memref_slice %arg10[%scan3A_97, %get3A_152, %get3A_153] : memref<2x96x128xf32, #tpu.memory_space<vmem>> -> memref<1x96x128xf32, #tpu.memory_space<vmem>>
      %get3A_155 = tpu.memref_squeeze %get3A_154 : memref<1x96x128xf32, #tpu.memory_space<vmem>> -> memref<96x128xf32, #tpu.memory_space<vmem>>
      %get3A_156 = arith.index_cast %add3A_151 : i32 to index
      %get3A_157 = arith.constant 0 : index
      %get3A_158 = tpu.vector_load %get3A_155[%get3A_156, %get3A_157] {strides = array<i32>} : memref<96x128xf32, #tpu.memory_space<vmem>>, vector<16xf32>,
      %get3A_159 = arith.constant 0 : i32
      %get3A_160 = arith.constant 0 : i32
      %get3A_161 = tpu.memref_slice %arg10[%scan3A_97, %get3A_159, %get3A_160] : memref<2x96x128xf32, #tpu.memory_space<vmem>> -> memref<1x96x128xf32, #tpu.memory_space<vmem>>
      %get3A_162 = tpu.memref_squeeze %get3A_161 : memref<1x96x128xf32, #tpu.memory_space<vmem>> -> memref<96x128xf32, #tpu.memory_space<vmem>>
      %get3A_163 = arith.index_cast %add3A_151 : i32 to index
      %get3A_164 = arith.constant 16 : index
      %get3A_165 = tpu.vector_load %get3A_162[%get3A_163, %get3A_164] {strides = array<i32>} : memref<96x128xf32, #tpu.memory_space<vmem>>, vector<16xf32>,
      %get3A_166 = arith.constant 0 : i32
      %get3A_167 = arith.constant 0 : i32
      %get3A_168 = tpu.memref_slice %arg10[%scan3A_97, %get3A_166, %get3A_167] : memref<2x96x128xf32, #tpu.memory_space<vmem>> -> memref<1x96x128xf32, #tpu.memory_space<vmem>>
      %get3A_169 = tpu.memref_squeeze %get3A_168 : memref<1x96x128xf32, #tpu.memory_space<vmem>> -> memref<96x128xf32, #tpu.memory_space<vmem>>
      %get3A_170 = arith.index_cast %add3A_151 : i32 to index
      %get3A_171 = arith.constant 32 : index
      %get3A_172 = tpu.vector_load %get3A_169[%get3A_170, %get3A_171] {strides = array<i32>} : memref<96x128xf32, #tpu.memory_space<vmem>>, vector<16xf32>,
      %get3A_173 = arith.constant 0 : i32
      %get3A_174 = arith.constant 0 : i32
      %get3A_175 = tpu.memref_slice %arg10[%scan3A_97, %get3A_173, %get3A_174] : memref<2x96x128xf32, #tpu.memory_space<vmem>> -> memref<1x96x128xf32, #tpu.memory_space<vmem>>
      %get3A_176 = tpu.memref_squeeze %get3A_175 : memref<1x96x128xf32, #tpu.memory_space<vmem>> -> memref<96x128xf32, #tpu.memory_space<vmem>>
      %get3A_177 = arith.index_cast %add3A_151 : i32 to index
      %get3A_178 = arith.constant 48 : index
      %get3A_179 = tpu.vector_load %get3A_176[%get3A_177, %get3A_178] {strides = array<i32>} : memref<96x128xf32, #tpu.memory_space<vmem>>, vector<16xf32>,
      %mul3A_180 = arith.mulf %get3A_158, %get3A_158 : vector<16xf32>
      %mul3A_181 = arith.mulf %get3A_165, %get3A_165 : vector<16xf32>
      %add3A_182 = arith.addf %mul3A_180, %mul3A_181 : vector<16xf32>
      %mul3A_183 = arith.mulf %get3A_172, %get3A_172 : vector<16xf32>
      %add3A_184 = arith.addf %add3A_182, %mul3A_183 : vector<16xf32>
      %mul3A_185 = arith.mulf %get3A_179, %get3A_179 : vector<16xf32>
      %add3A_186 = arith.addf %add3A_184, %mul3A_185 : vector<16xf32>
      %eq3A_187 = arith.constant 1 : i32
      %eq3A_188 = vector.broadcast %eq3A_187 : i32 to vector<16xi32>
      %eq3A_189 = arith.cmpi eq, %iota3A, %eq3A_188 : vector<16xi32>
      %reduce_sum3A_190 = arith.constant true
      %reduce_sum3A_191 = vector.broadcast %reduce_sum3A_190 : i1 to vector<16xi1>
      %reduce_sum3A_192 = tpu.scan <sum>, %add3A_186 masked %reduce_sum3A_191 : vector<16xf32>, vector<16xi1> -> vector<16xf32>
      %reduce_sum3A_193 = vector.extract %reduce_sum3A_192[15] : f32 from vector<16xf32>
      %broadcast_in_dim3A_194 = vector.broadcast %reduce_sum3A_193 : f32 to vector<16xf32>
      %select_n3A_195 = arith.select %eq3A_189, %broadcast_in_dim3A_194, %select_n3A : vector<16xi1>, vector<16xf32>
      %add3A_196 = arith.constant 2 : i32
      %add3A_197 = arith.addi %mul3A_106, %add3A_196 : i32
      %get3A_198 = arith.constant 0 : i32
      %get3A_199 = arith.constant 0 : i32
      %get3A_200 = tpu.memref_slice %arg10[%scan3A_97, %get3A_198, %get3A_199] : memref<2x96x128xf32, #tpu.memory_space<vmem>> -> memref<1x96x128xf32, #tpu.memory_space<vmem>>
      %get3A_201 = tpu.memref_squeeze %get3A_200 : memref<1x96x128xf32, #tpu.memory_space<vmem>> -> memref<96x128xf32, #tpu.memory_space<vmem>>
      %get3A_202 = arith.index_cast %add3A_197 : i32 to index
      %get3A_203 = arith.constant 0 : index
      %get3A_204 = tpu.vector_load %get3A_201[%get3A_202, %get3A_203] {strides = array<i32>} : memref<96x128xf32, #tpu.memory_space<vmem>>, vector<16xf32>,
      %get3A_205 = arith.constant 0 : i32
      %get3A_206 = arith.constant 0 : i32
      %get3A_207 = tpu.memref_slice %arg10[%scan3A_97, %get3A_205, %get3A_206] : memref<2x96x128xf32, #tpu.memory_space<vmem>> -> memref<1x96x128xf32, #tpu.memory_space<vmem>>
      %get3A_208 = tpu.memref_squeeze %get3A_207 : memref<1x96x128xf32, #tpu.memory_space<vmem>> -> memref<96x128xf32, #tpu.memory_space<vmem>>
      %get3A_209 = arith.index_cast %add3A_197 : i32 to index
      %get3A_210 = arith.constant 16 : index
      %get3A_211 = tpu.vector_load %get3A_208[%get3A_209, %get3A_210] {strides = array<i32>} : memref<96x128xf32, #tpu.memory_space<vmem>>, vector<16xf32>,
      %get3A_212 = arith.constant 0 : i32
      %get3A_213 = arith.constant 0 : i32
      %get3A_214 = tpu.memref_slice %arg10[%scan3A_97, %get3A_212, %get3A_213] : memref<2x96x128xf32, #tpu.memory_space<vmem>> -> memref<1x96x128xf32, #tpu.memory_space<vmem>>
      %get3A_215 = tpu.memref_squeeze %get3A_214 : memref<1x96x128xf32, #tpu.memory_space<vmem>> -> memref<96x128xf32, #tpu.memory_space<vmem>>
      %get3A_216 = arith.index_cast %add3A_197 : i32 to index
      %get3A_217 = arith.constant 32 : index
      %get3A_218 = tpu.vector_load %get3A_215[%get3A_216, %get3A_217] {strides = array<i32>} : memref<96x128xf32, #tpu.memory_space<vmem>>, vector<16xf32>,
      %get3A_219 = arith.constant 0 : i32
      %get3A_220 = arith.constant 0 : i32
      %get3A_221 = tpu.memref_slice %arg10[%scan3A_97, %get3A_219, %get3A_220] : memref<2x96x128xf32, #tpu.memory_space<vmem>> -> memref<1x96x128xf32, #tpu.memory_space<vmem>>
      %get3A_222 = tpu.memref_squeeze %get3A_221 : memref<1x96x128xf32, #tpu.memory_space<vmem>> -> memref<96x128xf32, #tpu.memory_space<vmem>>
      %get3A_223 = arith.index_cast %add3A_197 : i32 to index
      %get3A_224 = arith.constant 48 : index
      %get3A_225 = tpu.vector_load %get3A_222[%get3A_223, %get3A_224] {strides = array<i32>} : memref<96x128xf32, #tpu.memory_space<vmem>>, vector<16xf32>,
      %mul3A_226 = arith.mulf %get3A_204, %get3A_204 : vector<16xf32>
      %mul3A_227 = arith.mulf %get3A_211, %get3A_211 : vector<16xf32>
      %add3A_228 = arith.addf %mul3A_226, %mul3A_227 : vector<16xf32>
      %mul3A_229 = arith.mulf %get3A_218, %get3A_218 : vector<16xf32>
      %add3A_230 = arith.addf %add3A_228, %mul3A_229 : vector<16xf32>
      %mul3A_231 = arith.mulf %get3A_225, %get3A_225 : vector<16xf32>
      %add3A_232 = arith.addf %add3A_230, %mul3A_231 : vector<16xf32>
      %eq3A_233 = arith.constant 2 : i32
      %eq3A_234 = vector.broadcast %eq3A_233 : i32 to vector<16xi32>
      %eq3A_235 = arith.cmpi eq, %iota3A, %eq3A_234 : vector<16xi32>
      %reduce_sum3A_236 = arith.constant true
      %reduce_sum3A_237 = vector.broadcast %reduce_sum3A_236 : i1 to vector<16xi1>
      %reduce_sum3A_238 = tpu.scan <sum>, %add3A_232 masked %reduce_sum3A_237 : vector<16xf32>, vector<16xi1> -> vector<16xf32>
      %reduce_sum3A_239 = vector.extract %reduce_sum3A_238[15] : f32 from vector<16xf32>
      %broadcast_in_dim3A_240 = vector.broadcast %reduce_sum3A_239 : f32 to vector<16xf32>
      %select_n3A_241 = arith.select %eq3A_235, %broadcast_in_dim3A_240, %select_n3A_195 : vector<16xi1>, vector<16xf32>
      %add3A_242 = arith.constant 3 : i32
      %add3A_243 = arith.addi %mul3A_106, %add3A_242 : i32
      %get3A_244 = arith.constant 0 : i32
      %get3A_245 = arith.constant 0 : i32
      %get3A_246 = tpu.memref_slice %arg10[%scan3A_97, %get3A_244, %get3A_245] : memref<2x96x128xf32, #tpu.memory_space<vmem>> -> memref<1x96x128xf32, #tpu.memory_space<vmem>>
      %get3A_247 = tpu.memref_squeeze %get3A_246 : memref<1x96x128xf32, #tpu.memory_space<vmem>> -> memref<96x128xf32, #tpu.memory_space<vmem>>
      %get3A_248 = arith.index_cast %add3A_243 : i32 to index
      %get3A_249 = arith.constant 0 : index
      %get3A_250 = tpu.vector_load %get3A_247[%get3A_248, %get3A_249] {strides = array<i32>} : memref<96x128xf32, #tpu.memory_space<vmem>>, vector<16xf32>,
      %get3A_251 = arith.constant 0 : i32
      %get3A_252 = arith.constant 0 : i32
      %get3A_253 = tpu.memref_slice %arg10[%scan3A_97, %get3A_251, %get3A_252] : memref<2x96x128xf32, #tpu.memory_space<vmem>> -> memref<1x96x128xf32, #tpu.memory_space<vmem>>
      %get3A_254 = tpu.memref_squeeze %get3A_253 : memref<1x96x128xf32, #tpu.memory_space<vmem>> -> memref<96x128xf32, #tpu.memory_space<vmem>>
      %get3A_255 = arith.index_cast %add3A_243 : i32 to index
      %get3A_256 = arith.constant 16 : index
      %get3A_257 = tpu.vector_load %get3A_254[%get3A_255, %get3A_256] {strides = array<i32>} : memref<96x128xf32, #tpu.memory_space<vmem>>, vector<16xf32>,
      %get3A_258 = arith.constant 0 : i32
      %get3A_259 = arith.constant 0 : i32
      %get3A_260 = tpu.memref_slice %arg10[%scan3A_97, %get3A_258, %get3A_259] : memref<2x96x128xf32, #tpu.memory_space<vmem>> -> memref<1x96x128xf32, #tpu.memory_space<vmem>>
      %get3A_261 = tpu.memref_squeeze %get3A_260 : memref<1x96x128xf32, #tpu.memory_space<vmem>> -> memref<96x128xf32, #tpu.memory_space<vmem>>
      %get3A_262 = arith.index_cast %add3A_243 : i32 to index
      %get3A_263 = arith.constant 32 : index
      %get3A_264 = tpu.vector_load %get3A_261[%get3A_262, %get3A_263] {strides = array<i32>} : memref<96x128xf32, #tpu.memory_space<vmem>>, vector<16xf32>,
      %get3A_265 = arith.constant 0 : i32
      %get3A_266 = arith.constant 0 : i32
      %get3A_267 = tpu.memref_slice %arg10[%scan3A_97, %get3A_265, %get3A_266] : memref<2x96x128xf32, #tpu.memory_space<vmem>> -> memref<1x96x128xf32, #tpu.memory_space<vmem>>
      %get3A_268 = tpu.memref_squeeze %get3A_267 : memref<1x96x128xf32, #tpu.memory_space<vmem>> -> memref<96x128xf32, #tpu.memory_space<vmem>>
      %get3A_269 = arith.index_cast %add3A_243 : i32 to index
      %get3A_270 = arith.constant 48 : index
      %get3A_271 = tpu.vector_load %get3A_268[%get3A_269, %get3A_270] {strides = array<i32>} : memref<96x128xf32, #tpu.memory_space<vmem>>, vector<16xf32>,
      %mul3A_272 = arith.mulf %get3A_250, %get3A_250 : vector<16xf32>
      %mul3A_273 = arith.mulf %get3A_257, %get3A_257 : vector<16xf32>
      %add3A_274 = arith.addf %mul3A_272, %mul3A_273 : vector<16xf32>
      %mul3A_275 = arith.mulf %get3A_264, %get3A_264 : vector<16xf32>
      %add3A_276 = arith.addf %add3A_274, %mul3A_275 : vector<16xf32>
      %mul3A_277 = arith.mulf %get3A_271, %get3A_271 : vector<16xf32>
      %add3A_278 = arith.addf %add3A_276, %mul3A_277 : vector<16xf32>
      %eq3A_279 = arith.constant 3 : i32
      %eq3A_280 = vector.broadcast %eq3A_279 : i32 to vector<16xi32>
      %eq3A_281 = arith.cmpi eq, %iota3A, %eq3A_280 : vector<16xi32>
      %reduce_sum3A_282 = arith.constant true
      %reduce_sum3A_283 = vector.broadcast %reduce_sum3A_282 : i1 to vector<16xi1>
      %reduce_sum3A_284 = tpu.scan <sum>, %add3A_278 masked %reduce_sum3A_283 : vector<16xf32>, vector<16xi1> -> vector<16xf32>
      %reduce_sum3A_285 = vector.extract %reduce_sum3A_284[15] : f32 from vector<16xf32>
      %broadcast_in_dim3A_286 = vector.broadcast %reduce_sum3A_285 : f32 to vector<16xf32>
      %select_n3A_287 = arith.select %eq3A_281, %broadcast_in_dim3A_286, %select_n3A_241 : vector<16xi1>, vector<16xf32>
      %add3A_288 = arith.constant 4 : i32
      %add3A_289 = arith.addi %mul3A_106, %add3A_288 : i32
      %get3A_290 = arith.constant 0 : i32
      %get3A_291 = arith.constant 0 : i32
      %get3A_292 = tpu.memref_slice %arg10[%scan3A_97, %get3A_290, %get3A_291] : memref<2x96x128xf32, #tpu.memory_space<vmem>> -> memref<1x96x128xf32, #tpu.memory_space<vmem>>
      %get3A_293 = tpu.memref_squeeze %get3A_292 : memref<1x96x128xf32, #tpu.memory_space<vmem>> -> memref<96x128xf32, #tpu.memory_space<vmem>>
      %get3A_294 = arith.index_cast %add3A_289 : i32 to index
      %get3A_295 = arith.constant 0 : index
      %get3A_296 = tpu.vector_load %get3A_293[%get3A_294, %get3A_295] {strides = array<i32>} : memref<96x128xf32, #tpu.memory_space<vmem>>, vector<16xf32>,
      %get3A_297 = arith.constant 0 : i32
      %get3A_298 = arith.constant 0 : i32
      %get3A_299 = tpu.memref_slice %arg10[%scan3A_97, %get3A_297, %get3A_298] : memref<2x96x128xf32, #tpu.memory_space<vmem>> -> memref<1x96x128xf32, #tpu.memory_space<vmem>>
      %get3A_300 = tpu.memref_squeeze %get3A_299 : memref<1x96x128xf32, #tpu.memory_space<vmem>> -> memref<96x128xf32, #tpu.memory_space<vmem>>
      %get3A_301 = arith.index_cast %add3A_289 : i32 to index
      %get3A_302 = arith.constant 16 : index
      %get3A_303 = tpu.vector_load %get3A_300[%get3A_301, %get3A_302] {strides = array<i32>} : memref<96x128xf32, #tpu.memory_space<vmem>>, vector<16xf32>,
      %get3A_304 = arith.constant 0 : i32
      %get3A_305 = arith.constant 0 : i32
      %get3A_306 = tpu.memref_slice %arg10[%scan3A_97, %get3A_304, %get3A_305] : memref<2x96x128xf32, #tpu.memory_space<vmem>> -> memref<1x96x128xf32, #tpu.memory_space<vmem>>
      %get3A_307 = tpu.memref_squeeze %get3A_306 : memref<1x96x128xf32, #tpu.memory_space<vmem>> -> memref<96x128xf32, #tpu.memory_space<vmem>>
      %get3A_308 = arith.index_cast %add3A_289 : i32 to index
      %get3A_309 = arith.constant 32 : index
      %get3A_310 = tpu.vector_load %get3A_307[%get3A_308, %get3A_309] {strides = array<i32>} : memref<96x128xf32, #tpu.memory_space<vmem>>, vector<16xf32>,
      %get3A_311 = arith.constant 0 : i32
      %get3A_312 = arith.constant 0 : i32
      %get3A_313 = tpu.memref_slice %arg10[%scan3A_97, %get3A_311, %get3A_312] : memref<2x96x128xf32, #tpu.memory_space<vmem>> -> memref<1x96x128xf32, #tpu.memory_space<vmem>>
      %get3A_314 = tpu.memref_squeeze %get3A_313 : memref<1x96x128xf32, #tpu.memory_space<vmem>> -> memref<96x128xf32, #tpu.memory_space<vmem>>
      %get3A_315 = arith.index_cast %add3A_289 : i32 to index
      %get3A_316 = arith.constant 48 : index
      %get3A_317 = tpu.vector_load %get3A_314[%get3A_315, %get3A_316] {strides = array<i32>} : memref<96x128xf32, #tpu.memory_space<vmem>>, vector<16xf32>,
      %mul3A_318 = arith.mulf %get3A_296, %get3A_296 : vector<16xf32>
      %mul3A_319 = arith.mulf %get3A_303, %get3A_303 : vector<16xf32>
      %add3A_320 = arith.addf %mul3A_318, %mul3A_319 : vector<16xf32>
      %mul3A_321 = arith.mulf %get3A_310, %get3A_310 : vector<16xf32>
      %add3A_322 = arith.addf %add3A_320, %mul3A_321 : vector<16xf32>
      %mul3A_323 = arith.mulf %get3A_317, %get3A_317 : vector<16xf32>
      %add3A_324 = arith.addf %add3A_322, %mul3A_323 : vector<16xf32>
      %eq3A_325 = arith.constant 4 : i32
      %eq3A_326 = vector.broadcast %eq3A_325 : i32 to vector<16xi32>
      %eq3A_327 = arith.cmpi eq, %iota3A, %eq3A_326 : vector<16xi32>
      %reduce_sum3A_328 = arith.constant true
      %reduce_sum3A_329 = vector.broadcast %reduce_sum3A_328 : i1 to vector<16xi1>
      %reduce_sum3A_330 = tpu.scan <sum>, %add3A_324 masked %reduce_sum3A_329 : vector<16xf32>, vector<16xi1> -> vector<16xf32>
      %reduce_sum3A_331 = vector.extract %reduce_sum3A_330[15] : f32 from vector<16xf32>
      %broadcast_in_dim3A_332 = vector.broadcast %reduce_sum3A_331 : f32 to vector<16xf32>
      %select_n3A_333 = arith.select %eq3A_327, %broadcast_in_dim3A_332, %select_n3A_287 : vector<16xi1>, vector<16xf32>
      %add3A_334 = arith.constant 5 : i32
      %add3A_335 = arith.addi %mul3A_106, %add3A_334 : i32
      %get3A_336 = arith.constant 0 : i32
      %get3A_337 = arith.constant 0 : i32
      %get3A_338 = tpu.memref_slice %arg10[%scan3A_97, %get3A_336, %get3A_337] : memref<2x96x128xf32, #tpu.memory_space<vmem>> -> memref<1x96x128xf32, #tpu.memory_space<vmem>>
      %get3A_339 = tpu.memref_squeeze %get3A_338 : memref<1x96x128xf32, #tpu.memory_space<vmem>> -> memref<96x128xf32, #tpu.memory_space<vmem>>
      %get3A_340 = arith.index_cast %add3A_335 : i32 to index
      %get3A_341 = arith.constant 0 : index
      %get3A_342 = tpu.vector_load %get3A_339[%get3A_340, %get3A_341] {strides = array<i32>} : memref<96x128xf32, #tpu.memory_space<vmem>>, vector<16xf32>,
      %get3A_343 = arith.constant 0 : i32
      %get3A_344 = arith.constant 0 : i32
      %get3A_345 = tpu.memref_slice %arg10[%scan3A_97, %get3A_343, %get3A_344] : memref<2x96x128xf32, #tpu.memory_space<vmem>> -> memref<1x96x128xf32, #tpu.memory_space<vmem>>
      %get3A_346 = tpu.memref_squeeze %get3A_345 : memref<1x96x128xf32, #tpu.memory_space<vmem>> -> memref<96x128xf32, #tpu.memory_space<vmem>>
      %get3A_347 = arith.index_cast %add3A_335 : i32 to index
      %get3A_348 = arith.constant 16 : index
      %get3A_349 = tpu.vector_load %get3A_346[%get3A_347, %get3A_348] {strides = array<i32>} : memref<96x128xf32, #tpu.memory_space<vmem>>, vector<16xf32>,
      %get3A_350 = arith.constant 0 : i32
      %get3A_351 = arith.constant 0 : i32
      %get3A_352 = tpu.memref_slice %arg10[%scan3A_97, %get3A_350, %get3A_351] : memref<2x96x128xf32, #tpu.memory_space<vmem>> -> memref<1x96x128xf32, #tpu.memory_space<vmem>>
      %get3A_353 = tpu.memref_squeeze %get3A_352 : memref<1x96x128xf32, #tpu.memory_space<vmem>> -> memref<96x128xf32, #tpu.memory_space<vmem>>
      %get3A_354 = arith.index_cast %add3A_335 : i32 to index
      %get3A_355 = arith.constant 32 : index
      %get3A_356 = tpu.vector_load %get3A_353[%get3A_354, %get3A_355] {strides = array<i32>} : memref<96x128xf32, #tpu.memory_space<vmem>>, vector<16xf32>,
      %get3A_357 = arith.constant 0 : i32
      %get3A_358 = arith.constant 0 : i32
      %get3A_359 = tpu.memref_slice %arg10[%scan3A_97, %get3A_357, %get3A_358] : memref<2x96x128xf32, #tpu.memory_space<vmem>> -> memref<1x96x128xf32, #tpu.memory_space<vmem>>
      %get3A_360 = tpu.memref_squeeze %get3A_359 : memref<1x96x128xf32, #tpu.memory_space<vmem>> -> memref<96x128xf32, #tpu.memory_space<vmem>>
      %get3A_361 = arith.index_cast %add3A_335 : i32 to index
      %get3A_362 = arith.constant 48 : index
      %get3A_363 = tpu.vector_load %get3A_360[%get3A_361, %get3A_362] {strides = array<i32>} : memref<96x128xf32, #tpu.memory_space<vmem>>, vector<16xf32>,
      %mul3A_364 = arith.mulf %get3A_342, %get3A_342 : vector<16xf32>
      %mul3A_365 = arith.mulf %get3A_349, %get3A_349 : vector<16xf32>
      %add3A_366 = arith.addf %mul3A_364, %mul3A_365 : vector<16xf32>
      %mul3A_367 = arith.mulf %get3A_356, %get3A_356 : vector<16xf32>
      %add3A_368 = arith.addf %add3A_366, %mul3A_367 : vector<16xf32>
      %mul3A_369 = arith.mulf %get3A_363, %get3A_363 : vector<16xf32>
      %add3A_370 = arith.addf %add3A_368, %mul3A_369 : vector<16xf32>
      %eq3A_371 = arith.constant 5 : i32
      %eq3A_372 = vector.broadcast %eq3A_371 : i32 to vector<16xi32>
      %eq3A_373 = arith.cmpi eq, %iota3A, %eq3A_372 : vector<16xi32>
      %reduce_sum3A_374 = arith.constant true
      %reduce_sum3A_375 = vector.broadcast %reduce_sum3A_374 : i1 to vector<16xi1>
      %reduce_sum3A_376 = tpu.scan <sum>, %add3A_370 masked %reduce_sum3A_375 : vector<16xf32>, vector<16xi1> -> vector<16xf32>
      %reduce_sum3A_377 = vector.extract %reduce_sum3A_376[15] : f32 from vector<16xf32>
      %broadcast_in_dim3A_378 = vector.broadcast %reduce_sum3A_377 : f32 to vector<16xf32>
      %select_n3A_379 = arith.select %eq3A_373, %broadcast_in_dim3A_378, %select_n3A_333 : vector<16xi1>, vector<16xf32>
      %add3A_380 = arith.constant 6 : i32
      %add3A_381 = arith.addi %mul3A_106, %add3A_380 : i32
      %get3A_382 = arith.constant 0 : i32
      %get3A_383 = arith.constant 0 : i32
      %get3A_384 = tpu.memref_slice %arg10[%scan3A_97, %get3A_382, %get3A_383] : memref<2x96x128xf32, #tpu.memory_space<vmem>> -> memref<1x96x128xf32, #tpu.memory_space<vmem>>
      %get3A_385 = tpu.memref_squeeze %get3A_384 : memref<1x96x128xf32, #tpu.memory_space<vmem>> -> memref<96x128xf32, #tpu.memory_space<vmem>>
      %get3A_386 = arith.index_cast %add3A_381 : i32 to index
      %get3A_387 = arith.constant 0 : index
      %get3A_388 = tpu.vector_load %get3A_385[%get3A_386, %get3A_387] {strides = array<i32>} : memref<96x128xf32, #tpu.memory_space<vmem>>, vector<16xf32>,
      %get3A_389 = arith.constant 0 : i32
      %get3A_390 = arith.constant 0 : i32
      %get3A_391 = tpu.memref_slice %arg10[%scan3A_97, %get3A_389, %get3A_390] : memref<2x96x128xf32, #tpu.memory_space<vmem>> -> memref<1x96x128xf32, #tpu.memory_space<vmem>>
      %get3A_392 = tpu.memref_squeeze %get3A_391 : memref<1x96x128xf32, #tpu.memory_space<vmem>> -> memref<96x128xf32, #tpu.memory_space<vmem>>
      %get3A_393 = arith.index_cast %add3A_381 : i32 to index
      %get3A_394 = arith.constant 16 : index
      %get3A_395 = tpu.vector_load %get3A_392[%get3A_393, %get3A_394] {strides = array<i32>} : memref<96x128xf32, #tpu.memory_space<vmem>>, vector<16xf32>,
      %get3A_396 = arith.constant 0 : i32
      %get3A_397 = arith.constant 0 : i32
      %get3A_398 = tpu.memref_slice %arg10[%scan3A_97, %get3A_396, %get3A_397] : memref<2x96x128xf32, #tpu.memory_space<vmem>> -> memref<1x96x128xf32, #tpu.memory_space<vmem>>
      %get3A_399 = tpu.memref_squeeze %get3A_398 : memref<1x96x128xf32, #tpu.memory_space<vmem>> -> memref<96x128xf32, #tpu.memory_space<vmem>>
      %get3A_400 = arith.index_cast %add3A_381 : i32 to index
      %get3A_401 = arith.constant 32 : index
      %get3A_402 = tpu.vector_load %get3A_399[%get3A_400, %get3A_401] {strides = array<i32>} : memref<96x128xf32, #tpu.memory_space<vmem>>, vector<16xf32>,
      %get3A_403 = arith.constant 0 : i32
      %get3A_404 = arith.constant 0 : i32
      %get3A_405 = tpu.memref_slice %arg10[%scan3A_97, %get3A_403, %get3A_404] : memref<2x96x128xf32, #tpu.memory_space<vmem>> -> memref<1x96x128xf32, #tpu.memory_space<vmem>>
      %get3A_406 = tpu.memref_squeeze %get3A_405 : memref<1x96x128xf32, #tpu.memory_space<vmem>> -> memref<96x128xf32, #tpu.memory_space<vmem>>
      %get3A_407 = arith.index_cast %add3A_381 : i32 to index
      %get3A_408 = arith.constant 48 : index
      %get3A_409 = tpu.vector_load %get3A_406[%get3A_407, %get3A_408] {strides = array<i32>} : memref<96x128xf32, #tpu.memory_space<vmem>>, vector<16xf32>,
      %mul3A_410 = arith.mulf %get3A_388, %get3A_388 : vector<16xf32>
      %mul3A_411 = arith.mulf %get3A_395, %get3A_395 : vector<16xf32>
      %add3A_412 = arith.addf %mul3A_410, %mul3A_411 : vector<16xf32>
      %mul3A_413 = arith.mulf %get3A_402, %get3A_402 : vector<16xf32>
      %add3A_414 = arith.addf %add3A_412, %mul3A_413 : vector<16xf32>
      %mul3A_415 = arith.mulf %get3A_409, %get3A_409 : vector<16xf32>
      %add3A_416 = arith.addf %add3A_414, %mul3A_415 : vector<16xf32>
      %eq3A_417 = arith.constant 6 : i32
      %eq3A_418 = vector.broadcast %eq3A_417 : i32 to vector<16xi32>
      %eq3A_419 = arith.cmpi eq, %iota3A, %eq3A_418 : vector<16xi32>
      %reduce_sum3A_420 = arith.constant true
      %reduce_sum3A_421 = vector.broadcast %reduce_sum3A_420 : i1 to vector<16xi1>
      %reduce_sum3A_422 = tpu.scan <sum>, %add3A_416 masked %reduce_sum3A_421 : vector<16xf32>, vector<16xi1> -> vector<16xf32>
      %reduce_sum3A_423 = vector.extract %reduce_sum3A_422[15] : f32 from vector<16xf32>
      %broadcast_in_dim3A_424 = vector.broadcast %reduce_sum3A_423 : f32 to vector<16xf32>
      %select_n3A_425 = arith.select %eq3A_419, %broadcast_in_dim3A_424, %select_n3A_379 : vector<16xi1>, vector<16xf32>
      %add3A_426 = arith.constant 7 : i32
      %add3A_427 = arith.addi %mul3A_106, %add3A_426 : i32
      %get3A_428 = arith.constant 0 : i32
      %get3A_429 = arith.constant 0 : i32
      %get3A_430 = tpu.memref_slice %arg10[%scan3A_97, %get3A_428, %get3A_429] : memref<2x96x128xf32, #tpu.memory_space<vmem>> -> memref<1x96x128xf32, #tpu.memory_space<vmem>>
      %get3A_431 = tpu.memref_squeeze %get3A_430 : memref<1x96x128xf32, #tpu.memory_space<vmem>> -> memref<96x128xf32, #tpu.memory_space<vmem>>
      %get3A_432 = arith.index_cast %add3A_427 : i32 to index
      %get3A_433 = arith.constant 0 : index
      %get3A_434 = tpu.vector_load %get3A_431[%get3A_432, %get3A_433] {strides = array<i32>} : memref<96x128xf32, #tpu.memory_space<vmem>>, vector<16xf32>,
      %get3A_435 = arith.constant 0 : i32
      %get3A_436 = arith.constant 0 : i32
      %get3A_437 = tpu.memref_slice %arg10[%scan3A_97, %get3A_435, %get3A_436] : memref<2x96x128xf32, #tpu.memory_space<vmem>> -> memref<1x96x128xf32, #tpu.memory_space<vmem>>
      %get3A_438 = tpu.memref_squeeze %get3A_437 : memref<1x96x128xf32, #tpu.memory_space<vmem>> -> memref<96x128xf32, #tpu.memory_space<vmem>>
      %get3A_439 = arith.index_cast %add3A_427 : i32 to index
      %get3A_440 = arith.constant 16 : index
      %get3A_441 = tpu.vector_load %get3A_438[%get3A_439, %get3A_440] {strides = array<i32>} : memref<96x128xf32, #tpu.memory_space<vmem>>, vector<16xf32>,
      %get3A_442 = arith.constant 0 : i32
      %get3A_443 = arith.constant 0 : i32
      %get3A_444 = tpu.memref_slice %arg10[%scan3A_97, %get3A_442, %get3A_443] : memref<2x96x128xf32, #tpu.memory_space<vmem>> -> memref<1x96x128xf32, #tpu.memory_space<vmem>>
      %get3A_445 = tpu.memref_squeeze %get3A_444 : memref<1x96x128xf32, #tpu.memory_space<vmem>> -> memref<96x128xf32, #tpu.memory_space<vmem>>
      %get3A_446 = arith.index_cast %add3A_427 : i32 to index
      %get3A_447 = arith.constant 32 : index
      %get3A_448 = tpu.vector_load %get3A_445[%get3A_446, %get3A_447] {strides = array<i32>} : memref<96x128xf32, #tpu.memory_space<vmem>>, vector<16xf32>,
      %get3A_449 = arith.constant 0 : i32
      %get3A_450 = arith.constant 0 : i32
      %get3A_451 = tpu.memref_slice %arg10[%scan3A_97, %get3A_449, %get3A_450] : memref<2x96x128xf32, #tpu.memory_space<vmem>> -> memref<1x96x128xf32, #tpu.memory_space<vmem>>
      %get3A_452 = tpu.memref_squeeze %get3A_451 : memref<1x96x128xf32, #tpu.memory_space<vmem>> -> memref<96x128xf32, #tpu.memory_space<vmem>>
      %get3A_453 = arith.index_cast %add3A_427 : i32 to index
      %get3A_454 = arith.constant 48 : index
      %get3A_455 = tpu.vector_load %get3A_452[%get3A_453, %get3A_454] {strides = array<i32>} : memref<96x128xf32, #tpu.memory_space<vmem>>, vector<16xf32>,
      %mul3A_456 = arith.mulf %get3A_434, %get3A_434 : vector<16xf32>
      %mul3A_457 = arith.mulf %get3A_441, %get3A_441 : vector<16xf32>
      %add3A_458 = arith.addf %mul3A_456, %mul3A_457 : vector<16xf32>
      %mul3A_459 = arith.mulf %get3A_448, %get3A_448 : vector<16xf32>
      %add3A_460 = arith.addf %add3A_458, %mul3A_459 : vector<16xf32>
      %mul3A_461 = arith.mulf %get3A_455, %get3A_455 : vector<16xf32>
      %add3A_462 = arith.addf %add3A_460, %mul3A_461 : vector<16xf32>
      %eq3A_463 = arith.constant 7 : i32
      %eq3A_464 = vector.broadcast %eq3A_463 : i32 to vector<16xi32>
      %eq3A_465 = arith.cmpi eq, %iota3A, %eq3A_464 : vector<16xi32>
      %reduce_sum3A_466 = arith.constant true
      %reduce_sum3A_467 = vector.broadcast %reduce_sum3A_466 : i1 to vector<16xi1>
      %reduce_sum3A_468 = tpu.scan <sum>, %add3A_462 masked %reduce_sum3A_467 : vector<16xf32>, vector<16xi1> -> vector<16xf32>
      %reduce_sum3A_469 = vector.extract %reduce_sum3A_468[15] : f32 from vector<16xf32>
      %broadcast_in_dim3A_470 = vector.broadcast %reduce_sum3A_469 : f32 to vector<16xf32>
      %select_n3A_471 = arith.select %eq3A_465, %broadcast_in_dim3A_470, %select_n3A_425 : vector<16xi1>, vector<16xf32>
      %bitcast3A = vector.bitcast %select_n3A_471 : vector<16xf32> to vector<16xi32>
      %shift_right_arithmetic3A = arith.constant 1 : i32
      %shift_right_arithmetic3A_472 = vector.broadcast %shift_right_arithmetic3A : i32 to vector<16xi32>
      %shift_right_arithmetic3A_473 = arith.shrsi %bitcast3A, %shift_right_arithmetic3A_472 : vector<16xi32>
      %sub3A_474 = arith.constant 1597463007 : i32
      %sub3A_475 = vector.broadcast %sub3A_474 : i32 to vector<16xi32>
      %sub3A_476 = arith.subi %sub3A_475, %shift_right_arithmetic3A_473 : vector<16xi32>
      %bitcast3A_477 = vector.bitcast %sub3A_476 : vector<16xi32> to vector<16xf32>
      %mul3A_478 = arith.constant 5.000000e-01 : f32
      %mul3A_479 = vector.broadcast %mul3A_478 : f32 to vector<16xf32>
      %mul3A_480 = arith.mulf %select_n3A_471, %mul3A_479 : vector<16xf32>
      %mul3A_481 = arith.mulf %mul3A_480, %bitcast3A_477 : vector<16xf32>
      %mul3A_482 = arith.mulf %mul3A_481, %bitcast3A_477 : vector<16xf32>
      %sub3A_483 = arith.constant 1.500000e+00 : f32
      %sub3A_484 = vector.broadcast %sub3A_483 : f32 to vector<16xf32>
      %sub3A_485 = arith.subf %sub3A_484, %mul3A_482 : vector<16xf32>
      %mul3A_486 = arith.mulf %bitcast3A_477, %sub3A_485 : vector<16xf32>
      %mul3A_487 = arith.mulf %mul3A_480, %mul3A_486 : vector<16xf32>
      %mul3A_488 = arith.mulf %mul3A_487, %mul3A_486 : vector<16xf32>
      %sub3A_489 = arith.constant 1.500000e+00 : f32
      %sub3A_490 = vector.broadcast %sub3A_489 : f32 to vector<16xf32>
      %sub3A_491 = arith.subf %sub3A_490, %mul3A_488 : vector<16xf32>
      %mul3A_492 = arith.mulf %mul3A_486, %sub3A_491 : vector<16xf32>
      %mul3A_493 = arith.mulf %mul3A_480, %mul3A_492 : vector<16xf32>
      %mul3A_494 = arith.mulf %mul3A_493, %mul3A_492 : vector<16xf32>
      %sub3A_495 = arith.constant 1.500000e+00 : f32
      %sub3A_496 = vector.broadcast %sub3A_495 : f32 to vector<16xf32>
      %sub3A_497 = arith.subf %sub3A_496, %mul3A_494 : vector<16xf32>
      %mul3A_498 = arith.mulf %mul3A_492, %sub3A_497 : vector<16xf32>
      %gt3A = arith.constant 1.000000e+00 : f32
      %gt3A_499 = vector.broadcast %gt3A : f32 to vector<16xf32>
      %gt3A_500 = arith.cmpf ogt, %select_n3A_471, %gt3A_499 : vector<16xf32>
      %jit3A = arith.constant 1.000000e+00 : f32
      %broadcast_in_dim3A_501 = vector.broadcast %jit3A : f32 to vector<16xf32>
      %select_n3A_502 = arith.select %gt3A_500, %mul3A_498, %broadcast_in_dim3A_501 : vector<16xi1>, vector<16xf32>
      %add3A_503 = arith.constant 0 : i32
      %add3A_504 = arith.addi %mul3A_106, %add3A_503 : i32
      %broadcast_in_dim3A_505 = arith.constant 0 : i32
      %broadcast_in_dim3A_506 = vector.broadcast %broadcast_in_dim3A_505 : i32 to vector<16xi32>
      %lt3A = arith.constant 0 : i32
      %lt3A_507 = vector.broadcast %lt3A : i32 to vector<16xi32>
      %lt3A_508 = arith.cmpi slt, %broadcast_in_dim3A_506, %lt3A_507 : vector<16xi32>
      %add3A_509 = arith.constant 16 : i32
      %add3A_510 = vector.broadcast %add3A_509 : i32 to vector<16xi32>
      %add3A_511 = arith.addi %broadcast_in_dim3A_506, %add3A_510 : vector<16xi32>
      %select_n3A_512 = arith.select %lt3A_508, %add3A_511, %broadcast_in_dim3A_506 : vector<16xi1>, vector<16xi32>
      %broadcast_in_dim3A_513 = vector.shape_cast %select_n3A_512 : vector<16xi32> to vector<16x1xi32>
      %gather3A = vector.shape_cast %broadcast_in_dim3A_513 : vector<16x1xi32> to vector<16xi32>
      %gather3A_514 = tpu.dynamic_gather %select_n3A_502[%gather3A] in [0] : vector<16xf32>, vector<16xi32> -> vector<16xf32>
      %mul3A_515 = arith.mulf %get3A_115, %gather3A_514 : vector<16xf32>
      %swap3A = arith.constant 0 : i32
      %swap3A_516 = arith.constant 0 : i32
      %swap3A_517 = tpu.memref_slice %arg11[%scan3A_98, %swap3A, %swap3A_516] : memref<2x96x64xf32, #tpu.memory_space<vmem>> -> memref<1x96x64xf32, #tpu.memory_space<vmem>>
      %swap3A_518 = tpu.memref_squeeze %swap3A_517 : memref<1x96x64xf32, #tpu.memory_space<vmem>> -> memref<96x64xf32, #tpu.memory_space<vmem>>
      %swap3A_519 = arith.index_cast %add3A_504 : i32 to index
      %swap3A_520 = arith.constant 0 : index
      %swap3A_521 = tpu.vector_load %swap3A_518[%swap3A_519, %swap3A_520] {strides = array<i32>} : memref<96x64xf32, #tpu.memory_space<vmem>>, vector<16xf32>,
      tpu.vector_store %swap3A_518[%swap3A_519, %swap3A_520], %mul3A_515 {strides = array<i32>} : memref<96x64xf32, #tpu.memory_space<vmem>>, vector<16xf32>,
      %mul3A_522 = arith.mulf %get3A_122, %gather3A_514 : vector<16xf32>
      %swap3A_523 = arith.constant 0 : i32
      %swap3A_524 = arith.constant 0 : i32
      %swap3A_525 = tpu.memref_slice %arg11[%scan3A_98, %swap3A_523, %swap3A_524] : memref<2x96x64xf32, #tpu.memory_space<vmem>> -> memref<1x96x64xf32, #tpu.memory_space<vmem>>
      %swap3A_526 = tpu.memref_squeeze %swap3A_525 : memref<1x96x64xf32, #tpu.memory_space<vmem>> -> memref<96x64xf32, #tpu.memory_space<vmem>>
      %swap3A_527 = arith.index_cast %add3A_504 : i32 to index
      %swap3A_528 = arith.constant 16 : index
      %swap3A_529 = tpu.vector_load %swap3A_526[%swap3A_527, %swap3A_528] {strides = array<i32>} : memref<96x64xf32, #tpu.memory_space<vmem>>, vector<16xf32>,
      tpu.vector_store %swap3A_526[%swap3A_527, %swap3A_528], %mul3A_522 {strides = array<i32>} : memref<96x64xf32, #tpu.memory_space<vmem>>, vector<16xf32>,
      %mul3A_530 = arith.mulf %get3A_129, %gather3A_514 : vector<16xf32>
      %swap3A_531 = arith.constant 0 : i32
      %swap3A_532 = arith.constant 0 : i32
      %swap3A_533 = tpu.memref_slice %arg11[%scan3A_98, %swap3A_531, %swap3A_532] : memref<2x96x64xf32, #tpu.memory_space<vmem>> -> memref<1x96x64xf32, #tpu.memory_space<vmem>>
      %swap3A_534 = tpu.memref_squeeze %swap3A_533 : memref<1x96x64xf32, #tpu.memory_space<vmem>> -> memref<96x64xf32, #tpu.memory_space<vmem>>
      %swap3A_535 = arith.index_cast %add3A_504 : i32 to index
      %swap3A_536 = arith.constant 32 : index
      %swap3A_537 = tpu.vector_load %swap3A_534[%swap3A_535, %swap3A_536] {strides = array<i32>} : memref<96x64xf32, #tpu.memory_space<vmem>>, vector<16xf32>,
      tpu.vector_store %swap3A_534[%swap3A_535, %swap3A_536], %mul3A_530 {strides = array<i32>} : memref<96x64xf32, #tpu.memory_space<vmem>>, vector<16xf32>,
      %mul3A_538 = arith.mulf %get3A_136, %gather3A_514 : vector<16xf32>
      %swap3A_539 = arith.constant 0 : i32
      %swap3A_540 = arith.constant 0 : i32
      %swap3A_541 = tpu.memref_slice %arg11[%scan3A_98, %swap3A_539, %swap3A_540] : memref<2x96x64xf32, #tpu.memory_space<vmem>> -> memref<1x96x64xf32, #tpu.memory_space<vmem>>
      %swap3A_542 = tpu.memref_squeeze %swap3A_541 : memref<1x96x64xf32, #tpu.memory_space<vmem>> -> memref<96x64xf32, #tpu.memory_space<vmem>>
      %swap3A_543 = arith.index_cast %add3A_504 : i32 to index
      %swap3A_544 = arith.constant 48 : index
      %swap3A_545 = tpu.vector_load %swap3A_542[%swap3A_543, %swap3A_544] {strides = array<i32>} : memref<96x64xf32, #tpu.memory_space<vmem>>, vector<16xf32>,
      tpu.vector_store %swap3A_542[%swap3A_543, %swap3A_544], %mul3A_538 {strides = array<i32>} : memref<96x64xf32, #tpu.memory_space<vmem>>, vector<16xf32>,
      %add3A_546 = arith.constant 1 : i32
      %add3A_547 = arith.addi %mul3A_106, %add3A_546 : i32
      %broadcast_in_dim3A_548 = arith.constant 1 : i32
      %broadcast_in_dim3A_549 = vector.broadcast %broadcast_in_dim3A_548 : i32 to vector<16xi32>
      %lt3A_550 = arith.constant 0 : i32
      %lt3A_551 = vector.broadcast %lt3A_550 : i32 to vector<16xi32>
      %lt3A_552 = arith.cmpi slt, %broadcast_in_dim3A_549, %lt3A_551 : vector<16xi32>
      %add3A_553 = arith.constant 16 : i32
      %add3A_554 = vector.broadcast %add3A_553 : i32 to vector<16xi32>
      %add3A_555 = arith.addi %broadcast_in_dim3A_549, %add3A_554 : vector<16xi32>
      %select_n3A_556 = arith.select %lt3A_552, %add3A_555, %broadcast_in_dim3A_549 : vector<16xi1>, vector<16xi32>
      %broadcast_in_dim3A_557 = vector.shape_cast %select_n3A_556 : vector<16xi32> to vector<16x1xi32>
      %gather3A_558 = vector.shape_cast %broadcast_in_dim3A_557 : vector<16x1xi32> to vector<16xi32>
      %gather3A_559 = tpu.dynamic_gather %select_n3A_502[%gather3A_558] in [0] : vector<16xf32>, vector<16xi32> -> vector<16xf32>
      %mul3A_560 = arith.mulf %get3A_158, %gather3A_559 : vector<16xf32>
      %swap3A_561 = arith.constant 0 : i32
      %swap3A_562 = arith.constant 0 : i32
      %swap3A_563 = tpu.memref_slice %arg11[%scan3A_98, %swap3A_561, %swap3A_562] : memref<2x96x64xf32, #tpu.memory_space<vmem>> -> memref<1x96x64xf32, #tpu.memory_space<vmem>>
      %swap3A_564 = tpu.memref_squeeze %swap3A_563 : memref<1x96x64xf32, #tpu.memory_space<vmem>> -> memref<96x64xf32, #tpu.memory_space<vmem>>
      %swap3A_565 = arith.index_cast %add3A_547 : i32 to index
      %swap3A_566 = arith.constant 0 : index
      %swap3A_567 = tpu.vector_load %swap3A_564[%swap3A_565, %swap3A_566] {strides = array<i32>} : memref<96x64xf32, #tpu.memory_space<vmem>>, vector<16xf32>,
      tpu.vector_store %swap3A_564[%swap3A_565, %swap3A_566], %mul3A_560 {strides = array<i32>} : memref<96x64xf32, #tpu.memory_space<vmem>>, vector<16xf32>,
      %mul3A_568 = arith.mulf %get3A_165, %gather3A_559 : vector<16xf32>
      %swap3A_569 = arith.constant 0 : i32
      %swap3A_570 = arith.constant 0 : i32
      %swap3A_571 = tpu.memref_slice %arg11[%scan3A_98, %swap3A_569, %swap3A_570] : memref<2x96x64xf32, #tpu.memory_space<vmem>> -> memref<1x96x64xf32, #tpu.memory_space<vmem>>
      %swap3A_572 = tpu.memref_squeeze %swap3A_571 : memref<1x96x64xf32, #tpu.memory_space<vmem>> -> memref<96x64xf32, #tpu.memory_space<vmem>>
      %swap3A_573 = arith.index_cast %add3A_547 : i32 to index
      %swap3A_574 = arith.constant 16 : index
      %swap3A_575 = tpu.vector_load %swap3A_572[%swap3A_573, %swap3A_574] {strides = array<i32>} : memref<96x64xf32, #tpu.memory_space<vmem>>, vector<16xf32>,
      tpu.vector_store %swap3A_572[%swap3A_573, %swap3A_574], %mul3A_568 {strides = array<i32>} : memref<96x64xf32, #tpu.memory_space<vmem>>, vector<16xf32>,
      %mul3A_576 = arith.mulf %get3A_172, %gather3A_559 : vector<16xf32>
      %swap3A_577 = arith.constant 0 : i32
      %swap3A_578 = arith.constant 0 : i32
      %swap3A_579 = tpu.memref_slice %arg11[%scan3A_98, %swap3A_577, %swap3A_578] : memref<2x96x64xf32, #tpu.memory_space<vmem>> -> memref<1x96x64xf32, #tpu.memory_space<vmem>>
      %swap3A_580 = tpu.memref_squeeze %swap3A_579 : memref<1x96x64xf32, #tpu.memory_space<vmem>> -> memref<96x64xf32, #tpu.memory_space<vmem>>
      %swap3A_581 = arith.index_cast %add3A_547 : i32 to index
      %swap3A_582 = arith.constant 32 : index
      %swap3A_583 = tpu.vector_load %swap3A_580[%swap3A_581, %swap3A_582] {strides = array<i32>} : memref<96x64xf32, #tpu.memory_space<vmem>>, vector<16xf32>,
      tpu.vector_store %swap3A_580[%swap3A_581, %swap3A_582], %mul3A_576 {strides = array<i32>} : memref<96x64xf32, #tpu.memory_space<vmem>>, vector<16xf32>,
      %mul3A_584 = arith.mulf %get3A_179, %gather3A_559 : vector<16xf32>
      %swap3A_585 = arith.constant 0 : i32
      %swap3A_586 = arith.constant 0 : i32
      %swap3A_587 = tpu.memref_slice %arg11[%scan3A_98, %swap3A_585, %swap3A_586] : memref<2x96x64xf32, #tpu.memory_space<vmem>> -> memref<1x96x64xf32, #tpu.memory_space<vmem>>
      %swap3A_588 = tpu.memref_squeeze %swap3A_587 : memref<1x96x64xf32, #tpu.memory_space<vmem>> -> memref<96x64xf32, #tpu.memory_space<vmem>>
      %swap3A_589 = arith.index_cast %add3A_547 : i32 to index
      %swap3A_590 = arith.constant 48 : index
      %swap3A_591 = tpu.vector_load %swap3A_588[%swap3A_589, %swap3A_590] {strides = array<i32>} : memref<96x64xf32, #tpu.memory_space<vmem>>, vector<16xf32>,
      tpu.vector_store %swap3A_588[%swap3A_589, %swap3A_590], %mul3A_584 {strides = array<i32>} : memref<96x64xf32, #tpu.memory_space<vmem>>, vector<16xf32>,
      %add3A_592 = arith.constant 2 : i32
      %add3A_593 = arith.addi %mul3A_106, %add3A_592 : i32
      %broadcast_in_dim3A_594 = arith.constant 2 : i32
      %broadcast_in_dim3A_595 = vector.broadcast %broadcast_in_dim3A_594 : i32 to vector<16xi32>
      %lt3A_596 = arith.constant 0 : i32
      %lt3A_597 = vector.broadcast %lt3A_596 : i32 to vector<16xi32>
      %lt3A_598 = arith.cmpi slt, %broadcast_in_dim3A_595, %lt3A_597 : vector<16xi32>
      %add3A_599 = arith.constant 16 : i32
      %add3A_600 = vector.broadcast %add3A_599 : i32 to vector<16xi32>
      %add3A_601 = arith.addi %broadcast_in_dim3A_595, %add3A_600 : vector<16xi32>
      %select_n3A_602 = arith.select %lt3A_598, %add3A_601, %broadcast_in_dim3A_595 : vector<16xi1>, vector<16xi32>
      %broadcast_in_dim3A_603 = vector.shape_cast %select_n3A_602 : vector<16xi32> to vector<16x1xi32>
      %gather3A_604 = vector.shape_cast %broadcast_in_dim3A_603 : vector<16x1xi32> to vector<16xi32>
      %gather3A_605 = tpu.dynamic_gather %select_n3A_502[%gather3A_604] in [0] : vector<16xf32>, vector<16xi32> -> vector<16xf32>
      %mul3A_606 = arith.mulf %get3A_204, %gather3A_605 : vector<16xf32>
      %swap3A_607 = arith.constant 0 : i32
      %swap3A_608 = arith.constant 0 : i32
      %swap3A_609 = tpu.memref_slice %arg11[%scan3A_98, %swap3A_607, %swap3A_608] : memref<2x96x64xf32, #tpu.memory_space<vmem>> -> memref<1x96x64xf32, #tpu.memory_space<vmem>>
      %swap3A_610 = tpu.memref_squeeze %swap3A_609 : memref<1x96x64xf32, #tpu.memory_space<vmem>> -> memref<96x64xf32, #tpu.memory_space<vmem>>
      %swap3A_611 = arith.index_cast %add3A_593 : i32 to index
      %swap3A_612 = arith.constant 0 : index
      %swap3A_613 = tpu.vector_load %swap3A_610[%swap3A_611, %swap3A_612] {strides = array<i32>} : memref<96x64xf32, #tpu.memory_space<vmem>>, vector<16xf32>,
      tpu.vector_store %swap3A_610[%swap3A_611, %swap3A_612], %mul3A_606 {strides = array<i32>} : memref<96x64xf32, #tpu.memory_space<vmem>>, vector<16xf32>,
      %mul3A_614 = arith.mulf %get3A_211, %gather3A_605 : vector<16xf32>
      %swap3A_615 = arith.constant 0 : i32
      %swap3A_616 = arith.constant 0 : i32
      %swap3A_617 = tpu.memref_slice %arg11[%scan3A_98, %swap3A_615, %swap3A_616] : memref<2x96x64xf32, #tpu.memory_space<vmem>> -> memref<1x96x64xf32, #tpu.memory_space<vmem>>
      %swap3A_618 = tpu.memref_squeeze %swap3A_617 : memref<1x96x64xf32, #tpu.memory_space<vmem>> -> memref<96x64xf32, #tpu.memory_space<vmem>>
      %swap3A_619 = arith.index_cast %add3A_593 : i32 to index
      %swap3A_620 = arith.constant 16 : index
      %swap3A_621 = tpu.vector_load %swap3A_618[%swap3A_619, %swap3A_620] {strides = array<i32>} : memref<96x64xf32, #tpu.memory_space<vmem>>, vector<16xf32>,
      tpu.vector_store %swap3A_618[%swap3A_619, %swap3A_620], %mul3A_614 {strides = array<i32>} : memref<96x64xf32, #tpu.memory_space<vmem>>, vector<16xf32>,
      %mul3A_622 = arith.mulf %get3A_218, %gather3A_605 : vector<16xf32>
      %swap3A_623 = arith.constant 0 : i32
      %swap3A_624 = arith.constant 0 : i32
      %swap3A_625 = tpu.memref_slice %arg11[%scan3A_98, %swap3A_623, %swap3A_624] : memref<2x96x64xf32, #tpu.memory_space<vmem>> -> memref<1x96x64xf32, #tpu.memory_space<vmem>>
      %swap3A_626 = tpu.memref_squeeze %swap3A_625 : memref<1x96x64xf32, #tpu.memory_space<vmem>> -> memref<96x64xf32, #tpu.memory_space<vmem>>
      %swap3A_627 = arith.index_cast %add3A_593 : i32 to index
      %swap3A_628 = arith.constant 32 : index
      %swap3A_629 = tpu.vector_load %swap3A_626[%swap3A_627, %swap3A_628] {strides = array<i32>} : memref<96x64xf32, #tpu.memory_space<vmem>>, vector<16xf32>,
      tpu.vector_store %swap3A_626[%swap3A_627, %swap3A_628], %mul3A_622 {strides = array<i32>} : memref<96x64xf32, #tpu.memory_space<vmem>>, vector<16xf32>,
      %mul3A_630 = arith.mulf %get3A_225, %gather3A_605 : vector<16xf32>
      %swap3A_631 = arith.constant 0 : i32
      %swap3A_632 = arith.constant 0 : i32
      %swap3A_633 = tpu.memref_slice %arg11[%scan3A_98, %swap3A_631, %swap3A_632] : memref<2x96x64xf32, #tpu.memory_space<vmem>> -> memref<1x96x64xf32, #tpu.memory_space<vmem>>
      %swap3A_634 = tpu.memref_squeeze %swap3A_633 : memref<1x96x64xf32, #tpu.memory_space<vmem>> -> memref<96x64xf32, #tpu.memory_space<vmem>>
      %swap3A_635 = arith.index_cast %add3A_593 : i32 to index
      %swap3A_636 = arith.constant 48 : index
      %swap3A_637 = tpu.vector_load %swap3A_634[%swap3A_635, %swap3A_636] {strides = array<i32>} : memref<96x64xf32, #tpu.memory_space<vmem>>, vector<16xf32>,
      tpu.vector_store %swap3A_634[%swap3A_635, %swap3A_636], %mul3A_630 {strides = array<i32>} : memref<96x64xf32, #tpu.memory_space<vmem>>, vector<16xf32>,
      %add3A_638 = arith.constant 3 : i32
      %add3A_639 = arith.addi %mul3A_106, %add3A_638 : i32
      %broadcast_in_dim3A_640 = arith.constant 3 : i32
      %broadcast_in_dim3A_641 = vector.broadcast %broadcast_in_dim3A_640 : i32 to vector<16xi32>
      %lt3A_642 = arith.constant 0 : i32
      %lt3A_643 = vector.broadcast %lt3A_642 : i32 to vector<16xi32>
      %lt3A_644 = arith.cmpi slt, %broadcast_in_dim3A_641, %lt3A_643 : vector<16xi32>
      %add3A_645 = arith.constant 16 : i32
      %add3A_646 = vector.broadcast %add3A_645 : i32 to vector<16xi32>
      %add3A_647 = arith.addi %broadcast_in_dim3A_641, %add3A_646 : vector<16xi32>
      %select_n3A_648 = arith.select %lt3A_644, %add3A_647, %broadcast_in_dim3A_641 : vector<16xi1>, vector<16xi32>
      %broadcast_in_dim3A_649 = vector.shape_cast %select_n3A_648 : vector<16xi32> to vector<16x1xi32>
      %gather3A_650 = vector.shape_cast %broadcast_in_dim3A_649 : vector<16x1xi32> to vector<16xi32>
      %gather3A_651 = tpu.dynamic_gather %select_n3A_502[%gather3A_650] in [0] : vector<16xf32>, vector<16xi32> -> vector<16xf32>
      %mul3A_652 = arith.mulf %get3A_250, %gather3A_651 : vector<16xf32>
      %swap3A_653 = arith.constant 0 : i32
      %swap3A_654 = arith.constant 0 : i32
      %swap3A_655 = tpu.memref_slice %arg11[%scan3A_98, %swap3A_653, %swap3A_654] : memref<2x96x64xf32, #tpu.memory_space<vmem>> -> memref<1x96x64xf32, #tpu.memory_space<vmem>>
      %swap3A_656 = tpu.memref_squeeze %swap3A_655 : memref<1x96x64xf32, #tpu.memory_space<vmem>> -> memref<96x64xf32, #tpu.memory_space<vmem>>
      %swap3A_657 = arith.index_cast %add3A_639 : i32 to index
      %swap3A_658 = arith.constant 0 : index
      %swap3A_659 = tpu.vector_load %swap3A_656[%swap3A_657, %swap3A_658] {strides = array<i32>} : memref<96x64xf32, #tpu.memory_space<vmem>>, vector<16xf32>,
      tpu.vector_store %swap3A_656[%swap3A_657, %swap3A_658], %mul3A_652 {strides = array<i32>} : memref<96x64xf32, #tpu.memory_space<vmem>>, vector<16xf32>,
      %mul3A_660 = arith.mulf %get3A_257, %gather3A_651 : vector<16xf32>
      %swap3A_661 = arith.constant 0 : i32
      %swap3A_662 = arith.constant 0 : i32
      %swap3A_663 = tpu.memref_slice %arg11[%scan3A_98, %swap3A_661, %swap3A_662] : memref<2x96x64xf32, #tpu.memory_space<vmem>> -> memref<1x96x64xf32, #tpu.memory_space<vmem>>
      %swap3A_664 = tpu.memref_squeeze %swap3A_663 : memref<1x96x64xf32, #tpu.memory_space<vmem>> -> memref<96x64xf32, #tpu.memory_space<vmem>>
      %swap3A_665 = arith.index_cast %add3A_639 : i32 to index
      %swap3A_666 = arith.constant 16 : index
      %swap3A_667 = tpu.vector_load %swap3A_664[%swap3A_665, %swap3A_666] {strides = array<i32>} : memref<96x64xf32, #tpu.memory_space<vmem>>, vector<16xf32>,
      tpu.vector_store %swap3A_664[%swap3A_665, %swap3A_666], %mul3A_660 {strides = array<i32>} : memref<96x64xf32, #tpu.memory_space<vmem>>, vector<16xf32>,
      %mul3A_668 = arith.mulf %get3A_264, %gather3A_651 : vector<16xf32>
      %swap3A_669 = arith.constant 0 : i32
      %swap3A_670 = arith.constant 0 : i32
      %swap3A_671 = tpu.memref_slice %arg11[%scan3A_98, %swap3A_669, %swap3A_670] : memref<2x96x64xf32, #tpu.memory_space<vmem>> -> memref<1x96x64xf32, #tpu.memory_space<vmem>>
      %swap3A_672 = tpu.memref_squeeze %swap3A_671 : memref<1x96x64xf32, #tpu.memory_space<vmem>> -> memref<96x64xf32, #tpu.memory_space<vmem>>
      %swap3A_673 = arith.index_cast %add3A_639 : i32 to index
      %swap3A_674 = arith.constant 32 : index
      %swap3A_675 = tpu.vector_load %swap3A_672[%swap3A_673, %swap3A_674] {strides = array<i32>} : memref<96x64xf32, #tpu.memory_space<vmem>>, vector<16xf32>,
      tpu.vector_store %swap3A_672[%swap3A_673, %swap3A_674], %mul3A_668 {strides = array<i32>} : memref<96x64xf32, #tpu.memory_space<vmem>>, vector<16xf32>,
      %mul3A_676 = arith.mulf %get3A_271, %gather3A_651 : vector<16xf32>
      %swap3A_677 = arith.constant 0 : i32
      %swap3A_678 = arith.constant 0 : i32
      %swap3A_679 = tpu.memref_slice %arg11[%scan3A_98, %swap3A_677, %swap3A_678] : memref<2x96x64xf32, #tpu.memory_space<vmem>> -> memref<1x96x64xf32, #tpu.memory_space<vmem>>
      %swap3A_680 = tpu.memref_squeeze %swap3A_679 : memref<1x96x64xf32, #tpu.memory_space<vmem>> -> memref<96x64xf32, #tpu.memory_space<vmem>>
      %swap3A_681 = arith.index_cast %add3A_639 : i32 to index
      %swap3A_682 = arith.constant 48 : index
      %swap3A_683 = tpu.vector_load %swap3A_680[%swap3A_681, %swap3A_682] {strides = array<i32>} : memref<96x64xf32, #tpu.memory_space<vmem>>, vector<16xf32>,
      tpu.vector_store %swap3A_680[%swap3A_681, %swap3A_682], %mul3A_676 {strides = array<i32>} : memref<96x64xf32, #tpu.memory_space<vmem>>, vector<16xf32>,
      %add3A_684 = arith.constant 4 : i32
      %add3A_685 = arith.addi %mul3A_106, %add3A_684 : i32
      %broadcast_in_dim3A_686 = arith.constant 4 : i32
      %broadcast_in_dim3A_687 = vector.broadcast %broadcast_in_dim3A_686 : i32 to vector<16xi32>
      %lt3A_688 = arith.constant 0 : i32
      %lt3A_689 = vector.broadcast %lt3A_688 : i32 to vector<16xi32>
      %lt3A_690 = arith.cmpi slt, %broadcast_in_dim3A_687, %lt3A_689 : vector<16xi32>
      %add3A_691 = arith.constant 16 : i32
      %add3A_692 = vector.broadcast %add3A_691 : i32 to vector<16xi32>
      %add3A_693 = arith.addi %broadcast_in_dim3A_687, %add3A_692 : vector<16xi32>
      %select_n3A_694 = arith.select %lt3A_690, %add3A_693, %broadcast_in_dim3A_687 : vector<16xi1>, vector<16xi32>
      %broadcast_in_dim3A_695 = vector.shape_cast %select_n3A_694 : vector<16xi32> to vector<16x1xi32>
      %gather3A_696 = vector.shape_cast %broadcast_in_dim3A_695 : vector<16x1xi32> to vector<16xi32>
      %gather3A_697 = tpu.dynamic_gather %select_n3A_502[%gather3A_696] in [0] : vector<16xf32>, vector<16xi32> -> vector<16xf32>
      %mul3A_698 = arith.mulf %get3A_296, %gather3A_697 : vector<16xf32>
      %swap3A_699 = arith.constant 0 : i32
      %swap3A_700 = arith.constant 0 : i32
      %swap3A_701 = tpu.memref_slice %arg11[%scan3A_98, %swap3A_699, %swap3A_700] : memref<2x96x64xf32, #tpu.memory_space<vmem>> -> memref<1x96x64xf32, #tpu.memory_space<vmem>>
      %swap3A_702 = tpu.memref_squeeze %swap3A_701 : memref<1x96x64xf32, #tpu.memory_space<vmem>> -> memref<96x64xf32, #tpu.memory_space<vmem>>
      %swap3A_703 = arith.index_cast %add3A_685 : i32 to index
      %swap3A_704 = arith.constant 0 : index
      %swap3A_705 = tpu.vector_load %swap3A_702[%swap3A_703, %swap3A_704] {strides = array<i32>} : memref<96x64xf32, #tpu.memory_space<vmem>>, vector<16xf32>,
      tpu.vector_store %swap3A_702[%swap3A_703, %swap3A_704], %mul3A_698 {strides = array<i32>} : memref<96x64xf32, #tpu.memory_space<vmem>>, vector<16xf32>,
      %mul3A_706 = arith.mulf %get3A_303, %gather3A_697 : vector<16xf32>
      %swap3A_707 = arith.constant 0 : i32
      %swap3A_708 = arith.constant 0 : i32
      %swap3A_709 = tpu.memref_slice %arg11[%scan3A_98, %swap3A_707, %swap3A_708] : memref<2x96x64xf32, #tpu.memory_space<vmem>> -> memref<1x96x64xf32, #tpu.memory_space<vmem>>
      %swap3A_710 = tpu.memref_squeeze %swap3A_709 : memref<1x96x64xf32, #tpu.memory_space<vmem>> -> memref<96x64xf32, #tpu.memory_space<vmem>>
      %swap3A_711 = arith.index_cast %add3A_685 : i32 to index
      %swap3A_712 = arith.constant 16 : index
      %swap3A_713 = tpu.vector_load %swap3A_710[%swap3A_711, %swap3A_712] {strides = array<i32>} : memref<96x64xf32, #tpu.memory_space<vmem>>, vector<16xf32>,
      tpu.vector_store %swap3A_710[%swap3A_711, %swap3A_712], %mul3A_706 {strides = array<i32>} : memref<96x64xf32, #tpu.memory_space<vmem>>, vector<16xf32>,
      %mul3A_714 = arith.mulf %get3A_310, %gather3A_697 : vector<16xf32>
      %swap3A_715 = arith.constant 0 : i32
      %swap3A_716 = arith.constant 0 : i32
      %swap3A_717 = tpu.memref_slice %arg11[%scan3A_98, %swap3A_715, %swap3A_716] : memref<2x96x64xf32, #tpu.memory_space<vmem>> -> memref<1x96x64xf32, #tpu.memory_space<vmem>>
      %swap3A_718 = tpu.memref_squeeze %swap3A_717 : memref<1x96x64xf32, #tpu.memory_space<vmem>> -> memref<96x64xf32, #tpu.memory_space<vmem>>
      %swap3A_719 = arith.index_cast %add3A_685 : i32 to index
      %swap3A_720 = arith.constant 32 : index
      %swap3A_721 = tpu.vector_load %swap3A_718[%swap3A_719, %swap3A_720] {strides = array<i32>} : memref<96x64xf32, #tpu.memory_space<vmem>>, vector<16xf32>,
      tpu.vector_store %swap3A_718[%swap3A_719, %swap3A_720], %mul3A_714 {strides = array<i32>} : memref<96x64xf32, #tpu.memory_space<vmem>>, vector<16xf32>,
      %mul3A_722 = arith.mulf %get3A_317, %gather3A_697 : vector<16xf32>
      %swap3A_723 = arith.constant 0 : i32
      %swap3A_724 = arith.constant 0 : i32
      %swap3A_725 = tpu.memref_slice %arg11[%scan3A_98, %swap3A_723, %swap3A_724] : memref<2x96x64xf32, #tpu.memory_space<vmem>> -> memref<1x96x64xf32, #tpu.memory_space<vmem>>
      %swap3A_726 = tpu.memref_squeeze %swap3A_725 : memref<1x96x64xf32, #tpu.memory_space<vmem>> -> memref<96x64xf32, #tpu.memory_space<vmem>>
      %swap3A_727 = arith.index_cast %add3A_685 : i32 to index
      %swap3A_728 = arith.constant 48 : index
      %swap3A_729 = tpu.vector_load %swap3A_726[%swap3A_727, %swap3A_728] {strides = array<i32>} : memref<96x64xf32, #tpu.memory_space<vmem>>, vector<16xf32>,
      tpu.vector_store %swap3A_726[%swap3A_727, %swap3A_728], %mul3A_722 {strides = array<i32>} : memref<96x64xf32, #tpu.memory_space<vmem>>, vector<16xf32>,
      %add3A_730 = arith.constant 5 : i32
      %add3A_731 = arith.addi %mul3A_106, %add3A_730 : i32
      %broadcast_in_dim3A_732 = arith.constant 5 : i32
      %broadcast_in_dim3A_733 = vector.broadcast %broadcast_in_dim3A_732 : i32 to vector<16xi32>
      %lt3A_734 = arith.constant 0 : i32
      %lt3A_735 = vector.broadcast %lt3A_734 : i32 to vector<16xi32>
      %lt3A_736 = arith.cmpi slt, %broadcast_in_dim3A_733, %lt3A_735 : vector<16xi32>
      %add3A_737 = arith.constant 16 : i32
      %add3A_738 = vector.broadcast %add3A_737 : i32 to vector<16xi32>
      %add3A_739 = arith.addi %broadcast_in_dim3A_733, %add3A_738 : vector<16xi32>
      %select_n3A_740 = arith.select %lt3A_736, %add3A_739, %broadcast_in_dim3A_733 : vector<16xi1>, vector<16xi32>
      %broadcast_in_dim3A_741 = vector.shape_cast %select_n3A_740 : vector<16xi32> to vector<16x1xi32>
      %gather3A_742 = vector.shape_cast %broadcast_in_dim3A_741 : vector<16x1xi32> to vector<16xi32>
      %gather3A_743 = tpu.dynamic_gather %select_n3A_502[%gather3A_742] in [0] : vector<16xf32>, vector<16xi32> -> vector<16xf32>
      %mul3A_744 = arith.mulf %get3A_342, %gather3A_743 : vector<16xf32>
      %swap3A_745 = arith.constant 0 : i32
      %swap3A_746 = arith.constant 0 : i32
      %swap3A_747 = tpu.memref_slice %arg11[%scan3A_98, %swap3A_745, %swap3A_746] : memref<2x96x64xf32, #tpu.memory_space<vmem>> -> memref<1x96x64xf32, #tpu.memory_space<vmem>>
      %swap3A_748 = tpu.memref_squeeze %swap3A_747 : memref<1x96x64xf32, #tpu.memory_space<vmem>> -> memref<96x64xf32, #tpu.memory_space<vmem>>
      %swap3A_749 = arith.index_cast %add3A_731 : i32 to index
      %swap3A_750 = arith.constant 0 : index
      %swap3A_751 = tpu.vector_load %swap3A_748[%swap3A_749, %swap3A_750] {strides = array<i32>} : memref<96x64xf32, #tpu.memory_space<vmem>>, vector<16xf32>,
      tpu.vector_store %swap3A_748[%swap3A_749, %swap3A_750], %mul3A_744 {strides = array<i32>} : memref<96x64xf32, #tpu.memory_space<vmem>>, vector<16xf32>,
      %mul3A_752 = arith.mulf %get3A_349, %gather3A_743 : vector<16xf32>
      %swap3A_753 = arith.constant 0 : i32
      %swap3A_754 = arith.constant 0 : i32
      %swap3A_755 = tpu.memref_slice %arg11[%scan3A_98, %swap3A_753, %swap3A_754] : memref<2x96x64xf32, #tpu.memory_space<vmem>> -> memref<1x96x64xf32, #tpu.memory_space<vmem>>
      %swap3A_756 = tpu.memref_squeeze %swap3A_755 : memref<1x96x64xf32, #tpu.memory_space<vmem>> -> memref<96x64xf32, #tpu.memory_space<vmem>>
      %swap3A_757 = arith.index_cast %add3A_731 : i32 to index
      %swap3A_758 = arith.constant 16 : index
      %swap3A_759 = tpu.vector_load %swap3A_756[%swap3A_757, %swap3A_758] {strides = array<i32>} : memref<96x64xf32, #tpu.memory_space<vmem>>, vector<16xf32>,
      tpu.vector_store %swap3A_756[%swap3A_757, %swap3A_758], %mul3A_752 {strides = array<i32>} : memref<96x64xf32, #tpu.memory_space<vmem>>, vector<16xf32>,
      %mul3A_760 = arith.mulf %get3A_356, %gather3A_743 : vector<16xf32>
      %swap3A_761 = arith.constant 0 : i32
      %swap3A_762 = arith.constant 0 : i32
      %swap3A_763 = tpu.memref_slice %arg11[%scan3A_98, %swap3A_761, %swap3A_762] : memref<2x96x64xf32, #tpu.memory_space<vmem>> -> memref<1x96x64xf32, #tpu.memory_space<vmem>>
      %swap3A_764 = tpu.memref_squeeze %swap3A_763 : memref<1x96x64xf32, #tpu.memory_space<vmem>> -> memref<96x64xf32, #tpu.memory_space<vmem>>
      %swap3A_765 = arith.index_cast %add3A_731 : i32 to index
      %swap3A_766 = arith.constant 32 : index
      %swap3A_767 = tpu.vector_load %swap3A_764[%swap3A_765, %swap3A_766] {strides = array<i32>} : memref<96x64xf32, #tpu.memory_space<vmem>>, vector<16xf32>,
      tpu.vector_store %swap3A_764[%swap3A_765, %swap3A_766], %mul3A_760 {strides = array<i32>} : memref<96x64xf32, #tpu.memory_space<vmem>>, vector<16xf32>,
      %mul3A_768 = arith.mulf %get3A_363, %gather3A_743 : vector<16xf32>
      %swap3A_769 = arith.constant 0 : i32
      %swap3A_770 = arith.constant 0 : i32
      %swap3A_771 = tpu.memref_slice %arg11[%scan3A_98, %swap3A_769, %swap3A_770] : memref<2x96x64xf32, #tpu.memory_space<vmem>> -> memref<1x96x64xf32, #tpu.memory_space<vmem>>
      %swap3A_772 = tpu.memref_squeeze %swap3A_771 : memref<1x96x64xf32, #tpu.memory_space<vmem>> -> memref<96x64xf32, #tpu.memory_space<vmem>>
      %swap3A_773 = arith.index_cast %add3A_731 : i32 to index
      %swap3A_774 = arith.constant 48 : index
      %swap3A_775 = tpu.vector_load %swap3A_772[%swap3A_773, %swap3A_774] {strides = array<i32>} : memref<96x64xf32, #tpu.memory_space<vmem>>, vector<16xf32>,
      tpu.vector_store %swap3A_772[%swap3A_773, %swap3A_774], %mul3A_768 {strides = array<i32>} : memref<96x64xf32, #tpu.memory_space<vmem>>, vector<16xf32>,
      %add3A_776 = arith.constant 6 : i32
      %add3A_777 = arith.addi %mul3A_106, %add3A_776 : i32
      %broadcast_in_dim3A_778 = arith.constant 6 : i32
      %broadcast_in_dim3A_779 = vector.broadcast %broadcast_in_dim3A_778 : i32 to vector<16xi32>
      %lt3A_780 = arith.constant 0 : i32
      %lt3A_781 = vector.broadcast %lt3A_780 : i32 to vector<16xi32>
      %lt3A_782 = arith.cmpi slt, %broadcast_in_dim3A_779, %lt3A_781 : vector<16xi32>
      %add3A_783 = arith.constant 16 : i32
      %add3A_784 = vector.broadcast %add3A_783 : i32 to vector<16xi32>
      %add3A_785 = arith.addi %broadcast_in_dim3A_779, %add3A_784 : vector<16xi32>
      %select_n3A_786 = arith.select %lt3A_782, %add3A_785, %broadcast_in_dim3A_779 : vector<16xi1>, vector<16xi32>
      %broadcast_in_dim3A_787 = vector.shape_cast %select_n3A_786 : vector<16xi32> to vector<16x1xi32>
      %gather3A_788 = vector.shape_cast %broadcast_in_dim3A_787 : vector<16x1xi32> to vector<16xi32>
      %gather3A_789 = tpu.dynamic_gather %select_n3A_502[%gather3A_788] in [0] : vector<16xf32>, vector<16xi32> -> vector<16xf32>
      %mul3A_790 = arith.mulf %get3A_388, %gather3A_789 : vector<16xf32>
      %swap3A_791 = arith.constant 0 : i32
      %swap3A_792 = arith.constant 0 : i32
      %swap3A_793 = tpu.memref_slice %arg11[%scan3A_98, %swap3A_791, %swap3A_792] : memref<2x96x64xf32, #tpu.memory_space<vmem>> -> memref<1x96x64xf32, #tpu.memory_space<vmem>>
      %swap3A_794 = tpu.memref_squeeze %swap3A_793 : memref<1x96x64xf32, #tpu.memory_space<vmem>> -> memref<96x64xf32, #tpu.memory_space<vmem>>
      %swap3A_795 = arith.index_cast %add3A_777 : i32 to index
      %swap3A_796 = arith.constant 0 : index
      %swap3A_797 = tpu.vector_load %swap3A_794[%swap3A_795, %swap3A_796] {strides = array<i32>} : memref<96x64xf32, #tpu.memory_space<vmem>>, vector<16xf32>,
      tpu.vector_store %swap3A_794[%swap3A_795, %swap3A_796], %mul3A_790 {strides = array<i32>} : memref<96x64xf32, #tpu.memory_space<vmem>>, vector<16xf32>,
      %mul3A_798 = arith.mulf %get3A_395, %gather3A_789 : vector<16xf32>
      %swap3A_799 = arith.constant 0 : i32
      %swap3A_800 = arith.constant 0 : i32
      %swap3A_801 = tpu.memref_slice %arg11[%scan3A_98, %swap3A_799, %swap3A_800] : memref<2x96x64xf32, #tpu.memory_space<vmem>> -> memref<1x96x64xf32, #tpu.memory_space<vmem>>
      %swap3A_802 = tpu.memref_squeeze %swap3A_801 : memref<1x96x64xf32, #tpu.memory_space<vmem>> -> memref<96x64xf32, #tpu.memory_space<vmem>>
      %swap3A_803 = arith.index_cast %add3A_777 : i32 to index
      %swap3A_804 = arith.constant 16 : index
      %swap3A_805 = tpu.vector_load %swap3A_802[%swap3A_803, %swap3A_804] {strides = array<i32>} : memref<96x64xf32, #tpu.memory_space<vmem>>, vector<16xf32>,
      tpu.vector_store %swap3A_802[%swap3A_803, %swap3A_804], %mul3A_798 {strides = array<i32>} : memref<96x64xf32, #tpu.memory_space<vmem>>, vector<16xf32>,
      %mul3A_806 = arith.mulf %get3A_402, %gather3A_789 : vector<16xf32>
      %swap3A_807 = arith.constant 0 : i32
      %swap3A_808 = arith.constant 0 : i32
      %swap3A_809 = tpu.memref_slice %arg11[%scan3A_98, %swap3A_807, %swap3A_808] : memref<2x96x64xf32, #tpu.memory_space<vmem>> -> memref<1x96x64xf32, #tpu.memory_space<vmem>>
      %swap3A_810 = tpu.memref_squeeze %swap3A_809 : memref<1x96x64xf32, #tpu.memory_space<vmem>> -> memref<96x64xf32, #tpu.memory_space<vmem>>
      %swap3A_811 = arith.index_cast %add3A_777 : i32 to index
      %swap3A_812 = arith.constant 32 : index
      %swap3A_813 = tpu.vector_load %swap3A_810[%swap3A_811, %swap3A_812] {strides = array<i32>} : memref<96x64xf32, #tpu.memory_space<vmem>>, vector<16xf32>,
      tpu.vector_store %swap3A_810[%swap3A_811, %swap3A_812], %mul3A_806 {strides = array<i32>} : memref<96x64xf32, #tpu.memory_space<vmem>>, vector<16xf32>,
      %mul3A_814 = arith.mulf %get3A_409, %gather3A_789 : vector<16xf32>
      %swap3A_815 = arith.constant 0 : i32
      %swap3A_816 = arith.constant 0 : i32
      %swap3A_817 = tpu.memref_slice %arg11[%scan3A_98, %swap3A_815, %swap3A_816] : memref<2x96x64xf32, #tpu.memory_space<vmem>> -> memref<1x96x64xf32, #tpu.memory_space<vmem>>
      %swap3A_818 = tpu.memref_squeeze %swap3A_817 : memref<1x96x64xf32, #tpu.memory_space<vmem>> -> memref<96x64xf32, #tpu.memory_space<vmem>>
      %swap3A_819 = arith.index_cast %add3A_777 : i32 to index
      %swap3A_820 = arith.constant 48 : index
      %swap3A_821 = tpu.vector_load %swap3A_818[%swap3A_819, %swap3A_820] {strides = array<i32>} : memref<96x64xf32, #tpu.memory_space<vmem>>, vector<16xf32>,
      tpu.vector_store %swap3A_818[%swap3A_819, %swap3A_820], %mul3A_814 {strides = array<i32>} : memref<96x64xf32, #tpu.memory_space<vmem>>, vector<16xf32>,
      %add3A_822 = arith.constant 7 : i32
      %add3A_823 = arith.addi %mul3A_106, %add3A_822 : i32
      %broadcast_in_dim3A_824 = arith.constant 7 : i32
      %broadcast_in_dim3A_825 = vector.broadcast %broadcast_in_dim3A_824 : i32 to vector<16xi32>
      %lt3A_826 = arith.constant 0 : i32
      %lt3A_827 = vector.broadcast %lt3A_826 : i32 to vector<16xi32>
      %lt3A_828 = arith.cmpi slt, %broadcast_in_dim3A_825, %lt3A_827 : vector<16xi32>
      %add3A_829 = arith.constant 16 : i32
      %add3A_830 = vector.broadcast %add3A_829 : i32 to vector<16xi32>
      %add3A_831 = arith.addi %broadcast_in_dim3A_825, %add3A_830 : vector<16xi32>
      %select_n3A_832 = arith.select %lt3A_828, %add3A_831, %broadcast_in_dim3A_825 : vector<16xi1>, vector<16xi32>
      %broadcast_in_dim3A_833 = vector.shape_cast %select_n3A_832 : vector<16xi32> to vector<16x1xi32>
      %gather3A_834 = vector.shape_cast %broadcast_in_dim3A_833 : vector<16x1xi32> to vector<16xi32>
      %gather3A_835 = tpu.dynamic_gather %select_n3A_502[%gather3A_834] in [0] : vector<16xf32>, vector<16xi32> -> vector<16xf32>
      %mul3A_836 = arith.mulf %get3A_434, %gather3A_835 : vector<16xf32>
      %swap3A_837 = arith.constant 0 : i32
      %swap3A_838 = arith.constant 0 : i32
      %swap3A_839 = tpu.memref_slice %arg11[%scan3A_98, %swap3A_837, %swap3A_838] : memref<2x96x64xf32, #tpu.memory_space<vmem>> -> memref<1x96x64xf32, #tpu.memory_space<vmem>>
      %swap3A_840 = tpu.memref_squeeze %swap3A_839 : memref<1x96x64xf32, #tpu.memory_space<vmem>> -> memref<96x64xf32, #tpu.memory_space<vmem>>
      %swap3A_841 = arith.index_cast %add3A_823 : i32 to index
      %swap3A_842 = arith.constant 0 : index
      %swap3A_843 = tpu.vector_load %swap3A_840[%swap3A_841, %swap3A_842] {strides = array<i32>} : memref<96x64xf32, #tpu.memory_space<vmem>>, vector<16xf32>,
      tpu.vector_store %swap3A_840[%swap3A_841, %swap3A_842], %mul3A_836 {strides = array<i32>} : memref<96x64xf32, #tpu.memory_space<vmem>>, vector<16xf32>,
      %mul3A_844 = arith.mulf %get3A_441, %gather3A_835 : vector<16xf32>
      %swap3A_845 = arith.constant 0 : i32
      %swap3A_846 = arith.constant 0 : i32
      %swap3A_847 = tpu.memref_slice %arg11[%scan3A_98, %swap3A_845, %swap3A_846] : memref<2x96x64xf32, #tpu.memory_space<vmem>> -> memref<1x96x64xf32, #tpu.memory_space<vmem>>
      %swap3A_848 = tpu.memref_squeeze %swap3A_847 : memref<1x96x64xf32, #tpu.memory_space<vmem>> -> memref<96x64xf32, #tpu.memory_space<vmem>>
      %swap3A_849 = arith.index_cast %add3A_823 : i32 to index
      %swap3A_850 = arith.constant 16 : index
      %swap3A_851 = tpu.vector_load %swap3A_848[%swap3A_849, %swap3A_850] {strides = array<i32>} : memref<96x64xf32, #tpu.memory_space<vmem>>, vector<16xf32>,
      tpu.vector_store %swap3A_848[%swap3A_849, %swap3A_850], %mul3A_844 {strides = array<i32>} : memref<96x64xf32, #tpu.memory_space<vmem>>, vector<16xf32>,
      %mul3A_852 = arith.mulf %get3A_448, %gather3A_835 : vector<16xf32>
      %swap3A_853 = arith.constant 0 : i32
      %swap3A_854 = arith.constant 0 : i32
      %swap3A_855 = tpu.memref_slice %arg11[%scan3A_98, %swap3A_853, %swap3A_854] : memref<2x96x64xf32, #tpu.memory_space<vmem>> -> memref<1x96x64xf32, #tpu.memory_space<vmem>>
      %swap3A_856 = tpu.memref_squeeze %swap3A_855 : memref<1x96x64xf32, #tpu.memory_space<vmem>> -> memref<96x64xf32, #tpu.memory_space<vmem>>
      %swap3A_857 = arith.index_cast %add3A_823 : i32 to index
      %swap3A_858 = arith.constant 32 : index
      %swap3A_859 = tpu.vector_load %swap3A_856[%swap3A_857, %swap3A_858] {strides = array<i32>} : memref<96x64xf32, #tpu.memory_space<vmem>>, vector<16xf32>,
      tpu.vector_store %swap3A_856[%swap3A_857, %swap3A_858], %mul3A_852 {strides = array<i32>} : memref<96x64xf32, #tpu.memory_space<vmem>>, vector<16xf32>,
      %mul3A_860 = arith.mulf %get3A_455, %gather3A_835 : vector<16xf32>
      %swap3A_861 = arith.constant 0 : i32
      %swap3A_862 = arith.constant 0 : i32
      %swap3A_863 = tpu.memref_slice %arg11[%scan3A_98, %swap3A_861, %swap3A_862] : memref<2x96x64xf32, #tpu.memory_space<vmem>> -> memref<1x96x64xf32, #tpu.memory_space<vmem>>
      %swap3A_864 = tpu.memref_squeeze %swap3A_863 : memref<1x96x64xf32, #tpu.memory_space<vmem>> -> memref<96x64xf32, #tpu.memory_space<vmem>>
      %swap3A_865 = arith.index_cast %add3A_823 : i32 to index
      %swap3A_866 = arith.constant 48 : index
      %swap3A_867 = tpu.vector_load %swap3A_864[%swap3A_865, %swap3A_866] {strides = array<i32>} : memref<96x64xf32, #tpu.memory_space<vmem>>, vector<16xf32>,
      tpu.vector_store %swap3A_864[%swap3A_865, %swap3A_866], %mul3A_860 {strides = array<i32>} : memref<96x64xf32, #tpu.memory_space<vmem>>, vector<16xf32>,
    }
    %scan3A_103 = arith.constant 16 : i32
    %run_scoped3A = arith.constant 0 : i32
    "tpu.region"() ({
      %run_scoped3A_104 = tpu.sem_alloc : memref<!tpu.dma_semaphore, #tpu.memory_space<semaphore_mem>>
      %dma_start3A_105 = arith.constant 0 : i32
      %dma_start3A_106 = arith.constant 0 : i32
      %dma_start3A_107 = tpu.memref_slice %arg11[%run_scoped3A, %dma_start3A_105, %dma_start3A_106] : memref<2x96x64xf32, #tpu.memory_space<vmem>> -> memref<1x96x64xf32, #tpu.memory_space<vmem>>
      %dma_start3A_108 = tpu.memref_squeeze %dma_start3A_107 : memref<1x96x64xf32, #tpu.memory_space<vmem>> -> memref<96x64xf32, #tpu.memory_space<vmem>>
      %dma_start3A_109 = arith.constant 0 : i32
      %dma_start3A_110 = arith.constant 0 : i32
      %dma_start3A_111 = tpu.memref_slice %dma_start3A_108[%dma_start3A_109, %dma_start3A_110] : memref<96x64xf32, #tpu.memory_space<vmem>> -> memref<128x64xf32, #tpu.memory_space<vmem>>
      %dma_start3A_112 = arith.constant 0 : i32
      %dma_start3A_113 = tpu.memref_slice %arg7[%mul3A_73, %dma_start3A_112] : memref<4096x64xf32, #tpu.memory_space<hbm>> -> memref<128x64xf32, #tpu.memory_space<hbm>>
      %dma_start3A_114 = arith.constant 0 : i32
      %dma_start3A_115 = tpu.memref_slice %arg7[%mul3A_73, %dma_start3A_114] : memref<4096x64xf32, #tpu.memory_space<hbm>> -> memref<128x64xf32, #tpu.memory_space<hbm>>
      %dma_start3A_116 = arith.constant 0 : i32
      %dma_start3A_117 = arith.constant 0 : i32
      %dma_start3A_118 = tpu.memref_slice %arg11[%run_scoped3A, %dma_start3A_116, %dma_start3A_117] : memref<2x96x64xf32, #tpu.memory_space<vmem>> -> memref<1x96x64xf32, #tpu.memory_space<vmem>>
      %dma_start3A_119 = tpu.memref_squeeze %dma_start3A_118 : memref<1x96x64xf32, #tpu.memory_space<vmem>> -> memref<96x64xf32, #tpu.memory_space<vmem>>
      %dma_start3A_120 = arith.constant 0 : i32
      %dma_start3A_121 = arith.constant 0 : i32
      %dma_start3A_122 = tpu.memref_slice %dma_start3A_119[%dma_start3A_120, %dma_start3A_121] : memref<96x64xf32, #tpu.memory_space<vmem>> -> memref<128x64xf32, #tpu.memory_space<vmem>>
      tpu.enqueue_dma source(%dma_start3A_122 : memref<128x64xf32, #tpu.memory_space<vmem>>) target(%dma_start3A_115 : memref<128x64xf32, #tpu.memory_space<hbm>>) target_semaphore(%run_scoped3A_104 : memref<!tpu.dma_semaphore, #tpu.memory_space<semaphore_mem>>)
      %dma_wait3A_123 = arith.constant 0 : i32
      %dma_wait3A_124 = arith.constant 0 : i32
      %dma_wait3A_125 = tpu.memref_slice %arg11[%run_scoped3A, %dma_wait3A_123, %dma_wait3A_124] : memref<2x96x64xf32, #tpu.memory_space<vmem>> -> memref<1x96x64xf32, #tpu.memory_space<vmem>>
      %dma_wait3A_126 = tpu.memref_squeeze %dma_wait3A_125 : memref<1x96x64xf32, #tpu.memory_space<vmem>> -> memref<96x64xf32, #tpu.memory_space<vmem>>
      %dma_wait3A_127 = arith.constant 0 : i32
      %dma_wait3A_128 = arith.constant 0 : i32
      %dma_wait3A_129 = tpu.memref_slice %dma_wait3A_126[%dma_wait3A_127, %dma_wait3A_128] : memref<96x64xf32, #tpu.memory_space<vmem>> -> memref<128x64xf32, #tpu.memory_space<vmem>>
      %dma_wait3A_130 = arith.constant 0 : i32
      %dma_wait3A_131 = tpu.memref_slice %arg7[%mul3A_73, %dma_wait3A_130] : memref<4096x64xf32, #tpu.memory_space<hbm>> -> memref<128x64xf32, #tpu.memory_space<hbm>>
      %dma_wait3A_132 = arith.constant 0 : i32
      %dma_wait3A_133 = tpu.memref_slice %arg7[%mul3A_73, %dma_wait3A_132] : memref<4096x64xf32, #tpu.memory_space<hbm>> -> memref<128x64xf32, #tpu.memory_space<hbm>>
      %dma_wait3A_134 = arith.constant 0 : i32
      %dma_wait3A_135 = arith.constant 0 : i32
      %dma_wait3A_136 = tpu.memref_slice %arg11[%run_scoped3A, %dma_wait3A_134, %dma_wait3A_135] : memref<2x96x64xf32, #tpu.memory_space<vmem>> -> memref<1x96x64xf32, #tpu.memory_space<vmem>>
      %dma_wait3A_137 = tpu.memref_squeeze %dma_wait3A_136 : memref<1x96x64xf32, #tpu.memory_space<vmem>> -> memref<96x64xf32, #tpu.memory_space<vmem>>
      %dma_wait3A_138 = arith.constant 0 : i32
      %dma_wait3A_139 = arith.constant 0 : i32
      %dma_wait3A_140 = tpu.memref_slice %dma_wait3A_137[%dma_wait3A_138, %dma_wait3A_139] : memref<96x64xf32, #tpu.memory_space<vmem>> -> memref<128x64xf32, #tpu.memory_space<vmem>>
      tpu.wait_dma2 semaphore(%run_scoped3A_104 : memref<!tpu.dma_semaphore, #tpu.memory_space<semaphore_mem>>) src(%dma_wait3A_140 : memref<128x64xf32, #tpu.memory_space<vmem>>) dst(%dma_wait3A_133 : memref<128x64xf32, #tpu.memory_space<hbm>>)
      tpu.yield
    }) : () -> ()
    return
  }
}

</mosaic_0001>

<sc_bundles>
// kernel: _encoder.3.cloned.1.call-start
scs
__scs_entry_jumppad:
0x0: {  	(pc) =	sbr.rel $0x88, $3  }
0x1: {  	(tag) =	ssettag $0x0;
	lr =	simm.s32 $0x1  }
0x2: {  	[smem:$0x3F9D] =	sst lr;
	_ =	strace $0xD0000000  }
0x3: {  	_ = 	snop  }
0x4: {  	_ = 	snop  }
0x5: {  	_ = 	snop  }
0x6: {  	_ = 	snop  }
0x7: {  	_ = 	snop  }
__scs_overlays_trampoline_lowered:
0x8: {  	[smem:$0x3FAC] =	sst s0  }
0x9: {  	[smem:$0x3FAD] =	sst s1  }
0xa: {  	[smem:$0x3FAE] =	sst s2  }
0xb: {  	[smem:$0x3FAF] =	sst s3  }
0xc: {  	[smem:$0x3FB0] =	sst s4  }
0xd: {  	[smem:$0x3FB1] =	sst s5  }
0xe: {  	[smem:$0x3FB2] =	sst s6  }
0xf: {  	[smem:$0x3FB3] =	sst s7  }
0x10: {  	[smem:$0x3FB4] =	sst s8  }
0x11: {  	[smem:$0x3FB5] =	sst s9;
	s0 =	simm.s32 @!p0 $0x0  }
0x12: {  	s1 =	sld [smem:$0x3F9B];
	s0 =	simm.s32 @p0 $0x1  }
0x13: {  	[smem:$0x3FB6] =	sst s0;
	s0 =	simm.s32 @!p1 $0x0  }
0x14: {  	s2 =	sld [smem:$0x3F9A];
	s0 =	simm.s32 @p1 $0x1  }
0x15: {  	[smem:$0x3FB7] =	sst s0;
	s0 =	simm.s32 @!p2 $0x0  }
0x16: {  	s3 =	sld [smem:$0x3FDB];
	s0 =	simm.s32 @p2 $0x1  }
0x17: {  	s4 =	simm.s32 $0x1BF5;
	[smem:$0x3FB9] =	sst s0  }
0x18: {  	s0 =	sld [smem:$0x3F9C];
	_ =	swait.ge [sflag:s4], $0x0  }
0x19: {  	s7 =	sld [smem:$0x3F9D]  }
0x1a: {  	s8 =	sadd.s32 $0xFFFFE003, lr  }
0x1b: {  	s9 =	sadd.s32 $0xFFFFFEF7, lr;
	s5 =	simm.s32 $0xFFFFFFFF;
	p2 =	slt.u32 s8, $0xFFFFF086  }
0x1c: {  	p1 =	slt.u32 s9, $0xF7A;
	s5 =	simm.s32 @!p2 $0x0  }
0x1d: {  	s5 =	simm.s32 @p1 $0x1;
	p0 =	seq.s32 s7, s2  }
0x1e: {  	s7 =	smul.u32 @!p0 $0xF7A, s2;
	p2 =	seq.s32 @!p0 s5, $0x0  }
0x1f: {  	s9 =	smul.u32 $0xF7A, s1;
	s8 =	simm.s32 @!p0 $0x1BF5;
	p2 =	por !p2, p0  }
0x20: {  	[sflag:s8] =	ssyncset.s32 @!p0 $0xFFFFF086;
	s6 =	sadd.s32 @!p0 s3, s7;
	s7 =	simm.s32 @!p0 $0x108  }
0x21: {  	s3 =	sadd.s32 s3, s9;
	s6 =	sadd.s32 @!p0 $0x88, s6;
	s7 =	simm.s32 @p2 $0x1082  }
0x22: {  	[simem:s7], [sflag:s8] =	dma.local @!p0 [hbm:s6], $0xF7A  }
0x23: {  	s9 =	sor.u32 $0xD0000000, s2;
	s6 =	simm.s32 $0x108;
	_ =	swait.ge @!p0 [sflag:s8], $0x0  }
0x24: {  	s3 =	sadd.s32 $0x88, s3;
	s6 =	simm.s32 @!p1 $0x1082;
	[sflag:s4] =	ssyncset.s32 $0xFFFFF086  }
0x25: {  	[simem:s6], [sflag:s4] =	dma.local [hbm:s3], $0xF7A  }
0x26: {  	[smem:$0x3F9D] =	sst s1;
	(tag) =	ssettag s2;
	_ =	strace s9  }
0x27: {  	s1 =	sld [smem:$0x3FAD]  }
0x28: {  	s2 =	sld [smem:$0x3FAE]  }
0x29: {  	s4 =	sld [smem:$0x3FB0]  }
0x2a: {  	p0 =	seq.s32 s5, $0x0;
	s5 =	sld [smem:$0x3FB1]  }
0x2b: {  	s6 =	sld [smem:$0x3FB2]  }
0x2c: {  	s7 =	sld [smem:$0x3FB3]  }
0x2d: {  	s3 =	simm.s32 $0x108;
	s8 =	sld [smem:$0x3FB4]  }
0x2e: {  	s3 =	simm.s32 @!p0 $0x1082;
	s9 =	sld [smem:$0x3FB5]  }
0x2f: {  	lr =	sadd.s32 s0, s3;
	s0 =	sld [smem:$0x3FAC]  }
0x30: {  	s3 =	sld [smem:$0x3FAF]  }
0x31: {  	[smem:$0x3FB8] =	sst s10  }
0x32: {  	s10 =	sld [smem:$0x3FB6];
	_ =	sdelay $0x3  }
0x33: {  	p0 =	seq.s32 s10, $0x1;
	s10 =	sld [smem:$0x3FB8];
	_ =	sdelay $0x3  }
0x34: {  	[smem:$0x3FB8] =	sst s10  }
0x35: {  	s10 =	sld [smem:$0x3FB7];
	_ =	sdelay $0x3  }
0x36: {  	p1 =	seq.s32 s10, $0x1;
	s10 =	sld [smem:$0x3FB8];
	_ =	sdelay $0x3  }
0x37: {  	[smem:$0x3FB8] =	sst s10  }
0x38: {  	s10 =	sld [smem:$0x3FB9]  }
0x39: {  	_ = 	snop;
	(pc) =	sbr.ind lr, $3  }
0x3a: {  	_ = 	snop  }
0x3b: {  	_ = 	snop  }
0x3c: {  	p2 =	seq.s32 s10, $0x1;
	s10 =	sld [smem:$0x3FB8]  }
0x3d: {  	_ =	shalt  }
0x3e: {  	_ =	shalt  }
0x3f: {  	_ =	shalt  }
0x40: {  	_ =	shalt  }
0x41: {  	_ =	shalt  }
0x42: {  	_ =	shalt  }
0x43: {  	_ =	shalt  }
0x44: {  	_ =	shalt  }
0x45: {  	_ =	shalt  }
0x46: {  	_ =	shalt  }
0x47: {  	_ =	shalt  }
0x48: {  	_ =	shalt  }
0x49: {  	_ =	shalt  }
0x4a: {  	_ =	shalt  }
0x4b: {  	_ =	shalt  }
0x4c: {  	_ =	shalt  }
0x4d: {  	_ =	shalt  }
0x4e: {  	_ =	shalt  }
0x4f: {  	_ =	shalt  }
0x50: {  	_ =	shalt  }
0x51: {  	_ =	shalt  }
0x52: {  	_ =	shalt  }
0x53: {  	_ =	shalt  }
0x54: {  	_ =	shalt  }
0x55: {  	_ =	shalt  }
0x56: {  	_ =	shalt  }
0x57: {  	_ =	shalt  }
0x58: {  	_ =	shalt  }
0x59: {  	_ =	shalt  }
0x5a: {  	_ =	shalt  }
0x5b: {  	_ =	shalt  }
0x5c: {  	_ =	shalt  }
0x5d: {  	_ =	shalt  }
0x5e: {  	_ =	shalt  }
0x5f: {  	_ =	shalt  }
0x60: {  	_ =	shalt  }
0x61: {  	_ =	shalt  }
0x62: {  	_ =	shalt  }
0x63: {  	_ =	shalt  }
0x64: {  	_ =	shalt  }
0x65: {  	_ =	shalt  }
0x66: {  	_ =	shalt  }
0x67: {  	_ =	shalt  }
0x68: {  	_ =	shalt  }
0x69: {  	_ =	shalt  }
0x6a: {  	_ =	shalt  }
0x6b: {  	_ =	shalt  }
0x6c: {  	_ =	shalt  }
0x6d: {  	_ =	shalt  }
0x6e: {  	_ =	shalt  }
0x6f: {  	_ =	shalt  }
0x70: {  	_ =	shalt  }
0x71: {  	_ =	shalt  }
0x72: {  	_ =	shalt  }
0x73: {  	_ =	shalt  }
0x74: {  	_ =	shalt  }
0x75: {  	_ =	shalt  }
0x76: {  	_ =	shalt  }
0x77: {  	_ =	shalt  }
0x78: {  	_ =	shalt  }
0x79: {  	_ =	shalt  }
0x7a: {  	_ =	shalt  }
0x7b: {  	_ =	shalt  }
0x7c: {  	_ =	shalt  }
0x7d: {  	_ =	shalt  }
0x7e: {  	_ =	shalt  }
0x7f: {  	_ =	shalt  }
0x80: {  	_ =	shalt  }
0x81: {  	_ =	shalt  }
0x82: {  	_ =	shalt  }
0x83: {  	_ =	shalt  }
0x84: {  	_ =	shalt  }
0x85: {  	_ =	shalt  }
0x86: {  	_ =	shalt  }
0x87: {  	_ =	shalt  }
.Lfunc_end0:
.L_simem_size_0:
called_computation_lowered:
.L_overlay_start_0:
0x88: {  	s2 =	sld [smem:$0x3FD9]  }
0x89: {  	s3 =	sld [smem:$0x3FFE];
	_ =	sdelay $0x1  }
0x8a: {  	s1 =	srdreg.scid  }
0x8b: {  	s0 =	sand.u32 $0x1, s1  }
0x8c: {  	s17 =	sshll.u32 s0, $0xA;
	s2 =	sadd.s32 s3, s2  }
0x8d: {  	s2 =	sadd.s32 s2, s17  }
0x8e: {  	[smem:$0x3FC4] =	sst s2  }
0x8f: {  	_ = 	snop  }
0x90: {  	s2 =	sld [smem:$0x3FC9]  }
0x91: {  	s18 =	sld [smem:$0x3FC8]  }
0x92: {  	s4 =	sld [smem:$0x3FC7]  }
0x93: {  	s5 =	sld [smem:$0x3FC6];
	(tm) =	ssettm $0x1  }
0x94: {  	s6 =	sld [smem:$0x3FFB];
	_ =	sdelay $0x3  }
0x95: {  	_ =	strace s6  }
0x96: {  	s6 =	sld [smem:$0x3FFC];
	_ =	sdelay $0x3  }
0x97: {  	_ =	strace s6  }
0x98: {  	s6 =	sld [smem:$0x3FFD];
	_ =	sdelay $0x3  }
0x99: {  	_ =	strace s6  }
0x9a: {  	_ =	strace $0x8FFFFFFF  }
0x9b: {  	s19 =	sld [smem:$0x3FDB];
	_ =	sdelay $0x1  }
0x9c: {  	s7 =	simm.s32 $_scs_section_size  }
0x9d: {  	s8 =	simm.s32 $_size__tile_overlayer_lowered;
	s9 =	simm.s32 $_tile_overlayer_lowered  }
0x9e: {  	s22 =	simm.s32 $0x1BFF;
	s21 =	sshll.u32 s9, $0x1;
	s6 =	sadd.s32 s7, s19  }
0x9f: {  	s10 =	simm.s32 $0x0;
	s20 =	sshll.u32 s8, $0x1;
	s8 =	sadd.s32 s21, s6  }
0xa0: {  	[timem:s10], [sflag:s22] =	dma.local [hbm:s8], s20  }
0xa1: {  	_ =	swait.ge [sflag:s22], s20  }
0xa2: {  	s7 =	ssub.s32 $0x0, s20;
	[sflag:s22] =	ssyncset.done $0x0  }
0xa3: {  	[sflag:s22] =	ssyncadd.s32 s7;
	_ =	sdelay $0x1  }
0xa4: {  	s23 =	simm.s32 $0x1B8B  }
0xa5: {  	_ =	swait.ge [sflag:s23], $0x1  }
0xa6: {  	[sflag:s23] =	ssyncset.done $0x0  }
0xa7: {  	s25 =	simm.s32 $0x1B8E;
	s24 =	sld [smem:$0x3FFE];
	[sflag:s23] =	ssyncadd.s32 $0xFFFFFFFF  }
0xa8: {  	s26 =	simm.s32 $execute0_lowered;
	[smem:$0x3FD2] =	sst s25  }
0xa9: {  	s8 =	sshll.u32 s26, $0x1;
	_ =	strace $0x80000046;
	[dreg:$0x1] =	wrdreg $0xFFFFFFFF  }
0xaa: {  	s28 =	simm.s32 $_size_execute0_lowered;
	s6 =	sadd.s32 s6, s8;
	[dreg:$0x0] =	wrdreg $0x0  }
0xab: {  	s8 =	sshll.u32 s28, $0x1;
	[dreg:$0x2] =	wrdreg s6  }
0xac: {  	[dreg:$0x3] =	wrdreg s8  }
0xad: {  	[dreg:$0x4] =	wrdreg $0xC0  }
0xae: {  	_ =	task [dreg:s10], $0x5FFFF  }
0xaf: {  	[dreg:$0x1] =	wrdreg $0xFFFFFFFF  }
0xb0: {  	[dreg:$0x0] =	wrdreg $0x60  }
0xb1: {  	[dreg:$0x2] =	wrdreg s2  }
0xb2: {  	[dreg:$0x3] =	wrdreg s18  }
0xb3: {  	[dreg:$0x4] =	wrdreg s4  }
0xb4: {  	[dreg:$0x5] =	wrdreg s5  }
0xb5: {  	[dreg:$0x6] =	wrdreg s24  }
0xb6: {  	[dreg:$0x7] =	wrdreg $0x9  }
0xb7: {  	_ =	task.clear_ibuf [dreg:s10], $0x8FFFF;
	_ =	strace $0x90000046  }
0xb8: {  	s29 =	simm.s32 $0x9;
	_ =	strace $0x80000048  }
0xb9: {  	_ =	swait.ge [sflag:s29], $0x1  }
0xba: {  	[sflag:s29] =	ssyncadd.s32 $0xFFFFFFFF  }
0xbb: {  	_ =	strace $0x90000048  }
0xbc: {  	_ =	sfence  }
0xbd: {  	s30 =	sld [smem:$0x0];
	_ =	sdelay $0x2  }
0xbe: {  	s31 =	sshll.u32 s1, $0xD;
	s1 =	sshrl.u32 s1, $0x2  }
0xbf: {  	s3 =	sand.u32 $0x4000, s31;
	s1 =	sadd.s32 s1, s30  }
0xc0: {  	s0 =	sor.u32 s3, s0;
	s1 =	sshll.u32 s1, $0x11  }
0xc1: {  	s0 =	sor.u32 s1, s0  }
0xc2: {  	s0 =	sadd.s32 $0x8F2B, s0  }
0xc3: {  	[sflag:s0] =	ssyncadd.remote.s32 $0x1  }
0xc4: {  	_ =	sfence.sel $0xFFFF  }
0xc5: {  	[dreg:$0x0] =	wrdreg $0xFFFFFFFF;
	(pc) =	sbr.abs _section_cstart, $3  }
0xc6: {  	[dreg:$0x1] =	wrdreg $0xFFFFFFFF  }
0xc7: {  	_ =	task.clear_ibuf [dreg:s10], $0x2FFFF;
	_ =	strace $0x9FFFFFFF  }
0xc8: {  	(tm) =	ssettm $0x7FFFFFFF  }
0xc9: {  	_ =	shalt  }
tec
execute0_lowered:
.L_overlay_start_1:
0x0: {  	(tag) =	ssettag $0x1  }
0x1: {  	s7 =	rddreg [dreg:$0x0]  }
0x2: {  	s8 =	rddreg [dreg:$0x1]  }
0x3: {  	s1 =	rddreg [dreg:$0x2]  }
0x4: {  	s2 =	rddreg [dreg:$0x3]  }
0x5: {  	s6 =	rddreg [dreg:$0x4]  }
0x6: {  	s0 =	rddreg [dreg:$0x5];
	s4 =	simm.s32 $0x0  }
0x7: {  	s5 =	srdreg.scid;
	s3 =	stileid.u32;
	s14 =	simm.s32 $0x6080  }
0x8: {  	s15 =	simm.s32 $0x1;
	s16 =	simm.s32 $0x9080;
	s17 =	simm.s32 $0x2  }
0x9: {  	s18 =	simm.s32 $0xC080;
	s19 =	simm.s32 $0x3;
	s20 =	simm.s32 $0x4  }
0xa: {  	s21 =	simm.s32 $0x3000;
	s22 =	simm.s32 $0x80;
	s23 =	simm.s32 $0x0  }
0xb: {  	[smem:$0x7FF] =	sst s4;
	s9 =	sand.u32 $0x1, s5;
	s10 =	sshll.u32 s3, $0x1  }
0xc: {  	s5 =	sadd.s32 $0xA00, s6;
	s10 =	sor.u32 s9, s10;
	s9 =	ssub.s32 $0x2, s9  }
0xd: {  	_ =	strace $0x80000047;
	s11 =	sshll.u32 s10, $0xB;
	s12 =	sshrl.u32 s9, $0x1  }
0xe: {  	s13 =	smul.u32 $0x600, s10;
	s31 =	sshll.u32 s10, $0x4;
	s11 =	sadd.s32 s11, s6  }
0xf: {  	vm0 =	vmmov $0x1;
	vm1 =	vcmask $0x320;
	vm2 =	vcmask $0x720;
	s12 =	ssub.s32 s9, s12;
	s6 =	sshll.u32 s10, $0x7;
	s8 =	sadd.s32 s8, s31  }
0x10: {  	vm3 =	vcmask $0xB20;
	vm4 =	vcmask $0xF20;
	vm5 =	vcmask $0x1320;
	s7 =	sadd.s32 s7, s13;
	s9 =	sadd.s32 $0x600A00, s11;
	s10 =	smax.u32 s12, $0x1  }
0x11: {  	vm6 =	vcmask $0x1720;
	vm7 =	vcmask $0x1B20;
	v16 =	vimm.s32 $0x0;
	s11 =	simm.s32 $0x5;
	s12 =	simm.s32 $0x60;
	s13 =	simm.s32 $0x3080  }
.LBB2_1:
0x12: {  	[tilespmem:s4], [sflag:$0x5] =	stream.linear.gather [hbm4b:s7+s4], $0x3000, $0x38;
	[tilespmem:$0xF080] =	vst v63  }
0x13: {  	_ =	swait.ge [sflag:s11], $0x3000  }
0x14: {  	[sflag:s11] =	ssyncset.done $0x0  }
0x15: {  	[sflag:s11] =	ssyncadd.s32 $0xFFFFD000  }
0x16: {  	[tilespmem:s13], [sflag:$0x1] =	stream.indirect.gather [hbm4b:s1+s12], $0x80, s4, s12, $0xb8;
	[tilespmem:$0xF080] =	vst v63  }
0x17: {  	s24 =	simm.s32 $0x0  }
0x18: {  	[tilespmem:s14], [sflag:$0x2] =	stream.indirect.gather [hbm4b:s1+s12], $0x80, s12, s12, $0xb8;
	[tilespmem:$0xF080] =	vst v63  }
.LBB2_2:
0x19: {  	_ =	swait.ge [sflag:s15], $0x3000  }
0x1a: {  	p0 =	seq.s32 s24, $0x0;
	[sflag:s15] =	ssyncset.done $0x0  }
0x1b: {  	s25 =	simm.s32 @!p0 $0x3;
	[sflag:s15] =	ssyncadd.s32 $0xFFFFD000  }
0x1c: {  	_ =	swait.ge @!p0 [sflag:s25], $0x3000  }
0x1d: {  	[sflag:s25] =	ssyncset.done @!p0 $0x0  }
0x1e: {  	s28 =	simm.s32 $0x0;
	[sflag:s25] =	ssyncadd.s32 @!p0 $0xFFFFD000  }
0x1f: {  	v7 =	vld [tilespmem:s28+$0x3430]  }
0x20: {  	v1 =	vld [tilespmem:s28+$0x3330]  }
0x21: {  	v5 =	vld [tilespmem:s28+$0x3420]  }
0x22: {  	v20 =	vld [tilespmem:s28+$0x32B0]  }
0x23: {  	v12 =	vld [tilespmem:s28+$0x3320]  }
0x24: {  	v0 =	vld [tilespmem:s28+$0x3400]  }
0x25: {  	v2 =	vld [tilespmem:s28+$0x3410]  }
0x26: {  	v47 =	vld [tilespmem:s28+$0x31B0]  }
0x27: {  	v62 =	vld [tilespmem:s28+$0x32A0]  }
0x28: {  	v57 =	vld [tilespmem:s28+$0x3300]  }
0x29: {  	v58 =	vld [tilespmem:s28+$0x3310]  }
0x2a: {  	v19 =	vld [tilespmem:s28+$0x3380]  }
0x2b: {  	v53 =	vld [tilespmem:s28+$0x3280]  }
0x2c: {  	v56 =	vld [tilespmem:s28+$0x3290]  }
0x2d: {  	v23 =	vld [tilespmem:s28+$0x3130]  }
0x2e: {  	v24 =	vld [tilespmem:s28+$0x3180];
	[tilespmem:$0x1FFF0] =	vst v0  }
0x2f: {  	v4 =	vld [tilespmem:s28+$0x3190];
	v0 =	vmul.f32 v0, v0;
	[tilespmem:$0x1FED0] =	vst v2;
	v2 =	vmul.f32 v2, v2  }
0x30: {  	v3 =	vld [tilespmem:s28+$0x31A0];
	v8 =	vmul.f32 v57, v57;
	v9 =	vmul.f32 v58, v58  }
0x31: {  	v6 =	vld [tilespmem:s28+$0x3100];
	v0 =	vadd.f32 v2, v0;
	v2 =	vmul.f32 v5, v5  }
0x32: {  	v17 =	vld [tilespmem:s28+$0x3120];
	[tilespmem:$0x1FFC0] =	vst v12;
	v10 =	vmul.f32 v56, v56;
	v12 =	vmul.f32 v12, v12;
	v8 =	vadd.f32 v9, v8  }
0x33: {  	[tilespmem:$0x1FEE0] =	vst v5;
	v11 =	vmul.f32 v7, v7;
	v5 =	vld [tilespmem:s28+$0x3110];
	v0 =	vadd.f32 v2, v0;
	v2 =	vmul.f32 v53, v53  }
0x34: {  	v13 =	vmul.f32 v1, v1;
	v14 =	vmul.f32 v62, v62;
	v9 =	vld [tilespmem:s28+$0x3080];
	v8 =	vadd.f32 v12, v8  }
0x35: {  	v15 =	vmul.f32 v4, v4;
	v12 =	vmul.f32 v24, v24;
	v2 =	vadd.f32 v10, v2;
	v10 =	vld [tilespmem:s28+$0x3090]  }
0x36: {  	v52 =	vld [tilespmem:s28+$0x3200];
	v18 =	vadd.f32 v11, v0;
	v8 =	vadd.f32 v13, v8  }
0x37: {  	v12 =	vadd.f32 v15, v12;
	v13 =	vmul.f32 v3, v3;
	v0 =	vadd.f32 v14, v2;
	v14 =	vld [tilespmem:s28+$0x30A0]  }
0x38: {  	v49 =	vld [tilespmem:s28+$0x3210];
	v2 =	vmul.f32 v20, v20  }
0x39: {  	[tilespmem:$0x1FFB0] =	vst v20;
	v15 =	vmul.f32 v6, v6;
	v11 =	vld [tilespmem:s28+$0x30B0];
	v20 =	vmul.f32 v5, v5;
	v12 =	vadd.f32 v13, v12  }
0x3a: {  	v50 =	vld [tilespmem:s28+$0x3220];
	v2 =	vadd.f32 v2, v0;
	v0 =	vmul.f32 v9, v9;
	v13 =	vmul.f32 v10, v10  }
0x3b: {  	v63 =	vld [tilespmem:s28+$0x3390];
	v21 =	vmul.f32 v47, v47;
	v15 =	vadd.f32 v20, v15;
	v20 =	vmul.f32 v17, v17  }
0x3c: {  	v48 =	vld [tilespmem:s28+$0x3230];
	v22 =	vmul.f32 v23, v23;
	v13 =	vadd.f32 v13, v0;
	v25 =	vmul.f32 v14, v14  }
0x3d: {  	v59 =	vld [tilespmem:s28+$0x33A0];
	(xrf2) =	vadd.scan.msk.f32 $0xffff, v18;
	v18 =	vmul.f32 v52, v52;
	v15 =	vadd.f32 v20, v15;
	v20 =	vmul.f32 v49, v49  }
0x3e: {  	(xrf2) =	vadd.scan.msk.f32 $0xffff, v8;
	v8 =	vadd.f32 v21, v12;
	v12 =	vadd.f32 v25, v13;
	v13 =	vmul.f32 v11, v11  }
0x3f: {  	v61 =	vld [tilespmem:s28+$0x33B0];
	(xrf2) =	vadd.scan.msk.f32 $0xffff, v2;
	v15 =	vadd.f32 v22, v15;
	v18 =	vadd.f32 v20, v18;
	v20 =	vmul.f32 v50, v50  }
0x40: {  	(xrf2) =	vadd.scan.msk.f32 $0xffff, v8;
	v8 =	vmul.f32 v19, v19;
	v12 =	vadd.f32 v13, v12;
	v13 =	vmul.f32 v63, v63  }
0x41: {  	(xrf2) =	vadd.scan.msk.f32 $0xffff, v15;
	v15 =	vadd.f32 v20, v18  }
0x42: {  	v18 =	vmul.f32 v48, v48;
	v8 =	vadd.f32 v13, v8;
	v13 =	vmul.f32 v59, v59  }
0x43: {  	(xrf2) =	vadd.scan.msk.f32 $0xffff, v12  }
0x44: {  	v12 =	vadd.f32 v18, v15;
	v8 =	vadd.f32 v13, v8;
	v13 =	vmul.f32 v61, v61;
	_ =	sdelay $0x1  }
0x45: {  	v8 =	vadd.f32 v13, v8  }
0x46: {  	(xrf2) =	vadd.scan.msk.f32 $0xffff, v12  }
0x47: {  	v12, _, _ =	vpop (xrf2)  }
0x48: {  	v13, _, _ =	vpop (xrf2)  }
0x49: {  	(xrf2) =	vadd.scan.msk.f32 $0xffff, v8;
	v8, _, _ =	vpop (xrf2)  }
0x4a: {  	v15, _, _ =	vpop (xrf2)  }
0x4b: {  	v18, _, _ =	vpop (xrf2)  }
0x4c: {  	v20, _, _ =	vpop (xrf2)  }
0x4d: {  	v20 =	vbroadcast v20, $0xF  }
0x4e: {  	v18 =	vbroadcast v18, $0xF  }
0x4f: {  	v20 =	vnsel vm0, $0x0, v20  }
0x50: {  	v15 =	vbroadcast v15, $0xF;
	v21, _, _ =	vpop (xrf2);
	v18 =	vsel vm1, v20, v18  }
0x51: {  	v20 =	vbroadcast v21, $0xF  }
0x52: {  	v8 =	vbroadcast v8, $0xF;
	v15 =	vsel vm2, v18, v15  }
0x53: {  	v13 =	vbroadcast v13, $0xF;
	v15 =	vsel vm3, v15, v20;
	v18, _, _ =	vpop (xrf2)  }
0x54: {  	v8 =	vsel vm4, v15, v8;
	v15 =	vbroadcast v18, $0xF  }
0x55: {  	v12 =	vbroadcast v12, $0xF;
	v8 =	vsel vm5, v8, v13  }
0x56: {  	v8 =	vsel vm6, v8, v15  }
0x57: {  	v8 =	vsel vm7, v8, v12  }
0x58: {  	v12 =	vshra.s32 v8, $0x1;
	v13 =	vmul.f32 $5.000000000e-01, v8  }
0x59: {  	v12 =	vsub.s32 $0x5F3759DF, v12  }
0x5a: {  	s26 =	simm.s32 $0x400;
	v15 =	vmul.f32 v12, v13  }
0x5b: {  	v31 =	vld [tilespmem:s26+$0x3430]  }
0x5c: {  	v54 =	vld [tilespmem:s26+$0x3330];
	v15 =	vmul.f32 v12, v15  }
0x5d: {  	v60 =	vld [tilespmem:s26+$0x32B0]  }
0x5e: {  	v27 =	vld [tilespmem:s26+$0x3320];
	v18 =	vsub.f32 $1.500000000e+00, v15  }
0x5f: {  	v34 =	vld [tilespmem:s26+$0x32A0]  }
0x60: {  	v36 =	vld [tilespmem:s26+$0x3300];
	v12 =	vmul.f32 v12, v18  }
0x61: {  	v26 =	vld [tilespmem:s26+$0x3310]  }
0x62: {  	v28 =	vld [tilespmem:s26+$0x3280];
	v18 =	vmul.f32 v12, v13  }
0x63: {  	v33 =	vld [tilespmem:s26+$0x3130]  }
0x64: {  	v29 =	vld [tilespmem:s26+$0x3180];
	v18 =	vmul.f32 v18, v12  }
0x65: {  	v32 =	vld [tilespmem:s26+$0x3190]  }
0x66: {  	v30 =	vld [tilespmem:s26+$0x31A0];
	v21 =	vsub.f32 $1.500000000e+00, v18  }
0x67: {  	v39 =	vld [tilespmem:s26+$0x3100]  }
0x68: {  	v42 =	vld [tilespmem:s26+$0x3110];
	v12 =	vmul.f32 v21, v12  }
0x69: {  	v43 =	vld [tilespmem:s26+$0x3120]  }
0x6a: {  	v46 =	vld [tilespmem:s26+$0x3080];
	v13 =	vmul.f32 v12, v13  }
0x6b: {  	v41 =	vld [tilespmem:s26+$0x3090]  }
0x6c: {  	v20 =	vld [tilespmem:s26+$0x3400];
	v13 =	vmul.f32 v13, v12  }
0x6d: {  	v15 =	vld [tilespmem:s26+$0x3410]  }
0x6e: {  	[tilespmem:$0x1FFE0] =	vst v19;
	v19 =	vld [tilespmem:s26+$0x3420];
	v13 =	vsub.f32 $1.500000000e+00, v13  }
0x6f: {  	v37 =	vld [tilespmem:s26+$0x3220];
	v38 =	vmul.f32 v31, v31  }
0x70: {  	v44 =	vmul.f32 v28, v28;
	v21 =	vld [tilespmem:s26+$0x3290];
	v12 =	vmul.f32 v13, v12  }
0x71: {  	[tilespmem:$0x1FFD0] =	vst v1;
	v1 =	vld [tilespmem:s26+$0x30B0];
	v45 =	vmul.f32 v27, v27;
	v51 =	vmul.f32 v34, v34;
	vm8 =	vgt.f32 v8, $1.000000000e+00  }
0x72: {  	v2 =	vld [tilespmem:s26+$0x31B0];
	v13 =	vmul.f32 v20, v20;
	v8 =	vnsel vm8, $0x3F800000, v12;
	v12 =	vmul.f32 v15, v15  }
0x73: {  	v40 =	vmul.f32 v32, v32;
	v0 =	vld [tilespmem:s26+$0x30A0];
	[tilespmem:$0x1FF10] =	vst v19;
	v22 =	vmul.f32 v19, v19  }
0x74: {  	v19 =	vld [tilespmem:s26+$0x3390];
	[tilespmem:$0x1FF00] =	vst v15;
	v15 =	vmul.f32 v36, v36;
	v12 =	vadd.f32 v12, v13;
	v13 =	vmul.f32 v26, v26  }
0x75: {  	v18 =	vld [tilespmem:s26+$0x3380];
	v25 =	vperm.xlane v8, v16;
	v16 =	vmul.f32 v21, v21  }
0x76: {  	[tilespmem:$0x1FEF0] =	vst v20;
	v20 =	vld [tilespmem:s26+$0x3200];
	v12 =	vadd.f32 v22, v12;
	v13 =	vadd.f32 v13, v15;
	v15 =	vimm.s32 $0x7  }
0x77: {  	[tilespmem:$0x1FF40] =	vst v21;
	v21 =	vld [tilespmem:s26+$0x3230];
	v9 =	vmul.f32 v25, v9;
	v55 =	vperm.xlane v8, v15  }
0x78: {  	[tilespmem:$0x1FF20] =	vst v26;
	v26 =	vld [tilespmem:s26+$0x3210];
	v10 =	vmul.f32 v25, v10;
	v14 =	vmul.f32 v25, v14;
	v12 =	vadd.f32 v38, v12  }
0x79: {  	[tilespmem:$0x1FF80] =	vst v54;
	v11 =	vmul.f32 v25, v11;
	v44 =	vadd.f32 v16, v44;
	v16 =	vld [tilespmem:s26+$0x33B0];
	v7 =	vmul.f32 v55, v7  }
0x7a: {  	v22 =	vimm.s32 $0x1;
	v15 =	vld [tilespmem:s26+$0x33A0];
	[tilespmem:s28+$0x9080] =	vst v9;
	(xrf2) =	vadd.scan.msk.f32 $0xffff, v12;
	v12 =	vmul.f32 v29, v29  }
0x7b: {  	v9 =	vmul.f32 v30, v30;
	v13 =	vadd.f32 v45, v13;
	[tilespmem:s28+$0x9430] =	vst v7;
	v7 =	vmul.f32 v54, v54  }
0x7c: {  	[tilespmem:s28+$0x9090] =	vst v10;
	v10 =	vmul.f32 v42, v42;
	v54 =	vmul.f32 v60, v60;
	v12 =	vadd.f32 v40, v12  }
0x7d: {  	[tilespmem:$0x1FF90] =	vst v60;
	v60 =	vmul.f32 v39, v39;
	v7 =	vadd.f32 v7, v13;
	v13 =	vperm.xlane v8, v22  }
0x7e: {  	v44 =	vadd.f32 v51, v44;
	v9 =	vadd.f32 v9, v12;
	v12 =	vmul.f32 v2, v2  }
0x7f: {  	[tilespmem:s28+$0x90B0] =	vst v11;
	v11 =	vmul.f32 v43, v43;
	v10 =	vadd.f32 v10, v60;
	v6 =	vmul.f32 v13, v6  }
0x80: {  	(xrf2) =	vadd.scan.msk.f32 $0xffff, v7;
	v7 =	vadd.f32 v12, v9;
	v9 =	vmul.f32 v46, v46;
	v12 =	vmul.f32 v41, v41  }
0x81: {  	s29 =	simm.s32 $0x800;
	[tilespmem:s28+$0x90A0] =	vst v14;
	v51 =	vadd.f32 v54, v44;
	v10 =	vadd.f32 v11, v10;
	v5 =	vmul.f32 v13, v5  }
0x82: {  	v44 =	vld [tilespmem:s29+$0x3430];
	[tilespmem:s28+$0x9100] =	vst v6;
	v6 =	vmul.f32 v33, v33;
	v9 =	vadd.f32 v12, v9;
	v12 =	vmul.f32 v0, v0  }
0x83: {  	v11 =	vmul.f32 v13, v17;
	(xrf2) =	vadd.scan.msk.f32 $0xffff, v51;
	v17 =	vld [tilespmem:s29+$0x3330];
	[tilespmem:s28+$0x9110] =	vst v5  }
0x84: {  	(xrf2) =	vadd.scan.msk.f32 $0xffff, v7;
	v6 =	vadd.f32 v6, v10;
	v7 =	vadd.f32 v12, v9;
	v12 =	vmul.f32 v1, v1  }
0x85: {  	v5 =	vmul.f32 v20, v20;
	v10 =	vmul.f32 v26, v26;
	v45 =	vld [tilespmem:s29+$0x3420];
	[tilespmem:s28+$0x9120] =	vst v11;
	v11 =	vimm.s32 $0x2  }
0x86: {  	(xrf2) =	vadd.scan.msk.f32 $0xffff, v6;
	v6 =	vadd.f32 v12, v7;
	v7 =	vmul.f32 v18, v18;
	v12 =	vmul.f32 v19, v19  }
0x87: {  	v9 =	vmul.f32 v13, v23;
	v13 =	vperm.xlane v8, v11  }
0x88: {  	v7 =	vadd.f32 v12, v7;
	(xrf2) =	vadd.scan.msk.f32 $0xffff, v6;
	v6 =	vmul.f32 v15, v15  }
0x89: {  	v11 =	vld [tilespmem:s29+$0x32B0];
	v5 =	vadd.f32 v10, v5;
	v10 =	vmul.f32 v37, v37;
	[tilespmem:s28+$0x9130] =	vst v9;
	v9 =	vmul.f32 v13, v24  }
0x8a: {  	v4 =	vmul.f32 v13, v4;
	v6 =	vadd.f32 v6, v7;
	v7 =	vmul.f32 v16, v16  }
0x8b: {  	v5 =	vadd.f32 v10, v5;
	v10 =	vmul.f32 v21, v21;
	v24 =	vld [tilespmem:s29+$0x3320];
	[tilespmem:s28+$0x9180] =	vst v9  }
0x8c: {  	v3 =	vmul.f32 v13, v3;
	v51 =	vld [tilespmem:s29+$0x3400];
	[tilespmem:s28+$0x9190] =	vst v4;
	v4 =	vadd.f32 v7, v6  }
0x8d: {  	v5 =	vadd.f32 v10, v5  }
0x8e: {  	v54 =	vld [tilespmem:s29+$0x3410];
	[tilespmem:s28+$0x91A0] =	vst v3;
	v3 =	vimm.s32 $0x3  }
0x8f: {  	(xrf2) =	vadd.scan.msk.f32 $0xffff, v5;
	v5 =	vmul.f32 v13, v47;
	v3 =	vperm.xlane v8, v3;
	v6, _, _ =	vpop (xrf2)  }
0x90: {  	(xrf2) =	vadd.scan.msk.f32 $0xffff, v4;
	v4, _, _ =	vpop (xrf2)  }
0x91: {  	v47 =	vld [tilespmem:s29+$0x31B0];
	[tilespmem:s28+$0x91B0] =	vst v5;
	v5 =	vmul.f32 v3, v52;
	v7, _, _ =	vpop (xrf2)  }
0x92: {  	v9, _, _ =	vpop (xrf2)  }
0x93: {  	v60 =	vld [tilespmem:s29+$0x32A0];
	[tilespmem:s28+$0x9200] =	vst v5;
	v5 =	vmul.f32 v3, v49;
	v10, _, _ =	vpop (xrf2)  }
0x94: {  	v12, _, _ =	vpop (xrf2)  }
0x95: {  	v49 =	vld [tilespmem:s29+$0x3300];
	[tilespmem:s28+$0x9210] =	vst v5;
	v5 =	vbroadcast v12, $0xF;
	v12 =	vmul.f32 v3, v50;
	_ =	sdelay $0x2  }
0x96: {  	[tilespmem:$0x1FF30] =	vst v28;
	v28 =	vmov v0;
	v0 =	vmul.f32 v3, v48;
	v3 =	vbroadcast v10, $0xF  }
0x97: {  	v9 =	vbroadcast v9, $0xF;
	v50 =	vld [tilespmem:s29+$0x3310];
	[tilespmem:s28+$0x9220] =	vst v12;
	v5 =	vnsel vm0, $0x0, v5;
	v12, _, _ =	vpop (xrf2)  }
0x98: {  	v3 =	vsel vm1, v5, v3;
	v5 =	vbroadcast v12, $0xF  }
0x99: {  	v10 =	vimm.s32 $0x4;
	v48 =	vld [tilespmem:s29+$0x3380];
	[tilespmem:s28+$0x9230] =	vst v0;
	v0 =	vbroadcast v7, $0xF;
	v3 =	vsel vm2, v3, v9  }
0x9a: {  	v35 =	vmovc v31;
	v31 =	vmovc v2;
	v2 =	vld [tilespmem:$0x1FFC0];
	v4 =	vbroadcast v4, $0xF;
	v10 =	vperm.xlane v8, v10;
	v3 =	vsel vm3, v3, v5  }
0x9b: {  	[tilespmem:$0x1FF60] =	vst v29;
	v29 =	vmov v1;
	v1 =	vld [tilespmem:$0x1FFB0];
	v0 =	vsel vm4, v3, v0  }
0x9c: {  	v7 =	vmul.f32 v10, v53;
	v5, _, _ =	vpop (xrf2);
	v0 =	vsel vm5, v0, v4  }
0x9d: {  	v4 =	vbroadcast v6, $0xF;
	v6 =	vimm.s32 $0x5;
	v3 =	vbroadcast v5, $0xF  }
0x9e: {  	v53 =	vld [tilespmem:s29+$0x3280];
	[tilespmem:s28+$0x9280] =	vst v7;
	v5 =	vmul.f32 v10, v56;
	v6 =	vperm.xlane v8, v6  }
0x9f: {  	v52 =	vld [tilespmem:s29+$0x3290];
	v0 =	vsel vm6, v0, v3;
	v3 =	vmul.f32 v10, v62  }
0xa0: {  	[tilespmem:s28+$0x9290] =	vst v5;
	v5 =	vmul.f32 v10, v1;
	v10 =	vmul.f32 v6, v2;
	v2 =	vld [tilespmem:$0x1FFD0];
	_ =	sdelay $0x1  }
0xa1: {  	v56 =	vld [tilespmem:s29+$0x3130];
	[tilespmem:s28+$0x92A0] =	vst v3  }
0xa2: {  	v1 =	vsel vm7, v0, v4;
	v0 =	vmul.f32 v6, v57;
	v57 =	vld [tilespmem:s29+$0x3180];
	[tilespmem:s28+$0x92B0] =	vst v5  }
0xa3: {  	v9 =	vmul.f32 v54, v54;
	v4 =	vmul.f32 v6, v58;
	v7 =	vshra.s32 v1, $0x1;
	v58 =	vld [tilespmem:s29+$0x3190]  }
0xa4: {  	v3 =	vmul.f32 $5.000000000e-01, v1;
	v5 =	vimm.s32 $0x6;
	[tilespmem:s28+$0x9300] =	vst v0;
	v0 =	vld [tilespmem:$0x1FFE0];
	v12 =	vmul.f32 v6, v2  }
0xa5: {  	v6 =	vsub.s32 $0x5F3759DF, v7;
	v7 =	vperm.xlane v8, v5;
	v8 =	vmul.f32 v51, v51;
	_ =	sdelay $0x1  }
0xa6: {  	v5 =	vmul.f32 v6, v3;
	v13 =	vadd.f32 v9, v8;
	v8 =	vmul.f32 v7, v59  }
0xa7: {  	v59 =	vld [tilespmem:s29+$0x31A0];
	v9 =	vmul.f32 v7, v61;
	[tilespmem:s28+$0x9310] =	vst v4;
	v4 =	vmul.f32 v49, v49  }
0xa8: {  	v14 =	vmul.f32 v7, v0;
	v0 =	vmul.f32 v6, v5  }
0xa9: {  	v5 =	vmul.f32 v7, v63;
	v7 =	vmul.f32 v50, v50;
	_ =	sdelay $0x1  }
0xaa: {  	v4 =	vadd.f32 v7, v4;
	v7 =	vmul.f32 v24, v24  }
0xab: {  	[tilespmem:$0x1FF50] =	vst v27  }
0xac: {  	[tilespmem:$0x1FF70] =	vst v32;
	v2 =	vmul.f32 v45, v45;
	v0 =	vsub.f32 $1.500000000e+00, v0;
	v4 =	vadd.f32 v7, v4;
	v7 =	vld [tilespmem:$0x1FFF0]  }
0xad: {  	[tilespmem:$0x1FFA0] =	vst v30  }
0xae: {  	v27 =	vmovc v39;
	v2 =	vadd.f32 v2, v13;
	v6 =	vmul.f32 v6, v0;
	v0 =	vmul.f32 v44, v44  }
0xaf: {  	v25 =	vmovc v43;
	v43 =	vmovc v41;
	v30 =	vmov v19;
	v38 =	vmov v34;
	v62 =	vld [tilespmem:s29+$0x3100];
	[tilespmem:s28+$0x9320] =	vst v10;
	v13 =	vmul.f32 v53, v53  }
0xb0: {  	v61 =	vld [tilespmem:s29+$0x3110];
	[tilespmem:s28+$0x9330] =	vst v12;
	v0 =	vadd.f32 v0, v2;
	v2 =	vmul.f32 v52, v52;
	v12 =	vmul.f32 v6, v3  }
0xb1: {  	v34 =	vmovc v33;
	v32 =	vmovc v16;
	v39 =	vmov v20;
	v10 =	vmul.f32 v55, v7;
	v7 =	vmul.f32 v17, v17  }
0xb2: {  	v40 =	vmovc v42;
	v42 =	vmovc v21;
	v41 =	vmov v26;
	v33 =	vmov v15;
	v2 =	vadd.f32 v2, v13  }
0xb3: {  	v26 =	vmovc v18;
	v63 =	vld [tilespmem:s29+$0x3120];
	v12 =	vmul.f32 v12, v6;
	v7 =	vadd.f32 v7, v4;
	v4 =	vmul.f32 v60, v60  }
0xb4: {  	s30 =	simm.s32 $0x3000;
	s25 =	sshll.u32 s24, $0x1;
	v23 =	vmovc v11;
	(xrf2) =	vadd.scan.msk.f32 $0xffff, v0;
	v13 =	vmul.f32 v57, v57;
	v0 =	vld [tilespmem:s29+$0x3080];
	[tilespmem:s28+$0x9380] =	vst v14;
	v14 =	vmul.f32 v58, v58  }
.LBB2_3:
0xb5: {  	v16 =	vadd.f32 v4, v2;
	v2 =	vld [tilespmem:$0x1FED0]  }
0xb6: {  	v4 =	vld [tilespmem:$0x1FEF0];
	_ =	sdelay $0x3  }
0xb7: {  	v23 =	vmul.f32 v23, v11  }
0xb8: {  	v15 =	vld [tilespmem:s29+$0x3090];
	[tilespmem:s28+$0x9390] =	vst v5;
	v13 =	vadd.f32 v14, v13;
	v18 =	vmul.f32 v55, v2;
	v2 =	vmovc v4;
	v4 =	vmov v51  }
0xb9: {  	v19 =	vmovc v54;
	v14 =	vmul.f32 v59, v59;
	(xrf2) =	vadd.scan.msk.f32 $0xffff, v7;
	v7 =	vsub.f32 $1.500000000e+00, v12;
	[tilespmem:$0x1FEF0] =	vst v4;
	v4 =	vld [tilespmem:$0x1FF00]  }
0xba: {  	v51 =	vld [tilespmem:s29+$0x3200];
	[tilespmem:$0x1FF00] =	vst v19  }
0xbb: {  	v16 =	vadd.f32 v23, v16;
	v19 =	vld [tilespmem:s29+$0x30A0];
	[tilespmem:s28+$0x93A0] =	vst v8;
	v8 =	vadd.f32 v14, v13;
	v14 =	vmul.f32 v7, v6;
	_ =	sdelay $0x1  }
0xbc: {  	(xrf2) =	vadd.scan.msk.f32 $0xffff, v16;
	v13 =	vmul.f32 v47, v47;
	v16 =	vmul.f32 v14, v3;
	v3 =	vld [tilespmem:$0x1FEE0]  }
0xbd: {  	v12 =	vmul.f32 v62, v62;
	v54 =	vmul.f32 v61, v61;
	v20 =	vmovc v4;
	v4 =	vmov v60;
	v60 =	vld [tilespmem:s29+$0x3210];
	[tilespmem:s28+$0x93B0] =	vst v9  }
0xbe: {  	v6 =	vmul.f32 v0, v0;
	v13 =	vadd.f32 v13, v8;
	v23 =	vld [tilespmem:s29+$0x30B0]  }
0xbf: {  	v7 =	vadd.f32 v54, v12;
	v12 =	vmul.f32 v15, v15;
	v9 =	vmul.f32 v63, v63;
	[tilespmem:$0x1FED0] =	vst v20;
	v20 =	vld [tilespmem:$0x1FF10]  }
0xc0: {  	vm8 =	vgt.f32 v1, $1.000000000e+00;
	(xrf2) =	vadd.scan.msk.f32 $0xffff, v13;
	v13 =	vmul.f32 v16, v14;
	v54 =	vld [tilespmem:s29+$0x3220];
	[tilespmem:s28+$0x9400] =	vst v10  }
0xc1: {  	v12 =	vadd.f32 v12, v6;
	v7 =	vadd.f32 v9, v7;
	v9 =	vmul.f32 v56, v56;
	v8 =	vld [tilespmem:s29+$0x3390];
	[tilespmem:s28+$0x9410] =	vst v18  }
0xc2: {  	v13 =	vsub.f32 $1.500000000e+00, v13;
	v18 =	vmul.f32 v55, v3;
	v55 =	vmul.f32 v19, v19;
	v3 =	vld [tilespmem:s29+$0x3230]  }
0xc3: {  	v5 =	vmovc v36;
	v1 =	vld [tilespmem:$0x1FF20];
	v9 =	vadd.f32 v9, v7;
	v7 =	vmul.f32 v51, v51;
	v16 =	vmul.f32 v60, v60  }
0xc4: {  	v6 =	vld [tilespmem:s29+$0x33A0];
	[tilespmem:s28+$0x9420] =	vst v18;
	v12 =	vadd.f32 v55, v12;
	v36 =	vmul.f32 v23, v23;
	v21 =	vmovc v20;
	v20 =	vmov v45  }
0xc5: {  	v45 =	vmul.f32 v48, v48;
	[tilespmem:$0x1FF10] =	vst v20;
	v16 =	vadd.f32 v16, v7;
	v20 =	vmul.f32 v54, v54  }
0xc6: {  	v10, _, _ =	vpop (xrf2);
	s28 =	smov.u32 s26;
	s26 =	smov.u32 s29;
	(xrf2) =	vadd.scan.msk.f32 $0xffff, v9;
	[tilespmem:$0x1FEE0] =	vst v21;
	v9 =	vadd.f32 v36, v12;
	v12 =	vmul.f32 v8, v8  }
0xc7: {  	v7 =	vld [tilespmem:s26+$0x33B0];
	v21 =	vmul.f32 v13, v14;
	v13 =	vmovc v50;
	v20 =	vadd.f32 v20, v16;
	v16 =	vmul.f32 v3, v3  }
0xc8: {  	[tilespmem:$0x1FF20] =	vst v13;
	v36 =	vmov v49;
	v49 =	vmov v1;
	v1 =	vadd.f32 v12, v45  }
0xc9: {  	v18, _, _ =	vpop (xrf2);
	v45 =	vmul.f32 v6, v6;
	(xrf2) =	vadd.scan.msk.f32 $0xffff, v9;
	v9 =	vnsel vm8, $0x3F800000, v21;
	v13 =	vadd.f32 v16, v20  }
0xca: {  	v16 =	vimm.s32 $0x0;
	v20 =	vimm.s32 $0x7;
	v50 =	vperm.xlane v9, v22  }
0xcb: {  	v22 =	vimm.s32 $0x5;
	v16 =	vperm.xlane v9, v16;
	v55 =	vperm.xlane v9, v20  }
0xcc: {  	v14, _, _ =	vpop (xrf2);
	v1 =	vadd.f32 v45, v1;
	v21 =	vmul.f32 v7, v7;
	(xrf2) =	vadd.scan.msk.f32 $0xffff, v13;
	v13 =	vimm.s32 $0x2  }
0xcd: {  	v22 =	vperm.xlane v9, v22;
	v13 =	vperm.xlane v9, v13  }
0xce: {  	v12 =	vmovc v26;
	v20 =	vmul.f32 v55, v35;
	v1 =	vadd.f32 v21, v1;
	v21 =	vimm.s32 $0x3  }
0xcf: {  	v26 =	vmovc v48;
	v35 =	vmovc v44;
	v44 =	vimm.s32 $0x6;
	v48 =	vperm.xlane v9, v21;
	v21 =	vimm.s32 $0x4  }
0xd0: {  	v21 =	vperm.xlane v9, v21;
	v9 =	vperm.xlane v9, v44;
	v44 =	vld [tilespmem:$0x1FF30];
	_ =	sdelay $0x4  }
0xd1: {  	[tilespmem:s28+$0x9430] =	vst v20;
	v20 =	vmov v44;
	v44 =	vmov v53;
	v53 =	vld [tilespmem:$0x1FF40];
	_ =	sdelay $0x2  }
0xd2: {  	v45, _, _ =	vpop (xrf2)  }
0xd3: {  	(xrf2) =	vadd.scan.msk.f32 $0xffff, v1;
	v1 =	vmul.f32 v16, v46;
	[tilespmem:$0x1FF30] =	vst v44;
	v44 =	vmul.f32 v16, v43;
	v43 =	vmovc v15  }
0xd4: {  	v15 =	vmovc v53;
	v53 =	vmul.f32 v16, v28;
	v16 =	vmul.f32 v16, v29;
	v29 =	vmovc v23;
	v23 =	vmov v52  }
0xd5: {  	[tilespmem:$0x1FF40] =	vst v23;
	v23 =	vmul.f32 v50, v25;
	v25 =	vld [tilespmem:$0x1FF60];
	_ =	sdelay $0x1  }
0xd6: {  	[tilespmem:s28+$0x9080] =	vst v1  }
0xd7: {  	[tilespmem:s28+$0x9090] =	vst v44  }
0xd8: {  	v46, _, _ =	vpop (xrf2);
	[tilespmem:s28+$0x90B0] =	vst v16;
	v16 =	vld [tilespmem:$0x1FFA0]  }
0xd9: {  	v1 =	vmul.f32 v50, v27;
	v27 =	vmovc v62;
	v44 =	vmov v59;
	[tilespmem:s28+$0x90A0] =	vst v53;
	v52 =	vmul.f32 v13, v25;
	v25 =	vld [tilespmem:$0x1FF70]  }
0xda: {  	s29 =	sshra.s32 s30, $0x2;
	v62, _, _ =	vpop (xrf2);
	v28 =	vmov v19;
	v19 =	vmul.f32 v50, v40;
	v40 =	vmov v58;
	[tilespmem:$0x1FFA0] =	vst v44  }
0xdb: {  	v62 =	vbroadcast v62, $0xF;
	v44 =	vld [tilespmem:s29+$0x3430];
	[tilespmem:s28+$0x9100] =	vst v1  }
0xdc: {  	v50 =	vmul.f32 v50, v34;
	v1 =	vmul.f32 v13, v31;
	[tilespmem:$0x1FF70] =	vst v40  }
0xdd: {  	v40 =	vmovc v61;
	v61 =	vbroadcast v46, $0xF;
	v46 =	vmov v0;
	v0 =	vld [tilespmem:s29+$0x3330];
	[tilespmem:s28+$0x9110] =	vst v19;
	v16 =	vmul.f32 v13, v16  }
0xde: {  	v53 =	vmul.f32 v13, v25;
	v25 =	vmovc v57;
	v13 =	vnsel vm0, $0x0, v62;
	v62 =	vbroadcast v45, $0xF;
	v45 =	vld [tilespmem:s29+$0x3420];
	[tilespmem:s28+$0x9120] =	vst v23  }
0xdf: {  	[tilespmem:$0x1FF60] =	vst v25  }
0xe0: {  	v23 =	vld [tilespmem:s29+$0x32B0];
	[tilespmem:s28+$0x9130] =	vst v50  }
0xe1: {  	v13 =	vsel vm1, v13, v61;
	v61 =	vld [tilespmem:s29+$0x3320];
	[tilespmem:s28+$0x9180] =	vst v52;
	v25 =	vmov v63;
	v63, _, _ =	vpop (xrf2)  }
0xe2: {  	v34 =	vmovc v56;
	v19 =	vmul.f32 v48, v39;
	v39 =	vmov v51;
	v51 =	vld [tilespmem:s29+$0x3400];
	[tilespmem:s28+$0x9190] =	vst v53;
	v56 =	vbroadcast v63, $0xF  }
0xe3: {  	v58 =	vmul.f32 v48, v37;
	v37 =	vmov v54;
	v54 =	vld [tilespmem:s29+$0x3410];
	[tilespmem:s28+$0x91A0] =	vst v16  }
0xe4: {  	v31 =	vmov v47;
	v47 =	vld [tilespmem:s29+$0x31B0]  }
0xe5: {  	v14 =	vbroadcast v14, $0xF;
	v13 =	vsel vm2, v13, v62;
	[tilespmem:s28+$0x91B0] =	vst v1;
	v1 =	vld [tilespmem:$0x1FF90]  }
0xe6: {  	v18 =	vbroadcast v18, $0xF;
	v13 =	vsel vm3, v13, v56;
	v56, _, _ =	vpop (xrf2)  }
0xe7: {  	v13 =	vsel vm4, v13, v14;
	v14 =	vbroadcast v56, $0xF  }
0xe8: {  	v10 =	vbroadcast v10, $0xF;
	v57 =	vmul.f32 v48, v41;
	v41 =	vmovc v60;
	v60 =	vld [tilespmem:s29+$0x32A0];
	[tilespmem:s28+$0x9200] =	vst v19;
	v13 =	vsel vm5, v13, v18  }
0xe9: {  	v59 =	vmul.f32 v48, v42;
	v42 =	vmovc v3;
	v16 =	vmul.f32 v22, v49;
	v49 =	vld [tilespmem:s29+$0x3300];
	v3 =	vsel vm6, v13, v14  }
0xea: {  	v19 =	vmov v11;
	[tilespmem:s28+$0x9210] =	vst v57;
	v18 =	vld [tilespmem:$0x1FF50];
	v14 =	vmul.f32 v21, v1;
	v1 =	vsel vm7, v3, v10  }
0xeb: {  	[tilespmem:$0x1FF90] =	vst v19;
	v50 =	vld [tilespmem:s29+$0x3310];
	v10 =	vmul.f32 v22, v5;
	v5 =	vshra.s32 v1, $0x1  }
0xec: {  	v20 =	vmul.f32 v21, v20;
	[tilespmem:s28+$0x9220] =	vst v58;
	v19 =	vsub.s32 $0x5F3759DF, v5;
	v5 =	vld [tilespmem:$0x1FF80]  }
0xed: {  	v15 =	vmul.f32 v21, v15;
	v48 =	vld [tilespmem:s29+$0x3380];
	[tilespmem:s28+$0x9230] =	vst v59  }
0xee: {  	v62 =	vmul.f32 v51, v51;
	v53 =	vld [tilespmem:s29+$0x3280];
	[tilespmem:s28+$0x9280] =	vst v20;
	v13 =	vmul.f32 v21, v38  }
0xef: {  	v63 =	vmul.f32 v54, v54;
	v52 =	vld [tilespmem:s29+$0x3290];
	[tilespmem:s28+$0x9290] =	vst v15;
	v3 =	vmul.f32 $5.000000000e-01, v1  }
0xf0: {  	v56 =	vld [tilespmem:s29+$0x3130];
	v18 =	vmul.f32 v22, v18;
	[tilespmem:s28+$0x92A0] =	vst v13;
	v13 =	vmul.f32 v49, v49  }
0xf1: {  	v15 =	vmul.f32 v50, v50;
	v57 =	vld [tilespmem:s29+$0x3180];
	[tilespmem:s28+$0x92B0] =	vst v14;
	v21 =	vmul.f32 v22, v5  }
0xf2: {  	v38 =	vmov v4;
	v58 =	vld [tilespmem:s29+$0x3190];
	[tilespmem:s28+$0x9300] =	vst v10;
	v22 =	vmul.f32 v9, v12;
	v12 =	vmul.f32 v19, v3  }
0xf3: {  	v4 =	vadd.f32 v63, v62;
	v10 =	vmul.f32 v55, v2;
	v2 =	vadd.f32 v15, v13;
	v59 =	vld [tilespmem:s29+$0x31A0];
	[tilespmem:s28+$0x9310] =	vst v16  }
0xf4: {  	v14 =	vmul.f32 v52, v52;
	v62 =	vld [tilespmem:s29+$0x3100];
	[tilespmem:s28+$0x9320] =	vst v18;
	v5 =	vmov v17;
	v12 =	vmul.f32 v19, v12  }
0xf5: {  	[tilespmem:$0x1FF80] =	vst v5;
	v5 =	vmul.f32 v9, v30;
	v30 =	vmovc v8;
	v8 =	vmov v24;
	v24 =	vmov v61  }
0xf6: {  	[tilespmem:$0x1FF50] =	vst v8;
	v8 =	vmul.f32 v9, v33;
	v33 =	vmovc v6;
	v6 =	vmul.f32 v45, v45;
	v12 =	vsub.f32 $1.500000000e+00, v12  }
0xf7: {  	p1 =	sne.s32 s30, $0xB000;
	v17 =	vmov v0;
	v9 =	vmul.f32 v9, v32;
	v13 =	vmul.f32 v61, v24;
	v61 =	vld [tilespmem:s29+$0x3110];
	[tilespmem:s28+$0x9330] =	vst v21  }
.Ltmp0:
0xf8: {  	v32 =	vmovc v7;
	v7 =	vmul.f32 v44, v44;
	v63 =	vld [tilespmem:s29+$0x3120];
	v4 =	vadd.f32 v6, v4;
	v6 =	vmul.f32 v19, v12;
	(pc) =	sbr.rel @p1 .LBB2_3-.Ltmp0, $4  }
0xf9: {  	v16 =	vmul.f32 v0, v17;
	v0 =	vld [tilespmem:s29+$0x3080];
	[tilespmem:s28+$0x9380] =	vst v22;
	v22 =	vimm.s32 $0x1;
	v12 =	vmul.f32 v53, v53  }
0xfa: {  	v15 =	vadd.f32 v13, v2;
	v7 =	vadd.f32 v7, v4;
	v18 =	vmul.f32 v6, v3  }
0xfb: {  	v11 =	vmovc v23;
	v13 =	vmul.f32 v57, v57;
	v4 =	vmul.f32 v60, v60;
	v2 =	vadd.f32 v14, v12  }
0xfc: {  	s30 =	sadd.s32 $0x1000, s30;
	(xrf2) =	vadd.scan.msk.f32 $0xffff, v7;
	v14 =	vmul.f32 v58, v58;
	v7 =	vadd.f32 v16, v15;
	v12 =	vmul.f32 v18, v6  }
0xfd: {  	v18 =	vld [tilespmem:s29+$0x3090];
	[tilespmem:s28+$0x9390] =	vst v5  }
0xfe: {  	v21 =	vld [tilespmem:s29+$0x3200]  }
0xff: {  	v16 =	vld [tilespmem:s29+$0x30A0]  }
0x100: {  	[tilespmem:s28+$0x93A0] =	vst v8;
	v8 =	vld [tilespmem:$0x1FED0]  }
0x101: {  	v13 =	vadd.f32 v14, v13;
	v14 =	vld [tilespmem:$0x1FEE0];
	_ =	sdelay $0x1  }
0x102: {  	v2 =	vadd.f32 v4, v2;
	v4 =	vmul.f32 v23, v11  }
0x103: {  	v15 =	vmul.f32 v59, v59;
	v5 =	vld [tilespmem:s29+$0x3210];
	[tilespmem:s28+$0x93B0] =	vst v9  }
0x104: {  	v4 =	vadd.f32 v4, v2;
	v2 =	vmul.f32 v62, v62;
	v9 =	vmul.f32 v55, v8;
	v8 =	vld [tilespmem:s29+$0x30B0]  }
0x105: {  	v14 =	vmul.f32 v55, v14;
	v55 =	vld [tilespmem:s29+$0x3220];
	[tilespmem:s28+$0x9400] =	vst v10;
	v10 =	vmul.f32 v61, v61  }
0x106: {  	v13 =	vadd.f32 v15, v13;
	v15 =	vmul.f32 v0, v0;
	[tilespmem:$0x1FD70] =	vst v18;
	v18 =	vmul.f32 v18, v18  }
0x107: {  	v19 =	vmul.f32 v63, v63;
	v20 =	vmul.f32 v16, v16;
	v23 =	vld [tilespmem:s29+$0x3390];
	v10 =	vadd.f32 v10, v2;
	[tilespmem:s28+$0x9410] =	vst v9  }
0x108: {  	(xrf2) =	vadd.scan.msk.f32 $0xffff, v7;
	v15 =	vadd.f32 v18, v15;
	v18 =	vmul.f32 v56, v56;
	v9 =	vmul.f32 v47, v47;
	v2 =	vld [tilespmem:s29+$0x3230]  }
0x109: {  	[tilespmem:$0x1FD80] =	vst v21;
	v7 =	vadd.f32 v19, v10;
	v10 =	vmul.f32 v21, v21;
	v21 =	vmul.f32 v5, v5;
	v19 =	vld [tilespmem:s29+$0x33A0]  }
0x10a: {  	v9 =	vadd.f32 v9, v13;
	[tilespmem:s28+$0x9420] =	vst v14;
	v13 =	vadd.f32 v20, v15;
	v14 =	vmul.f32 v8, v8  }
0x10b: {  	(xrf2) =	vadd.scan.msk.f32 $0xffff, v4;
	v15 =	vmul.f32 v55, v55;
	v4 =	vadd.f32 v18, v7;
	v10 =	vadd.f32 v21, v10;
	v7 =	vld [tilespmem:s29+$0x33B0]  }
0x10c: {  	(xrf2) =	vadd.scan.msk.f32 $0xffff, v9;
	v9 =	vadd.f32 v14, v13;
	v13 =	vmul.f32 v48, v48;
	v14 =	vmul.f32 v23, v23  }
0x10d: {  	(xrf2) =	vadd.scan.msk.f32 $0xffff, v4;
	v4 =	vadd.f32 v15, v10  }
0x10e: {  	v10 =	vmul.f32 v2, v2;
	v13 =	vadd.f32 v14, v13;
	(xrf2) =	vadd.scan.msk.f32 $0xffff, v9;
	v9 =	vmul.f32 v19, v19;
	_ =	sdelay $0x1  }
0x10f: {  	v4 =	vadd.f32 v10, v4;
	v9 =	vadd.f32 v9, v13;
	v10 =	vmul.f32 v7, v7;
	_ =	sdelay $0x1  }
0x110: {  	v9 =	vadd.f32 v10, v9  }
0x111: {  	(xrf2) =	vadd.scan.msk.f32 $0xffff, v4;
	v4 =	vsub.f32 $1.500000000e+00, v12;
	_ =	sdelay $0x1  }
0x112: {  	v4 =	vmul.f32 v4, v6;
	v6, _, _ =	vpop (xrf2)  }
0x113: {  	(xrf2) =	vadd.scan.msk.f32 $0xffff, v9;
	v9, _, _ =	vpop (xrf2)  }
0x114: {  	v10, _, _ =	vpop (xrf2)  }
0x115: {  	v12, _, _ =	vpop (xrf2)  }
0x116: {  	v3 =	vmul.f32 v4, v3;
	v13, _, _ =	vpop (xrf2)  }
0x117: {  	v14, _, _ =	vpop (xrf2)  }
0x118: {  	v3 =	vmul.f32 v3, v4;
	v14 =	vbroadcast v14, $0xF;
	_ =	sdelay $0x1  }
0x119: {  	v3 =	vsub.f32 $1.500000000e+00, v3  }
0x11a: {  	v13 =	vbroadcast v13, $0xF  }
0x11b: {  	v12 =	vbroadcast v12, $0xF;
	v3 =	vmul.f32 v3, v4;
	v4 =	vnsel vm0, $0x0, v14;
	v14, _, _ =	vpop (xrf2)  }
0x11c: {  	vm8 =	vgt.f32 v1, $1.000000000e+00;
	v1 =	vsel vm1, v4, v13;
	v4 =	vbroadcast v14, $0xF  }
0x11d: {  	v10 =	vbroadcast v10, $0xF;
	v3 =	vnsel vm8, $0x3F800000, v3;
	v1 =	vsel vm2, v1, v12  }
0x11e: {  	v1 =	vsel vm3, v1, v4;
	v4 =	vbroadcast v9, $0xF;
	v9 =	vimm.s32 $0x7  }
0x11f: {  	v12, _, _ =	vpop (xrf2);
	v9 =	vperm.xlane v3, v9  }
0x120: {  	v1 =	vsel vm4, v1, v10;
	v10 =	vbroadcast v12, $0xF;
	v12 =	vimm.s32 $0x0  }
0x121: {  	v12 =	vperm.xlane v3, v12  }
0x122: {  	v6 =	vbroadcast v6, $0xF;
	v1 =	vsel vm5, v1, v4;
	v4 =	vmul.f32 v9, v35  }
0x123: {  	v1 =	vsel vm6, v1, v10;
	v10 =	vmul.f32 v12, v46  }
0x124: {  	v1 =	vsel vm7, v1, v6;
	v6 =	vmul.f32 v12, v28;
	[tilespmem:s26+$0x9430] =	vst v4;
	v4 =	vmul.f32 v12, v43  }
0x125: {  	v12 =	vmul.f32 v12, v29;
	[tilespmem:s26+$0x9080] =	vst v10;
	v10 =	vperm.xlane v3, v22  }
0x126: {  	v14 =	vmul.f32 $5.000000000e-01, v1;
	[tilespmem:s26+$0x90A0] =	vst v6  }
0x127: {  	v13 =	vshra.s32 v1, $0x1;
	[tilespmem:s26+$0x90B0] =	vst v12;
	v6 =	vmul.f32 v10, v27;
	v12 =	vmul.f32 v10, v40  }
0x128: {  	[tilespmem:s26+$0x9090] =	vst v4;
	v4 =	vsub.s32 $0x5F3759DF, v13;
	v15 =	vmul.f32 v10, v25;
	v10 =	vmul.f32 v10, v34  }
0x129: {  	v13 =	vmul.f32 v4, v14  }
0x12a: {  	[tilespmem:s26+$0x9130] =	vst v10;
	v10 =	vld [tilespmem:$0x1FFA0]  }
0x12b: {  	[tilespmem:s26+$0x9100] =	vst v6;
	v6 =	vmul.f32 v4, v13  }
0x12c: {  	v13 =	vimm.s32 $0x2  }
0x12d: {  	v13 =	vperm.xlane v3, v13;
	v6 =	vsub.f32 $1.500000000e+00, v6;
	_ =	sdelay $0x1  }
0x12e: {  	[tilespmem:s26+$0x9120] =	vst v15;
	v15 =	vimm.s32 $0x3;
	v4 =	vmul.f32 v4, v6;
	v10 =	vmul.f32 v13, v10  }
0x12f: {  	v18 =	vld [tilespmem:$0x1FF70];
	[tilespmem:s26+$0x9110] =	vst v12;
	v15 =	vperm.xlane v3, v15  }
0x130: {  	v12 =	vld [tilespmem:$0x1FF60];
	v6 =	vmul.f32 v13, v31;
	[tilespmem:s26+$0x91A0] =	vst v10;
	v10 =	vmul.f32 v4, v14;
	_ =	sdelay $0x1  }
0x131: {  	[tilespmem:s26+$0x91B0] =	vst v6;
	v6 =	vmul.f32 v15, v37;
	v10 =	vmul.f32 v10, v4;
	_ =	sdelay $0x1  }
0x132: {  	v18 =	vmul.f32 v13, v18;
	[tilespmem:s26+$0x9220] =	vst v6;
	v6 =	vsub.f32 $1.500000000e+00, v10  }
0x133: {  	v12 =	vmul.f32 v13, v12  }
0x134: {  	[tilespmem:s26+$0x9190] =	vst v18;
	v18 =	vmul.f32 v15, v41;
	v4 =	vmul.f32 v6, v4;
	v6 =	vld [tilespmem:$0x1FF90]  }
0x135: {  	vm8 =	vgt.f32 v1, $1.000000000e+00;
	v1 =	vld [tilespmem:$0x1FEF0];
	[tilespmem:s26+$0x9180] =	vst v12;
	v12 =	vmul.f32 v15, v39  }
0x136: {  	v13 =	vimm.s32 $0x4;
	[tilespmem:s26+$0x9210] =	vst v18;
	v18 =	vld [tilespmem:$0x1FF40]  }
0x137: {  	v13 =	vperm.xlane v3, v13;
	[tilespmem:s26+$0x9200] =	vst v12;
	v12 =	vmul.f32 v15, v42;
	v15 =	vld [tilespmem:$0x1FF30];
	_ =	sdelay $0x1  }
0x138: {  	v6 =	vmul.f32 v13, v6  }
0x139: {  	v1 =	vmul.f32 v9, v1;
	v10 =	vimm.s32 $0x5;
	[tilespmem:s26+$0x9230] =	vst v12  }
0x13a: {  	v12 =	vmul.f32 v13, v38;
	v10 =	vperm.xlane v3, v10;
	[tilespmem:s26+$0x92B0] =	vst v6;
	v6 =	vld [tilespmem:$0x1FF50]  }
0x13b: {  	[tilespmem:s26+$0x9400] =	vst v1;
	v1 =	vld [tilespmem:$0x1FF10];
	v18 =	vmul.f32 v13, v18;
	v15 =	vmul.f32 v13, v15  }
0x13c: {  	[tilespmem:s26+$0x92A0] =	vst v12;
	v12 =	vmul.f32 v4, v14;
	v14 =	vimm.s32 $0x6;
	v13 =	vmul.f32 v10, v36  }
0x13d: {  	v3 =	vperm.xlane v3, v14;
	v14 =	vld [tilespmem:$0x1FF20]  }
0x13e: {  	[tilespmem:s26+$0x9300] =	vst v13;
	v13 =	vld [tilespmem:$0x1FF80]  }
0x13f: {  	v12 =	vmul.f32 v12, v4;
	v6 =	vmul.f32 v10, v6  }
0x140: {  	[tilespmem:$0x1FD90] =	vst v5;
	v1 =	vmul.f32 v9, v1  }
0x141: {  	[tilespmem:s26+$0x9320] =	vst v6;
	v6 =	vsub.f32 $1.500000000e+00, v12  }
0x142: {  	[tilespmem:s26+$0x9420] =	vst v1;
	v14 =	vmul.f32 v10, v14  }
0x143: {  	[tilespmem:s26+$0x9290] =	vst v18;
	v10 =	vmul.f32 v10, v13;
	v4 =	vmul.f32 v6, v4;
	v6 =	vld [tilespmem:$0x1FF00]  }
0x144: {  	[tilespmem:s26+$0x9280] =	vst v15;
	v13 =	vmul.f32 v3, v26;
	v12 =	vmul.f32 v3, v30  }
0x145: {  	[tilespmem:s26+$0x9330] =	vst v10;
	v10 =	vmul.f32 v3, v33;
	v3 =	vmul.f32 v3, v32  }
0x146: {  	[tilespmem:s26+$0x9310] =	vst v14  }
0x147: {  	v1 =	vld [tilespmem:$0x1FD70];
	[tilespmem:s26+$0x93B0] =	vst v3;
	v3 =	vimm.s32 $0x7;
	v4 =	vnsel vm8, $0x3F800000, v4  }
0x148: {  	[tilespmem:s26+$0x9380] =	vst v13;
	v3 =	vperm.xlane v4, v3;
	v6 =	vmul.f32 v9, v6;
	v9 =	vimm.s32 $0x0  }
0x149: {  	[tilespmem:s26+$0x9390] =	vst v12;
	v9 =	vperm.xlane v4, v9  }
0x14a: {  	[tilespmem:s26+$0x9410] =	vst v6;
	v6 =	vmul.f32 v3, v44  }
0x14b: {  	[tilespmem:s26+$0x93A0] =	vst v10;
	v0 =	vmul.f32 v9, v0  }
0x14c: {  	v1 =	vmul.f32 v9, v1;
	[tilespmem:s29+$0x9430] =	vst v6  }
0x14d: {  	v5 =	vmul.f32 v9, v16;
	v6 =	vperm.xlane v4, v22;
	[tilespmem:s29+$0x9080] =	vst v0  }
0x14e: {  	v0 =	vmul.f32 v9, v8;
	[tilespmem:s29+$0x9090] =	vst v1  }
0x14f: {  	v25 =	vimm.s32 $0x2;
	[tilespmem:s29+$0x90A0] =	vst v5;
	v1 =	vmul.f32 v6, v62  }
0x150: {  	v5 =	vmul.f32 v6, v61;
	[tilespmem:s29+$0x90B0] =	vst v0;
	v0 =	vperm.xlane v4, v25  }
0x151: {  	v8 =	vmul.f32 v6, v63;
	[tilespmem:s29+$0x9100] =	vst v1  }
0x152: {  	[tilespmem:s29+$0x9110] =	vst v5;
	v5 =	vmul.f32 v0, v57  }
0x153: {  	v1 =	vmul.f32 v6, v56;
	[tilespmem:s29+$0x9120] =	vst v8;
	v6 =	vmul.f32 v0, v58  }
0x154: {  	[tilespmem:s29+$0x9180] =	vst v5;
	v5 =	vld [tilespmem:$0x1FD80]  }
0x155: {  	v27 =	vimm.s32 $0x3;
	[tilespmem:s29+$0x9190] =	vst v6;
	v6 =	vld [tilespmem:$0x1FD90]  }
0x156: {  	v8 =	vmul.f32 v0, v59;
	[tilespmem:s29+$0x9130] =	vst v1;
	v1 =	vperm.xlane v4, v27  }
0x157: {  	v0 =	vmul.f32 v0, v47  }
0x158: {  	[tilespmem:s29+$0x91A0] =	vst v8;
	v8 =	vmul.f32 v1, v55  }
0x159: {  	v21 =	vimm.s32 $0x4;
	[tilespmem:s29+$0x91B0] =	vst v0;
	v5 =	vmul.f32 v1, v5  }
0x15a: {  	v0 =	vperm.xlane v4, v21;
	[tilespmem:s29+$0x9220] =	vst v8;
	v6 =	vmul.f32 v1, v6  }
0x15b: {  	v1 =	vmul.f32 v1, v2;
	[tilespmem:s29+$0x9200] =	vst v5  }
0x15c: {  	v2 =	vmul.f32 v0, v53;
	[tilespmem:s29+$0x9210] =	vst v6  }
0x15d: {  	v20 =	vimm.s32 $0x5;
	v5 =	vmul.f32 v0, v52;
	[tilespmem:s29+$0x9230] =	vst v1  }
0x15e: {  	v1 =	vperm.xlane v4, v20;
	v6 =	vmul.f32 v0, v60;
	[tilespmem:s29+$0x9280] =	vst v2  }
0x15f: {  	v0 =	vmul.f32 v0, v11;
	[tilespmem:s29+$0x9290] =	vst v5  }
0x160: {  	v2 =	vmul.f32 v1, v49;
	[tilespmem:s29+$0x92A0] =	vst v6  }
0x161: {  	v15 =	vimm.s32 $0x6;
	v5 =	vmul.f32 v1, v50;
	[tilespmem:s29+$0x92B0] =	vst v0  }
0x162: {  	v0 =	vperm.xlane v4, v15;
	v4 =	vmul.f32 v1, v24;
	[tilespmem:s29+$0x9300] =	vst v2  }
0x163: {  	v1 =	vmul.f32 v1, v17;
	[tilespmem:s29+$0x9310] =	vst v5  }
0x164: {  	v2 =	vmul.f32 v0, v48;
	[tilespmem:s29+$0x9320] =	vst v4  }
0x165: {  	v4 =	vmul.f32 v0, v23;
	[tilespmem:s29+$0x9330] =	vst v1  }
0x166: {  	v1 =	vmul.f32 v0, v19;
	[tilespmem:s29+$0x9380] =	vst v2  }
0x167: {  	v0 =	vmul.f32 v0, v7;
	[tilespmem:s29+$0x9390] =	vst v4  }
0x168: {  	v2 =	vmul.f32 v3, v51;
	[tilespmem:s29+$0x93A0] =	vst v1  }
0x169: {  	s31 =	sadd.s32 s6, s25;
	v1 =	vmul.f32 v3, v54;
	[tilespmem:s29+$0x93B0] =	vst v0  }
0x16a: {  	s26 =	smul.u32 $0x600, s31;
	v0 =	vmul.f32 v3, v45;
	[tilespmem:s29+$0x9400] =	vst v2  }
0x16b: {  	p1 =	seq.s32 s24, $0x3F;
	[tilespmem:s29+$0x9410] =	vst v1  }
0x16c: {  	s28 =	smul.u32 @!p1 $0x300, s24;
	s26 =	sadd.s32 s5, s26;
	[tilespmem:s29+$0x9420] =	vst v0  }
0x16d: {  	[hbm4b:s26+s4] =	stream.linear.scatter [tilespmem:s16], [sflag:$0x3], $0x3000, $0x38;
	[tilespmem:$0xF080] =	vst v63  }
0x16e: {  	s26 =	sshra.s32 @!p1 s28, $0x2  }
0x16f: {  	s29 =	simm.s32 @!p1 $0x3080;
	s28 =	simm.s32 @!p1 $0x60;
	s26 =	sadd.s32 @!p1 $0xC0, s26  }
0x170: {  	[tilespmem:s29], [sflag:$0x1] =	stream.indirect.gather @!p1 [hbm4b:s1+s28], $0x80, s26, s28, $0xb8;
	[tilespmem:$0xF080] =	vst v63  }
0x171: {  	_ =	swait.ge [sflag:s17], $0x3000  }
0x172: {  	[sflag:s17] =	ssyncset.done $0x0  }
0x173: {  	s26 =	simm.s32 @!p0 $0x4;
	[sflag:s17] =	ssyncadd.s32 $0xFFFFD000  }
0x174: {  	_ =	swait.ge @!p0 [sflag:s26], $0x3000  }
0x175: {  	[sflag:s26] =	ssyncset.done @!p0 $0x0  }
0x176: {  	s28 =	simm.s32 $0x0;
	[sflag:s26] =	ssyncadd.s32 @!p0 $0xFFFFD000  }
0x177: {  	v7 =	vld [tilespmem:s28+$0x6430]  }
0x178: {  	v1 =	vld [tilespmem:s28+$0x6330]  }
0x179: {  	v5 =	vld [tilespmem:s28+$0x6420]  }
0x17a: {  	v19 =	vld [tilespmem:s28+$0x62B0]  }
0x17b: {  	v12 =	vld [tilespmem:s28+$0x6320]  }
0x17c: {  	v0 =	vld [tilespmem:s28+$0x6400]  }
0x17d: {  	v2 =	vld [tilespmem:s28+$0x6410]  }
0x17e: {  	v47 =	vld [tilespmem:s28+$0x61B0]  }
0x17f: {  	v62 =	vld [tilespmem:s28+$0x62A0]  }
0x180: {  	v57 =	vld [tilespmem:s28+$0x6300]  }
0x181: {  	v58 =	vld [tilespmem:s28+$0x6310]  }
0x182: {  	v16 =	vld [tilespmem:s28+$0x6380]  }
0x183: {  	v53 =	vld [tilespmem:s28+$0x6280]  }
0x184: {  	v56 =	vld [tilespmem:s28+$0x6290]  }
0x185: {  	v23 =	vld [tilespmem:s28+$0x6130]  }
0x186: {  	v24 =	vld [tilespmem:s28+$0x6180];
	[tilespmem:$0x1FEC0] =	vst v0  }
0x187: {  	v4 =	vld [tilespmem:s28+$0x6190];
	v0 =	vmul.f32 v0, v0;
	[tilespmem:$0x1FDA0] =	vst v2;
	v2 =	vmul.f32 v2, v2  }
0x188: {  	v3 =	vld [tilespmem:s28+$0x61A0];
	v8 =	vmul.f32 v57, v57;
	v9 =	vmul.f32 v58, v58  }
0x189: {  	v6 =	vld [tilespmem:s28+$0x6100];
	v0 =	vadd.f32 v2, v0;
	v2 =	vmul.f32 v5, v5  }
0x18a: {  	v17 =	vld [tilespmem:s28+$0x6120];
	[tilespmem:$0x1FE90] =	vst v12;
	v10 =	vmul.f32 v56, v56;
	v12 =	vmul.f32 v12, v12;
	v8 =	vadd.f32 v9, v8  }
0x18b: {  	[tilespmem:$0x1FDB0] =	vst v5;
	v11 =	vmul.f32 v7, v7;
	v5 =	vld [tilespmem:s28+$0x6110];
	v0 =	vadd.f32 v2, v0;
	v2 =	vmul.f32 v53, v53  }
0x18c: {  	v13 =	vmul.f32 v1, v1;
	v14 =	vmul.f32 v62, v62;
	v9 =	vld [tilespmem:s28+$0x6080];
	v8 =	vadd.f32 v12, v8  }
0x18d: {  	v15 =	vmul.f32 v4, v4;
	v12 =	vmul.f32 v24, v24;
	v2 =	vadd.f32 v10, v2;
	v10 =	vld [tilespmem:s28+$0x6090]  }
0x18e: {  	v52 =	vld [tilespmem:s28+$0x6200];
	v18 =	vadd.f32 v11, v0;
	v8 =	vadd.f32 v13, v8  }
0x18f: {  	v12 =	vadd.f32 v15, v12;
	v13 =	vmul.f32 v3, v3;
	v0 =	vadd.f32 v14, v2;
	v14 =	vld [tilespmem:s28+$0x60A0]  }
0x190: {  	v49 =	vld [tilespmem:s28+$0x6210];
	v2 =	vmul.f32 v19, v19  }
0x191: {  	v15 =	vmul.f32 v6, v6;
	v11 =	vld [tilespmem:s28+$0x60B0];
	v20 =	vmul.f32 v5, v5;
	v12 =	vadd.f32 v13, v12  }
0x192: {  	v50 =	vld [tilespmem:s28+$0x6220];
	v2 =	vadd.f32 v2, v0;
	v0 =	vmul.f32 v9, v9;
	v13 =	vmul.f32 v10, v10  }
0x193: {  	v63 =	vld [tilespmem:s28+$0x6390];
	v21 =	vmul.f32 v47, v47;
	v15 =	vadd.f32 v20, v15;
	v20 =	vmul.f32 v17, v17  }
0x194: {  	v48 =	vld [tilespmem:s28+$0x6230];
	v22 =	vmul.f32 v23, v23;
	v13 =	vadd.f32 v13, v0;
	v25 =	vmul.f32 v14, v14  }
0x195: {  	v59 =	vld [tilespmem:s28+$0x63A0];
	(xrf2) =	vadd.scan.msk.f32 $0xffff, v18;
	v18 =	vmul.f32 v52, v52;
	v15 =	vadd.f32 v20, v15;
	v20 =	vmul.f32 v49, v49  }
0x196: {  	(xrf2) =	vadd.scan.msk.f32 $0xffff, v8;
	v8 =	vadd.f32 v21, v12;
	v12 =	vadd.f32 v25, v13;
	v13 =	vmul.f32 v11, v11  }
0x197: {  	v61 =	vld [tilespmem:s28+$0x63B0];
	(xrf2) =	vadd.scan.msk.f32 $0xffff, v2;
	v15 =	vadd.f32 v22, v15;
	v18 =	vadd.f32 v20, v18;
	v20 =	vmul.f32 v50, v50  }
0x198: {  	(xrf2) =	vadd.scan.msk.f32 $0xffff, v8;
	v8 =	vmul.f32 v16, v16;
	v12 =	vadd.f32 v13, v12;
	v13 =	vmul.f32 v63, v63  }
0x199: {  	(xrf2) =	vadd.scan.msk.f32 $0xffff, v15;
	v15 =	vadd.f32 v20, v18  }
0x19a: {  	v18 =	vmul.f32 v48, v48;
	v8 =	vadd.f32 v13, v8;
	v13 =	vmul.f32 v59, v59  }
0x19b: {  	(xrf2) =	vadd.scan.msk.f32 $0xffff, v12  }
0x19c: {  	v12 =	vadd.f32 v18, v15;
	v8 =	vadd.f32 v13, v8;
	v13 =	vmul.f32 v61, v61;
	_ =	sdelay $0x1  }
0x19d: {  	v8 =	vadd.f32 v13, v8  }
0x19e: {  	(xrf2) =	vadd.scan.msk.f32 $0xffff, v12  }
0x19f: {  	v12, _, _ =	vpop (xrf2)  }
0x1a0: {  	v13, _, _ =	vpop (xrf2)  }
0x1a1: {  	(xrf2) =	vadd.scan.msk.f32 $0xffff, v8;
	v8, _, _ =	vpop (xrf2)  }
0x1a2: {  	v15, _, _ =	vpop (xrf2)  }
0x1a3: {  	v18, _, _ =	vpop (xrf2)  }
0x1a4: {  	v20, _, _ =	vpop (xrf2)  }
0x1a5: {  	v20 =	vbroadcast v20, $0xF  }
0x1a6: {  	v18 =	vbroadcast v18, $0xF  }
0x1a7: {  	v20 =	vnsel vm0, $0x0, v20  }
0x1a8: {  	v15 =	vbroadcast v15, $0xF;
	v21, _, _ =	vpop (xrf2);
	v18 =	vsel vm1, v20, v18  }
0x1a9: {  	v20 =	vbroadcast v21, $0xF  }
0x1aa: {  	v8 =	vbroadcast v8, $0xF;
	v15 =	vsel vm2, v18, v15  }
0x1ab: {  	v13 =	vbroadcast v13, $0xF;
	v15 =	vsel vm3, v15, v20;
	v18, _, _ =	vpop (xrf2)  }
0x1ac: {  	v8 =	vsel vm4, v15, v8;
	v15 =	vbroadcast v18, $0xF  }
0x1ad: {  	v12 =	vbroadcast v12, $0xF;
	v8 =	vsel vm5, v8, v13  }
0x1ae: {  	v8 =	vsel vm6, v8, v15  }
0x1af: {  	v8 =	vsel vm7, v8, v12  }
0x1b0: {  	v12 =	vshra.s32 v8, $0x1;
	v13 =	vmul.f32 $5.000000000e-01, v8  }
0x1b1: {  	s26 =	simm.s32 $0x400;
	v12 =	vsub.s32 $0x5F3759DF, v12  }
0x1b2: {  	v34 =	vld [tilespmem:s26+$0x6430];
	v15 =	vmul.f32 v12, v13  }
0x1b3: {  	v42 =	vld [tilespmem:s26+$0x6330]  }
0x1b4: {  	v54 =	vld [tilespmem:s26+$0x62B0];
	v15 =	vmul.f32 v12, v15  }
0x1b5: {  	v27 =	vld [tilespmem:s26+$0x6320]  }
0x1b6: {  	v60 =	vld [tilespmem:s26+$0x61B0];
	v18 =	vsub.f32 $1.500000000e+00, v15  }
0x1b7: {  	v51 =	vld [tilespmem:s26+$0x62A0]  }
0x1b8: {  	v36 =	vld [tilespmem:s26+$0x6300];
	v12 =	vmul.f32 v12, v18  }
0x1b9: {  	v26 =	vld [tilespmem:s26+$0x6310]  }
0x1ba: {  	v28 =	vld [tilespmem:s26+$0x6280];
	v18 =	vmul.f32 v12, v13  }
0x1bb: {  	v33 =	vld [tilespmem:s26+$0x6130]  }
0x1bc: {  	v29 =	vld [tilespmem:s26+$0x6180];
	v18 =	vmul.f32 v18, v12  }
0x1bd: {  	v30 =	vld [tilespmem:s26+$0x61A0]  }
0x1be: {  	v39 =	vld [tilespmem:s26+$0x6100];
	v21 =	vsub.f32 $1.500000000e+00, v18  }
0x1bf: {  	v40 =	vld [tilespmem:s26+$0x6110]  }
0x1c0: {  	v43 =	vld [tilespmem:s26+$0x6120];
	v12 =	vmul.f32 v21, v12  }
0x1c1: {  	v46 =	vld [tilespmem:s26+$0x6080]  }
0x1c2: {  	v41 =	vld [tilespmem:s26+$0x6090];
	v13 =	vmul.f32 v12, v13  }
0x1c3: {  	[tilespmem:$0x1FE80] =	vst v19;
	v19 =	vld [tilespmem:s26+$0x6400]  }
0x1c4: {  	[tilespmem:$0x1FEB0] =	vst v16;
	v16 =	vld [tilespmem:s26+$0x6420];
	v13 =	vmul.f32 v13, v12  }
0x1c5: {  	v15 =	vld [tilespmem:s26+$0x6410]  }
0x1c6: {  	v37 =	vld [tilespmem:s26+$0x6220];
	v13 =	vsub.f32 $1.500000000e+00, v13  }
0x1c7: {  	[tilespmem:$0x1FEA0] =	vst v1;
	v1 =	vld [tilespmem:s26+$0x60B0]  }
0x1c8: {  	v35 =	vimm.s32 $0x7;
	v31 =	vimm.s32 $0x0;
	v2 =	vld [tilespmem:s26+$0x6200];
	v12 =	vmul.f32 v13, v12  }
0x1c9: {  	v38 =	vmul.f32 v34, v34;
	v0 =	vld [tilespmem:s26+$0x6190];
	v22 =	vmul.f32 v16, v16;
	vm8 =	vgt.f32 v8, $1.000000000e+00  }
0x1ca: {  	[tilespmem:$0x1FDE0] =	vst v16;
	v16 =	vld [tilespmem:s26+$0x63A0];
	v13 =	vmul.f32 v19, v19;
	v8 =	vnsel vm8, $0x3F800000, v12;
	v12 =	vmul.f32 v15, v15  }
0x1cb: {  	v32 =	vmov v34;
	v34 =	vmul.f32 v28, v28;
	v21 =	vld [tilespmem:s26+$0x6290];
	v25 =	vperm.xlane v8, v31  }
0x1cc: {  	v20 =	vld [tilespmem:s26+$0x60A0];
	v31 =	vmul.f32 v36, v36;
	v55 =	vperm.xlane v8, v35;
	v12 =	vadd.f32 v12, v13  }
0x1cd: {  	[tilespmem:$0x1FDF0] =	vst v26;
	v18 =	vld [tilespmem:s26+$0x6380];
	v35 =	vmov v51;
	v51 =	vmul.f32 v51, v51;
	v13 =	vmul.f32 v26, v26  }
0x1ce: {  	[tilespmem:$0x1FDC0] =	vst v19;
	v19 =	vld [tilespmem:s26+$0x63B0];
	v9 =	vmul.f32 v25, v9;
	v10 =	vmul.f32 v25, v10;
	v12 =	vadd.f32 v22, v12  }
0x1cf: {  	[tilespmem:$0x1FDD0] =	vst v15;
	v15 =	vld [tilespmem:s26+$0x6390];
	v14 =	vmul.f32 v25, v14;
	v7 =	vmul.f32 v55, v7  }
0x1d0: {  	[tilespmem:$0x1FE10] =	vst v21;
	v26 =	vld [tilespmem:s26+$0x6210];
	v13 =	vadd.f32 v13, v31;
	v31 =	vmul.f32 v21, v21;
	v12 =	vadd.f32 v38, v12  }
0x1d1: {  	v11 =	vmul.f32 v25, v11;
	v22 =	vimm.s32 $0x1;
	v21 =	vld [tilespmem:s26+$0x6230];
	[tilespmem:s28+$0xC430] =	vst v7;
	v38 =	vmul.f32 v27, v27  }
0x1d2: {  	v44 =	vadd.f32 v31, v34;
	v34 =	vmul.f32 v0, v0;
	(xrf2) =	vadd.scan.msk.f32 $0xffff, v12;
	v12 =	vmul.f32 v29, v29  }
0x1d3: {  	v7 =	vmul.f32 v42, v42;
	[tilespmem:s28+$0xC080] =	vst v9;
	v9 =	vmul.f32 v30, v30;
	v13 =	vadd.f32 v38, v13  }
0x1d4: {  	[tilespmem:s28+$0xC090] =	vst v10;
	v10 =	vmul.f32 v40, v40;
	v38 =	vmul.f32 v54, v54;
	v12 =	vadd.f32 v34, v12  }
0x1d5: {  	[tilespmem:$0x1FE60] =	vst v54;
	v54 =	vmul.f32 v39, v39;
	v7 =	vadd.f32 v7, v13;
	v13 =	vperm.xlane v8, v22  }
0x1d6: {  	[tilespmem:s28+$0xC0B0] =	vst v11;
	v11 =	vmul.f32 v43, v43;
	v9 =	vadd.f32 v9, v12;
	v12 =	vmul.f32 v60, v60  }
0x1d7: {  	v44 =	vadd.f32 v51, v44;
	v10 =	vadd.f32 v10, v54;
	v6 =	vmul.f32 v13, v6  }
0x1d8: {  	(xrf2) =	vadd.scan.msk.f32 $0xffff, v7;
	v7 =	vadd.f32 v12, v9;
	v9 =	vmul.f32 v46, v46;
	v12 =	vmul.f32 v41, v41  }
0x1d9: {  	s29 =	simm.s32 $0x800;
	[tilespmem:s28+$0xC0A0] =	vst v14;
	v51 =	vadd.f32 v38, v44;
	v10 =	vadd.f32 v11, v10  }
0x1da: {  	v44 =	vld [tilespmem:s29+$0x6430];
	[tilespmem:s28+$0xC100] =	vst v6;
	v6 =	vmul.f32 v33, v33;
	v9 =	vadd.f32 v12, v9;
	v12 =	vmul.f32 v20, v20  }
0x1db: {  	[tilespmem:$0x1FE40] =	vst v0;
	v5 =	vmul.f32 v13, v5;
	v11 =	vmul.f32 v13, v17;
	(xrf2) =	vadd.scan.msk.f32 $0xffff, v51  }
0x1dc: {  	v6 =	vadd.f32 v6, v10;
	(xrf2) =	vadd.scan.msk.f32 $0xffff, v7;
	v7 =	vadd.f32 v12, v9;
	v12 =	vmul.f32 v1, v1  }
0x1dd: {  	v0 =	vimm.s32 $0x2;
	v17 =	vld [tilespmem:s29+$0x6330];
	[tilespmem:s28+$0xC110] =	vst v5;
	v5 =	vmul.f32 v2, v2;
	v10 =	vmul.f32 v26, v26  }
0x1de: {  	(xrf2) =	vadd.scan.msk.f32 $0xffff, v6;
	v6 =	vadd.f32 v12, v7;
	v7 =	vmul.f32 v18, v18;
	v12 =	vmul.f32 v15, v15  }
0x1df: {  	v9 =	vmul.f32 v13, v23;
	v13 =	vperm.xlane v8, v0  }
0x1e0: {  	v45 =	vld [tilespmem:s29+$0x6420];
	[tilespmem:s28+$0xC120] =	vst v11;
	v7 =	vadd.f32 v12, v7;
	(xrf2) =	vadd.scan.msk.f32 $0xffff, v6;
	v6 =	vmul.f32 v16, v16  }
0x1e1: {  	v11 =	vld [tilespmem:s29+$0x62B0];
	v5 =	vadd.f32 v10, v5;
	v10 =	vmul.f32 v37, v37;
	[tilespmem:s28+$0xC130] =	vst v9;
	v9 =	vmul.f32 v13, v24  }
0x1e2: {  	v4 =	vmul.f32 v13, v4;
	v6 =	vadd.f32 v6, v7;
	v7 =	vmul.f32 v19, v19  }
0x1e3: {  	v5 =	vadd.f32 v10, v5;
	v10 =	vmul.f32 v21, v21;
	v24 =	vld [tilespmem:s29+$0x6320];
	[tilespmem:s28+$0xC180] =	vst v9  }
0x1e4: {  	v51 =	vld [tilespmem:s29+$0x6400];
	[tilespmem:s28+$0xC190] =	vst v4;
	v4 =	vadd.f32 v7, v6  }
0x1e5: {  	v3 =	vmul.f32 v13, v3;
	v5 =	vadd.f32 v10, v5  }
0x1e6: {  	v0 =	vimm.s32 $0x3  }
0x1e7: {  	(xrf2) =	vadd.scan.msk.f32 $0xffff, v5;
	v54 =	vld [tilespmem:s29+$0x6410];
	v5 =	vmul.f32 v13, v47;
	[tilespmem:s28+$0xC1A0] =	vst v3;
	v3 =	vperm.xlane v8, v0;
	v6, _, _ =	vpop (xrf2)  }
0x1e8: {  	(xrf2) =	vadd.scan.msk.f32 $0xffff, v4;
	v4, _, _ =	vpop (xrf2)  }
0x1e9: {  	v47 =	vld [tilespmem:s29+$0x61B0];
	[tilespmem:s28+$0xC1B0] =	vst v5;
	v5 =	vmul.f32 v3, v52;
	v7, _, _ =	vpop (xrf2)  }
0x1ea: {  	v9, _, _ =	vpop (xrf2)  }
0x1eb: {  	v31 =	vmov v60;
	v60 =	vld [tilespmem:s29+$0x62A0];
	[tilespmem:s28+$0xC200] =	vst v5;
	v5 =	vmul.f32 v3, v49;
	v10, _, _ =	vpop (xrf2)  }
0x1ec: {  	v12, _, _ =	vpop (xrf2)  }
0x1ed: {  	v49 =	vld [tilespmem:s29+$0x6300];
	[tilespmem:s28+$0xC210] =	vst v5;
	v5 =	vbroadcast v12, $0xF;
	v12 =	vmul.f32 v3, v50;
	_ =	sdelay $0x2  }
0x1ee: {  	v0 =	vmul.f32 v3, v48;
	v3 =	vbroadcast v10, $0xF  }
0x1ef: {  	v9 =	vbroadcast v9, $0xF;
	v50 =	vld [tilespmem:s29+$0x6310];
	[tilespmem:s28+$0xC220] =	vst v12;
	v5 =	vnsel vm0, $0x0, v5;
	v12, _, _ =	vpop (xrf2)  }
0x1f0: {  	v3 =	vsel vm1, v5, v3;
	v5 =	vbroadcast v12, $0xF  }
0x1f1: {  	v48 =	vld [tilespmem:s29+$0x6380];
	[tilespmem:s28+$0xC230] =	vst v0;
	v0 =	vbroadcast v7, $0xF;
	v3 =	vsel vm2, v3, v9  }
0x1f2: {  	v38 =	vmovc v1;
	v1 =	vimm.s32 $0x4;
	v4 =	vbroadcast v4, $0xF;
	v3 =	vsel vm3, v3, v5  }
0x1f3: {  	v10 =	vperm.xlane v8, v1;
	v1 =	vimm.s32 $0x5;
	v0 =	vsel vm4, v3, v0  }
0x1f4: {  	v0 =	vsel vm5, v0, v4;
	v4 =	vbroadcast v6, $0xF;
	v6 =	vperm.xlane v8, v1;
	v1 =	vld [tilespmem:$0x1FE80]  }
0x1f5: {  	[tilespmem:$0x1FE50] =	vst v42;
	v42 =	vmov v39;
	v39 =	vmov v2;
	v2 =	vld [tilespmem:$0x1FE90];
	v7 =	vmul.f32 v10, v53;
	v5, _, _ =	vpop (xrf2)  }
0x1f6: {  	v3 =	vbroadcast v5, $0xF;
	v5 =	vmul.f32 v10, v56  }
0x1f7: {  	v53 =	vld [tilespmem:s29+$0x6280];
	[tilespmem:s28+$0xC280] =	vst v7  }
0x1f8: {  	v52 =	vld [tilespmem:s29+$0x6290];
	v0 =	vsel vm6, v0, v3;
	[tilespmem:s28+$0xC290] =	vst v5;
	v3 =	vmul.f32 v10, v62  }
0x1f9: {  	v56 =	vld [tilespmem:s29+$0x6130];
	v5 =	vmul.f32 v10, v1  }
0x1fa: {  	[tilespmem:s28+$0xC2A0] =	vst v3;
	v10 =	vmul.f32 v6, v2;
	v2 =	vld [tilespmem:$0x1FEA0]  }
0x1fb: {  	v1 =	vsel vm7, v0, v4;
	v0 =	vmul.f32 v6, v57;
	v57 =	vld [tilespmem:s29+$0x6180];
	[tilespmem:s28+$0xC2B0] =	vst v5  }
0x1fc: {  	v4 =	vmul.f32 v6, v58;
	v58 =	vld [tilespmem:s29+$0x6190]  }
0x1fd: {  	[tilespmem:s28+$0xC300] =	vst v0;
	v0 =	vld [tilespmem:$0x1FEB0]  }
0x1fe: {  	v7 =	vshra.s32 v1, $0x1  }
0x1ff: {  	v3 =	vmul.f32 $5.000000000e-01, v1;
	v12 =	vmul.f32 v6, v2;
	v2 =	vimm.s32 $0x6  }
0x200: {  	v6 =	vsub.s32 $0x5F3759DF, v7;
	v7 =	vperm.xlane v8, v2  }
0x201: {  	v9 =	vmul.f32 v54, v54;
	v5 =	vmul.f32 v6, v3  }
0x202: {  	v8 =	vmul.f32 v51, v51;
	v14 =	vmul.f32 v7, v0  }
0x203: {  	v0 =	vmul.f32 v6, v5;
	v5 =	vmul.f32 v7, v63  }
0x204: {  	v13 =	vadd.f32 v9, v8;
	v8 =	vmul.f32 v7, v59;
	v9 =	vmul.f32 v7, v61  }
0x205: {  	v59 =	vld [tilespmem:s29+$0x61A0];
	[tilespmem:s28+$0xC310] =	vst v4;
	v4 =	vmul.f32 v49, v49;
	v7 =	vmul.f32 v50, v50;
	_ =	sdelay $0x1  }
0x206: {  	v4 =	vadd.f32 v7, v4;
	v7 =	vmul.f32 v24, v24  }
0x207: {  	[tilespmem:$0x1FE00] =	vst v28  }
0x208: {  	[tilespmem:$0x1FE20] =	vst v27;
	v2 =	vmul.f32 v45, v45;
	v0 =	vsub.f32 $1.500000000e+00, v0;
	v4 =	vadd.f32 v7, v4;
	v7 =	vld [tilespmem:$0x1FEC0]  }
0x209: {  	[tilespmem:$0x1FE30] =	vst v29  }
0x20a: {  	[tilespmem:$0x1FE70] =	vst v30;
	v2 =	vadd.f32 v2, v13;
	v6 =	vmul.f32 v6, v0;
	v0 =	vmul.f32 v44, v44  }
0x20b: {  	v28 =	vmovc v19;
	v25 =	vmov v33;
	v30 =	vmov v15;
	v62 =	vld [tilespmem:s29+$0x6100];
	[tilespmem:s28+$0xC320] =	vst v10;
	v13 =	vmul.f32 v53, v53  }
0x20c: {  	v61 =	vld [tilespmem:s29+$0x6110];
	[tilespmem:s28+$0xC330] =	vst v12;
	v0 =	vadd.f32 v0, v2;
	v2 =	vmul.f32 v52, v52;
	v12 =	vmul.f32 v6, v3  }
0x20d: {  	v29 =	vmovc v20;
	v27 =	vmovc v21;
	v34 =	vmov v40;
	v10 =	vmul.f32 v55, v7;
	v7 =	vmul.f32 v17, v17  }
0x20e: {  	v40 =	vmovc v43;
	v43 =	vmovc v41;
	v41 =	vmov v26;
	v33 =	vmov v16;
	v2 =	vadd.f32 v2, v13  }
0x20f: {  	v26 =	vmovc v18;
	v63 =	vld [tilespmem:s29+$0x6120];
	v12 =	vmul.f32 v12, v6;
	v7 =	vadd.f32 v7, v4;
	v4 =	vmul.f32 v60, v60  }
0x210: {  	s25 =	sor.u32 $0x1, s25;
	s30 =	simm.s32 $0x3000;
	v23 =	vmovc v11;
	(xrf2) =	vadd.scan.msk.f32 $0xffff, v0;
	v13 =	vmul.f32 v57, v57;
	v0 =	vld [tilespmem:s29+$0x6080];
	[tilespmem:s28+$0xC380] =	vst v14;
	v14 =	vmul.f32 v58, v58  }
.LBB2_5:
0x211: {  	v16 =	vadd.f32 v4, v2;
	v2 =	vld [tilespmem:$0x1FDA0]  }
0x212: {  	v4 =	vld [tilespmem:$0x1FDC0];
	_ =	sdelay $0x3  }
0x213: {  	v23 =	vmul.f32 v23, v11  }
0x214: {  	v15 =	vld [tilespmem:s29+$0x6090];
	[tilespmem:s28+$0xC390] =	vst v5;
	v13 =	vadd.f32 v14, v13;
	v18 =	vmul.f32 v55, v2;
	v2 =	vmovc v4;
	v4 =	vmov v51  }
0x215: {  	v19 =	vmovc v54;
	v14 =	vmul.f32 v59, v59;
	(xrf2) =	vadd.scan.msk.f32 $0xffff, v7;
	v7 =	vsub.f32 $1.500000000e+00, v12;
	[tilespmem:$0x1FDC0] =	vst v4;
	v4 =	vld [tilespmem:$0x1FDD0]  }
0x216: {  	v51 =	vld [tilespmem:s29+$0x6200];
	[tilespmem:$0x1FDD0] =	vst v19  }
0x217: {  	v16 =	vadd.f32 v23, v16;
	v19 =	vld [tilespmem:s29+$0x60A0];
	[tilespmem:s28+$0xC3A0] =	vst v8;
	v8 =	vadd.f32 v14, v13;
	v14 =	vmul.f32 v7, v6;
	_ =	sdelay $0x1  }
0x218: {  	(xrf2) =	vadd.scan.msk.f32 $0xffff, v16;
	v13 =	vmul.f32 v47, v47;
	v16 =	vmul.f32 v14, v3;
	v3 =	vld [tilespmem:$0x1FDB0]  }
0x219: {  	v12 =	vmul.f32 v62, v62;
	v54 =	vmul.f32 v61, v61;
	v20 =	vmovc v4;
	v4 =	vmov v60;
	v60 =	vld [tilespmem:s29+$0x6210];
	[tilespmem:s28+$0xC3B0] =	vst v9  }
0x21a: {  	v6 =	vmul.f32 v0, v0;
	v13 =	vadd.f32 v13, v8;
	v23 =	vld [tilespmem:s29+$0x60B0]  }
0x21b: {  	v7 =	vadd.f32 v54, v12;
	v12 =	vmul.f32 v15, v15;
	v9 =	vmul.f32 v63, v63;
	[tilespmem:$0x1FDA0] =	vst v20;
	v20 =	vld [tilespmem:$0x1FDE0]  }
0x21c: {  	vm8 =	vgt.f32 v1, $1.000000000e+00;
	(xrf2) =	vadd.scan.msk.f32 $0xffff, v13;
	v13 =	vmul.f32 v16, v14;
	v54 =	vld [tilespmem:s29+$0x6220];
	[tilespmem:s28+$0xC400] =	vst v10  }
0x21d: {  	v12 =	vadd.f32 v12, v6;
	v7 =	vadd.f32 v9, v7;
	v9 =	vmul.f32 v56, v56;
	v8 =	vld [tilespmem:s29+$0x6390];
	[tilespmem:s28+$0xC410] =	vst v18  }
0x21e: {  	v13 =	vsub.f32 $1.500000000e+00, v13;
	v18 =	vmul.f32 v55, v3;
	v55 =	vmul.f32 v19, v19;
	v3 =	vld [tilespmem:s29+$0x6230]  }
0x21f: {  	v5 =	vmovc v36;
	v1 =	vld [tilespmem:$0x1FDF0];
	v9 =	vadd.f32 v9, v7;
	v7 =	vmul.f32 v51, v51;
	v16 =	vmul.f32 v60, v60  }
0x220: {  	v6 =	vld [tilespmem:s29+$0x63A0];
	[tilespmem:s28+$0xC420] =	vst v18;
	v12 =	vadd.f32 v55, v12;
	v36 =	vmul.f32 v23, v23;
	v21 =	vmovc v20;
	v20 =	vmov v45  }
0x221: {  	v45 =	vmul.f32 v48, v48;
	[tilespmem:$0x1FDE0] =	vst v20;
	v16 =	vadd.f32 v16, v7;
	v20 =	vmul.f32 v54, v54  }
0x222: {  	v10, _, _ =	vpop (xrf2);
	s28 =	smov.u32 s26;
	s26 =	smov.u32 s29;
	(xrf2) =	vadd.scan.msk.f32 $0xffff, v9;
	[tilespmem:$0x1FDB0] =	vst v21;
	v9 =	vadd.f32 v36, v12;
	v12 =	vmul.f32 v8, v8  }
0x223: {  	v7 =	vld [tilespmem:s26+$0x63B0];
	v21 =	vmul.f32 v13, v14;
	v13 =	vmovc v50;
	v20 =	vadd.f32 v20, v16;
	v16 =	vmul.f32 v3, v3  }
0x224: {  	[tilespmem:$0x1FDF0] =	vst v13;
	v36 =	vmov v49;
	v49 =	vmov v1;
	v1 =	vadd.f32 v12, v45  }
0x225: {  	v18, _, _ =	vpop (xrf2);
	v45 =	vmul.f32 v6, v6;
	(xrf2) =	vadd.scan.msk.f32 $0xffff, v9;
	v9 =	vnsel vm8, $0x3F800000, v21;
	v13 =	vadd.f32 v16, v20  }
0x226: {  	v16 =	vimm.s32 $0x0;
	v20 =	vimm.s32 $0x7;
	v50 =	vperm.xlane v9, v22  }
0x227: {  	v22 =	vimm.s32 $0x5;
	v16 =	vperm.xlane v9, v16;
	v55 =	vperm.xlane v9, v20  }
0x228: {  	v14, _, _ =	vpop (xrf2);
	v1 =	vadd.f32 v45, v1;
	v21 =	vmul.f32 v7, v7;
	(xrf2) =	vadd.scan.msk.f32 $0xffff, v13;
	v13 =	vimm.s32 $0x2  }
0x229: {  	v22 =	vperm.xlane v9, v22;
	v13 =	vperm.xlane v9, v13  }
0x22a: {  	v12 =	vmovc v26;
	v20 =	vmul.f32 v55, v32;
	v1 =	vadd.f32 v21, v1;
	v21 =	vimm.s32 $0x3  }
0x22b: {  	v26 =	vmovc v48;
	v32 =	vmovc v44;
	v44 =	vimm.s32 $0x6;
	v48 =	vperm.xlane v9, v21;
	v21 =	vimm.s32 $0x4  }
0x22c: {  	v21 =	vperm.xlane v9, v21;
	v9 =	vperm.xlane v9, v44;
	v44 =	vld [tilespmem:$0x1FE00];
	_ =	sdelay $0x4  }
0x22d: {  	[tilespmem:s28+$0xC430] =	vst v20;
	v20 =	vmov v44;
	v44 =	vmov v53;
	v53 =	vld [tilespmem:$0x1FE10]  }
0x22e: {  	v45, _, _ =	vpop (xrf2);
	(xrf2) =	vadd.scan.msk.f32 $0xffff, v1;
	v1 =	vmul.f32 v16, v46  }
0x22f: {  	[tilespmem:$0x1FE00] =	vst v44;
	v44 =	vmul.f32 v16, v43  }
0x230: {  	[tilespmem:s28+$0xC080] =	vst v1  }
0x231: {  	v1 =	vmul.f32 v50, v42;
	v42 =	vmov v62;
	v62 =	vld [tilespmem:$0x1FE40];
	v43 =	vmov v15;
	[tilespmem:s28+$0xC090] =	vst v44  }
0x232: {  	v15 =	vmovc v53;
	v53 =	vmul.f32 v16, v29;
	v16 =	vmul.f32 v16, v38;
	v38 =	vmovc v23;
	v23 =	vmov v52  }
0x233: {  	v29 =	vmov v19;
	v19 =	vmul.f32 v50, v34;
	[tilespmem:$0x1FE10] =	vst v23  }
0x234: {  	v46, _, _ =	vpop (xrf2);
	v23 =	vmul.f32 v50, v40;
	v50 =	vmul.f32 v50, v25;
	v25 =	vmov v56;
	v56 =	vld [tilespmem:$0x1FE30];
	[tilespmem:s28+$0xC0A0] =	vst v53  }
0x235: {  	v44, _, _ =	vpop (xrf2);
	v40 =	vmov v58;
	[tilespmem:s28+$0xC0B0] =	vst v16;
	v16 =	vld [tilespmem:$0x1FE70]  }
0x236: {  	v53 =	vmul.f32 v13, v62;
	v62 =	vbroadcast v44, $0xF;
	[tilespmem:$0x1FE40] =	vst v40;
	v44 =	vmov v59  }
0x237: {  	s29 =	sshra.s32 s30, $0x2;
	[tilespmem:$0x1FE70] =	vst v44  }
0x238: {  	v34 =	vmov v61;
	v61 =	vbroadcast v46, $0xF;
	v44 =	vld [tilespmem:s29+$0x6430];
	[tilespmem:s28+$0xC100] =	vst v1  }
0x239: {  	v46 =	vmov v0;
	v1 =	vmul.f32 v13, v31;
	v0 =	vld [tilespmem:s29+$0x6330];
	[tilespmem:s28+$0xC110] =	vst v19;
	v52 =	vmul.f32 v13, v56  }
0x23a: {  	v16 =	vmul.f32 v13, v16;
	v13 =	vnsel vm0, $0x0, v62;
	v62 =	vbroadcast v45, $0xF;
	v45 =	vld [tilespmem:s29+$0x6420];
	[tilespmem:s28+$0xC120] =	vst v23  }
0x23b: {  	v23 =	vld [tilespmem:s29+$0x62B0];
	[tilespmem:s28+$0xC130] =	vst v50  }
0x23c: {  	v40 =	vmov v63;
	v63, _, _ =	vpop (xrf2);
	v13 =	vsel vm1, v13, v61;
	v61 =	vld [tilespmem:s29+$0x6320];
	[tilespmem:s28+$0xC180] =	vst v52  }
0x23d: {  	v19 =	vmul.f32 v48, v39;
	v39 =	vmov v51;
	v56 =	vbroadcast v63, $0xF;
	v51 =	vld [tilespmem:s29+$0x6400];
	[tilespmem:s28+$0xC190] =	vst v53  }
0x23e: {  	v58 =	vmul.f32 v48, v37;
	v37 =	vmov v54;
	v54 =	vld [tilespmem:s29+$0x6410];
	[tilespmem:s28+$0xC1A0] =	vst v16  }
0x23f: {  	v31 =	vmov v47;
	v47 =	vld [tilespmem:s29+$0x61B0]  }
0x240: {  	v14 =	vbroadcast v14, $0xF;
	v13 =	vsel vm2, v13, v62;
	[tilespmem:s28+$0xC1B0] =	vst v1;
	v1 =	vld [tilespmem:$0x1FE60]  }
0x241: {  	v18 =	vbroadcast v18, $0xF;
	v13 =	vsel vm3, v13, v56;
	v56, _, _ =	vpop (xrf2)  }
0x242: {  	v57 =	vmovc v57;
	v10 =	vbroadcast v10, $0xF;
	v13 =	vsel vm4, v13, v14;
	v14 =	vbroadcast v56, $0xF  }
0x243: {  	[tilespmem:$0x1FE30] =	vst v57;
	v57 =	vmul.f32 v48, v41;
	v59 =	vmul.f32 v48, v27;
	v13 =	vsel vm5, v13, v18;
	v18 =	vld [tilespmem:$0x1FE20]  }
0x244: {  	v41 =	vmovc v60;
	v27 =	vmov v3;
	v16 =	vmul.f32 v22, v49;
	v3 =	vsel vm6, v13, v14;
	v60 =	vld [tilespmem:s29+$0x62A0];
	[tilespmem:s28+$0xC200] =	vst v19  }
0x245: {  	v19 =	vmov v11;
	v49 =	vld [tilespmem:s29+$0x6300];
	[tilespmem:s28+$0xC210] =	vst v57;
	v14 =	vmul.f32 v21, v1;
	v1 =	vsel vm7, v3, v10  }
0x246: {  	[tilespmem:$0x1FE60] =	vst v19;
	v50 =	vld [tilespmem:s29+$0x6310];
	v10 =	vmul.f32 v22, v5;
	v5 =	vshra.s32 v1, $0x1  }
0x247: {  	v20 =	vmul.f32 v21, v20;
	[tilespmem:s28+$0xC220] =	vst v58;
	v19 =	vsub.s32 $0x5F3759DF, v5;
	v5 =	vld [tilespmem:$0x1FE50]  }
0x248: {  	v15 =	vmul.f32 v21, v15;
	v48 =	vld [tilespmem:s29+$0x6380];
	[tilespmem:s28+$0xC230] =	vst v59  }
0x249: {  	v13 =	vmul.f32 v21, v35;
	v62 =	vmul.f32 v51, v51;
	v53 =	vld [tilespmem:s29+$0x6280];
	[tilespmem:s28+$0xC280] =	vst v20  }
0x24a: {  	v63 =	vmul.f32 v54, v54;
	v18 =	vmul.f32 v22, v18;
	v52 =	vld [tilespmem:s29+$0x6290];
	[tilespmem:s28+$0xC290] =	vst v15  }
0x24b: {  	v3 =	vmul.f32 $5.000000000e-01, v1;
	v56 =	vld [tilespmem:s29+$0x6130];
	[tilespmem:s28+$0xC2A0] =	vst v13;
	v13 =	vmul.f32 v49, v49  }
0x24c: {  	v57 =	vld [tilespmem:s29+$0x6180];
	v15 =	vmul.f32 v50, v50;
	[tilespmem:s28+$0xC2B0] =	vst v14;
	v21 =	vmul.f32 v22, v5  }
0x24d: {  	v35 =	vmov v4;
	v58 =	vld [tilespmem:s29+$0x6190];
	[tilespmem:s28+$0xC300] =	vst v10;
	v22 =	vmul.f32 v9, v12;
	v12 =	vmul.f32 v19, v3  }
0x24e: {  	v4 =	vadd.f32 v63, v62;
	v10 =	vmul.f32 v55, v2;
	v59 =	vld [tilespmem:s29+$0x61A0];
	v2 =	vadd.f32 v15, v13;
	[tilespmem:s28+$0xC310] =	vst v16  }
0x24f: {  	v62 =	vld [tilespmem:s29+$0x6100];
	v14 =	vmul.f32 v52, v52;
	[tilespmem:s28+$0xC320] =	vst v18;
	v5 =	vmov v17;
	v12 =	vmul.f32 v19, v12  }
0x250: {  	[tilespmem:$0x1FE50] =	vst v5;
	v5 =	vmul.f32 v9, v30;
	v30 =	vmovc v8;
	v8 =	vmov v24;
	v24 =	vmov v61  }
0x251: {  	[tilespmem:$0x1FE20] =	vst v8;
	v8 =	vmul.f32 v9, v33;
	v33 =	vmovc v6;
	v6 =	vmul.f32 v45, v45;
	v12 =	vsub.f32 $1.500000000e+00, v12  }
0x252: {  	p0 =	sne.s32 s30, $0xB000;
	v17 =	vmov v0;
	v9 =	vmul.f32 v9, v28;
	v13 =	vmul.f32 v61, v24;
	v61 =	vld [tilespmem:s29+$0x6110];
	[tilespmem:s28+$0xC330] =	vst v21  }
.Ltmp1:
0x253: {  	v28 =	vmovc v7;
	v7 =	vmul.f32 v44, v44;
	v63 =	vld [tilespmem:s29+$0x6120];
	v4 =	vadd.f32 v6, v4;
	v6 =	vmul.f32 v19, v12;
	(pc) =	sbr.rel @p0 .LBB2_5-.Ltmp1, $4  }
0x254: {  	v16 =	vmul.f32 v0, v17;
	v0 =	vld [tilespmem:s29+$0x6080];
	[tilespmem:s28+$0xC380] =	vst v22;
	v22 =	vimm.s32 $0x1;
	v12 =	vmul.f32 v53, v53  }
0x255: {  	v15 =	vadd.f32 v13, v2;
	v7 =	vadd.f32 v7, v4;
	v18 =	vmul.f32 v6, v3  }
0x256: {  	v11 =	vmovc v23;
	v13 =	vmul.f32 v57, v57;
	v4 =	vmul.f32 v60, v60;
	v2 =	vadd.f32 v14, v12  }
0x257: {  	s30 =	sadd.s32 $0x1000, s30;
	(xrf2) =	vadd.scan.msk.f32 $0xffff, v7;
	v14 =	vmul.f32 v58, v58;
	v7 =	vadd.f32 v16, v15;
	v12 =	vmul.f32 v18, v6  }
0x258: {  	v18 =	vld [tilespmem:s29+$0x6090]  }
0x259: {  	v20 =	vld [tilespmem:$0x1FDA0]  }
0x25a: {  	[tilespmem:s28+$0xC390] =	vst v5;
	v2 =	vadd.f32 v4, v2;
	v4 =	vmul.f32 v23, v11;
	v23 =	vld [tilespmem:$0x1FDB0]  }
0x25b: {  	v21 =	vld [tilespmem:s29+$0x6200]  }
0x25c: {  	v16 =	vld [tilespmem:s29+$0x60A0];
	[tilespmem:s28+$0xC3A0] =	vst v8  }
0x25d: {  	v15 =	vmul.f32 v59, v59;
	v13 =	vadd.f32 v14, v13;
	v5 =	vld [tilespmem:s29+$0x6210];
	[tilespmem:s28+$0xC3B0] =	vst v9  }
0x25e: {  	v4 =	vadd.f32 v4, v2;
	v2 =	vmul.f32 v62, v62;
	v8 =	vld [tilespmem:s29+$0x60B0];
	v9 =	vmul.f32 v55, v20  }
0x25f: {  	v14 =	vmul.f32 v55, v23;
	v55 =	vld [tilespmem:s29+$0x6220];
	[tilespmem:s28+$0xC400] =	vst v10;
	v10 =	vmul.f32 v61, v61  }
0x260: {  	v13 =	vadd.f32 v15, v13;
	v15 =	vmul.f32 v0, v0;
	[tilespmem:$0x1FD30] =	vst v18;
	v18 =	vmul.f32 v18, v18  }
0x261: {  	v19 =	vmul.f32 v63, v63;
	(xrf2) =	vadd.scan.msk.f32 $0xffff, v7;
	v20 =	vmul.f32 v16, v16;
	v10 =	vadd.f32 v10, v2  }
0x262: {  	v23 =	vld [tilespmem:s29+$0x6390];
	[tilespmem:s28+$0xC410] =	vst v9;
	v9 =	vmul.f32 v47, v47;
	v15 =	vadd.f32 v18, v15;
	v18 =	vmul.f32 v56, v56  }
0x263: {  	[tilespmem:$0x1FD40] =	vst v21;
	v2 =	vld [tilespmem:s29+$0x6230];
	v7 =	vadd.f32 v19, v10;
	v10 =	vmul.f32 v21, v21;
	v21 =	vmul.f32 v5, v5  }
0x264: {  	v19 =	vld [tilespmem:s29+$0x63A0];
	v9 =	vadd.f32 v9, v13;
	[tilespmem:s28+$0xC420] =	vst v14;
	v13 =	vadd.f32 v20, v15;
	v14 =	vmul.f32 v8, v8  }
0x265: {  	(xrf2) =	vadd.scan.msk.f32 $0xffff, v4;
	v20 =	vadd.f32 v18, v7  }
0x266: {  	v15 =	vmul.f32 v55, v55;
	v10 =	vadd.f32 v21, v10;
	v7 =	vld [tilespmem:s29+$0x63B0];
	(xrf2) =	vadd.scan.msk.f32 $0xffff, v9;
	v9 =	vadd.f32 v14, v13  }
0x267: {  	[tilespmem:$0x1FD60] =	vst v23;
	v13 =	vmul.f32 v48, v48;
	v23 =	vmul.f32 v23, v23;
	(xrf2) =	vadd.scan.msk.f32 $0xffff, v20  }
0x268: {  	v20 =	vadd.f32 v15, v10;
	v21 =	vmul.f32 v2, v2;
	(xrf2) =	vadd.scan.msk.f32 $0xffff, v9  }
0x269: {  	v13 =	vadd.f32 v23, v13;
	v23 =	vmul.f32 v19, v19  }
0x26a: {  	v4 =	vadd.f32 v21, v20;
	v20 =	vsub.f32 $1.500000000e+00, v12  }
0x26b: {  	v9 =	vadd.f32 v23, v13;
	v13 =	vmul.f32 v7, v7  }
0x26c: {  	(xrf2) =	vadd.scan.msk.f32 $0xffff, v4;
	v6 =	vmul.f32 v20, v6  }
0x26d: {  	v10, _, _ =	vpop (xrf2);
	v14 =	vadd.f32 v13, v9  }
0x26e: {  	v4, _, _ =	vpop (xrf2);
	v3 =	vmul.f32 v6, v3  }
0x26f: {  	(xrf2) =	vadd.scan.msk.f32 $0xffff, v14;
	v9, _, _ =	vpop (xrf2)  }
0x270: {  	v21, _, _ =	vpop (xrf2);
	v3 =	vmul.f32 v3, v6  }
0x271: {  	v23, _, _ =	vpop (xrf2)  }
0x272: {  	[tilespmem:$0x1FD50] =	vst v5;
	v3 =	vsub.f32 $1.500000000e+00, v3;
	v5, _, _ =	vpop (xrf2)  }
0x273: {  	v14 =	vbroadcast v5, $0xF  }
0x274: {  	v13 =	vbroadcast v23, $0xF;
	v3 =	vmul.f32 v3, v6  }
0x275: {  	vm8 =	vgt.f32 v1, $1.000000000e+00;
	v12 =	vbroadcast v21, $0xF;
	v14 =	vnsel vm0, $0x0, v14  }
0x276: {  	v4 =	vbroadcast v4, $0xF;
	v15, _, _ =	vpop (xrf2);
	v3 =	vnsel vm8, $0x3F800000, v3;
	v20 =	vsel vm1, v14, v13  }
0x277: {  	v21 =	vbroadcast v15, $0xF;
	v23 =	vsel vm2, v20, v12;
	v20 =	vimm.s32 $0x7  }
0x278: {  	v18 =	vimm.s32 $0x0;
	v12 =	vbroadcast v9, $0xF;
	v9 =	vperm.xlane v3, v20  }
0x279: {  	v1 =	vsel vm3, v23, v21;
	v13, _, _ =	vpop (xrf2);
	v23 =	vbroadcast v10, $0xF;
	v10 =	vperm.xlane v3, v18  }
0x27a: {  	v1 =	vsel vm4, v1, v12;
	v14 =	vbroadcast v13, $0xF  }
0x27b: {  	v1 =	vsel vm5, v1, v4;
	v32 =	vmul.f32 v9, v32;
	v46 =	vmul.f32 v10, v46  }
0x27c: {  	v21 =	vmul.f32 v10, v43;
	v29 =	vmul.f32 v10, v29;
	v1 =	vsel vm6, v1, v14  }
0x27d: {  	v10 =	vmul.f32 v10, v38;
	v1 =	vsel vm7, v1, v23;
	[tilespmem:s26+$0xC430] =	vst v32;
	v32 =	vperm.xlane v3, v22  }
0x27e: {  	[tilespmem:s26+$0xC090] =	vst v21;
	v21 =	vimm.s32 $0x2;
	v23 =	vshra.s32 v1, $0x1;
	v13 =	vmul.f32 $5.000000000e-01, v1  }
0x27f: {  	[tilespmem:s26+$0xC080] =	vst v46;
	v15 =	vperm.xlane v3, v21;
	v12 =	vsub.s32 $0x5F3759DF, v23  }
0x280: {  	[tilespmem:s26+$0xC0B0] =	vst v10;
	v10 =	vld [tilespmem:$0x1FE30];
	v42 =	vmul.f32 v32, v42;
	v38 =	vmul.f32 v12, v13  }
0x281: {  	[tilespmem:s26+$0xC0A0] =	vst v29;
	v43 =	vmul.f32 v32, v34;
	v46 =	vmul.f32 v32, v40;
	v23 =	vld [tilespmem:$0x1FE40]  }
0x282: {  	v34 =	vmul.f32 v15, v31;
	v31 =	vimm.s32 $0x4;
	[tilespmem:s26+$0xC100] =	vst v42;
	v6 =	vmul.f32 v12, v38  }
0x283: {  	v14 =	vmul.f32 v32, v25;
	v32 =	vld [tilespmem:$0x1FE70];
	[tilespmem:s26+$0xC110] =	vst v43;
	v42 =	vperm.xlane v3, v31  }
0x284: {  	[tilespmem:s26+$0xC120] =	vst v46;
	v43 =	vld [tilespmem:$0x1FE00];
	v6 =	vsub.f32 $1.500000000e+00, v6  }
0x285: {  	v4 =	vmul.f32 v15, v10;
	[tilespmem:s26+$0xC1B0] =	vst v34;
	v34 =	vmul.f32 v42, v35  }
0x286: {  	[tilespmem:s26+$0xC130] =	vst v14;
	v10 =	vmul.f32 v15, v23;
	v23 =	vimm.s32 $0x3;
	v6 =	vmul.f32 v12, v6  }
0x287: {  	[tilespmem:s26+$0xC180] =	vst v4;
	v25 =	vperm.xlane v3, v23  }
0x288: {  	v35 =	vld [tilespmem:$0x1FE60];
	[tilespmem:s26+$0xC2A0] =	vst v34;
	v12 =	vmul.f32 v15, v32;
	v38 =	vmul.f32 v6, v13  }
0x289: {  	[tilespmem:s26+$0xC190] =	vst v10;
	v14 =	vmul.f32 v42, v43  }
0x28a: {  	v29 =	vld [tilespmem:$0x1FE10];
	v40 =	vmul.f32 v25, v39;
	[tilespmem:s26+$0xC1A0] =	vst v12;
	v10 =	vmul.f32 v38, v6  }
0x28b: {  	v15 =	vmul.f32 v25, v37;
	[tilespmem:s26+$0xC280] =	vst v14  }
0x28c: {  	v41 =	vmul.f32 v25, v41;
	v39 =	vld [tilespmem:$0x1FE20];
	[tilespmem:s26+$0xC200] =	vst v40;
	v10 =	vsub.f32 $1.500000000e+00, v10  }
0x28d: {  	v4 =	vmul.f32 v25, v27;
	v12 =	vmul.f32 v42, v35;
	[tilespmem:s26+$0xC220] =	vst v15;
	v15 =	vimm.s32 $0x5;
	v40 =	vld [tilespmem:$0x1FE50]  }
0x28e: {  	[tilespmem:s26+$0xC210] =	vst v41;
	v32 =	vperm.xlane v3, v15;
	v46 =	vmul.f32 v10, v6  }
0x28f: {  	[tilespmem:s26+$0xC230] =	vst v4;
	v6 =	vmul.f32 v42, v29  }
0x290: {  	v14 =	vimm.s32 $0x6;
	[tilespmem:s26+$0xC2B0] =	vst v12;
	v38 =	vld [tilespmem:$0x1FDF0];
	v37 =	vmul.f32 v32, v36;
	v13 =	vmul.f32 v46, v13  }
0x291: {  	v3 =	vperm.xlane v3, v14;
	[tilespmem:s26+$0xC290] =	vst v6;
	v6 =	vmul.f32 v32, v39  }
0x292: {  	[tilespmem:s26+$0xC300] =	vst v37;
	v10 =	vmul.f32 v32, v40;
	v13 =	vmul.f32 v13, v46  }
0x293: {  	v41 =	vmul.f32 v3, v26;
	[tilespmem:s26+$0xC320] =	vst v6;
	v6 =	vld [tilespmem:$0x1FDC0]  }
0x294: {  	v43 =	vmul.f32 v3, v30;
	[tilespmem:s26+$0xC330] =	vst v10;
	v10 =	vld [tilespmem:$0x1FDD0];
	v42 =	vsub.f32 $1.500000000e+00, v13  }
0x295: {  	[tilespmem:s26+$0xC380] =	vst v41;
	v12 =	vmul.f32 v32, v38;
	v13 =	vld [tilespmem:$0x1FDE0]  }
0x296: {  	[tilespmem:s26+$0xC390] =	vst v43;
	v4 =	vmul.f32 v42, v46;
	v46 =	vmul.f32 v3, v33  }
0x297: {  	vm8 =	vgt.f32 v1, $1.000000000e+00;
	[tilespmem:s26+$0xC310] =	vst v12;
	v3 =	vmul.f32 v3, v28  }
0x298: {  	v27 =	vld [tilespmem:$0x1FD30];
	v1 =	vmul.f32 v9, v6;
	[tilespmem:s26+$0xC3A0] =	vst v46;
	v4 =	vnsel vm8, $0x3F800000, v4  }
0x299: {  	v6 =	vmul.f32 v9, v10;
	[tilespmem:s26+$0xC3B0] =	vst v3;
	v12 =	vperm.xlane v4, v20  }
0x29a: {  	[tilespmem:s26+$0xC400] =	vst v1;
	v1 =	vmul.f32 v9, v13;
	v20 =	vperm.xlane v4, v18  }
0x29b: {  	[tilespmem:s26+$0xC410] =	vst v6;
	v25 =	vmul.f32 v12, v44  }
0x29c: {  	[tilespmem:s26+$0xC420] =	vst v1;
	v26 =	vmul.f32 v20, v0  }
0x29d: {  	v1 =	vmul.f32 v20, v27;
	[tilespmem:s29+$0xC430] =	vst v25  }
0x29e: {  	v28 =	vperm.xlane v4, v22;
	v29 =	vmul.f32 v20, v16;
	[tilespmem:s29+$0xC080] =	vst v26  }
0x29f: {  	v30 =	vmul.f32 v20, v8;
	[tilespmem:s29+$0xC090] =	vst v1  }
0x2a0: {  	v32 =	vmul.f32 v28, v62;
	[tilespmem:s29+$0xC0A0] =	vst v29  }
0x2a1: {  	v33 =	vmul.f32 v28, v61;
	[tilespmem:s29+$0xC0B0] =	vst v30  }
0x2a2: {  	v34 =	vperm.xlane v4, v21;
	v35 =	vmul.f32 v28, v63;
	[tilespmem:s29+$0xC100] =	vst v32  }
0x2a3: {  	v0 =	vmul.f32 v28, v56;
	[tilespmem:s29+$0xC110] =	vst v33  }
0x2a4: {  	v36 =	vmul.f32 v34, v57;
	[tilespmem:s29+$0xC120] =	vst v35  }
0x2a5: {  	v38 =	vperm.xlane v4, v23;
	v37 =	vmul.f32 v34, v58;
	[tilespmem:s29+$0xC130] =	vst v0  }
0x2a6: {  	v39 =	vmul.f32 v34, v59;
	[tilespmem:s29+$0xC180] =	vst v36  }
0x2a7: {  	v42 =	vperm.xlane v4, v31;
	v43 =	vmul.f32 v38, v55;
	[tilespmem:s29+$0xC190] =	vst v37  }
0x2a8: {  	v2 =	vmul.f32 v38, v2;
	[tilespmem:s29+$0xC1A0] =	vst v39  }
0x2a9: {  	v44 =	vmul.f32 v42, v53;
	[tilespmem:s29+$0xC220] =	vst v43  }
0x2aa: {  	v46 =	vmul.f32 v42, v52;
	[tilespmem:s29+$0xC230] =	vst v2  }
0x2ab: {  	v40 =	vld [tilespmem:$0x1FD40];
	v52 =	vmul.f32 v42, v60;
	[tilespmem:s29+$0xC280] =	vst v44  }
0x2ac: {  	v61 =	vmul.f32 v12, v51;
	[tilespmem:s29+$0xC290] =	vst v46  }
0x2ad: {  	v62 =	vmul.f32 v12, v54;
	[tilespmem:s29+$0xC2A0] =	vst v52  }
0x2ae: {  	v63 =	vmul.f32 v12, v45;
	[tilespmem:s29+$0xC400] =	vst v61  }
0x2af: {  	v41 =	vld [tilespmem:$0x1FD50];
	v56 =	vperm.xlane v4, v14;
	v1 =	vmul.f32 v34, v47;
	[tilespmem:s29+$0xC410] =	vst v62  }
0x2b0: {  	v0 =	vmul.f32 v38, v40;
	[tilespmem:s29+$0xC420] =	vst v63  }
0x2b1: {  	v58 =	vmul.f32 v56, v48;
	[tilespmem:s29+$0xC1B0] =	vst v1  }
0x2b2: {  	v60 =	vmul.f32 v56, v19;
	[tilespmem:s29+$0xC200] =	vst v0  }
0x2b3: {  	v2 =	vmul.f32 v56, v7;
	[tilespmem:s29+$0xC380] =	vst v58  }
0x2b4: {  	v47 =	vperm.xlane v4, v15;
	v1 =	vmul.f32 v38, v41;
	[tilespmem:s29+$0xC3A0] =	vst v60  }
0x2b5: {  	v59 =	vld [tilespmem:$0x1FD60];
	v0 =	vmul.f32 v42, v11;
	[tilespmem:s29+$0xC3B0] =	vst v2  }
0x2b6: {  	v53 =	vmul.f32 v47, v49;
	[tilespmem:s29+$0xC210] =	vst v1  }
0x2b7: {  	v55 =	vmul.f32 v47, v50;
	[tilespmem:s29+$0xC2B0] =	vst v0  }
0x2b8: {  	[tilespmem:s29+$0xC300] =	vst v53;
	v1 =	vmul.f32 v47, v17  }
.Ltmp2:
0x2b9: {  	s25 =	sadd.s32 s6, s25;
	v57 =	vmul.f32 v47, v24;
	[tilespmem:s29+$0xC310] =	vst v55;
	(pc) =	sbr.rel @p1 .LBB2_8-.Ltmp2, $4  }
0x2ba: {  	s25 =	smul.u32 $0x600, s25;
	[tilespmem:s29+$0xC330] =	vst v1;
	v1 =	vmul.f32 v56, v59  }
0x2bb: {  	[tilespmem:s29+$0xC320] =	vst v57  }
0x2bc: {  	s25 =	sadd.s32 s5, s25;
	[tilespmem:s29+$0xC390] =	vst v1  }
0x2bd: {  	v16 =	vimm.s32 $0x0;
	[hbm4b:s25+s4] =	stream.linear.scatter [tilespmem:s18], [sflag:$0x4], $0x3000, $0x38;
	[tilespmem:$0xF080] =	vst v63  }
0x2be: {  	s25 =	smul.u32 $0x300, s24  }
.Ltmp3:
0x2bf: {  	_ = 	snop;
	(pc) =	sbr.rel .LBB2_2-.Ltmp3, $4  }
0x2c0: {  	_ = 	snop  }
0x2c1: {  	s25 =	sshra.s32 s25, $0x2  }
0x2c2: {  	s24 =	sadd.s32 $0x1, s24;
	s25 =	sadd.s32 $0x120, s25  }
0x2c3: {  	[tilespmem:s14], [sflag:$0x2] =	stream.indirect.gather [hbm4b:s1+s12], $0x80, s25, s12, $0xb8;
	[tilespmem:$0xF080] =	vst v63  }
.LBB2_8:
0x2c4: {  	_ =	swait.ge [sflag:s19], $0x3000  }
0x2c5: {  	[sflag:s19] =	ssyncset.done $0x0  }
0x2c6: {  	[sflag:s19] =	ssyncadd.s32 $0xFFFFD000  }
0x2c7: {  	_ =	swait.ge [sflag:s20], $0x3000  }
0x2c8: {  	[sflag:s20] =	ssyncset.done $0x0  }
0x2c9: {  	s24 =	simm.s32 $0x0;
	[sflag:s20] =	ssyncadd.s32 $0xFFFFD000  }
0x2ca: {  	[tilespmem:s21], [sflag:$0x5] =	stream.linear.gather [hbm4b:s8+s24], $0x80, $0x38;
	[tilespmem:$0xF080] =	vst v63  }
0x2cb: {  	_ =	swait.ge [sflag:s11], $0x80  }
0x2cc: {  	[sflag:s11] =	ssyncset.done $0x0  }
0x2cd: {  	[sflag:s11] =	ssyncadd.s32 $0xFFFFFF80  }
0x2ce: {  	[tilespmem:s13], [sflag:$0x1] =	stream.indirect.gather [hbm4b:s2+s22], $0x80, s21, s22, $0xb8;
	[tilespmem:$0xF080] =	vst v63  }
0x2cf: {  	_ =	swait.ge [sflag:s15], $0x4000  }
0x2d0: {  	[sflag:s15] =	ssyncset.done $0x0  }
0x2d1: {  	s25 =	simm.s32 $0x0;
	[sflag:s15] =	ssyncadd.s32 $0xFFFFC000  }
0x2d2: {  	v7 =	vld [tilespmem:s25+$0x3430]  }
0x2d3: {  	v1 =	vld [tilespmem:s25+$0x3330]  }
0x2d4: {  	v5 =	vld [tilespmem:s25+$0x3420]  }
0x2d5: {  	v19 =	vld [tilespmem:s25+$0x32B0]  }
0x2d6: {  	v12 =	vld [tilespmem:s25+$0x3320]  }
0x2d7: {  	v0 =	vld [tilespmem:s25+$0x3400]  }
0x2d8: {  	v2 =	vld [tilespmem:s25+$0x3410]  }
0x2d9: {  	v53 =	vld [tilespmem:s25+$0x31B0]  }
0x2da: {  	v62 =	vld [tilespmem:s25+$0x32A0]  }
0x2db: {  	v58 =	vld [tilespmem:s25+$0x3300]  }
0x2dc: {  	v9 =	vld [tilespmem:s25+$0x3310]  }
0x2dd: {  	v3 =	vld [tilespmem:s25+$0x3380]  }
0x2de: {  	v56 =	vld [tilespmem:s25+$0x3280]  }
0x2df: {  	v57 =	vld [tilespmem:s25+$0x3290]  }
0x2e0: {  	v23 =	vld [tilespmem:s25+$0x3130]  }
0x2e1: {  	v24 =	vld [tilespmem:s25+$0x3180];
	[tilespmem:$0x1FD20] =	vst v0  }
0x2e2: {  	v4 =	vld [tilespmem:s25+$0x3190];
	v0 =	vmul.f32 v0, v0;
	[tilespmem:$0x1FBF0] =	vst v2;
	v2 =	vmul.f32 v2, v2  }
0x2e3: {  	v47 =	vld [tilespmem:s25+$0x31A0];
	[tilespmem:$0x1FCE0] =	vst v9;
	v8 =	vmul.f32 v58, v58;
	v9 =	vmul.f32 v9, v9  }
0x2e4: {  	v6 =	vld [tilespmem:s25+$0x3100];
	v0 =	vadd.f32 v2, v0;
	v2 =	vmul.f32 v5, v5  }
0x2e5: {  	v17 =	vld [tilespmem:s25+$0x3120];
	[tilespmem:$0x1FCF0] =	vst v12;
	v10 =	vmul.f32 v57, v57;
	v12 =	vmul.f32 v12, v12;
	v8 =	vadd.f32 v9, v8  }
0x2e6: {  	[tilespmem:$0x1FC00] =	vst v5;
	v11 =	vmul.f32 v7, v7;
	v5 =	vld [tilespmem:s25+$0x3110];
	v0 =	vadd.f32 v2, v0;
	v2 =	vmul.f32 v56, v56  }
0x2e7: {  	v13 =	vmul.f32 v1, v1;
	v14 =	vmul.f32 v62, v62;
	v9 =	vld [tilespmem:s25+$0x3080];
	v8 =	vadd.f32 v12, v8  }
0x2e8: {  	v15 =	vmul.f32 v4, v4;
	v12 =	vmul.f32 v24, v24;
	v2 =	vadd.f32 v10, v2;
	v10 =	vld [tilespmem:s25+$0x3090]  }
0x2e9: {  	v52 =	vld [tilespmem:s25+$0x3200];
	v18 =	vadd.f32 v11, v0;
	v8 =	vadd.f32 v13, v8  }
0x2ea: {  	v12 =	vadd.f32 v15, v12;
	v13 =	vmul.f32 v47, v47;
	v0 =	vadd.f32 v14, v2;
	v14 =	vld [tilespmem:s25+$0x30A0]  }
0x2eb: {  	v49 =	vld [tilespmem:s25+$0x3210];
	v2 =	vmul.f32 v19, v19  }
0x2ec: {  	v15 =	vmul.f32 v6, v6;
	v11 =	vld [tilespmem:s25+$0x30B0];
	v20 =	vmul.f32 v5, v5;
	v12 =	vadd.f32 v13, v12  }
0x2ed: {  	v50 =	vld [tilespmem:s25+$0x3220];
	v2 =	vadd.f32 v2, v0;
	v0 =	vmul.f32 v9, v9;
	v13 =	vmul.f32 v10, v10  }
0x2ee: {  	v63 =	vld [tilespmem:s25+$0x3390];
	v21 =	vmul.f32 v53, v53;
	v15 =	vadd.f32 v20, v15;
	v20 =	vmul.f32 v17, v17  }
0x2ef: {  	v48 =	vld [tilespmem:s25+$0x3230];
	v22 =	vmul.f32 v23, v23;
	v13 =	vadd.f32 v13, v0;
	v25 =	vmul.f32 v14, v14  }
0x2f0: {  	v59 =	vld [tilespmem:s25+$0x33A0];
	(xrf2) =	vadd.scan.msk.f32 $0xffff, v18;
	v18 =	vmul.f32 v52, v52;
	v15 =	vadd.f32 v20, v15;
	v20 =	vmul.f32 v49, v49  }
0x2f1: {  	(xrf2) =	vadd.scan.msk.f32 $0xffff, v8;
	v8 =	vadd.f32 v21, v12;
	v12 =	vadd.f32 v25, v13;
	v13 =	vmul.f32 v11, v11  }
0x2f2: {  	v61 =	vld [tilespmem:s25+$0x33B0];
	(xrf2) =	vadd.scan.msk.f32 $0xffff, v2;
	v15 =	vadd.f32 v22, v15;
	v18 =	vadd.f32 v20, v18;
	v20 =	vmul.f32 v50, v50  }
0x2f3: {  	(xrf2) =	vadd.scan.msk.f32 $0xffff, v8;
	v8 =	vmul.f32 v3, v3;
	v12 =	vadd.f32 v13, v12;
	v13 =	vmul.f32 v63, v63  }
0x2f4: {  	(xrf2) =	vadd.scan.msk.f32 $0xffff, v15;
	v15 =	vadd.f32 v20, v18  }
0x2f5: {  	v18 =	vmul.f32 v48, v48;
	v8 =	vadd.f32 v13, v8;
	v13 =	vmul.f32 v59, v59  }
0x2f6: {  	(xrf2) =	vadd.scan.msk.f32 $0xffff, v12  }
0x2f7: {  	v12 =	vadd.f32 v18, v15;
	v8 =	vadd.f32 v13, v8;
	v13 =	vmul.f32 v61, v61;
	_ =	sdelay $0x1  }
0x2f8: {  	v8 =	vadd.f32 v13, v8  }
0x2f9: {  	(xrf2) =	vadd.scan.msk.f32 $0xffff, v12  }
0x2fa: {  	v12, _, _ =	vpop (xrf2)  }
0x2fb: {  	v13, _, _ =	vpop (xrf2)  }
0x2fc: {  	(xrf2) =	vadd.scan.msk.f32 $0xffff, v8;
	v8, _, _ =	vpop (xrf2)  }
0x2fd: {  	v15, _, _ =	vpop (xrf2)  }
0x2fe: {  	v18, _, _ =	vpop (xrf2)  }
0x2ff: {  	v20, _, _ =	vpop (xrf2)  }
0x300: {  	v20 =	vbroadcast v20, $0xF  }
0x301: {  	v18 =	vbroadcast v18, $0xF  }
0x302: {  	v20 =	vnsel vm0, $0x0, v20  }
0x303: {  	v15 =	vbroadcast v15, $0xF;
	v21, _, _ =	vpop (xrf2);
	v18 =	vsel vm1, v20, v18  }
0x304: {  	v20 =	vbroadcast v21, $0xF  }
0x305: {  	v8 =	vbroadcast v8, $0xF;
	v15 =	vsel vm2, v18, v15  }
0x306: {  	v13 =	vbroadcast v13, $0xF;
	v15 =	vsel vm3, v15, v20;
	v18, _, _ =	vpop (xrf2)  }
0x307: {  	v8 =	vsel vm4, v15, v8;
	v15 =	vbroadcast v18, $0xF  }
0x308: {  	v12 =	vbroadcast v12, $0xF;
	v8 =	vsel vm5, v8, v13  }
0x309: {  	v8 =	vsel vm6, v8, v15  }
0x30a: {  	v8 =	vsel vm7, v8, v12  }
0x30b: {  	v12 =	vshra.s32 v8, $0x1;
	v13 =	vmul.f32 $5.000000000e-01, v8  }
0x30c: {  	s24 =	simm.s32 $0x400;
	v12 =	vsub.s32 $0x5F3759DF, v12  }
0x30d: {  	v34 =	vld [tilespmem:s24+$0x3430];
	v15 =	vmul.f32 v12, v13  }
0x30e: {  	v54 =	vld [tilespmem:s24+$0x3330]  }
0x30f: {  	v60 =	vld [tilespmem:s24+$0x32B0];
	v15 =	vmul.f32 v12, v15  }
0x310: {  	v27 =	vld [tilespmem:s24+$0x3320]  }
0x311: {  	v51 =	vld [tilespmem:s24+$0x32A0];
	v18 =	vsub.f32 $1.500000000e+00, v15  }
0x312: {  	v36 =	vld [tilespmem:s24+$0x3300]  }
0x313: {  	v26 =	vld [tilespmem:s24+$0x3310];
	v12 =	vmul.f32 v12, v18  }
0x314: {  	v28 =	vld [tilespmem:s24+$0x3280]  }
0x315: {  	v33 =	vld [tilespmem:s24+$0x3130];
	v18 =	vmul.f32 v12, v13  }
0x316: {  	v29 =	vld [tilespmem:s24+$0x3180]  }
0x317: {  	v30 =	vld [tilespmem:s24+$0x31A0];
	v18 =	vmul.f32 v18, v12  }
0x318: {  	v39 =	vld [tilespmem:s24+$0x3100]  }
0x319: {  	v40 =	vld [tilespmem:s24+$0x3110];
	v21 =	vsub.f32 $1.500000000e+00, v18  }
0x31a: {  	v43 =	vld [tilespmem:s24+$0x3120]  }
0x31b: {  	v46 =	vld [tilespmem:s24+$0x3080];
	v12 =	vmul.f32 v21, v12  }
0x31c: {  	v41 =	vld [tilespmem:s24+$0x3090]  }
0x31d: {  	v37 =	vld [tilespmem:s24+$0x3220];
	v13 =	vmul.f32 v12, v13  }
0x31e: {  	[tilespmem:$0x1FCD0] =	vst v19;
	v19 =	vld [tilespmem:s24+$0x3420]  }
0x31f: {  	v20 =	vld [tilespmem:s24+$0x3400];
	v13 =	vmul.f32 v13, v12  }
0x320: {  	v15 =	vld [tilespmem:s24+$0x3410]  }
0x321: {  	[tilespmem:$0x1FD00] =	vst v1;
	v1 =	vld [tilespmem:s24+$0x30A0];
	v13 =	vsub.f32 $1.500000000e+00, v13  }
0x322: {  	v2 =	vld [tilespmem:s24+$0x30B0]  }
0x323: {  	[tilespmem:$0x1FD10] =	vst v3;
	v31 =	vmul.f32 v36, v36;
	v3 =	vld [tilespmem:s24+$0x31B0];
	v12 =	vmul.f32 v13, v12  }
0x324: {  	v38 =	vmul.f32 v34, v34;
	v0 =	vld [tilespmem:s24+$0x3190];
	v22 =	vmul.f32 v19, v19;
	vm8 =	vgt.f32 v8, $1.000000000e+00  }
0x325: {  	[tilespmem:$0x1FC30] =	vst v19;
	v19 =	vld [tilespmem:s24+$0x33B0];
	v13 =	vmul.f32 v20, v20;
	v8 =	vnsel vm8, $0x3F800000, v12;
	v12 =	vmul.f32 v15, v15  }
0x326: {  	[tilespmem:$0x1FC40] =	vst v26;
	v44 =	vmul.f32 v28, v28;
	v45 =	vmul.f32 v27, v27;
	v21 =	vld [tilespmem:s24+$0x3290]  }
0x327: {  	[tilespmem:$0x1FC20] =	vst v15;
	v18 =	vld [tilespmem:s24+$0x3380];
	v15 =	vimm.s32 $0x7;
	v25 =	vperm.xlane v8, v16;
	v12 =	vadd.f32 v12, v13  }
0x328: {  	v35 =	vmov v51;
	v51 =	vmul.f32 v51, v51;
	[tilespmem:$0x1FC10] =	vst v20;
	v20 =	vld [tilespmem:s24+$0x3200];
	v55 =	vperm.xlane v8, v15  }
0x329: {  	[tilespmem:$0x1FCA0] =	vst v54;
	v16 =	vld [tilespmem:s24+$0x3390];
	v13 =	vmul.f32 v26, v26;
	v9 =	vmul.f32 v25, v9;
	v12 =	vadd.f32 v22, v12  }
0x32a: {  	[tilespmem:$0x1FCB0] =	vst v60;
	v15 =	vld [tilespmem:s24+$0x33A0];
	v10 =	vmul.f32 v25, v10;
	v7 =	vmul.f32 v55, v7  }
0x32b: {  	[tilespmem:$0x1FC60] =	vst v21;
	v26 =	vld [tilespmem:s24+$0x3210];
	v14 =	vmul.f32 v25, v14;
	v11 =	vmul.f32 v25, v11;
	v12 =	vadd.f32 v38, v12  }
0x32c: {  	v13 =	vadd.f32 v13, v31;
	v31 =	vmul.f32 v21, v21;
	v21 =	vld [tilespmem:s24+$0x3230];
	[tilespmem:s25+$0x9430] =	vst v7;
	v7 =	vmul.f32 v54, v54  }
0x32d: {  	v22 =	vimm.s32 $0x1;
	v38 =	vmul.f32 v0, v0;
	(xrf2) =	vadd.scan.msk.f32 $0xffff, v12;
	v12 =	vmul.f32 v29, v29  }
0x32e: {  	v54 =	vmul.f32 v60, v60;
	[tilespmem:s25+$0x9080] =	vst v9;
	v9 =	vmul.f32 v30, v30;
	v13 =	vadd.f32 v45, v13  }
0x32f: {  	v60 =	vmul.f32 v39, v39;
	[tilespmem:s25+$0x9090] =	vst v10;
	v10 =	vmul.f32 v40, v40;
	v12 =	vadd.f32 v38, v12  }
0x330: {  	v44 =	vadd.f32 v31, v44;
	v7 =	vadd.f32 v7, v13;
	v13 =	vperm.xlane v8, v22  }
0x331: {  	[tilespmem:s25+$0x90B0] =	vst v11;
	v11 =	vmul.f32 v43, v43;
	v9 =	vadd.f32 v9, v12;
	v12 =	vmul.f32 v3, v3  }
0x332: {  	v10 =	vadd.f32 v10, v60;
	v44 =	vadd.f32 v51, v44;
	v6 =	vmul.f32 v13, v6  }
0x333: {  	(xrf2) =	vadd.scan.msk.f32 $0xffff, v7;
	v7 =	vadd.f32 v12, v9;
	v9 =	vmul.f32 v46, v46;
	v12 =	vmul.f32 v41, v41  }
0x334: {  	s26 =	simm.s32 $0x800;
	[tilespmem:s25+$0x90A0] =	vst v14;
	v10 =	vadd.f32 v11, v10;
	v51 =	vadd.f32 v54, v44  }
0x335: {  	v44 =	vld [tilespmem:s26+$0x3430];
	[tilespmem:s25+$0x9100] =	vst v6;
	v6 =	vmul.f32 v33, v33;
	v9 =	vadd.f32 v12, v9;
	v12 =	vmul.f32 v1, v1  }
0x336: {  	[tilespmem:$0x1FC90] =	vst v0;
	v5 =	vmul.f32 v13, v5;
	v11 =	vmul.f32 v13, v17;
	(xrf2) =	vadd.scan.msk.f32 $0xffff, v51  }
0x337: {  	v6 =	vadd.f32 v6, v10;
	(xrf2) =	vadd.scan.msk.f32 $0xffff, v7;
	v7 =	vadd.f32 v12, v9;
	v12 =	vmul.f32 v2, v2  }
0x338: {  	v0 =	vimm.s32 $0x2;
	v17 =	vld [tilespmem:s26+$0x3330];
	[tilespmem:s25+$0x9110] =	vst v5;
	v5 =	vmul.f32 v20, v20;
	v10 =	vmul.f32 v26, v26  }
0x339: {  	(xrf2) =	vadd.scan.msk.f32 $0xffff, v6;
	v6 =	vadd.f32 v12, v7;
	v7 =	vmul.f32 v18, v18;
	v12 =	vmul.f32 v16, v16  }
0x33a: {  	v9 =	vmul.f32 v13, v23;
	v13 =	vperm.xlane v8, v0  }
0x33b: {  	v45 =	vld [tilespmem:s26+$0x3420];
	[tilespmem:s25+$0x9120] =	vst v11;
	v7 =	vadd.f32 v12, v7;
	(xrf2) =	vadd.scan.msk.f32 $0xffff, v6;
	v6 =	vmul.f32 v15, v15  }
0x33c: {  	v11 =	vld [tilespmem:s26+$0x32B0];
	v5 =	vadd.f32 v10, v5;
	v10 =	vmul.f32 v37, v37;
	[tilespmem:s25+$0x9130] =	vst v9;
	v9 =	vmul.f32 v13, v24  }
0x33d: {  	v4 =	vmul.f32 v13, v4;
	v6 =	vadd.f32 v6, v7;
	v7 =	vmul.f32 v19, v19  }
0x33e: {  	v5 =	vadd.f32 v10, v5;
	v10 =	vmul.f32 v21, v21;
	v24 =	vld [tilespmem:s26+$0x3320];
	[tilespmem:s25+$0x9180] =	vst v9  }
0x33f: {  	v51 =	vld [tilespmem:s26+$0x3400];
	[tilespmem:s25+$0x9190] =	vst v4;
	v4 =	vadd.f32 v7, v6  }
0x340: {  	v31 =	vmov v3;
	v5 =	vadd.f32 v10, v5;
	v3 =	vmul.f32 v13, v47  }
0x341: {  	v0 =	vimm.s32 $0x3  }
0x342: {  	(xrf2) =	vadd.scan.msk.f32 $0xffff, v5;
	v5 =	vmul.f32 v13, v53;
	v54 =	vld [tilespmem:s26+$0x3410];
	[tilespmem:s25+$0x91A0] =	vst v3;
	v3 =	vperm.xlane v8, v0;
	v6, _, _ =	vpop (xrf2)  }
0x343: {  	(xrf2) =	vadd.scan.msk.f32 $0xffff, v4;
	v4, _, _ =	vpop (xrf2)  }
0x344: {  	v47 =	vld [tilespmem:s26+$0x31B0];
	[tilespmem:s25+$0x91B0] =	vst v5;
	v5 =	vmul.f32 v3, v52;
	v7, _, _ =	vpop (xrf2)  }
0x345: {  	v9, _, _ =	vpop (xrf2)  }
0x346: {  	v60 =	vld [tilespmem:s26+$0x32A0];
	[tilespmem:s25+$0x9200] =	vst v5;
	v5 =	vmul.f32 v3, v49;
	v10, _, _ =	vpop (xrf2)  }
0x347: {  	v12, _, _ =	vpop (xrf2)  }
0x348: {  	v49 =	vld [tilespmem:s26+$0x3300];
	[tilespmem:s25+$0x9210] =	vst v5;
	v5 =	vbroadcast v12, $0xF;
	v12 =	vmul.f32 v3, v50;
	_ =	sdelay $0x2  }
0x349: {  	v0 =	vmul.f32 v3, v48;
	v3 =	vbroadcast v10, $0xF  }
0x34a: {  	v9 =	vbroadcast v9, $0xF;
	v50 =	vld [tilespmem:s26+$0x3310];
	[tilespmem:s25+$0x9220] =	vst v12;
	v5 =	vnsel vm0, $0x0, v5;
	v12, _, _ =	vpop (xrf2)  }
0x34b: {  	v3 =	vsel vm1, v5, v3;
	v5 =	vbroadcast v12, $0xF  }
0x34c: {  	v48 =	vld [tilespmem:s26+$0x3380];
	[tilespmem:s25+$0x9230] =	vst v0;
	v0 =	vbroadcast v7, $0xF;
	v3 =	vsel vm2, v3, v9  }
0x34d: {  	[tilespmem:$0x1FC80] =	vst v29;
	v29 =	vmovc v1;
	v1 =	vimm.s32 $0x4;
	v4 =	vbroadcast v4, $0xF;
	v3 =	vsel vm3, v3, v5  }
0x34e: {  	v38 =	vmovc v2;
	v2 =	vld [tilespmem:$0x1FCE0];
	v10 =	vperm.xlane v8, v1;
	v1 =	vimm.s32 $0x5;
	v0 =	vsel vm4, v3, v0  }
0x34f: {  	v0 =	vsel vm5, v0, v4;
	v4 =	vbroadcast v6, $0xF;
	v6 =	vperm.xlane v8, v1;
	v1 =	vld [tilespmem:$0x1FCD0]  }
0x350: {  	v7 =	vmul.f32 v10, v56;
	v5, _, _ =	vpop (xrf2)  }
0x351: {  	v3 =	vbroadcast v5, $0xF  }
0x352: {  	v53 =	vld [tilespmem:s26+$0x3280];
	[tilespmem:s25+$0x9280] =	vst v7;
	v5 =	vmul.f32 v10, v57  }
0x353: {  	v52 =	vld [tilespmem:s26+$0x3290];
	v0 =	vsel vm6, v0, v3  }
0x354: {  	[tilespmem:s25+$0x9290] =	vst v5;
	v5 =	vmul.f32 v10, v1;
	v1 =	vsel vm7, v0, v4;
	v4 =	vmul.f32 v6, v2;
	v2 =	vld [tilespmem:$0x1FCF0];
	_ =	sdelay $0x2  }
0x355: {  	v3 =	vmul.f32 v10, v62  }
0x356: {  	v56 =	vld [tilespmem:s26+$0x3130]  }
0x357: {  	[tilespmem:s25+$0x92A0] =	vst v3;
	v10 =	vmul.f32 v6, v2;
	v2 =	vld [tilespmem:$0x1FD00]  }
0x358: {  	v0 =	vmul.f32 v6, v58;
	v57 =	vld [tilespmem:s26+$0x3180];
	[tilespmem:s25+$0x92B0] =	vst v5  }
0x359: {  	v58 =	vld [tilespmem:s26+$0x3190]  }
0x35a: {  	[tilespmem:s25+$0x9300] =	vst v0;
	v0 =	vld [tilespmem:$0x1FD10]  }
0x35b: {  	v7 =	vshra.s32 v1, $0x1  }
0x35c: {  	v3 =	vmul.f32 $5.000000000e-01, v1;
	v12 =	vmul.f32 v6, v2;
	v2 =	vimm.s32 $0x6  }
0x35d: {  	v6 =	vsub.s32 $0x5F3759DF, v7;
	v7 =	vperm.xlane v8, v2  }
0x35e: {  	v9 =	vmul.f32 v54, v54;
	v5 =	vmul.f32 v6, v3  }
0x35f: {  	v8 =	vmul.f32 v51, v51;
	v14 =	vmul.f32 v7, v0  }
0x360: {  	v0 =	vmul.f32 v6, v5;
	v5 =	vmul.f32 v7, v63  }
0x361: {  	v13 =	vadd.f32 v9, v8;
	v8 =	vmul.f32 v7, v59;
	v9 =	vmul.f32 v7, v61  }
0x362: {  	v59 =	vld [tilespmem:s26+$0x31A0];
	[tilespmem:s25+$0x9310] =	vst v4;
	v4 =	vmul.f32 v49, v49;
	v7 =	vmul.f32 v50, v50;
	_ =	sdelay $0x1  }
0x363: {  	v4 =	vadd.f32 v7, v4;
	v7 =	vmul.f32 v24, v24;
	_ =	sdelay $0x1  }
0x364: {  	v2 =	vmul.f32 v45, v45;
	v0 =	vsub.f32 $1.500000000e+00, v0;
	v4 =	vadd.f32 v7, v4;
	v7 =	vld [tilespmem:$0x1FD20]  }
0x365: {  	v32 =	vmov v34;
	[tilespmem:$0x1FC50] =	vst v28  }
0x366: {  	[tilespmem:$0x1FC70] =	vst v27;
	v2 =	vadd.f32 v2, v13;
	v6 =	vmul.f32 v6, v0;
	v0 =	vmul.f32 v44, v44  }
0x367: {  	v42 =	vmovc v39;
	v34 =	vmovc v40;
	v28 =	vmov v19;
	v40 =	vmov v43;
	v62 =	vld [tilespmem:s26+$0x3100];
	[tilespmem:s25+$0x9320] =	vst v10;
	v13 =	vmul.f32 v53, v53  }
0x368: {  	v61 =	vld [tilespmem:s26+$0x3110];
	[tilespmem:s25+$0x9330] =	vst v12;
	v0 =	vadd.f32 v0, v2;
	v2 =	vmul.f32 v52, v52;
	v12 =	vmul.f32 v6, v3  }
0x369: {  	v43 =	vmovc v41;
	v25 =	vmovc v33;
	v39 =	vmov v20;
	v10 =	vmul.f32 v55, v7;
	v7 =	vmul.f32 v17, v17  }
0x36a: {  	[tilespmem:$0x1FCC0] =	vst v30;
	v30 =	vmovc v16;
	v27 =	vmovc v21;
	v33 =	vmov v15;
	v41 =	vmov v26;
	v2 =	vadd.f32 v2, v13  }
0x36b: {  	v26 =	vmovc v18;
	v63 =	vld [tilespmem:s26+$0x3120];
	v12 =	vmul.f32 v12, v6;
	v7 =	vadd.f32 v7, v4;
	v4 =	vmul.f32 v60, v60  }
0x36c: {  	s28 =	simm.s32 $0x3000;
	v23 =	vmovc v11;
	(xrf2) =	vadd.scan.msk.f32 $0xffff, v0;
	v13 =	vmul.f32 v57, v57;
	v0 =	vld [tilespmem:s26+$0x3080];
	[tilespmem:s25+$0x9380] =	vst v14;
	v14 =	vmul.f32 v58, v58  }
.LBB2_9:
0x36d: {  	v16 =	vadd.f32 v4, v2;
	v2 =	vld [tilespmem:$0x1FBF0]  }
0x36e: {  	v4 =	vld [tilespmem:$0x1FC10];
	_ =	sdelay $0x3  }
0x36f: {  	v23 =	vmul.f32 v23, v11  }
0x370: {  	v15 =	vld [tilespmem:s26+$0x3090];
	[tilespmem:s25+$0x9390] =	vst v5;
	v13 =	vadd.f32 v14, v13;
	v18 =	vmul.f32 v55, v2;
	v2 =	vmovc v4;
	v4 =	vmov v51  }
0x371: {  	v19 =	vmovc v54;
	v14 =	vmul.f32 v59, v59;
	(xrf2) =	vadd.scan.msk.f32 $0xffff, v7;
	v7 =	vsub.f32 $1.500000000e+00, v12;
	[tilespmem:$0x1FC10] =	vst v4;
	v4 =	vld [tilespmem:$0x1FC20]  }
0x372: {  	v51 =	vld [tilespmem:s26+$0x3200];
	[tilespmem:$0x1FC20] =	vst v19  }
0x373: {  	v16 =	vadd.f32 v23, v16;
	v19 =	vld [tilespmem:s26+$0x30A0];
	[tilespmem:s25+$0x93A0] =	vst v8;
	v8 =	vadd.f32 v14, v13;
	v14 =	vmul.f32 v7, v6;
	_ =	sdelay $0x1  }
0x374: {  	(xrf2) =	vadd.scan.msk.f32 $0xffff, v16;
	v13 =	vmul.f32 v47, v47;
	v16 =	vmul.f32 v14, v3;
	v3 =	vld [tilespmem:$0x1FC00]  }
0x375: {  	v12 =	vmul.f32 v62, v62;
	v54 =	vmul.f32 v61, v61;
	v20 =	vmovc v4;
	v4 =	vmov v60;
	v60 =	vld [tilespmem:s26+$0x3210];
	[tilespmem:s25+$0x93B0] =	vst v9  }
0x376: {  	v6 =	vmul.f32 v0, v0;
	v13 =	vadd.f32 v13, v8;
	v23 =	vld [tilespmem:s26+$0x30B0]  }
0x377: {  	v7 =	vadd.f32 v54, v12;
	v12 =	vmul.f32 v15, v15;
	v9 =	vmul.f32 v63, v63;
	[tilespmem:$0x1FBF0] =	vst v20;
	v20 =	vld [tilespmem:$0x1FC30]  }
0x378: {  	vm8 =	vgt.f32 v1, $1.000000000e+00;
	(xrf2) =	vadd.scan.msk.f32 $0xffff, v13;
	v13 =	vmul.f32 v16, v14;
	v54 =	vld [tilespmem:s26+$0x3220];
	[tilespmem:s25+$0x9400] =	vst v10  }
0x379: {  	v12 =	vadd.f32 v12, v6;
	v7 =	vadd.f32 v9, v7;
	v9 =	vmul.f32 v56, v56;
	v8 =	vld [tilespmem:s26+$0x3390];
	[tilespmem:s25+$0x9410] =	vst v18  }
0x37a: {  	v13 =	vsub.f32 $1.500000000e+00, v13;
	v18 =	vmul.f32 v55, v3;
	v55 =	vmul.f32 v19, v19;
	v3 =	vld [tilespmem:s26+$0x3230]  }
0x37b: {  	v5 =	vmovc v36;
	v1 =	vld [tilespmem:$0x1FC40];
	v9 =	vadd.f32 v9, v7;
	v7 =	vmul.f32 v51, v51;
	v16 =	vmul.f32 v60, v60  }
0x37c: {  	v6 =	vld [tilespmem:s26+$0x33A0];
	[tilespmem:s25+$0x9420] =	vst v18;
	v12 =	vadd.f32 v55, v12;
	v36 =	vmul.f32 v23, v23;
	v21 =	vmovc v20;
	v20 =	vmov v45  }
0x37d: {  	v45 =	vmul.f32 v48, v48;
	[tilespmem:$0x1FC30] =	vst v20;
	v16 =	vadd.f32 v16, v7;
	v20 =	vmul.f32 v54, v54  }
0x37e: {  	v10, _, _ =	vpop (xrf2);
	s25 =	smov.u32 s24;
	s24 =	smov.u32 s26;
	(xrf2) =	vadd.scan.msk.f32 $0xffff, v9;
	[tilespmem:$0x1FC00] =	vst v21;
	v9 =	vadd.f32 v36, v12;
	v12 =	vmul.f32 v8, v8  }
0x37f: {  	v7 =	vld [tilespmem:s24+$0x33B0];
	v21 =	vmul.f32 v13, v14;
	v13 =	vmovc v50;
	v20 =	vadd.f32 v20, v16;
	v16 =	vmul.f32 v3, v3  }
0x380: {  	[tilespmem:$0x1FC40] =	vst v13;
	v36 =	vmov v49;
	v49 =	vmov v1;
	v1 =	vadd.f32 v12, v45  }
0x381: {  	v18, _, _ =	vpop (xrf2);
	v45 =	vmul.f32 v6, v6;
	(xrf2) =	vadd.scan.msk.f32 $0xffff, v9;
	v9 =	vnsel vm8, $0x3F800000, v21;
	v13 =	vadd.f32 v16, v20  }
0x382: {  	v16 =	vimm.s32 $0x0;
	v20 =	vimm.s32 $0x7;
	v50 =	vperm.xlane v9, v22  }
0x383: {  	v22 =	vimm.s32 $0x5;
	v16 =	vperm.xlane v9, v16;
	v55 =	vperm.xlane v9, v20  }
0x384: {  	v14, _, _ =	vpop (xrf2);
	v1 =	vadd.f32 v45, v1;
	v21 =	vmul.f32 v7, v7;
	(xrf2) =	vadd.scan.msk.f32 $0xffff, v13;
	v13 =	vimm.s32 $0x2  }
0x385: {  	v22 =	vperm.xlane v9, v22;
	v13 =	vperm.xlane v9, v13  }
0x386: {  	v12 =	vmovc v26;
	v20 =	vmul.f32 v55, v32;
	v1 =	vadd.f32 v21, v1;
	v21 =	vimm.s32 $0x3  }
0x387: {  	v26 =	vmovc v48;
	v32 =	vmovc v44;
	v44 =	vimm.s32 $0x6;
	v48 =	vperm.xlane v9, v21;
	v21 =	vimm.s32 $0x4  }
0x388: {  	v21 =	vperm.xlane v9, v21;
	v9 =	vperm.xlane v9, v44;
	v44 =	vld [tilespmem:$0x1FC50];
	_ =	sdelay $0x4  }
0x389: {  	[tilespmem:s25+$0x9430] =	vst v20;
	v20 =	vmov v44;
	v44 =	vmov v53;
	v53 =	vld [tilespmem:$0x1FC60]  }
0x38a: {  	v45, _, _ =	vpop (xrf2);
	(xrf2) =	vadd.scan.msk.f32 $0xffff, v1;
	v1 =	vmul.f32 v16, v46  }
0x38b: {  	[tilespmem:$0x1FC50] =	vst v44;
	v44 =	vmul.f32 v16, v43  }
0x38c: {  	[tilespmem:s25+$0x9080] =	vst v1  }
0x38d: {  	v1 =	vmul.f32 v50, v42;
	v42 =	vmov v62;
	v62 =	vld [tilespmem:$0x1FC90];
	v43 =	vmov v15;
	[tilespmem:s25+$0x9090] =	vst v44  }
0x38e: {  	v15 =	vmovc v53;
	v53 =	vmul.f32 v16, v29;
	v16 =	vmul.f32 v16, v38;
	v38 =	vmovc v23;
	v23 =	vmov v52  }
0x38f: {  	v29 =	vmov v19;
	v19 =	vmul.f32 v50, v34;
	[tilespmem:$0x1FC60] =	vst v23  }
0x390: {  	v46, _, _ =	vpop (xrf2);
	v23 =	vmul.f32 v50, v40;
	v50 =	vmul.f32 v50, v25;
	v25 =	vmov v56;
	v56 =	vld [tilespmem:$0x1FC80];
	[tilespmem:s25+$0x90A0] =	vst v53  }
0x391: {  	v44, _, _ =	vpop (xrf2);
	v40 =	vmov v58;
	[tilespmem:s25+$0x90B0] =	vst v16;
	v16 =	vld [tilespmem:$0x1FCC0]  }
0x392: {  	v53 =	vmul.f32 v13, v62;
	v62 =	vbroadcast v44, $0xF;
	[tilespmem:$0x1FC90] =	vst v40;
	v44 =	vmov v59  }
0x393: {  	s26 =	sshra.s32 s28, $0x2;
	[tilespmem:$0x1FCC0] =	vst v44  }
0x394: {  	v34 =	vmov v61;
	v61 =	vbroadcast v46, $0xF;
	v44 =	vld [tilespmem:s26+$0x3430];
	[tilespmem:s25+$0x9100] =	vst v1  }
0x395: {  	v46 =	vmov v0;
	v1 =	vmul.f32 v13, v31;
	v0 =	vld [tilespmem:s26+$0x3330];
	[tilespmem:s25+$0x9110] =	vst v19;
	v52 =	vmul.f32 v13, v56  }
0x396: {  	v16 =	vmul.f32 v13, v16;
	v13 =	vnsel vm0, $0x0, v62;
	v62 =	vbroadcast v45, $0xF;
	v45 =	vld [tilespmem:s26+$0x3420];
	[tilespmem:s25+$0x9120] =	vst v23  }
0x397: {  	v23 =	vld [tilespmem:s26+$0x32B0];
	[tilespmem:s25+$0x9130] =	vst v50  }
0x398: {  	v40 =	vmov v63;
	v63, _, _ =	vpop (xrf2);
	v13 =	vsel vm1, v13, v61;
	v61 =	vld [tilespmem:s26+$0x3320];
	[tilespmem:s25+$0x9180] =	vst v52  }
0x399: {  	v19 =	vmul.f32 v48, v39;
	v39 =	vmov v51;
	v56 =	vbroadcast v63, $0xF;
	v51 =	vld [tilespmem:s26+$0x3400];
	[tilespmem:s25+$0x9190] =	vst v53  }
0x39a: {  	v58 =	vmul.f32 v48, v37;
	v37 =	vmov v54;
	v54 =	vld [tilespmem:s26+$0x3410];
	[tilespmem:s25+$0x91A0] =	vst v16  }
0x39b: {  	v31 =	vmov v47;
	v47 =	vld [tilespmem:s26+$0x31B0]  }
0x39c: {  	v14 =	vbroadcast v14, $0xF;
	v13 =	vsel vm2, v13, v62;
	[tilespmem:s25+$0x91B0] =	vst v1;
	v1 =	vld [tilespmem:$0x1FCB0]  }
0x39d: {  	v18 =	vbroadcast v18, $0xF;
	v13 =	vsel vm3, v13, v56;
	v56, _, _ =	vpop (xrf2)  }
0x39e: {  	v57 =	vmovc v57;
	v10 =	vbroadcast v10, $0xF;
	v13 =	vsel vm4, v13, v14;
	v14 =	vbroadcast v56, $0xF  }
0x39f: {  	[tilespmem:$0x1FC80] =	vst v57;
	v57 =	vmul.f32 v48, v41;
	v59 =	vmul.f32 v48, v27;
	v13 =	vsel vm5, v13, v18;
	v18 =	vld [tilespmem:$0x1FC70]  }
0x3a0: {  	v41 =	vmovc v60;
	v27 =	vmov v3;
	v16 =	vmul.f32 v22, v49;
	v3 =	vsel vm6, v13, v14;
	v60 =	vld [tilespmem:s26+$0x32A0];
	[tilespmem:s25+$0x9200] =	vst v19  }
0x3a1: {  	v19 =	vmov v11;
	v49 =	vld [tilespmem:s26+$0x3300];
	[tilespmem:s25+$0x9210] =	vst v57;
	v14 =	vmul.f32 v21, v1;
	v1 =	vsel vm7, v3, v10  }
0x3a2: {  	[tilespmem:$0x1FCB0] =	vst v19;
	v50 =	vld [tilespmem:s26+$0x3310];
	v10 =	vmul.f32 v22, v5;
	v5 =	vshra.s32 v1, $0x1  }
0x3a3: {  	v20 =	vmul.f32 v21, v20;
	[tilespmem:s25+$0x9220] =	vst v58;
	v19 =	vsub.s32 $0x5F3759DF, v5;
	v5 =	vld [tilespmem:$0x1FCA0]  }
0x3a4: {  	v15 =	vmul.f32 v21, v15;
	v48 =	vld [tilespmem:s26+$0x3380];
	[tilespmem:s25+$0x9230] =	vst v59  }
0x3a5: {  	v13 =	vmul.f32 v21, v35;
	v62 =	vmul.f32 v51, v51;
	v53 =	vld [tilespmem:s26+$0x3280];
	[tilespmem:s25+$0x9280] =	vst v20  }
0x3a6: {  	v63 =	vmul.f32 v54, v54;
	v18 =	vmul.f32 v22, v18;
	v52 =	vld [tilespmem:s26+$0x3290];
	[tilespmem:s25+$0x9290] =	vst v15  }
0x3a7: {  	v3 =	vmul.f32 $5.000000000e-01, v1;
	v56 =	vld [tilespmem:s26+$0x3130];
	[tilespmem:s25+$0x92A0] =	vst v13;
	v13 =	vmul.f32 v49, v49  }
0x3a8: {  	v57 =	vld [tilespmem:s26+$0x3180];
	v15 =	vmul.f32 v50, v50;
	[tilespmem:s25+$0x92B0] =	vst v14;
	v21 =	vmul.f32 v22, v5  }
0x3a9: {  	v35 =	vmov v4;
	v58 =	vld [tilespmem:s26+$0x3190];
	[tilespmem:s25+$0x9300] =	vst v10;
	v22 =	vmul.f32 v9, v12;
	v12 =	vmul.f32 v19, v3  }
0x3aa: {  	v4 =	vadd.f32 v63, v62;
	v10 =	vmul.f32 v55, v2;
	v59 =	vld [tilespmem:s26+$0x31A0];
	v2 =	vadd.f32 v15, v13;
	[tilespmem:s25+$0x9310] =	vst v16  }
0x3ab: {  	v62 =	vld [tilespmem:s26+$0x3100];
	v14 =	vmul.f32 v52, v52;
	[tilespmem:s25+$0x9320] =	vst v18;
	v5 =	vmov v17;
	v12 =	vmul.f32 v19, v12  }
0x3ac: {  	[tilespmem:$0x1FCA0] =	vst v5;
	v5 =	vmul.f32 v9, v30;
	v30 =	vmovc v8;
	v8 =	vmov v24;
	v24 =	vmov v61  }
0x3ad: {  	[tilespmem:$0x1FC70] =	vst v8;
	v8 =	vmul.f32 v9, v33;
	v33 =	vmovc v6;
	v6 =	vmul.f32 v45, v45;
	v12 =	vsub.f32 $1.500000000e+00, v12  }
0x3ae: {  	p0 =	sne.s32 s28, $0xF000;
	v17 =	vmov v0;
	v9 =	vmul.f32 v9, v28;
	v13 =	vmul.f32 v61, v24;
	v61 =	vld [tilespmem:s26+$0x3110];
	[tilespmem:s25+$0x9330] =	vst v21  }
.Ltmp4:
0x3af: {  	v28 =	vmovc v7;
	v7 =	vmul.f32 v44, v44;
	v63 =	vld [tilespmem:s26+$0x3120];
	v4 =	vadd.f32 v6, v4;
	v6 =	vmul.f32 v19, v12;
	(pc) =	sbr.rel @p0 .LBB2_9-.Ltmp4, $4  }
0x3b0: {  	v16 =	vmul.f32 v0, v17;
	v0 =	vld [tilespmem:s26+$0x3080];
	[tilespmem:s25+$0x9380] =	vst v22;
	v22 =	vimm.s32 $0x1;
	v12 =	vmul.f32 v53, v53  }
0x3b1: {  	v15 =	vadd.f32 v13, v2;
	v7 =	vadd.f32 v7, v4;
	v18 =	vmul.f32 v6, v3  }
0x3b2: {  	v11 =	vmovc v23;
	v13 =	vmul.f32 v57, v57;
	v4 =	vmul.f32 v60, v60;
	v2 =	vadd.f32 v14, v12  }
0x3b3: {  	s28 =	sadd.s32 $0x1000, s28;
	(xrf2) =	vadd.scan.msk.f32 $0xffff, v7;
	v14 =	vmul.f32 v58, v58;
	v7 =	vadd.f32 v16, v15;
	v12 =	vmul.f32 v18, v6  }
0x3b4: {  	v18 =	vld [tilespmem:s26+$0x3090]  }
0x3b5: {  	v20 =	vld [tilespmem:$0x1FBF0]  }
0x3b6: {  	[tilespmem:s25+$0x9390] =	vst v5;
	v2 =	vadd.f32 v4, v2;
	v4 =	vmul.f32 v23, v11;
	v23 =	vld [tilespmem:$0x1FC00]  }
0x3b7: {  	v21 =	vld [tilespmem:s26+$0x3200]  }
0x3b8: {  	v16 =	vld [tilespmem:s26+$0x30A0];
	[tilespmem:s25+$0x93A0] =	vst v8  }
0x3b9: {  	v15 =	vmul.f32 v59, v59;
	v19 =	vmul.f32 v63, v63;
	v13 =	vadd.f32 v14, v13;
	v5 =	vld [tilespmem:s26+$0x3210];
	[tilespmem:s25+$0x93B0] =	vst v9  }
0x3ba: {  	v4 =	vadd.f32 v4, v2;
	v2 =	vmul.f32 v62, v62;
	v8 =	vld [tilespmem:s26+$0x30B0];
	v9 =	vmul.f32 v55, v20  }
0x3bb: {  	v14 =	vmul.f32 v55, v23;
	v55 =	vld [tilespmem:s26+$0x3220];
	[tilespmem:s25+$0x9400] =	vst v10;
	v10 =	vmul.f32 v61, v61  }
0x3bc: {  	v13 =	vadd.f32 v15, v13;
	v15 =	vmul.f32 v0, v0;
	[tilespmem:$0x1FBB0] =	vst v18;
	v18 =	vmul.f32 v18, v18;
	v23 =	vld [tilespmem:s26+$0x3390]  }
0x3bd: {  	(xrf2) =	vadd.scan.msk.f32 $0xffff, v7;
	v20 =	vmul.f32 v16, v16;
	v10 =	vadd.f32 v10, v2;
	[tilespmem:s25+$0x9410] =	vst v9  }
0x3be: {  	(xrf2) =	vadd.scan.msk.f32 $0xffff, v4;
	v9 =	vmul.f32 v47, v47;
	v15 =	vadd.f32 v18, v15;
	v18 =	vmul.f32 v56, v56;
	v2 =	vld [tilespmem:s26+$0x3230]  }
0x3bf: {  	[tilespmem:$0x1FBC0] =	vst v21;
	v7 =	vadd.f32 v19, v10;
	v10 =	vmul.f32 v21, v21;
	v21 =	vmul.f32 v5, v5;
	v19 =	vld [tilespmem:s26+$0x33A0]  }
0x3c0: {  	v9 =	vadd.f32 v9, v13;
	[tilespmem:s25+$0x9420] =	vst v14;
	v13 =	vadd.f32 v20, v15;
	v14 =	vmul.f32 v8, v8  }
0x3c1: {  	v15 =	vmul.f32 v55, v55;
	[tilespmem:$0x1FBE0] =	vst v23;
	v20 =	vadd.f32 v18, v7;
	v10 =	vadd.f32 v21, v10;
	v7 =	vld [tilespmem:s26+$0x33B0]  }
0x3c2: {  	(xrf2) =	vadd.scan.msk.f32 $0xffff, v9;
	v9 =	vadd.f32 v14, v13;
	v13 =	vmul.f32 v48, v48;
	v23 =	vmul.f32 v23, v23  }
0x3c3: {  	(xrf2) =	vadd.scan.msk.f32 $0xffff, v20;
	v20 =	vadd.f32 v15, v10;
	v21 =	vmul.f32 v2, v2  }
0x3c4: {  	v13 =	vadd.f32 v23, v13;
	(xrf2) =	vadd.scan.msk.f32 $0xffff, v9;
	v23 =	vmul.f32 v19, v19  }
0x3c5: {  	v4 =	vadd.f32 v21, v20  }
0x3c6: {  	v20 =	vsub.f32 $1.500000000e+00, v12;
	v9 =	vadd.f32 v23, v13;
	v13 =	vmul.f32 v7, v7  }
0x3c7: {  	(xrf2) =	vadd.scan.msk.f32 $0xffff, v4  }
0x3c8: {  	v6 =	vmul.f32 v20, v6;
	v14 =	vadd.f32 v13, v9  }
0x3c9: {  	v10, _, _ =	vpop (xrf2)  }
0x3ca: {  	v4, _, _ =	vpop (xrf2);
	v3 =	vmul.f32 v6, v3;
	(xrf2) =	vadd.scan.msk.f32 $0xffff, v14  }
0x3cb: {  	v9, _, _ =	vpop (xrf2)  }
0x3cc: {  	v21, _, _ =	vpop (xrf2);
	v3 =	vmul.f32 v3, v6  }
0x3cd: {  	v23, _, _ =	vpop (xrf2)  }
0x3ce: {  	[tilespmem:$0x1FBD0] =	vst v5;
	v3 =	vsub.f32 $1.500000000e+00, v3;
	v5, _, _ =	vpop (xrf2)  }
0x3cf: {  	vm8 =	vgt.f32 v1, $1.000000000e+00;
	v14 =	vbroadcast v5, $0xF  }
0x3d0: {  	v18 =	vimm.s32 $0x0;
	v13 =	vbroadcast v23, $0xF;
	v3 =	vmul.f32 v3, v6  }
0x3d1: {  	v4 =	vbroadcast v4, $0xF;
	v12 =	vbroadcast v21, $0xF;
	v14 =	vnsel vm0, $0x0, v14;
	v15, _, _ =	vpop (xrf2)  }
0x3d2: {  	v3 =	vnsel vm8, $0x3F800000, v3;
	v20 =	vsel vm1, v14, v13;
	v21 =	vbroadcast v15, $0xF  }
0x3d3: {  	v23 =	vsel vm2, v20, v12;
	v12 =	vbroadcast v9, $0xF;
	v20 =	vimm.s32 $0x7  }
0x3d4: {  	v1 =	vsel vm3, v23, v21;
	v13, _, _ =	vpop (xrf2);
	v9 =	vperm.xlane v3, v20;
	v23 =	vbroadcast v10, $0xF  }
0x3d5: {  	v10 =	vperm.xlane v3, v18;
	v1 =	vsel vm4, v1, v12;
	v14 =	vbroadcast v13, $0xF  }
0x3d6: {  	v1 =	vsel vm5, v1, v4;
	v32 =	vmul.f32 v9, v32  }
0x3d7: {  	v46 =	vmul.f32 v10, v46;
	v21 =	vmul.f32 v10, v43;
	v1 =	vsel vm6, v1, v14  }
0x3d8: {  	v29 =	vmul.f32 v10, v29;
	v1 =	vsel vm7, v1, v23;
	[tilespmem:s24+$0x9430] =	vst v32;
	v32 =	vperm.xlane v3, v22  }
0x3d9: {  	[tilespmem:s24+$0x9090] =	vst v21;
	v21 =	vimm.s32 $0x2;
	v23 =	vshra.s32 v1, $0x1;
	v13 =	vmul.f32 $5.000000000e-01, v1  }
0x3da: {  	v10 =	vmul.f32 v10, v38;
	[tilespmem:s24+$0x90A0] =	vst v29;
	v29 =	vld [tilespmem:$0x1FC90];
	v15 =	vperm.xlane v3, v21;
	v12 =	vsub.s32 $0x5F3759DF, v23  }
0x3db: {  	[tilespmem:s24+$0x9080] =	vst v46;
	v42 =	vmul.f32 v32, v42;
	v38 =	vmul.f32 v12, v13  }
0x3dc: {  	[tilespmem:s24+$0x90B0] =	vst v10;
	v43 =	vmul.f32 v32, v34;
	v46 =	vmul.f32 v32, v40  }
0x3dd: {  	v14 =	vmul.f32 v32, v25;
	v25 =	vld [tilespmem:$0x1FC80];
	[tilespmem:s24+$0x9100] =	vst v42;
	v6 =	vmul.f32 v12, v38  }
0x3de: {  	v23 =	vimm.s32 $0x3;
	[tilespmem:s24+$0x9110] =	vst v43  }
0x3df: {  	v34 =	vld [tilespmem:$0x1FCC0];
	v32 =	vperm.xlane v3, v23;
	[tilespmem:s24+$0x9120] =	vst v46;
	v10 =	vmul.f32 v15, v29;
	v6 =	vsub.f32 $1.500000000e+00, v6  }
0x3e0: {  	[tilespmem:s24+$0x9130] =	vst v14;
	v38 =	vmul.f32 v15, v31  }
0x3e1: {  	v42 =	vmul.f32 v32, v39;
	[tilespmem:s24+$0x9190] =	vst v10;
	v6 =	vmul.f32 v12, v6  }
0x3e2: {  	v43 =	vmul.f32 v32, v41;
	v29 =	vld [tilespmem:$0x1FC50];
	v4 =	vmul.f32 v15, v25;
	[tilespmem:s24+$0x91B0] =	vst v38;
	v25 =	vimm.s32 $0x4  }
0x3e3: {  	[tilespmem:s24+$0x9200] =	vst v42;
	v46 =	vperm.xlane v3, v25;
	v40 =	vmul.f32 v6, v13  }
0x3e4: {  	[tilespmem:s24+$0x9210] =	vst v43;
	v12 =	vmul.f32 v15, v34;
	v15 =	vmul.f32 v32, v37  }
0x3e5: {  	[tilespmem:s24+$0x9180] =	vst v4;
	v4 =	vmul.f32 v32, v27;
	v32 =	vld [tilespmem:$0x1FC60];
	v10 =	vmul.f32 v40, v6  }
0x3e6: {  	v27 =	vimm.s32 $0x5;
	[tilespmem:s24+$0x9220] =	vst v15;
	v15 =	vld [tilespmem:$0x1FCB0]  }
0x3e7: {  	v39 =	vld [tilespmem:$0x1FC70];
	v14 =	vmul.f32 v46, v29;
	v34 =	vperm.xlane v3, v27;
	[tilespmem:s24+$0x91A0] =	vst v12;
	v10 =	vsub.f32 $1.500000000e+00, v10  }
0x3e8: {  	v35 =	vmul.f32 v46, v35;
	[tilespmem:s24+$0x9230] =	vst v4;
	v40 =	vld [tilespmem:$0x1FCA0]  }
0x3e9: {  	v38 =	vld [tilespmem:$0x1FC40];
	[tilespmem:s24+$0x9280] =	vst v14;
	v37 =	vmul.f32 v34, v36;
	v31 =	vmul.f32 v10, v6  }
0x3ea: {  	[tilespmem:s24+$0x92A0] =	vst v35;
	v6 =	vmul.f32 v46, v32  }
0x3eb: {  	[tilespmem:s24+$0x9300] =	vst v37;
	v12 =	vmul.f32 v46, v15;
	v15 =	vimm.s32 $0x6;
	v13 =	vmul.f32 v31, v13  }
0x3ec: {  	v3 =	vperm.xlane v3, v15;
	[tilespmem:s24+$0x9290] =	vst v6;
	v6 =	vmul.f32 v34, v39  }
0x3ed: {  	[tilespmem:s24+$0x92B0] =	vst v12;
	v10 =	vmul.f32 v34, v40;
	v13 =	vmul.f32 v13, v31  }
0x3ee: {  	v12 =	vmul.f32 v34, v38;
	[tilespmem:s24+$0x9320] =	vst v6;
	v6 =	vld [tilespmem:$0x1FC10]  }
0x3ef: {  	v41 =	vmul.f32 v3, v26;
	[tilespmem:s24+$0x9330] =	vst v10;
	v10 =	vld [tilespmem:$0x1FC20];
	v42 =	vsub.f32 $1.500000000e+00, v13  }
0x3f0: {  	v43 =	vmul.f32 v3, v30;
	[tilespmem:s24+$0x9310] =	vst v12;
	v13 =	vld [tilespmem:$0x1FC30]  }
0x3f1: {  	v46 =	vmul.f32 v3, v33;
	[tilespmem:s24+$0x9380] =	vst v41;
	v4 =	vmul.f32 v42, v31  }
0x3f2: {  	vm8 =	vgt.f32 v1, $1.000000000e+00;
	v3 =	vmul.f32 v3, v28;
	[tilespmem:s24+$0x9390] =	vst v43  }
0x3f3: {  	v28 =	vld [tilespmem:$0x1FBB0];
	[tilespmem:s24+$0x93A0] =	vst v46;
	v1 =	vmul.f32 v9, v6;
	v4 =	vnsel vm8, $0x3F800000, v4  }
0x3f4: {  	[tilespmem:s24+$0x93B0] =	vst v3;
	v6 =	vmul.f32 v9, v10;
	v12 =	vperm.xlane v4, v20  }
0x3f5: {  	[tilespmem:s24+$0x9400] =	vst v1;
	v1 =	vmul.f32 v9, v13;
	v14 =	vperm.xlane v4, v18  }
0x3f6: {  	[tilespmem:s24+$0x9410] =	vst v6;
	v20 =	vmul.f32 v12, v44  }
0x3f7: {  	[tilespmem:s24+$0x9420] =	vst v1;
	v26 =	vmul.f32 v14, v0  }
0x3f8: {  	v1 =	vmul.f32 v14, v28;
	[tilespmem:s26+$0x9430] =	vst v20  }
0x3f9: {  	v29 =	vperm.xlane v4, v22;
	v30 =	vmul.f32 v14, v16;
	[tilespmem:s26+$0x9080] =	vst v26  }
0x3fa: {  	v31 =	vmul.f32 v14, v8;
	[tilespmem:s26+$0x9090] =	vst v1  }
0x3fb: {  	v32 =	vmul.f32 v29, v62;
	[tilespmem:s26+$0x90A0] =	vst v30  }
0x3fc: {  	v33 =	vmul.f32 v29, v61;
	[tilespmem:s26+$0x90B0] =	vst v31  }
0x3fd: {  	v34 =	vperm.xlane v4, v21;
	v35 =	vmul.f32 v29, v63;
	[tilespmem:s26+$0x9100] =	vst v32  }
0x3fe: {  	v0 =	vmul.f32 v29, v56;
	[tilespmem:s26+$0x9110] =	vst v33  }
0x3ff: {  	v36 =	vmul.f32 v34, v57;
	[tilespmem:s26+$0x9120] =	vst v35  }
0x400: {  	v38 =	vperm.xlane v4, v23;
	v37 =	vmul.f32 v34, v58;
	[tilespmem:s26+$0x9130] =	vst v0  }
0x401: {  	v39 =	vmul.f32 v34, v59;
	[tilespmem:s26+$0x9180] =	vst v36  }
0x402: {  	v42 =	vperm.xlane v4, v25;
	v43 =	vmul.f32 v38, v55;
	[tilespmem:s26+$0x9190] =	vst v37  }
0x403: {  	v2 =	vmul.f32 v38, v2;
	[tilespmem:s26+$0x91A0] =	vst v39  }
0x404: {  	v44 =	vmul.f32 v42, v53;
	[tilespmem:s26+$0x9220] =	vst v43  }
0x405: {  	v46 =	vmul.f32 v42, v52;
	[tilespmem:s26+$0x9230] =	vst v2  }
0x406: {  	v40 =	vld [tilespmem:$0x1FBC0];
	v52 =	vmul.f32 v42, v60;
	[tilespmem:s26+$0x9280] =	vst v44  }
0x407: {  	v61 =	vmul.f32 v12, v51;
	[tilespmem:s26+$0x9290] =	vst v46  }
0x408: {  	v62 =	vmul.f32 v12, v54;
	[tilespmem:s26+$0x92A0] =	vst v52  }
0x409: {  	v63 =	vmul.f32 v12, v45;
	[tilespmem:s26+$0x9400] =	vst v61  }
0x40a: {  	v41 =	vld [tilespmem:$0x1FBD0];
	v56 =	vperm.xlane v4, v15;
	v1 =	vmul.f32 v34, v47;
	[tilespmem:s26+$0x9410] =	vst v62  }
0x40b: {  	v0 =	vmul.f32 v38, v40;
	[tilespmem:s26+$0x9420] =	vst v63  }
0x40c: {  	v58 =	vmul.f32 v56, v48;
	[tilespmem:s26+$0x91B0] =	vst v1  }
0x40d: {  	v60 =	vmul.f32 v56, v19;
	[tilespmem:s26+$0x9200] =	vst v0  }
0x40e: {  	v2 =	vmul.f32 v56, v7;
	[tilespmem:s26+$0x9380] =	vst v58  }
0x40f: {  	v47 =	vperm.xlane v4, v27;
	v1 =	vmul.f32 v38, v41;
	[tilespmem:s26+$0x93A0] =	vst v60  }
0x410: {  	v59 =	vld [tilespmem:$0x1FBE0];
	v0 =	vmul.f32 v42, v11;
	[tilespmem:s26+$0x93B0] =	vst v2  }
0x411: {  	v53 =	vmul.f32 v47, v49;
	[tilespmem:s26+$0x9210] =	vst v1  }
0x412: {  	v55 =	vmul.f32 v47, v50;
	[tilespmem:s26+$0x92B0] =	vst v0  }
0x413: {  	[tilespmem:s26+$0x9300] =	vst v53;
	v1 =	vmul.f32 v47, v17  }
0x414: {  	v57 =	vmul.f32 v47, v24;
	[tilespmem:s26+$0x9310] =	vst v55  }
0x415: {  	s23 =	sadd.s32 $0x1, s23;
	[tilespmem:s26+$0x9330] =	vst v1;
	v1 =	vmul.f32 v56, v59  }
0x416: {  	p0 =	sne.s32 s23, s10;
	[tilespmem:s26+$0x9320] =	vst v57  }
.Ltmp5:
0x417: {  	[tilespmem:s26+$0x9390] =	vst v1;
	(pc) =	sbr.rel @p0 .LBB2_1-.Ltmp5, $4  }
0x418: {  	[hbm4b:s9+s4] =	stream.linear.scatter [tilespmem:s16], [sflag:$0x5], $0x4000, $0x38;
	[tilespmem:$0xF080] =	vst v63  }
0x419: {  	_ =	swait.ge [sflag:s11], $0x4000  }
0x41a: {  	[sflag:s11] =	ssyncset.done $0x0  }
0x41b: {  	v16 =	vimm.s32 $0x0;
	[sflag:s11] =	ssyncadd.s32 $0xFFFFC000  }
0x41c: {  	_ =	sfence.sel $0x180000  }
0x41d: {  	[bflag:$0x0] =	sbarrier.arrive $0xFFFF  }
0x41e: {  	p0 =	sne.s32 s3, $0x0;
	_ =	strace $0x90000047  }
0x41f: {  	s0 =	sadd.s32 @!p0 $0x100000, s0;
	[bflag:$0x2] =	sbarrier.arrive $0xFFFF  }
0x420: {  	[sflag:s0] =	ssyncadd.tile.s32 @!p0 $0x1;
	_ =	shalt  }
.Lfunc_end2:
_tile_overlayer_lowered:
.L_overlay_start_2:
0x421: {  	(tag) =	ssettag $0x2  }
0x422: {  	s0 =	rddreg [dreg:$0x0];
	s2 =	stileid.u32  }
0x423: {  	s1 =	rddreg [dreg:$0x1];
	p0 =	sne.s32 s2, $0x0  }
0x424: {  	s3 =	rddreg [dreg:$0x2];
	[bflag:$0x3] =	sbarrier.arrive $0xFFFF;
	s2 =	simm.s32 @!p0 $0x1C05  }
0x425: {  	[timem:s3], [sflag:s2] =	dma.local @!p0 [hbm:s0], s1  }
0x426: {  	s0 =	simm.s32 @!p0 $0x5  }
0x427: {  	_ =	swait.ge @!p0 [sflag:s0], s1  }
0x428: {  	s1 =	ssub.s32 @!p0 $0x0, s1;
	[sflag:s0] =	ssyncset.done @!p0 $0x0  }
0x429: {  	[sflag:s0] =	ssyncadd.s32 @!p0 s1  }
0x42a: {  	[bflag:$0x3] =	sbarrier.arrive $0xFFFF  }
0x42b: {  	_ =	shalt  }

</sc_bundles>
